<compile_context>
chip_gen: v7x
topology: tpu7x:2x2x1
jax: 0.10.2.dev20260603
libtpu: 0.0.44.dev20260713+nightly
codegen_flags: <defaults>
</compile_context>

<pallas_src>
import functools

import jax
import jax.numpy as jnp
from jax import lax
from jax.experimental import pallas as pl
from jax.experimental.pallas import tpu as pltpu
from jax.experimental.pallas import tpu_sc as plsc

N_NODES = 10000
N_EDGES = 320000
F_IN = 128
F_HID = 128
F_OUT = 64

NC = 2
NS = 16
NW = NC * NS
EBLK = 128
N_BLOCKS = N_EDGES // EBLK
NB = N_BLOCKS // NW
REM = N_BLOCKS - NB * NW
NBUF = 3
N_BODIES = NB // NBUF
SUB_ROWS = 624
ZROWS = 104
N_SLABS = SUB_ROWS // ZROWS
TAIL_OFF = NS * SUB_ROWS
TAIL = N_NODES - TAIL_OFF

_MESH = plsc.VectorSubcoreMesh(
    core_axis_name="c", subcore_axis_name="s", num_cores=NC, num_subcores=NS
)

_SC_PARAMS = pltpu.CompilerParams(use_tc_tiling_on_sc=False)


def _sc_segment_add(width, spmem_table=False):

  packed = width == 64
  out_t = (
      jax.ShapeDtypeStruct((N_NODES, 2 * width), jnp.float32)
      if packed
      else jax.ShapeDtypeStruct((NC, N_NODES, width), jnp.float32)
  )

  @functools.partial(
      pl.kernel,
      out_type=out_t,
      mesh=_MESH,
      compiler_params=_SC_PARAMS,
      scratch_types=[pltpu.VMEM((2, EBLK), jnp.int32) for _ in range(2 * NBUF)]
      + [pltpu.VMEM((EBLK, width), jnp.float32) for _ in range(NBUF)]
      + ([pltpu.VMEM_SHARED((N_NODES, width), jnp.float32)]
         if spmem_table else [])
      + [
          pltpu.VMEM_SHARED((N_NODES, width), jnp.float32),
          pltpu.SemaphoreType.DMA,
          pltpu.SemaphoreType.DMA,
          pltpu.SemaphoreType.DMA((NBUF,)),
          pltpu.SemaphoreType.DMA,
      ],
  )
  def k(h_hbm, et_hbm, out_hbm, *rest):
    ia = list(rest[:NBUF])
    ib = list(rest[NBUF:2 * NBUF])
    bufs = list(rest[2 * NBUF:3 * NBUF])
    rest = rest[3 * NBUF:]
    if spmem_table:
      tbl, acc, isema, isemb, gsem, ssem = rest
    else:
      acc, isema, isemb, gsem, ssem = rest
      tbl = None
    b0 = bufs[0]
    cid = lax.axis_index("c")
    sid = lax.axis_index("s")
    wid = sid * NC + cid
    base = wid * NB

    for b in range(NBUF):
      pltpu.async_copy(et_hbm.at[base + b], ia[b], isema)

    if spmem_table:
      pltpu.sync_copy(
          h_hbm.at[pl.ds(sid * SUB_ROWS, SUB_ROWS)],
          tbl.at[pl.ds(sid * SUB_ROWS, SUB_ROWS)],
      )
      @pl.when(sid == 0)
      def _():
        pltpu.sync_copy(
            h_hbm.at[pl.ds(TAIL_OFF, TAIL)], tbl.at[pl.ds(TAIL_OFF, TAIL)]
        )
    gather_src = tbl if spmem_table else h_hbm

    @pl.loop(0, ZROWS)
    def _(r):
      @pl.loop(0, width // 16)
      def _(c):
        b0[r, pl.ds(c * 16, 16)] = jnp.zeros((16,), jnp.float32)

    @pl.loop(0, N_SLABS)
    def _(i):
      pltpu.sync_copy(
          b0.at[pl.ds(0, ZROWS)],
          acc.at[pl.ds(sid * SUB_ROWS + i * ZROWS, ZROWS)],
      )

    @pl.when(sid == 0)
    def _():
      pltpu.sync_copy(b0.at[pl.ds(0, TAIL)], acc.at[pl.ds(TAIL_OFF, TAIL)])

    plsc.subcore_barrier()

    def run_body(j, idx, prefetch):
      gds = [
          pltpu.async_copy(
              gather_src.at[idx[b].at[0]], bufs[b], gsem.at[b]
          )
          for b in range(NBUF)
      ]
      if prefetch is not None:
        nxt, other, sem = prefetch
        for b in range(NBUF):
          pltpu.async_copy(et_hbm.at[base + nxt * NBUF + b], other[b], sem)
      sds = []
      for b in range(NBUF):
        gds[b].wait()
        sds.append(
            pltpu.async_copy(bufs[b], acc.at[idx[b].at[1]], ssem, add=True)
        )
      for d in sds:
        d.wait()

    @pl.loop(0, N_BODIES // 2)
    def _(i):
      for b in range(NBUF):
        pltpu.make_async_copy(et_hbm.at[0], ia[b], isema).wait()
      run_body(2 * i, ia, (2 * i + 1, ib, isemb))
      for b in range(NBUF):
        pltpu.make_async_copy(et_hbm.at[0], ib[b], isemb).wait()

      @pl.when(i < N_BODIES // 2 - 1)
      def _():
        run_body(2 * i + 1, ib, (2 * i + 2, ia, isema))

      @pl.when(i == N_BODIES // 2 - 1)
      def _():
        run_body(2 * i + 1, ib, None)

    @pl.when(wid < REM)
    def _():
      pltpu.async_copy(et_hbm.at[NW * NB + wid], ia[0], isema).wait()
      pltpu.async_copy(gather_src.at[ia[0].at[0]], bufs[0], gsem.at[0]).wait()
      pltpu.async_copy(bufs[0], acc.at[ia[0].at[1]], ssem, add=True).wait()

    plsc.subcore_barrier()

    if packed:
      dst_full = out_hbm.at[pl.ds(sid * SUB_ROWS, SUB_ROWS),
                            pl.ds(cid * width, width)]
      dst_tail = out_hbm.at[pl.ds(TAIL_OFF, TAIL), pl.ds(cid * width, width)]
    else:
      dst_full = out_hbm.at[cid].at[pl.ds(sid * SUB_ROWS, SUB_ROWS)]
      dst_tail = out_hbm.at[cid].at[pl.ds(TAIL_OFF, TAIL)]
    pltpu.sync_copy(acc.at[pl.ds(sid * SUB_ROWS, SUB_ROWS)], dst_full)

    @pl.when(sid == 0)
    def _():
      pltpu.sync_copy(acc.at[pl.ds(TAIL_OFF, TAIL)], dst_tail)

  return k


_DEG_W = 16


@functools.partial(
    pl.kernel,
    out_type=jax.ShapeDtypeStruct((N_NODES, 128), jnp.float32),
    mesh=_MESH,
    compiler_params=_SC_PARAMS,
    scratch_types=[pltpu.VMEM((2, EBLK), jnp.int32) for _ in range(2 * NBUF)]
    + [
        pltpu.VMEM((EBLK, _DEG_W), jnp.float32),
        pltpu.VMEM_SHARED((N_NODES, _DEG_W), jnp.float32),
        pltpu.SemaphoreType.DMA,
        pltpu.SemaphoreType.DMA,
        pltpu.SemaphoreType.DMA,
    ],
)
def _sc_degree(et_hbm, out_hbm, *rest):
  ia = list(rest[:NBUF])
  ib = list(rest[NBUF:2 * NBUF])
  ones, acc, isema, isemb, ssem = rest[2 * NBUF:]
  cid = lax.axis_index("c")
  sid = lax.axis_index("s")
  wid = sid * NC + cid
  base = wid * NB

  for b in range(NBUF):
    pltpu.async_copy(et_hbm.at[base + b], ia[b], isema)

  @pl.loop(0, EBLK)
  def _(r):
    ones[r, pl.ds(0, 16)] = jnp.zeros((16,), jnp.float32)

  @pl.loop(0, N_SLABS)
  def _(i):
    pltpu.sync_copy(
        ones.at[pl.ds(0, ZROWS)],
        acc.at[pl.ds(sid * SUB_ROWS + i * ZROWS, ZROWS)],
    )

  @pl.when(sid == 0)
  def _():
    pltpu.sync_copy(ones.at[pl.ds(0, TAIL)], acc.at[pl.ds(TAIL_OFF, TAIL)])

  @pl.loop(0, EBLK)
  def _(r):
    ones[r, pl.ds(0, 16)] = jnp.ones((16,), jnp.float32)

  plsc.subcore_barrier()

  def deg_body(j, idx, prefetch):
    if prefetch is not None:
      nxt, other, sem = prefetch
      for b in range(NBUF):
        pltpu.async_copy(et_hbm.at[base + nxt * NBUF + b], other[b], sem)
    sds = [
        pltpu.async_copy(ones, acc.at[idx[b].at[1]], ssem, add=True)
        for b in range(NBUF)
    ]
    for d in sds:
      d.wait()

  @pl.loop(0, N_BODIES // 2)
  def _(i):
    for b in range(NBUF):
      pltpu.make_async_copy(et_hbm.at[0], ia[b], isema).wait()
    deg_body(2 * i, ia, (2 * i + 1, ib, isemb))
    for b in range(NBUF):
      pltpu.make_async_copy(et_hbm.at[0], ib[b], isemb).wait()

    @pl.when(i < N_BODIES // 2 - 1)
    def _():
      deg_body(2 * i + 1, ib, (2 * i + 2, ia, isema))

    @pl.when(i == N_BODIES // 2 - 1)
    def _():
      deg_body(2 * i + 1, ib, None)

  @pl.when(wid < REM)
  def _():
    pltpu.async_copy(et_hbm.at[NW * NB + wid], ia[0], isema).wait()
    pltpu.async_copy(ones, acc.at[ia[0].at[1]], ssem, add=True).wait()

  plsc.subcore_barrier()

  pltpu.sync_copy(
      acc.at[pl.ds(sid * SUB_ROWS, SUB_ROWS)],
      out_hbm.at[pl.ds(sid * SUB_ROWS, SUB_ROWS), pl.ds(cid * _DEG_W, _DEG_W)],
  )

  @pl.when(sid == 0)
  def _():
    pltpu.sync_copy(
        acc.at[pl.ds(TAIL_OFF, TAIL)],
        out_hbm.at[pl.ds(TAIL_OFF, TAIL), pl.ds(cid * _DEG_W, _DEG_W)],
    )


_BLK = 2000
_GRID = N_NODES // _BLK


def _tc_matmul(x, w):
  k, m = w.shape

  def body(x_ref, w_ref, o_ref):
    o_ref[...] = jnp.dot(
        x_ref[...], w_ref[...], preferred_element_type=jnp.float32
    )

  return pl.pallas_call(
      body,
      grid=(_GRID,),
      in_specs=[
          pl.BlockSpec((_BLK, k), lambda i: (i, 0)),
          pl.BlockSpec((k, m), lambda i: (0, 0)),
      ],
      out_specs=pl.BlockSpec((_BLK, m), lambda i: (i, 0)),
      out_shape=jax.ShapeDtypeStruct((N_NODES, m), jnp.float32),
  )(x, w)


def _tc_scale(degp, h):
  m = h.shape[1]

  def body(degp_ref, h_ref, o_ref, d128_ref, d64_ref):
    d = degp_ref[:, 0] + degp_ref[:, _DEG_W] + 1.0
    dinv = lax.rsqrt(d)[:, None]
    o_ref[...] = h_ref[...] * dinv
    d128_ref[...] = jnp.broadcast_to(dinv, (_BLK, F_HID))
    d64_ref[...] = jnp.broadcast_to(dinv, (_BLK, F_OUT))

  return pl.pallas_call(
      body,
      grid=(_GRID,),
      in_specs=[
          pl.BlockSpec((_BLK, 128), lambda i: (i, 0)),
          pl.BlockSpec((_BLK, m), lambda i: (i, 0)),
      ],
      out_specs=[
          pl.BlockSpec((_BLK, m), lambda i: (i, 0)),
          pl.BlockSpec((_BLK, F_HID), lambda i: (i, 0)),
          pl.BlockSpec((_BLK, F_OUT), lambda i: (i, 0)),
      ],
      out_shape=[
          jax.ShapeDtypeStruct((N_NODES, m), jnp.float32),
          jax.ShapeDtypeStruct((N_NODES, F_HID), jnp.float32),
          jax.ShapeDtypeStruct((N_NODES, F_OUT), jnp.float32),
      ],
  )(degp, h)


def _tc_layer1_finish(aggp, h1, dvb, dvb64, b1, w2):

  def body(p0_ref, p1_ref, h1_ref, dvb_ref, dvb64_ref, b1_ref, w2_ref,
           h2_ref, h2p_ref):
    dinv = dvb_ref[...]
    y = dinv * (p0_ref[...] + p1_ref[...]) + (dinv * dinv) * h1_ref[...]
    y = jnp.maximum(y + b1_ref[...][None, :], 0.0)
    h2 = jnp.dot(y, w2_ref[...], preferred_element_type=jnp.float32)
    h2_ref[...] = h2
    h2p_ref[...] = h2 * dvb64_ref[...]

  nblk = N_NODES // _BLK
  return pl.pallas_call(
      body,
      grid=(_GRID,),
      in_specs=[
          pl.BlockSpec((_BLK, F_HID), lambda i: (i, 0)),
          pl.BlockSpec((_BLK, F_HID), lambda i: (nblk + i, 0)),
          pl.BlockSpec((_BLK, F_HID), lambda i: (i, 0)),
          pl.BlockSpec((_BLK, F_HID), lambda i: (i, 0)),
          pl.BlockSpec((_BLK, F_OUT), lambda i: (i, 0)),
          pl.BlockSpec((F_HID,), lambda i: (0,)),
          pl.BlockSpec((F_HID, F_OUT), lambda i: (0, 0)),
      ],
      out_specs=[
          pl.BlockSpec((_BLK, F_OUT), lambda i: (i, 0)),
          pl.BlockSpec((_BLK, F_OUT), lambda i: (i, 0)),
      ],
      out_shape=[
          jax.ShapeDtypeStruct((N_NODES, F_OUT), jnp.float32),
          jax.ShapeDtypeStruct((N_NODES, F_OUT), jnp.float32),
      ],
  )(aggp, aggp, h1, dvb, dvb64, b1, w2)


def _tc_layer2_finish(aggp, h2, dvb64, b2):

  def body(aggp_ref, h2_ref, dvb64_ref, b2_ref, o_ref):
    dinv = dvb64_ref[...]
    p = aggp_ref[...]
    z = dinv * (p[:, :F_OUT] + p[:, F_OUT:]) + (dinv * dinv) * h2_ref[...]
    z = z + b2_ref[...][None, :]
    m = jnp.max(z, axis=1, keepdims=True)
    e = z - m
    o_ref[...] = e - jnp.log(jnp.sum(jnp.exp(e), axis=1, keepdims=True))

  return pl.pallas_call(
      body,
      grid=(_GRID,),
      in_specs=[
          pl.BlockSpec((_BLK, 128), lambda i: (i, 0)),
          pl.BlockSpec((_BLK, F_OUT), lambda i: (i, 0)),
          pl.BlockSpec((_BLK, F_OUT), lambda i: (i, 0)),
          pl.BlockSpec((F_OUT,), lambda i: (0,)),
      ],
      out_specs=pl.BlockSpec((_BLK, F_OUT), lambda i: (i, 0)),
      out_shape=jax.ShapeDtypeStruct((N_NODES, F_OUT), jnp.float32),
  )(aggp, h2, dvb64, b2)


_agg128 = _sc_segment_add(F_HID)
_agg64 = _sc_segment_add(F_OUT, spmem_table=True)


def kernel(x, edge_index, W1, b1, W2, b2):
  et = (
      edge_index.astype(jnp.int32)
      .reshape(2, N_BLOCKS, EBLK)
      .transpose(1, 0, 2)
  )

  degp = _sc_degree(et)
  h1 = _tc_matmul(x, W1)
  h1p, dvb, dvb64 = _tc_scale(degp, h1)
  agg1 = _agg128(h1p, et)
  agg1v = agg1.reshape(NC * N_NODES, F_HID)
  h2, h2p = _tc_layer1_finish(agg1v, h1, dvb, dvb64, b1, W2)
  agg2 = _agg64(h2p, et)
  return _tc_layer2_finish(agg2, h2, dvb64, b2)

# --- scband reference (transcript-rebuilt; emitter-appended) ---
"""Pipeline reference for scband-gcnclassifier-20392504721587 (READ-ONLY COPY).

The authoritative reference and input builder live on the scoring server;
editing this copy changes nothing except your own understanding.
"""

import jax, jax.numpy as jnp
import numpy as np

N_NODES = 10000


def gcn_conv(x, edge_index, W, b):
    num_nodes = x.shape[0]
    src = edge_index[0]
    dst = edge_index[1]
    # add self-loops (PyG GCNConv default)
    loop = jnp.arange(num_nodes, dtype=edge_index.dtype)
    src = jnp.concatenate([src, loop])
    dst = jnp.concatenate([dst, loop])
    # symmetric normalization: D^{-1/2} (A+I) D^{-1/2}
    deg = jnp.zeros((num_nodes,), dtype=x.dtype).at[dst].add(1.0)
    dinv = jnp.where(deg > 0, jax.lax.rsqrt(deg), 0.0)
    norm = dinv[src] * dinv[dst]
    # linear transform first (as PyG does), then propagate
    h = x @ W
    msg = h[src] * norm[:, None]
    out = jax.ops.segment_sum(msg, dst, num_segments=num_nodes)
    return out + b


def setup_inputs(seed: int = 0) -> dict:
    key = jax.random.key(seed)
    k_x, k_e, k_w1, k_w2 = jax.random.split(key, 4)
    x = jax.random.normal(k_x, (N_NODES, 128), dtype=jnp.float32)
    edge_index = jax.random.randint(k_e, (2, 320000), 0, N_NODES, dtype=jnp.int64)
    W1 = jax.random.normal(k_w1, (128, 128), dtype=jnp.float32) * 0.05
    b1 = jnp.zeros((128,), dtype=jnp.float32)
    W2 = jax.random.normal(k_w2, (128, 64), dtype=jnp.float32) * 0.05
    b2 = jnp.zeros((64,), dtype=jnp.float32)
    return {"x": x, "edge_index": edge_index, "W1": W1, "b1": b1, "W2": W2, "b2": b2}


def reference(x, edge_index, W1, b1, W2, b2):
    h = gcn_conv(x, edge_index, W1, b1)
    h = jax.nn.relu(h)
    h = gcn_conv(h, edge_index, W2, b2)
    return jax.nn.log_softmax(h, axis=1)

if __name__ == "__main__":
    import jax
    _d = setup_inputs()
    print(jax.jit(kernel)(*tuple(_d.values())))

</pallas_src>

<mosaic_0001>
#map = affine_map<(d0, d1) -> (0, 0)>
#map1 = affine_map<(d0, d1) -> (0, 0, 0)>
module attributes {stable_mosaic.version = 14 : i64} {
  func.func @k(%arg0: i32, %arg1: i32, %arg2: memref<10000x128xf32, #tpu.memory_space<hbm>>, %arg3: memref<2500x2x128xi32, #tpu.memory_space<hbm>>, %arg4: memref<2x10000x128xf32, #tpu.memory_space<hbm>>, %arg5: memref<2x128xi32, #tpu.memory_space<vmem>>, %arg6: memref<2x128xi32, #tpu.memory_space<vmem>>, %arg7: memref<2x128xi32, #tpu.memory_space<vmem>>, %arg8: memref<2x128xi32, #tpu.memory_space<vmem>>, %arg9: memref<2x128xi32, #tpu.memory_space<vmem>>, %arg10: memref<2x128xi32, #tpu.memory_space<vmem>>, %arg11: memref<128x128xf32, #tpu.memory_space<vmem>>, %arg12: memref<128x128xf32, #tpu.memory_space<vmem>>, %arg13: memref<128x128xf32, #tpu.memory_space<vmem>>, %arg14: memref<10000x128xf32, #tpu.memory_space<vmem_shared>>, %arg15: memref<!tpu.dma_semaphore, #tpu.memory_space<semaphore_mem>>, %arg16: memref<!tpu.dma_semaphore, #tpu.memory_space<semaphore_mem>>, %arg17: memref<3x!tpu.dma_semaphore, #tpu.memory_space<semaphore_mem>>, %arg18: memref<!tpu.dma_semaphore, #tpu.memory_space<semaphore_mem>>) attributes {dimension_semantics = [#tpu.dimension_semantics<core_parallel>, #tpu.dimension_semantics<subcore_parallel>], iteration_bounds = array<i64: 2, 16>, scalar_prefetch = 0 : i64, scratch_operands = 14 : i64, tpu.core_type = #tpu.core_type<sc_vector_subcore>, window_params = [{transform_indices = #map}, {transform_indices = #map1}, {transform_indices = #map1}]} {
    %mul3A = arith.constant 2 : i32
    %mul3A_0 = arith.muli %arg1, %mul3A : i32
    %add3A = arith.addi %mul3A_0, %arg0 : i32
    %mul3A_1 = arith.constant 78 : i32
    %mul3A_2 = arith.muli %add3A, %mul3A_1 : i32
    %add3A_3 = arith.constant 0 : i32
    %add3A_4 = arith.addi %mul3A_2, %add3A_3 : i32
    %dma_start3A = arith.constant 0 : i32
    %dma_start3A_5 = arith.constant 0 : i32
    %dma_start3A_6 = tpu.memref_slice %arg3[%add3A_4, %dma_start3A, %dma_start3A_5] : memref<2500x2x128xi32, #tpu.memory_space<hbm>> -> memref<1x2x128xi32, #tpu.memory_space<hbm>>
    %dma_start3A_7 = tpu.memref_squeeze %dma_start3A_6 : memref<1x2x128xi32, #tpu.memory_space<hbm>> -> memref<2x128xi32, #tpu.memory_space<hbm>>
    %dma_start3A_8 = arith.constant 0 : i32
    %dma_start3A_9 = arith.constant 0 : i32
    %dma_start3A_10 = tpu.memref_slice %arg3[%add3A_4, %dma_start3A_8, %dma_start3A_9] : memref<2500x2x128xi32, #tpu.memory_space<hbm>> -> memref<1x2x128xi32, #tpu.memory_space<hbm>>
    %dma_start3A_11 = tpu.memref_squeeze %dma_start3A_10 : memref<1x2x128xi32, #tpu.memory_space<hbm>> -> memref<2x128xi32, #tpu.memory_space<hbm>>
    tpu.enqueue_dma source(%dma_start3A_11 : memref<2x128xi32, #tpu.memory_space<hbm>>) target(%arg5 : memref<2x128xi32, #tpu.memory_space<vmem>>) target_semaphore(%arg15 : memref<!tpu.dma_semaphore, #tpu.memory_space<semaphore_mem>>)
    %add3A_12 = arith.constant 1 : i32
    %add3A_13 = arith.addi %mul3A_2, %add3A_12 : i32
    %dma_start3A_14 = arith.constant 0 : i32
    %dma_start3A_15 = arith.constant 0 : i32
    %dma_start3A_16 = tpu.memref_slice %arg3[%add3A_13, %dma_start3A_14, %dma_start3A_15] : memref<2500x2x128xi32, #tpu.memory_space<hbm>> -> memref<1x2x128xi32, #tpu.memory_space<hbm>>
    %dma_start3A_17 = tpu.memref_squeeze %dma_start3A_16 : memref<1x2x128xi32, #tpu.memory_space<hbm>> -> memref<2x128xi32, #tpu.memory_space<hbm>>
    %dma_start3A_18 = arith.constant 0 : i32
    %dma_start3A_19 = arith.constant 0 : i32
    %dma_start3A_20 = tpu.memref_slice %arg3[%add3A_13, %dma_start3A_18, %dma_start3A_19] : memref<2500x2x128xi32, #tpu.memory_space<hbm>> -> memref<1x2x128xi32, #tpu.memory_space<hbm>>
    %dma_start3A_21 = tpu.memref_squeeze %dma_start3A_20 : memref<1x2x128xi32, #tpu.memory_space<hbm>> -> memref<2x128xi32, #tpu.memory_space<hbm>>
    tpu.enqueue_dma source(%dma_start3A_21 : memref<2x128xi32, #tpu.memory_space<hbm>>) target(%arg6 : memref<2x128xi32, #tpu.memory_space<vmem>>) target_semaphore(%arg15 : memref<!tpu.dma_semaphore, #tpu.memory_space<semaphore_mem>>)
    %add3A_22 = arith.constant 2 : i32
    %add3A_23 = arith.addi %mul3A_2, %add3A_22 : i32
    %dma_start3A_24 = arith.constant 0 : i32
    %dma_start3A_25 = arith.constant 0 : i32
    %dma_start3A_26 = tpu.memref_slice %arg3[%add3A_23, %dma_start3A_24, %dma_start3A_25] : memref<2500x2x128xi32, #tpu.memory_space<hbm>> -> memref<1x2x128xi32, #tpu.memory_space<hbm>>
    %dma_start3A_27 = tpu.memref_squeeze %dma_start3A_26 : memref<1x2x128xi32, #tpu.memory_space<hbm>> -> memref<2x128xi32, #tpu.memory_space<hbm>>
    %dma_start3A_28 = arith.constant 0 : i32
    %dma_start3A_29 = arith.constant 0 : i32
    %dma_start3A_30 = tpu.memref_slice %arg3[%add3A_23, %dma_start3A_28, %dma_start3A_29] : memref<2500x2x128xi32, #tpu.memory_space<hbm>> -> memref<1x2x128xi32, #tpu.memory_space<hbm>>
    %dma_start3A_31 = tpu.memref_squeeze %dma_start3A_30 : memref<1x2x128xi32, #tpu.memory_space<hbm>> -> memref<2x128xi32, #tpu.memory_space<hbm>>
    tpu.enqueue_dma source(%dma_start3A_31 : memref<2x128xi32, #tpu.memory_space<hbm>>) target(%arg7 : memref<2x128xi32, #tpu.memory_space<vmem>>) target_semaphore(%arg15 : memref<!tpu.dma_semaphore, #tpu.memory_space<semaphore_mem>>)
    %scan3A = arith.constant 0 : i32
    %scan3A_32 = arith.constant 104 : i32
    %scan3A_33 = arith.addi %scan3A, %scan3A_32 : i32
    %scan3A_34 = arith.constant 1 : i32
    scf.for %scan3A_62 = %scan3A to %scan3A_33 step %scan3A_34  : i32 {
      %mul3A_63 = arith.constant 1 : i32
      %mul3A_64 = arith.muli %scan3A_62, %mul3A_63 : i32
      %add3A_65 = arith.constant 0 : i32
      %add3A_66 = arith.addi %add3A_65, %mul3A_64 : i32
      %scan3A_67 = arith.constant 0 : i32
      %scan3A_68 = arith.constant 8 : i32
      %scan3A_69 = arith.addi %scan3A_67, %scan3A_68 : i32
      %scan3A_70 = arith.constant 1 : i32
      scf.for %scan3A_72 = %scan3A_67 to %scan3A_69 step %scan3A_70  : i32 {
        %mul3A_73 = arith.constant 1 : i32
        %mul3A_74 = arith.muli %scan3A_72, %mul3A_73 : i32
        %add3A_75 = arith.constant 0 : i32
        %add3A_76 = arith.addi %add3A_75, %mul3A_74 : i32
        %broadcast_in_dim3A = arith.constant 0.000000e+00 : f32
        %broadcast_in_dim3A_77 = vector.broadcast %broadcast_in_dim3A : f32 to vector<16xf32>
        %mul3A_78 = arith.constant 16 : i32
        %mul3A_79 = arith.muli %add3A_76, %mul3A_78 : i32
        %swap3A = arith.index_cast %add3A_66 : i32 to index
        %swap3A_80 = arith.index_cast %mul3A_79 : i32 to index
        %swap3A_81 = tpu.vector_load %arg11[%swap3A, %swap3A_80] {strides = array<i32>} : memref<128x128xf32, #tpu.memory_space<vmem>>, vector<1x16xf32>,
        %swap3A_82 = vector.shape_cast %swap3A_81 : vector<1x16xf32> to vector<16xf32>
        %swap3A_83 = vector.shape_cast %broadcast_in_dim3A_77 : vector<16xf32> to vector<1x16xf32>
        tpu.vector_store %arg11[%swap3A, %swap3A_80], %swap3A_83 {strides = array<i32>} : memref<128x128xf32, #tpu.memory_space<vmem>>, vector<1x16xf32>,
      }
      %scan3A_71 = arith.constant 8 : i32
    }
    %scan3A_35 = arith.constant 104 : i32
    %scan3A_36 = arith.constant 0 : i32
    %scan3A_37 = arith.constant 6 : i32
    %scan3A_38 = arith.addi %scan3A_36, %scan3A_37 : i32
    %scan3A_39 = arith.constant 1 : i32
    scf.for %scan3A_62 = %scan3A_36 to %scan3A_38 step %scan3A_39  : i32 {
      %mul3A_63 = arith.constant 1 : i32
      %mul3A_64 = arith.muli %scan3A_62, %mul3A_63 : i32
      %add3A_65 = arith.constant 0 : i32
      %add3A_66 = arith.addi %add3A_65, %mul3A_64 : i32
      %mul3A_67 = arith.constant 624 : i32
      %mul3A_68 = arith.muli %arg1, %mul3A_67 : i32
      %mul3A_69 = arith.constant 104 : i32
      %mul3A_70 = arith.muli %add3A_66, %mul3A_69 : i32
      %add3A_71 = arith.addi %mul3A_68, %mul3A_70 : i32
      "tpu.region"() ({
        %run_scoped3A = tpu.sem_alloc : memref<!tpu.dma_semaphore, #tpu.memory_space<semaphore_mem>>
        %dma_start3A_72 = arith.constant 0 : i32
        %dma_start3A_73 = arith.constant 0 : i32
        %dma_start3A_74 = tpu.memref_slice %arg11[%dma_start3A_72, %dma_start3A_73] : memref<128x128xf32, #tpu.memory_space<vmem>> -> memref<104x128xf32, #tpu.memory_space<vmem>>
        %dma_start3A_75 = arith.constant 0 : i32
        %dma_start3A_76 = tpu.memref_slice %arg14[%add3A_71, %dma_start3A_75] : memref<10000x128xf32, #tpu.memory_space<vmem_shared>> -> memref<104x128xf32, #tpu.memory_space<vmem_shared>>
        %dma_start3A_77 = arith.constant 0 : i32
        %dma_start3A_78 = tpu.memref_slice %arg14[%add3A_71, %dma_start3A_77] : memref<10000x128xf32, #tpu.memory_space<vmem_shared>> -> memref<104x128xf32, #tpu.memory_space<vmem_shared>>
        %dma_start3A_79 = arith.constant 0 : i32
        %dma_start3A_80 = arith.constant 0 : i32
        %dma_start3A_81 = tpu.memref_slice %arg11[%dma_start3A_79, %dma_start3A_80] : memref<128x128xf32, #tpu.memory_space<vmem>> -> memref<104x128xf32, #tpu.memory_space<vmem>>
        tpu.enqueue_dma source(%dma_start3A_81 : memref<104x128xf32, #tpu.memory_space<vmem>>) target(%dma_start3A_78 : memref<104x128xf32, #tpu.memory_space<vmem_shared>>) target_semaphore(%run_scoped3A : memref<!tpu.dma_semaphore, #tpu.memory_space<semaphore_mem>>)
        %dma_wait3A = arith.constant 0 : i32
        %dma_wait3A_82 = arith.constant 0 : i32
        %dma_wait3A_83 = tpu.memref_slice %arg11[%dma_wait3A, %dma_wait3A_82] : memref<128x128xf32, #tpu.memory_space<vmem>> -> memref<104x128xf32, #tpu.memory_space<vmem>>
        %dma_wait3A_84 = arith.constant 0 : i32
        %dma_wait3A_85 = tpu.memref_slice %arg14[%add3A_71, %dma_wait3A_84] : memref<10000x128xf32, #tpu.memory_space<vmem_shared>> -> memref<104x128xf32, #tpu.memory_space<vmem_shared>>
        %dma_wait3A_86 = arith.constant 0 : i32
        %dma_wait3A_87 = tpu.memref_slice %arg14[%add3A_71, %dma_wait3A_86] : memref<10000x128xf32, #tpu.memory_space<vmem_shared>> -> memref<104x128xf32, #tpu.memory_space<vmem_shared>>
        %dma_wait3A_88 = arith.constant 0 : i32
        %dma_wait3A_89 = arith.constant 0 : i32
        %dma_wait3A_90 = tpu.memref_slice %arg11[%dma_wait3A_88, %dma_wait3A_89] : memref<128x128xf32, #tpu.memory_space<vmem>> -> memref<104x128xf32, #tpu.memory_space<vmem>>
        tpu.wait_dma2 semaphore(%run_scoped3A : memref<!tpu.dma_semaphore, #tpu.memory_space<semaphore_mem>>) src(%dma_wait3A_90 : memref<104x128xf32, #tpu.memory_space<vmem>>) dst(%dma_wait3A_87 : memref<104x128xf32, #tpu.memory_space<vmem_shared>>)
        tpu.yield
      }) : () -> ()
    }
    %scan3A_40 = arith.constant 6 : i32
    %eq3A = arith.constant 0 : i32
    %eq3A_41 = arith.cmpi eq, %arg1, %eq3A : i32
    %convert_element_type3A = arith.extui %eq3A_41 : i1 to i32
    %cond3A = arith.constant 0 : i32
    %cond3A_42 = arith.cmpi ne, %convert_element_type3A, %cond3A : i32
    scf.if %cond3A_42 {
      "tpu.region"() ({
        %run_scoped3A = tpu.sem_alloc : memref<!tpu.dma_semaphore, #tpu.memory_space<semaphore_mem>>
        %dma_start3A_62 = arith.constant 0 : i32
        %dma_start3A_63 = arith.constant 0 : i32
        %dma_start3A_64 = tpu.memref_slice %arg11[%dma_start3A_62, %dma_start3A_63] : memref<128x128xf32, #tpu.memory_space<vmem>> -> memref<16x128xf32, #tpu.memory_space<vmem>>
        %dma_start3A_65 = arith.constant 9984 : i32
        %dma_start3A_66 = arith.constant 0 : i32
        %dma_start3A_67 = tpu.memref_slice %arg14[%dma_start3A_65, %dma_start3A_66] : memref<10000x128xf32, #tpu.memory_space<vmem_shared>> -> memref<16x128xf32, #tpu.memory_space<vmem_shared>>
        %dma_start3A_68 = arith.constant 9984 : i32
        %dma_start3A_69 = arith.constant 0 : i32
        %dma_start3A_70 = tpu.memref_slice %arg14[%dma_start3A_68, %dma_start3A_69] : memref<10000x128xf32, #tpu.memory_space<vmem_shared>> -> memref<16x128xf32, #tpu.memory_space<vmem_shared>>
        %dma_start3A_71 = arith.constant 0 : i32
        %dma_start3A_72 = arith.constant 0 : i32
        %dma_start3A_73 = tpu.memref_slice %arg11[%dma_start3A_71, %dma_start3A_72] : memref<128x128xf32, #tpu.memory_space<vmem>> -> memref<16x128xf32, #tpu.memory_space<vmem>>
        tpu.enqueue_dma source(%dma_start3A_73 : memref<16x128xf32, #tpu.memory_space<vmem>>) target(%dma_start3A_70 : memref<16x128xf32, #tpu.memory_space<vmem_shared>>) target_semaphore(%run_scoped3A : memref<!tpu.dma_semaphore, #tpu.memory_space<semaphore_mem>>)
        %dma_wait3A = arith.constant 0 : i32
        %dma_wait3A_74 = arith.constant 0 : i32
        %dma_wait3A_75 = tpu.memref_slice %arg11[%dma_wait3A, %dma_wait3A_74] : memref<128x128xf32, #tpu.memory_space<vmem>> -> memref<16x128xf32, #tpu.memory_space<vmem>>
        %dma_wait3A_76 = arith.constant 9984 : i32
        %dma_wait3A_77 = arith.constant 0 : i32
        %dma_wait3A_78 = tpu.memref_slice %arg14[%dma_wait3A_76, %dma_wait3A_77] : memref<10000x128xf32, #tpu.memory_space<vmem_shared>> -> memref<16x128xf32, #tpu.memory_space<vmem_shared>>
        %dma_wait3A_79 = arith.constant 9984 : i32
        %dma_wait3A_80 = arith.constant 0 : i32
        %dma_wait3A_81 = tpu.memref_slice %arg14[%dma_wait3A_79, %dma_wait3A_80] : memref<10000x128xf32, #tpu.memory_space<vmem_shared>> -> memref<16x128xf32, #tpu.memory_space<vmem_shared>>
        %dma_wait3A_82 = arith.constant 0 : i32
        %dma_wait3A_83 = arith.constant 0 : i32
        %dma_wait3A_84 = tpu.memref_slice %arg11[%dma_wait3A_82, %dma_wait3A_83] : memref<128x128xf32, #tpu.memory_space<vmem>> -> memref<16x128xf32, #tpu.memory_space<vmem>>
        tpu.wait_dma2 semaphore(%run_scoped3A : memref<!tpu.dma_semaphore, #tpu.memory_space<semaphore_mem>>) src(%dma_wait3A_84 : memref<16x128xf32, #tpu.memory_space<vmem>>) dst(%dma_wait3A_81 : memref<16x128xf32, #tpu.memory_space<vmem_shared>>)
        tpu.yield
      }) : () -> ()
    } else {
    }
    %barrier3A = arith.constant 0 : index
    tpu.barrier barrier_id(%barrier3A)
    %scan3A_43 = arith.constant 0 : i32
    %scan3A_44 = arith.constant 13 : i32
    %scan3A_45 = arith.addi %scan3A_43, %scan3A_44 : i32
    %scan3A_46 = arith.constant 1 : i32
    scf.for %scan3A_62 = %scan3A_43 to %scan3A_45 step %scan3A_46  : i32 {
      %mul3A_63 = arith.constant 1 : i32
      %mul3A_64 = arith.muli %scan3A_62, %mul3A_63 : i32
      %add3A_65 = arith.constant 0 : i32
      %add3A_66 = arith.addi %add3A_65, %mul3A_64 : i32
      %dma_wait3A = arith.constant 0 : i32
      %dma_wait3A_67 = arith.constant 0 : i32
      %dma_wait3A_68 = arith.constant 0 : i32
      %dma_wait3A_69 = tpu.memref_slice %arg3[%dma_wait3A, %dma_wait3A_67, %dma_wait3A_68] : memref<2500x2x128xi32, #tpu.memory_space<hbm>> -> memref<1x2x128xi32, #tpu.memory_space<hbm>>
      %dma_wait3A_70 = tpu.memref_squeeze %dma_wait3A_69 : memref<1x2x128xi32, #tpu.memory_space<hbm>> -> memref<2x128xi32, #tpu.memory_space<hbm>>
      %dma_wait3A_71 = arith.constant 0 : i32
      %dma_wait3A_72 = arith.constant 0 : i32
      %dma_wait3A_73 = tpu.memref_slice %arg3[%dma_wait3A, %dma_wait3A_71, %dma_wait3A_72] : memref<2500x2x128xi32, #tpu.memory_space<hbm>> -> memref<1x2x128xi32, #tpu.memory_space<hbm>>
      %dma_wait3A_74 = tpu.memref_squeeze %dma_wait3A_73 : memref<1x2x128xi32, #tpu.memory_space<hbm>> -> memref<2x128xi32, #tpu.memory_space<hbm>>
      tpu.wait_dma2 semaphore(%arg15 : memref<!tpu.dma_semaphore, #tpu.memory_space<semaphore_mem>>) src(%dma_wait3A_74 : memref<2x128xi32, #tpu.memory_space<hbm>>) dst(%arg5 : memref<2x128xi32, #tpu.memory_space<vmem>>)
      %dma_wait3A_75 = arith.constant 0 : i32
      %dma_wait3A_76 = arith.constant 0 : i32
      %dma_wait3A_77 = arith.constant 0 : i32
      %dma_wait3A_78 = tpu.memref_slice %arg3[%dma_wait3A_75, %dma_wait3A_76, %dma_wait3A_77] : memref<2500x2x128xi32, #tpu.memory_space<hbm>> -> memref<1x2x128xi32, #tpu.memory_space<hbm>>
      %dma_wait3A_79 = tpu.memref_squeeze %dma_wait3A_78 : memref<1x2x128xi32, #tpu.memory_space<hbm>> -> memref<2x128xi32, #tpu.memory_space<hbm>>
      %dma_wait3A_80 = arith.constant 0 : i32
      %dma_wait3A_81 = arith.constant 0 : i32
      %dma_wait3A_82 = tpu.memref_slice %arg3[%dma_wait3A_75, %dma_wait3A_80, %dma_wait3A_81] : memref<2500x2x128xi32, #tpu.memory_space<hbm>> -> memref<1x2x128xi32, #tpu.memory_space<hbm>>
      %dma_wait3A_83 = tpu.memref_squeeze %dma_wait3A_82 : memref<1x2x128xi32, #tpu.memory_space<hbm>> -> memref<2x128xi32, #tpu.memory_space<hbm>>
      tpu.wait_dma2 semaphore(%arg15 : memref<!tpu.dma_semaphore, #tpu.memory_space<semaphore_mem>>) src(%dma_wait3A_83 : memref<2x128xi32, #tpu.memory_space<hbm>>) dst(%arg6 : memref<2x128xi32, #tpu.memory_space<vmem>>)
      %dma_wait3A_84 = arith.constant 0 : i32
      %dma_wait3A_85 = arith.constant 0 : i32
      %dma_wait3A_86 = arith.constant 0 : i32
      %dma_wait3A_87 = tpu.memref_slice %arg3[%dma_wait3A_84, %dma_wait3A_85, %dma_wait3A_86] : memref<2500x2x128xi32, #tpu.memory_space<hbm>> -> memref<1x2x128xi32, #tpu.memory_space<hbm>>
      %dma_wait3A_88 = tpu.memref_squeeze %dma_wait3A_87 : memref<1x2x128xi32, #tpu.memory_space<hbm>> -> memref<2x128xi32, #tpu.memory_space<hbm>>
      %dma_wait3A_89 = arith.constant 0 : i32
      %dma_wait3A_90 = arith.constant 0 : i32
      %dma_wait3A_91 = tpu.memref_slice %arg3[%dma_wait3A_84, %dma_wait3A_89, %dma_wait3A_90] : memref<2500x2x128xi32, #tpu.memory_space<hbm>> -> memref<1x2x128xi32, #tpu.memory_space<hbm>>
      %dma_wait3A_92 = tpu.memref_squeeze %dma_wait3A_91 : memref<1x2x128xi32, #tpu.memory_space<hbm>> -> memref<2x128xi32, #tpu.memory_space<hbm>>
      tpu.wait_dma2 semaphore(%arg15 : memref<!tpu.dma_semaphore, #tpu.memory_space<semaphore_mem>>) src(%dma_wait3A_92 : memref<2x128xi32, #tpu.memory_space<hbm>>) dst(%arg7 : memref<2x128xi32, #tpu.memory_space<vmem>>)
      %mul3A_93 = arith.constant 2 : i32
      %mul3A_94 = arith.muli %mul3A_93, %add3A_66 : i32
      %mul3A_95 = arith.constant 2 : i32
      %mul3A_96 = arith.muli %mul3A_95, %add3A_66 : i32
      %add3A_97 = arith.constant 1 : i32
      %add3A_98 = arith.addi %mul3A_96, %add3A_97 : i32
      %dma_start3A_99 = arith.constant 0 : i32
      %dma_start3A_100 = arith.constant 0 : i32
      %dma_start3A_101 = arith.constant 0 : i32
      %dma_start3A_102 = tpu.memref_slice %arg5[%dma_start3A_99, %dma_start3A_101] : memref<2x128xi32, #tpu.memory_space<vmem>> -> memref<1x128xi32, #tpu.memory_space<vmem>>
      %dma_start3A_103 = tpu.memref_squeeze %dma_start3A_102 : memref<1x128xi32, #tpu.memory_space<vmem>> -> memref<128xi32, #tpu.memory_space<vmem>>
      %dma_start3A_104 = arith.constant 0 : i32
      %dma_start3A_105 = arith.constant 0 : i32
      %dma_start3A_106 = tpu.memref_slice %arg2[%dma_start3A_104, %dma_start3A_105] : memref<10000x128xf32, #tpu.memory_space<hbm>> -> memref<10000x128xf32, #tpu.memory_space<hbm>>
      %dma_start3A_107 = tpu.memref_slice %arg17[%dma_start3A_100] : memref<3x!tpu.dma_semaphore, #tpu.memory_space<semaphore_mem>> -> memref<1x!tpu.dma_semaphore, #tpu.memory_space<semaphore_mem>>
      %dma_start3A_108 = tpu.memref_squeeze %dma_start3A_107 : memref<1x!tpu.dma_semaphore, #tpu.memory_space<semaphore_mem>> -> memref<!tpu.dma_semaphore, #tpu.memory_space<semaphore_mem>>
      tpu.enqueue_indirect_dma source(%dma_start3A_106 : memref<10000x128xf32, #tpu.memory_space<hbm>>) target(%arg11 : memref<128x128xf32, #tpu.memory_space<vmem>>) offsets(%dma_start3A_103 : memref<128xi32, #tpu.memory_space<vmem>>) semaphore(%dma_start3A_108 : memref<!tpu.dma_semaphore, #tpu.memory_space<semaphore_mem>>)
      %dma_start3A_109 = arith.constant 0 : i32
      %dma_start3A_110 = arith.constant 1 : i32
      %dma_start3A_111 = arith.constant 0 : i32
      %dma_start3A_112 = tpu.memref_slice %arg6[%dma_start3A_109, %dma_start3A_111] : memref<2x128xi32, #tpu.memory_space<vmem>> -> memref<1x128xi32, #tpu.memory_space<vmem>>
      %dma_start3A_113 = tpu.memref_squeeze %dma_start3A_112 : memref<1x128xi32, #tpu.memory_space<vmem>> -> memref<128xi32, #tpu.memory_space<vmem>>
      %dma_start3A_114 = arith.constant 0 : i32
      %dma_start3A_115 = arith.constant 0 : i32
      %dma_start3A_116 = tpu.memref_slice %arg2[%dma_start3A_114, %dma_start3A_115] : memref<10000x128xf32, #tpu.memory_space<hbm>> -> memref<10000x128xf32, #tpu.memory_space<hbm>>
      %dma_start3A_117 = tpu.memref_slice %arg17[%dma_start3A_110] : memref<3x!tpu.dma_semaphore, #tpu.memory_space<semaphore_mem>> -> memref<1x!tpu.dma_semaphore, #tpu.memory_space<semaphore_mem>>
      %dma_start3A_118 = tpu.memref_squeeze %dma_start3A_117 : memref<1x!tpu.dma_semaphore, #tpu.memory_space<semaphore_mem>> -> memref<!tpu.dma_semaphore, #tpu.memory_space<semaphore_mem>>
      tpu.enqueue_indirect_dma source(%dma_start3A_116 : memref<10000x128xf32, #tpu.memory_space<hbm>>) target(%arg12 : memref<128x128xf32, #tpu.memory_space<vmem>>) offsets(%dma_start3A_113 : memref<128xi32, #tpu.memory_space<vmem>>) semaphore(%dma_start3A_118 : memref<!tpu.dma_semaphore, #tpu.memory_space<semaphore_mem>>)
      %dma_start3A_119 = arith.constant 0 : i32
      %dma_start3A_120 = arith.constant 2 : i32
      %dma_start3A_121 = arith.constant 0 : i32
      %dma_start3A_122 = tpu.memref_slice %arg7[%dma_start3A_119, %dma_start3A_121] : memref<2x128xi32, #tpu.memory_space<vmem>> -> memref<1x128xi32, #tpu.memory_space<vmem>>
      %dma_start3A_123 = tpu.memref_squeeze %dma_start3A_122 : memref<1x128xi32, #tpu.memory_space<vmem>> -> memref<128xi32, #tpu.memory_space<vmem>>
      %dma_start3A_124 = arith.constant 0 : i32
      %dma_start3A_125 = arith.constant 0 : i32
      %dma_start3A_126 = tpu.memref_slice %arg2[%dma_start3A_124, %dma_start3A_125] : memref<10000x128xf32, #tpu.memory_space<hbm>> -> memref<10000x128xf32, #tpu.memory_space<hbm>>
      %dma_start3A_127 = tpu.memref_slice %arg17[%dma_start3A_120] : memref<3x!tpu.dma_semaphore, #tpu.memory_space<semaphore_mem>> -> memref<1x!tpu.dma_semaphore, #tpu.memory_space<semaphore_mem>>
      %dma_start3A_128 = tpu.memref_squeeze %dma_start3A_127 : memref<1x!tpu.dma_semaphore, #tpu.memory_space<semaphore_mem>> -> memref<!tpu.dma_semaphore, #tpu.memory_space<semaphore_mem>>
      tpu.enqueue_indirect_dma source(%dma_start3A_126 : memref<10000x128xf32, #tpu.memory_space<hbm>>) target(%arg13 : memref<128x128xf32, #tpu.memory_space<vmem>>) offsets(%dma_start3A_123 : memref<128xi32, #tpu.memory_space<vmem>>) semaphore(%dma_start3A_128 : memref<!tpu.dma_semaphore, #tpu.memory_space<semaphore_mem>>)
      %mul3A_129 = arith.constant 3 : i32
      %mul3A_130 = arith.muli %add3A_98, %mul3A_129 : i32
      %add3A_131 = arith.addi %mul3A_2, %mul3A_130 : i32
      %add3A_132 = arith.constant 0 : i32
      %add3A_133 = arith.addi %add3A_131, %add3A_132 : i32
      %dma_start3A_134 = arith.constant 0 : i32
      %dma_start3A_135 = arith.constant 0 : i32
      %dma_start3A_136 = tpu.memref_slice %arg3[%add3A_133, %dma_start3A_134, %dma_start3A_135] : memref<2500x2x128xi32, #tpu.memory_space<hbm>> -> memref<1x2x128xi32, #tpu.memory_space<hbm>>
      %dma_start3A_137 = tpu.memref_squeeze %dma_start3A_136 : memref<1x2x128xi32, #tpu.memory_space<hbm>> -> memref<2x128xi32, #tpu.memory_space<hbm>>
      %dma_start3A_138 = arith.constant 0 : i32
      %dma_start3A_139 = arith.constant 0 : i32
      %dma_start3A_140 = tpu.memref_slice %arg3[%add3A_133, %dma_start3A_138, %dma_start3A_139] : memref<2500x2x128xi32, #tpu.memory_space<hbm>> -> memref<1x2x128xi32, #tpu.memory_space<hbm>>
      %dma_start3A_141 = tpu.memref_squeeze %dma_start3A_140 : memref<1x2x128xi32, #tpu.memory_space<hbm>> -> memref<2x128xi32, #tpu.memory_space<hbm>>
      tpu.enqueue_dma source(%dma_start3A_141 : memref<2x128xi32, #tpu.memory_space<hbm>>) target(%arg8 : memref<2x128xi32, #tpu.memory_space<vmem>>) target_semaphore(%arg16 : memref<!tpu.dma_semaphore, #tpu.memory_space<semaphore_mem>>)
      %mul3A_142 = arith.constant 3 : i32
      %mul3A_143 = arith.muli %add3A_98, %mul3A_142 : i32
      %add3A_144 = arith.addi %mul3A_2, %mul3A_143 : i32
      %add3A_145 = arith.constant 1 : i32
      %add3A_146 = arith.addi %add3A_144, %add3A_145 : i32
      %dma_start3A_147 = arith.constant 0 : i32
      %dma_start3A_148 = arith.constant 0 : i32
      %dma_start3A_149 = tpu.memref_slice %arg3[%add3A_146, %dma_start3A_147, %dma_start3A_148] : memref<2500x2x128xi32, #tpu.memory_space<hbm>> -> memref<1x2x128xi32, #tpu.memory_space<hbm>>
      %dma_start3A_150 = tpu.memref_squeeze %dma_start3A_149 : memref<1x2x128xi32, #tpu.memory_space<hbm>> -> memref<2x128xi32, #tpu.memory_space<hbm>>
      %dma_start3A_151 = arith.constant 0 : i32
      %dma_start3A_152 = arith.constant 0 : i32
      %dma_start3A_153 = tpu.memref_slice %arg3[%add3A_146, %dma_start3A_151, %dma_start3A_152] : memref<2500x2x128xi32, #tpu.memory_space<hbm>> -> memref<1x2x128xi32, #tpu.memory_space<hbm>>
      %dma_start3A_154 = tpu.memref_squeeze %dma_start3A_153 : memref<1x2x128xi32, #tpu.memory_space<hbm>> -> memref<2x128xi32, #tpu.memory_space<hbm>>
      tpu.enqueue_dma source(%dma_start3A_154 : memref<2x128xi32, #tpu.memory_space<hbm>>) target(%arg9 : memref<2x128xi32, #tpu.memory_space<vmem>>) target_semaphore(%arg16 : memref<!tpu.dma_semaphore, #tpu.memory_space<semaphore_mem>>)
      %mul3A_155 = arith.constant 3 : i32
      %mul3A_156 = arith.muli %add3A_98, %mul3A_155 : i32
      %add3A_157 = arith.addi %mul3A_2, %mul3A_156 : i32
      %add3A_158 = arith.constant 2 : i32
      %add3A_159 = arith.addi %add3A_157, %add3A_158 : i32
      %dma_start3A_160 = arith.constant 0 : i32
      %dma_start3A_161 = arith.constant 0 : i32
      %dma_start3A_162 = tpu.memref_slice %arg3[%add3A_159, %dma_start3A_160, %dma_start3A_161] : memref<2500x2x128xi32, #tpu.memory_space<hbm>> -> memref<1x2x128xi32, #tpu.memory_space<hbm>>
      %dma_start3A_163 = tpu.memref_squeeze %dma_start3A_162 : memref<1x2x128xi32, #tpu.memory_space<hbm>> -> memref<2x128xi32, #tpu.memory_space<hbm>>
      %dma_start3A_164 = arith.constant 0 : i32
      %dma_start3A_165 = arith.constant 0 : i32
      %dma_start3A_166 = tpu.memref_slice %arg3[%add3A_159, %dma_start3A_164, %dma_start3A_165] : memref<2500x2x128xi32, #tpu.memory_space<hbm>> -> memref<1x2x128xi32, #tpu.memory_space<hbm>>
      %dma_start3A_167 = tpu.memref_squeeze %dma_start3A_166 : memref<1x2x128xi32, #tpu.memory_space<hbm>> -> memref<2x128xi32, #tpu.memory_space<hbm>>
      tpu.enqueue_dma source(%dma_start3A_167 : memref<2x128xi32, #tpu.memory_space<hbm>>) target(%arg10 : memref<2x128xi32, #tpu.memory_space<vmem>>) target_semaphore(%arg16 : memref<!tpu.dma_semaphore, #tpu.memory_space<semaphore_mem>>)
      %dma_wait3A_168 = arith.constant 0 : i32
      %dma_wait3A_169 = arith.constant 0 : i32
      %dma_wait3A_170 = arith.constant 0 : i32
      %dma_wait3A_171 = tpu.memref_slice %arg5[%dma_wait3A_168, %dma_wait3A_170] : memref<2x128xi32, #tpu.memory_space<vmem>> -> memref<1x128xi32, #tpu.memory_space<vmem>>
      %dma_wait3A_172 = tpu.memref_squeeze %dma_wait3A_171 : memref<1x128xi32, #tpu.memory_space<vmem>> -> memref<128xi32, #tpu.memory_space<vmem>>
      %dma_wait3A_173 = arith.constant 0 : i32
      %dma_wait3A_174 = arith.constant 0 : i32
      %dma_wait3A_175 = tpu.memref_slice %arg2[%dma_wait3A_173, %dma_wait3A_174] : memref<10000x128xf32, #tpu.memory_space<hbm>> -> memref<10000x128xf32, #tpu.memory_space<hbm>>
      %dma_wait3A_176 = tpu.memref_slice %arg17[%dma_wait3A_169] : memref<3x!tpu.dma_semaphore, #tpu.memory_space<semaphore_mem>> -> memref<1x!tpu.dma_semaphore, #tpu.memory_space<semaphore_mem>>
      %dma_wait3A_177 = tpu.memref_squeeze %dma_wait3A_176 : memref<1x!tpu.dma_semaphore, #tpu.memory_space<semaphore_mem>> -> memref<!tpu.dma_semaphore, #tpu.memory_space<semaphore_mem>>
      tpu.wait_indirect_dma semaphore(%dma_wait3A_177 : memref<!tpu.dma_semaphore, #tpu.memory_space<semaphore_mem>>) src(%dma_wait3A_175 : memref<10000x128xf32, #tpu.memory_space<hbm>>) dst(%arg11 : memref<128x128xf32, #tpu.memory_space<vmem>>)
      %dma_start3A_178 = arith.constant 1 : i32
      %dma_start3A_179 = arith.constant 0 : i32
      %dma_start3A_180 = tpu.memref_slice %arg5[%dma_start3A_178, %dma_start3A_179] : memref<2x128xi32, #tpu.memory_space<vmem>> -> memref<1x128xi32, #tpu.memory_space<vmem>>
      %dma_start3A_181 = tpu.memref_squeeze %dma_start3A_180 : memref<1x128xi32, #tpu.memory_space<vmem>> -> memref<128xi32, #tpu.memory_space<vmem>>
      %dma_start3A_182 = arith.constant 0 : i32
      %dma_start3A_183 = arith.constant 0 : i32
      %dma_start3A_184 = tpu.memref_slice %arg14[%dma_start3A_182, %dma_start3A_183] : memref<10000x128xf32, #tpu.memory_space<vmem_shared>> -> memref<10000x128xf32, #tpu.memory_space<vmem_shared>>
      tpu.enqueue_indirect_dma source(%arg11 : memref<128x128xf32, #tpu.memory_space<vmem>>) target(%dma_start3A_184 : memref<10000x128xf32, #tpu.memory_space<vmem_shared>>) offsets(%dma_start3A_181 : memref<128xi32, #tpu.memory_space<vmem>>) semaphore(%arg18 : memref<!tpu.dma_semaphore, #tpu.memory_space<semaphore_mem>>) {add = true}
      %dma_wait3A_185 = arith.constant 0 : i32
      %dma_wait3A_186 = arith.constant 1 : i32
      %dma_wait3A_187 = arith.constant 0 : i32
      %dma_wait3A_188 = tpu.memref_slice %arg6[%dma_wait3A_185, %dma_wait3A_187] : memref<2x128xi32, #tpu.memory_space<vmem>> -> memref<1x128xi32, #tpu.memory_space<vmem>>
      %dma_wait3A_189 = tpu.memref_squeeze %dma_wait3A_188 : memref<1x128xi32, #tpu.memory_space<vmem>> -> memref<128xi32, #tpu.memory_space<vmem>>
      %dma_wait3A_190 = arith.constant 0 : i32
      %dma_wait3A_191 = arith.constant 0 : i32
      %dma_wait3A_192 = tpu.memref_slice %arg2[%dma_wait3A_190, %dma_wait3A_191] : memref<10000x128xf32, #tpu.memory_space<hbm>> -> memref<10000x128xf32, #tpu.memory_space<hbm>>
      %dma_wait3A_193 = tpu.memref_slice %arg17[%dma_wait3A_186] : memref<3x!tpu.dma_semaphore, #tpu.memory_space<semaphore_mem>> -> memref<1x!tpu.dma_semaphore, #tpu.memory_space<semaphore_mem>>
      %dma_wait3A_194 = tpu.memref_squeeze %dma_wait3A_193 : memref<1x!tpu.dma_semaphore, #tpu.memory_space<semaphore_mem>> -> memref<!tpu.dma_semaphore, #tpu.memory_space<semaphore_mem>>
      tpu.wait_indirect_dma semaphore(%dma_wait3A_194 : memref<!tpu.dma_semaphore, #tpu.memory_space<semaphore_mem>>) src(%dma_wait3A_192 : memref<10000x128xf32, #tpu.memory_space<hbm>>) dst(%arg12 : memref<128x128xf32, #tpu.memory_space<vmem>>)
      %dma_start3A_195 = arith.constant 1 : i32
      %dma_start3A_196 = arith.constant 0 : i32
      %dma_start3A_197 = tpu.memref_slice %arg6[%dma_start3A_195, %dma_start3A_196] : memref<2x128xi32, #tpu.memory_space<vmem>> -> memref<1x128xi32, #tpu.memory_space<vmem>>
      %dma_start3A_198 = tpu.memref_squeeze %dma_start3A_197 : memref<1x128xi32, #tpu.memory_space<vmem>> -> memref<128xi32, #tpu.memory_space<vmem>>
      %dma_start3A_199 = arith.constant 0 : i32
      %dma_start3A_200 = arith.constant 0 : i32
      %dma_start3A_201 = tpu.memref_slice %arg14[%dma_start3A_199, %dma_start3A_200] : memref<10000x128xf32, #tpu.memory_space<vmem_shared>> -> memref<10000x128xf32, #tpu.memory_space<vmem_shared>>
      tpu.enqueue_indirect_dma source(%arg12 : memref<128x128xf32, #tpu.memory_space<vmem>>) target(%dma_start3A_201 : memref<10000x128xf32, #tpu.memory_space<vmem_shared>>) offsets(%dma_start3A_198 : memref<128xi32, #tpu.memory_space<vmem>>) semaphore(%arg18 : memref<!tpu.dma_semaphore, #tpu.memory_space<semaphore_mem>>) {add = true}
      %dma_wait3A_202 = arith.constant 0 : i32
      %dma_wait3A_203 = arith.constant 2 : i32
      %dma_wait3A_204 = arith.constant 0 : i32
      %dma_wait3A_205 = tpu.memref_slice %arg7[%dma_wait3A_202, %dma_wait3A_204] : memref<2x128xi32, #tpu.memory_space<vmem>> -> memref<1x128xi32, #tpu.memory_space<vmem>>
      %dma_wait3A_206 = tpu.memref_squeeze %dma_wait3A_205 : memref<1x128xi32, #tpu.memory_space<vmem>> -> memref<128xi32, #tpu.memory_space<vmem>>
      %dma_wait3A_207 = arith.constant 0 : i32
      %dma_wait3A_208 = arith.constant 0 : i32
      %dma_wait3A_209 = tpu.memref_slice %arg2[%dma_wait3A_207, %dma_wait3A_208] : memref<10000x128xf32, #tpu.memory_space<hbm>> -> memref<10000x128xf32, #tpu.memory_space<hbm>>
      %dma_wait3A_210 = tpu.memref_slice %arg17[%dma_wait3A_203] : memref<3x!tpu.dma_semaphore, #tpu.memory_space<semaphore_mem>> -> memref<1x!tpu.dma_semaphore, #tpu.memory_space<semaphore_mem>>
      %dma_wait3A_211 = tpu.memref_squeeze %dma_wait3A_210 : memref<1x!tpu.dma_semaphore, #tpu.memory_space<semaphore_mem>> -> memref<!tpu.dma_semaphore, #tpu.memory_space<semaphore_mem>>
      tpu.wait_indirect_dma semaphore(%dma_wait3A_211 : memref<!tpu.dma_semaphore, #tpu.memory_space<semaphore_mem>>) src(%dma_wait3A_209 : memref<10000x128xf32, #tpu.memory_space<hbm>>) dst(%arg13 : memref<128x128xf32, #tpu.memory_space<vmem>>)
      %dma_start3A_212 = arith.constant 1 : i32
      %dma_start3A_213 = arith.constant 0 : i32
      %dma_start3A_214 = tpu.memref_slice %arg7[%dma_start3A_212, %dma_start3A_213] : memref<2x128xi32, #tpu.memory_space<vmem>> -> memref<1x128xi32, #tpu.memory_space<vmem>>
      %dma_start3A_215 = tpu.memref_squeeze %dma_start3A_214 : memref<1x128xi32, #tpu.memory_space<vmem>> -> memref<128xi32, #tpu.memory_space<vmem>>
      %dma_start3A_216 = arith.constant 0 : i32
      %dma_start3A_217 = arith.constant 0 : i32
      %dma_start3A_218 = tpu.memref_slice %arg14[%dma_start3A_216, %dma_start3A_217] : memref<10000x128xf32, #tpu.memory_space<vmem_shared>> -> memref<10000x128xf32, #tpu.memory_space<vmem_shared>>
      tpu.enqueue_indirect_dma source(%arg13 : memref<128x128xf32, #tpu.memory_space<vmem>>) target(%dma_start3A_218 : memref<10000x128xf32, #tpu.memory_space<vmem_shared>>) offsets(%dma_start3A_215 : memref<128xi32, #tpu.memory_space<vmem>>) semaphore(%arg18 : memref<!tpu.dma_semaphore, #tpu.memory_space<semaphore_mem>>) {add = true}
      %dma_wait3A_219 = arith.constant 1 : i32
      %dma_wait3A_220 = arith.constant 0 : i32
      %dma_wait3A_221 = tpu.memref_slice %arg5[%dma_wait3A_219, %dma_wait3A_220] : memref<2x128xi32, #tpu.memory_space<vmem>> -> memref<1x128xi32, #tpu.memory_space<vmem>>
      %dma_wait3A_222 = tpu.memref_squeeze %dma_wait3A_221 : memref<1x128xi32, #tpu.memory_space<vmem>> -> memref<128xi32, #tpu.memory_space<vmem>>
      %dma_wait3A_223 = arith.constant 0 : i32
      %dma_wait3A_224 = arith.constant 0 : i32
      %dma_wait3A_225 = tpu.memref_slice %arg14[%dma_wait3A_223, %dma_wait3A_224] : memref<10000x128xf32, #tpu.memory_space<vmem_shared>> -> memref<10000x128xf32, #tpu.memory_space<vmem_shared>>
      tpu.wait_indirect_dma semaphore(%arg18 : memref<!tpu.dma_semaphore, #tpu.memory_space<semaphore_mem>>) src(%arg11 : memref<128x128xf32, #tpu.memory_space<vmem>>) dst(%dma_wait3A_225 : memref<10000x128xf32, #tpu.memory_space<vmem_shared>>)
      %dma_wait3A_226 = arith.constant 1 : i32
      %dma_wait3A_227 = arith.constant 0 : i32
      %dma_wait3A_228 = tpu.memref_slice %arg6[%dma_wait3A_226, %dma_wait3A_227] : memref<2x128xi32, #tpu.memory_space<vmem>> -> memref<1x128xi32, #tpu.memory_space<vmem>>
      %dma_wait3A_229 = tpu.memref_squeeze %dma_wait3A_228 : memref<1x128xi32, #tpu.memory_space<vmem>> -> memref<128xi32, #tpu.memory_space<vmem>>
      %dma_wait3A_230 = arith.constant 0 : i32
      %dma_wait3A_231 = arith.constant 0 : i32
      %dma_wait3A_232 = tpu.memref_slice %arg14[%dma_wait3A_230, %dma_wait3A_231] : memref<10000x128xf32, #tpu.memory_space<vmem_shared>> -> memref<10000x128xf32, #tpu.memory_space<vmem_shared>>
      tpu.wait_indirect_dma semaphore(%arg18 : memref<!tpu.dma_semaphore, #tpu.memory_space<semaphore_mem>>) src(%arg12 : memref<128x128xf32, #tpu.memory_space<vmem>>) dst(%dma_wait3A_232 : memref<10000x128xf32, #tpu.memory_space<vmem_shared>>)
      %dma_wait3A_233 = arith.constant 1 : i32
      %dma_wait3A_234 = arith.constant 0 : i32
      %dma_wait3A_235 = tpu.memref_slice %arg7[%dma_wait3A_233, %dma_wait3A_234] : memref<2x128xi32, #tpu.memory_space<vmem>> -> memref<1x128xi32, #tpu.memory_space<vmem>>
      %dma_wait3A_236 = tpu.memref_squeeze %dma_wait3A_235 : memref<1x128xi32, #tpu.memory_space<vmem>> -> memref<128xi32, #tpu.memory_space<vmem>>
      %dma_wait3A_237 = arith.constant 0 : i32
      %dma_wait3A_238 = arith.constant 0 : i32
      %dma_wait3A_239 = tpu.memref_slice %arg14[%dma_wait3A_237, %dma_wait3A_238] : memref<10000x128xf32, #tpu.memory_space<vmem_shared>> -> memref<10000x128xf32, #tpu.memory_space<vmem_shared>>
      tpu.wait_indirect_dma semaphore(%arg18 : memref<!tpu.dma_semaphore, #tpu.memory_space<semaphore_mem>>) src(%arg13 : memref<128x128xf32, #tpu.memory_space<vmem>>) dst(%dma_wait3A_239 : memref<10000x128xf32, #tpu.memory_space<vmem_shared>>)
      %dma_wait3A_240 = arith.constant 0 : i32
      %dma_wait3A_241 = arith.constant 0 : i32
      %dma_wait3A_242 = arith.constant 0 : i32
      %dma_wait3A_243 = tpu.memref_slice %arg3[%dma_wait3A_240, %dma_wait3A_241, %dma_wait3A_242] : memref<2500x2x128xi32, #tpu.memory_space<hbm>> -> memref<1x2x128xi32, #tpu.memory_space<hbm>>
      %dma_wait3A_244 = tpu.memref_squeeze %dma_wait3A_243 : memref<1x2x128xi32, #tpu.memory_space<hbm>> -> memref<2x128xi32, #tpu.memory_space<hbm>>
      %dma_wait3A_245 = arith.constant 0 : i32
      %dma_wait3A_246 = arith.constant 0 : i32
      %dma_wait3A_247 = tpu.memref_slice %arg3[%dma_wait3A_240, %dma_wait3A_245, %dma_wait3A_246] : memref<2500x2x128xi32, #tpu.memory_space<hbm>> -> memref<1x2x128xi32, #tpu.memory_space<hbm>>
      %dma_wait3A_248 = tpu.memref_squeeze %dma_wait3A_247 : memref<1x2x128xi32, #tpu.memory_space<hbm>> -> memref<2x128xi32, #tpu.memory_space<hbm>>
      tpu.wait_dma2 semaphore(%arg16 : memref<!tpu.dma_semaphore, #tpu.memory_space<semaphore_mem>>) src(%dma_wait3A_248 : memref<2x128xi32, #tpu.memory_space<hbm>>) dst(%arg8 : memref<2x128xi32, #tpu.memory_space<vmem>>)
      %dma_wait3A_249 = arith.constant 0 : i32
      %dma_wait3A_250 = arith.constant 0 : i32
      %dma_wait3A_251 = arith.constant 0 : i32
      %dma_wait3A_252 = tpu.memref_slice %arg3[%dma_wait3A_249, %dma_wait3A_250, %dma_wait3A_251] : memref<2500x2x128xi32, #tpu.memory_space<hbm>> -> memref<1x2x128xi32, #tpu.memory_space<hbm>>
      %dma_wait3A_253 = tpu.memref_squeeze %dma_wait3A_252 : memref<1x2x128xi32, #tpu.memory_space<hbm>> -> memref<2x128xi32, #tpu.memory_space<hbm>>
      %dma_wait3A_254 = arith.constant 0 : i32
      %dma_wait3A_255 = arith.constant 0 : i32
      %dma_wait3A_256 = tpu.memref_slice %arg3[%dma_wait3A_249, %dma_wait3A_254, %dma_wait3A_255] : memref<2500x2x128xi32, #tpu.memory_space<hbm>> -> memref<1x2x128xi32, #tpu.memory_space<hbm>>
      %dma_wait3A_257 = tpu.memref_squeeze %dma_wait3A_256 : memref<1x2x128xi32, #tpu.memory_space<hbm>> -> memref<2x128xi32, #tpu.memory_space<hbm>>
      tpu.wait_dma2 semaphore(%arg16 : memref<!tpu.dma_semaphore, #tpu.memory_space<semaphore_mem>>) src(%dma_wait3A_257 : memref<2x128xi32, #tpu.memory_space<hbm>>) dst(%arg9 : memref<2x128xi32, #tpu.memory_space<vmem>>)
      %dma_wait3A_258 = arith.constant 0 : i32
      %dma_wait3A_259 = arith.constant 0 : i32
      %dma_wait3A_260 = arith.constant 0 : i32
      %dma_wait3A_261 = tpu.memref_slice %arg3[%dma_wait3A_258, %dma_wait3A_259, %dma_wait3A_260] : memref<2500x2x128xi32, #tpu.memory_space<hbm>> -> memref<1x2x128xi32, #tpu.memory_space<hbm>>
      %dma_wait3A_262 = tpu.memref_squeeze %dma_wait3A_261 : memref<1x2x128xi32, #tpu.memory_space<hbm>> -> memref<2x128xi32, #tpu.memory_space<hbm>>
      %dma_wait3A_263 = arith.constant 0 : i32
      %dma_wait3A_264 = arith.constant 0 : i32
      %dma_wait3A_265 = tpu.memref_slice %arg3[%dma_wait3A_258, %dma_wait3A_263, %dma_wait3A_264] : memref<2500x2x128xi32, #tpu.memory_space<hbm>> -> memref<1x2x128xi32, #tpu.memory_space<hbm>>
      %dma_wait3A_266 = tpu.memref_squeeze %dma_wait3A_265 : memref<1x2x128xi32, #tpu.memory_space<hbm>> -> memref<2x128xi32, #tpu.memory_space<hbm>>
      tpu.wait_dma2 semaphore(%arg16 : memref<!tpu.dma_semaphore, #tpu.memory_space<semaphore_mem>>) src(%dma_wait3A_266 : memref<2x128xi32, #tpu.memory_space<hbm>>) dst(%arg10 : memref<2x128xi32, #tpu.memory_space<vmem>>)
      %lt3A_267 = arith.constant 12 : i32
      %lt3A_268 = arith.cmpi slt, %add3A_66, %lt3A_267 : i32
      %convert_element_type3A_269 = arith.extui %lt3A_268 : i1 to i32
      %cond3A_270 = arith.constant 0 : i32
      %cond3A_271 = arith.cmpi ne, %convert_element_type3A_269, %cond3A_270 : i32
      scf.if %cond3A_271 {
        %mul3A_277 = arith.constant 2 : i32
        %mul3A_278 = arith.muli %mul3A_277, %add3A_66 : i32
        %add3A_279 = arith.constant 1 : i32
        %add3A_280 = arith.addi %mul3A_278, %add3A_279 : i32
        %mul3A_281 = arith.constant 2 : i32
        %mul3A_282 = arith.muli %mul3A_281, %add3A_66 : i32
        %add3A_283 = arith.constant 2 : i32
        %add3A_284 = arith.addi %mul3A_282, %add3A_283 : i32
        %dma_start3A_285 = arith.constant 0 : i32
        %dma_start3A_286 = arith.constant 0 : i32
        %dma_start3A_287 = arith.constant 0 : i32
        %dma_start3A_288 = tpu.memref_slice %arg8[%dma_start3A_285, %dma_start3A_287] : memref<2x128xi32, #tpu.memory_space<vmem>> -> memref<1x128xi32, #tpu.memory_space<vmem>>
        %dma_start3A_289 = tpu.memref_squeeze %dma_start3A_288 : memref<1x128xi32, #tpu.memory_space<vmem>> -> memref<128xi32, #tpu.memory_space<vmem>>
        %dma_start3A_290 = arith.constant 0 : i32
        %dma_start3A_291 = arith.constant 0 : i32
        %dma_start3A_292 = tpu.memref_slice %arg2[%dma_start3A_290, %dma_start3A_291] : memref<10000x128xf32, #tpu.memory_space<hbm>> -> memref<10000x128xf32, #tpu.memory_space<hbm>>
        %dma_start3A_293 = tpu.memref_slice %arg17[%dma_start3A_286] : memref<3x!tpu.dma_semaphore, #tpu.memory_space<semaphore_mem>> -> memref<1x!tpu.dma_semaphore, #tpu.memory_space<semaphore_mem>>
        %dma_start3A_294 = tpu.memref_squeeze %dma_start3A_293 : memref<1x!tpu.dma_semaphore, #tpu.memory_space<semaphore_mem>> -> memref<!tpu.dma_semaphore, #tpu.memory_space<semaphore_mem>>
        tpu.enqueue_indirect_dma source(%dma_start3A_292 : memref<10000x128xf32, #tpu.memory_space<hbm>>) target(%arg11 : memref<128x128xf32, #tpu.memory_space<vmem>>) offsets(%dma_start3A_289 : memref<128xi32, #tpu.memory_space<vmem>>) semaphore(%dma_start3A_294 : memref<!tpu.dma_semaphore, #tpu.memory_space<semaphore_mem>>)
        %dma_start3A_295 = arith.constant 0 : i32
        %dma_start3A_296 = arith.constant 1 : i32
        %dma_start3A_297 = arith.constant 0 : i32
        %dma_start3A_298 = tpu.memref_slice %arg9[%dma_start3A_295, %dma_start3A_297] : memref<2x128xi32, #tpu.memory_space<vmem>> -> memref<1x128xi32, #tpu.memory_space<vmem>>
        %dma_start3A_299 = tpu.memref_squeeze %dma_start3A_298 : memref<1x128xi32, #tpu.memory_space<vmem>> -> memref<128xi32, #tpu.memory_space<vmem>>
        %dma_start3A_300 = arith.constant 0 : i32
        %dma_start3A_301 = arith.constant 0 : i32
        %dma_start3A_302 = tpu.memref_slice %arg2[%dma_start3A_300, %dma_start3A_301] : memref<10000x128xf32, #tpu.memory_space<hbm>> -> memref<10000x128xf32, #tpu.memory_space<hbm>>
        %dma_start3A_303 = tpu.memref_slice %arg17[%dma_start3A_296] : memref<3x!tpu.dma_semaphore, #tpu.memory_space<semaphore_mem>> -> memref<1x!tpu.dma_semaphore, #tpu.memory_space<semaphore_mem>>
        %dma_start3A_304 = tpu.memref_squeeze %dma_start3A_303 : memref<1x!tpu.dma_semaphore, #tpu.memory_space<semaphore_mem>> -> memref<!tpu.dma_semaphore, #tpu.memory_space<semaphore_mem>>
        tpu.enqueue_indirect_dma source(%dma_start3A_302 : memref<10000x128xf32, #tpu.memory_space<hbm>>) target(%arg12 : memref<128x128xf32, #tpu.memory_space<vmem>>) offsets(%dma_start3A_299 : memref<128xi32, #tpu.memory_space<vmem>>) semaphore(%dma_start3A_304 : memref<!tpu.dma_semaphore, #tpu.memory_space<semaphore_mem>>)
        %dma_start3A_305 = arith.constant 0 : i32
        %dma_start3A_306 = arith.constant 2 : i32
        %dma_start3A_307 = arith.constant 0 : i32
        %dma_start3A_308 = tpu.memref_slice %arg10[%dma_start3A_305, %dma_start3A_307] : memref<2x128xi32, #tpu.memory_space<vmem>> -> memref<1x128xi32, #tpu.memory_space<vmem>>
        %dma_start3A_309 = tpu.memref_squeeze %dma_start3A_308 : memref<1x128xi32, #tpu.memory_space<vmem>> -> memref<128xi32, #tpu.memory_space<vmem>>
        %dma_start3A_310 = arith.constant 0 : i32
        %dma_start3A_311 = arith.constant 0 : i32
        %dma_start3A_312 = tpu.memref_slice %arg2[%dma_start3A_310, %dma_start3A_311] : memref<10000x128xf32, #tpu.memory_space<hbm>> -> memref<10000x128xf32, #tpu.memory_space<hbm>>
        %dma_start3A_313 = tpu.memref_slice %arg17[%dma_start3A_306] : memref<3x!tpu.dma_semaphore, #tpu.memory_space<semaphore_mem>> -> memref<1x!tpu.dma_semaphore, #tpu.memory_space<semaphore_mem>>
        %dma_start3A_314 = tpu.memref_squeeze %dma_start3A_313 : memref<1x!tpu.dma_semaphore, #tpu.memory_space<semaphore_mem>> -> memref<!tpu.dma_semaphore, #tpu.memory_space<semaphore_mem>>
        tpu.enqueue_indirect_dma source(%dma_start3A_312 : memref<10000x128xf32, #tpu.memory_space<hbm>>) target(%arg13 : memref<128x128xf32, #tpu.memory_space<vmem>>) offsets(%dma_start3A_309 : memref<128xi32, #tpu.memory_space<vmem>>) semaphore(%dma_start3A_314 : memref<!tpu.dma_semaphore, #tpu.memory_space<semaphore_mem>>)
        %mul3A_315 = arith.constant 3 : i32
        %mul3A_316 = arith.muli %add3A_284, %mul3A_315 : i32
        %add3A_317 = arith.addi %mul3A_2, %mul3A_316 : i32
        %add3A_318 = arith.constant 0 : i32
        %add3A_319 = arith.addi %add3A_317, %add3A_318 : i32
        %dma_start3A_320 = arith.constant 0 : i32
        %dma_start3A_321 = arith.constant 0 : i32
        %dma_start3A_322 = tpu.memref_slice %arg3[%add3A_319, %dma_start3A_320, %dma_start3A_321] : memref<2500x2x128xi32, #tpu.memory_space<hbm>> -> memref<1x2x128xi32, #tpu.memory_space<hbm>>
        %dma_start3A_323 = tpu.memref_squeeze %dma_start3A_322 : memref<1x2x128xi32, #tpu.memory_space<hbm>> -> memref<2x128xi32, #tpu.memory_space<hbm>>
        %dma_start3A_324 = arith.constant 0 : i32
        %dma_start3A_325 = arith.constant 0 : i32
        %dma_start3A_326 = tpu.memref_slice %arg3[%add3A_319, %dma_start3A_324, %dma_start3A_325] : memref<2500x2x128xi32, #tpu.memory_space<hbm>> -> memref<1x2x128xi32, #tpu.memory_space<hbm>>
        %dma_start3A_327 = tpu.memref_squeeze %dma_start3A_326 : memref<1x2x128xi32, #tpu.memory_space<hbm>> -> memref<2x128xi32, #tpu.memory_space<hbm>>
        tpu.enqueue_dma source(%dma_start3A_327 : memref<2x128xi32, #tpu.memory_space<hbm>>) target(%arg5 : memref<2x128xi32, #tpu.memory_space<vmem>>) target_semaphore(%arg15 : memref<!tpu.dma_semaphore, #tpu.memory_space<semaphore_mem>>)
        %mul3A_328 = arith.constant 3 : i32
        %mul3A_329 = arith.muli %add3A_284, %mul3A_328 : i32
        %add3A_330 = arith.addi %mul3A_2, %mul3A_329 : i32
        %add3A_331 = arith.constant 1 : i32
        %add3A_332 = arith.addi %add3A_330, %add3A_331 : i32
        %dma_start3A_333 = arith.constant 0 : i32
        %dma_start3A_334 = arith.constant 0 : i32
        %dma_start3A_335 = tpu.memref_slice %arg3[%add3A_332, %dma_start3A_333, %dma_start3A_334] : memref<2500x2x128xi32, #tpu.memory_space<hbm>> -> memref<1x2x128xi32, #tpu.memory_space<hbm>>
        %dma_start3A_336 = tpu.memref_squeeze %dma_start3A_335 : memref<1x2x128xi32, #tpu.memory_space<hbm>> -> memref<2x128xi32, #tpu.memory_space<hbm>>
        %dma_start3A_337 = arith.constant 0 : i32
        %dma_start3A_338 = arith.constant 0 : i32
        %dma_start3A_339 = tpu.memref_slice %arg3[%add3A_332, %dma_start3A_337, %dma_start3A_338] : memref<2500x2x128xi32, #tpu.memory_space<hbm>> -> memref<1x2x128xi32, #tpu.memory_space<hbm>>
        %dma_start3A_340 = tpu.memref_squeeze %dma_start3A_339 : memref<1x2x128xi32, #tpu.memory_space<hbm>> -> memref<2x128xi32, #tpu.memory_space<hbm>>
        tpu.enqueue_dma source(%dma_start3A_340 : memref<2x128xi32, #tpu.memory_space<hbm>>) target(%arg6 : memref<2x128xi32, #tpu.memory_space<vmem>>) target_semaphore(%arg15 : memref<!tpu.dma_semaphore, #tpu.memory_space<semaphore_mem>>)
        %mul3A_341 = arith.constant 3 : i32
        %mul3A_342 = arith.muli %add3A_284, %mul3A_341 : i32
        %add3A_343 = arith.addi %mul3A_2, %mul3A_342 : i32
        %add3A_344 = arith.constant 2 : i32
        %add3A_345 = arith.addi %add3A_343, %add3A_344 : i32
        %dma_start3A_346 = arith.constant 0 : i32
        %dma_start3A_347 = arith.constant 0 : i32
        %dma_start3A_348 = tpu.memref_slice %arg3[%add3A_345, %dma_start3A_346, %dma_start3A_347] : memref<2500x2x128xi32, #tpu.memory_space<hbm>> -> memref<1x2x128xi32, #tpu.memory_space<hbm>>
        %dma_start3A_349 = tpu.memref_squeeze %dma_start3A_348 : memref<1x2x128xi32, #tpu.memory_space<hbm>> -> memref<2x128xi32, #tpu.memory_space<hbm>>
        %dma_start3A_350 = arith.constant 0 : i32
        %dma_start3A_351 = arith.constant 0 : i32
        %dma_start3A_352 = tpu.memref_slice %arg3[%add3A_345, %dma_start3A_350, %dma_start3A_351] : memref<2500x2x128xi32, #tpu.memory_space<hbm>> -> memref<1x2x128xi32, #tpu.memory_space<hbm>>
        %dma_start3A_353 = tpu.memref_squeeze %dma_start3A_352 : memref<1x2x128xi32, #tpu.memory_space<hbm>> -> memref<2x128xi32, #tpu.memory_space<hbm>>
        tpu.enqueue_dma source(%dma_start3A_353 : memref<2x128xi32, #tpu.memory_space<hbm>>) target(%arg7 : memref<2x128xi32, #tpu.memory_space<vmem>>) target_semaphore(%arg15 : memref<!tpu.dma_semaphore, #tpu.memory_space<semaphore_mem>>)
        %dma_wait3A_354 = arith.constant 0 : i32
        %dma_wait3A_355 = arith.constant 0 : i32
        %dma_wait3A_356 = arith.constant 0 : i32
        %dma_wait3A_357 = tpu.memref_slice %arg8[%dma_wait3A_354, %dma_wait3A_356] : memref<2x128xi32, #tpu.memory_space<vmem>> -> memref<1x128xi32, #tpu.memory_space<vmem>>
        %dma_wait3A_358 = tpu.memref_squeeze %dma_wait3A_357 : memref<1x128xi32, #tpu.memory_space<vmem>> -> memref<128xi32, #tpu.memory_space<vmem>>
        %dma_wait3A_359 = arith.constant 0 : i32
        %dma_wait3A_360 = arith.constant 0 : i32
        %dma_wait3A_361 = tpu.memref_slice %arg2[%dma_wait3A_359, %dma_wait3A_360] : memref<10000x128xf32, #tpu.memory_space<hbm>> -> memref<10000x128xf32, #tpu.memory_space<hbm>>
        %dma_wait3A_362 = tpu.memref_slice %arg17[%dma_wait3A_355] : memref<3x!tpu.dma_semaphore, #tpu.memory_space<semaphore_mem>> -> memref<1x!tpu.dma_semaphore, #tpu.memory_space<semaphore_mem>>
        %dma_wait3A_363 = tpu.memref_squeeze %dma_wait3A_362 : memref<1x!tpu.dma_semaphore, #tpu.memory_space<semaphore_mem>> -> memref<!tpu.dma_semaphore, #tpu.memory_space<semaphore_mem>>
        tpu.wait_indirect_dma semaphore(%dma_wait3A_363 : memref<!tpu.dma_semaphore, #tpu.memory_space<semaphore_mem>>) src(%dma_wait3A_361 : memref<10000x128xf32, #tpu.memory_space<hbm>>) dst(%arg11 : memref<128x128xf32, #tpu.memory_space<vmem>>)
        %dma_start3A_364 = arith.constant 1 : i32
        %dma_start3A_365 = arith.constant 0 : i32
        %dma_start3A_366 = tpu.memref_slice %arg8[%dma_start3A_364, %dma_start3A_365] : memref<2x128xi32, #tpu.memory_space<vmem>> -> memref<1x128xi32, #tpu.memory_space<vmem>>
        %dma_start3A_367 = tpu.memref_squeeze %dma_start3A_366 : memref<1x128xi32, #tpu.memory_space<vmem>> -> memref<128xi32, #tpu.memory_space<vmem>>
        %dma_start3A_368 = arith.constant 0 : i32
        %dma_start3A_369 = arith.constant 0 : i32
        %dma_start3A_370 = tpu.memref_slice %arg14[%dma_start3A_368, %dma_start3A_369] : memref<10000x128xf32, #tpu.memory_space<vmem_shared>> -> memref<10000x128xf32, #tpu.memory_space<vmem_shared>>
        tpu.enqueue_indirect_dma source(%arg11 : memref<128x128xf32, #tpu.memory_space<vmem>>) target(%dma_start3A_370 : memref<10000x128xf32, #tpu.memory_space<vmem_shared>>) offsets(%dma_start3A_367 : memref<128xi32, #tpu.memory_space<vmem>>) semaphore(%arg18 : memref<!tpu.dma_semaphore, #tpu.memory_space<semaphore_mem>>) {add = true}
        %dma_wait3A_371 = arith.constant 0 : i32
        %dma_wait3A_372 = arith.constant 1 : i32
        %dma_wait3A_373 = arith.constant 0 : i32
        %dma_wait3A_374 = tpu.memref_slice %arg9[%dma_wait3A_371, %dma_wait3A_373] : memref<2x128xi32, #tpu.memory_space<vmem>> -> memref<1x128xi32, #tpu.memory_space<vmem>>
        %dma_wait3A_375 = tpu.memref_squeeze %dma_wait3A_374 : memref<1x128xi32, #tpu.memory_space<vmem>> -> memref<128xi32, #tpu.memory_space<vmem>>
        %dma_wait3A_376 = arith.constant 0 : i32
        %dma_wait3A_377 = arith.constant 0 : i32
        %dma_wait3A_378 = tpu.memref_slice %arg2[%dma_wait3A_376, %dma_wait3A_377] : memref<10000x128xf32, #tpu.memory_space<hbm>> -> memref<10000x128xf32, #tpu.memory_space<hbm>>
        %dma_wait3A_379 = tpu.memref_slice %arg17[%dma_wait3A_372] : memref<3x!tpu.dma_semaphore, #tpu.memory_space<semaphore_mem>> -> memref<1x!tpu.dma_semaphore, #tpu.memory_space<semaphore_mem>>
        %dma_wait3A_380 = tpu.memref_squeeze %dma_wait3A_379 : memref<1x!tpu.dma_semaphore, #tpu.memory_space<semaphore_mem>> -> memref<!tpu.dma_semaphore, #tpu.memory_space<semaphore_mem>>
        tpu.wait_indirect_dma semaphore(%dma_wait3A_380 : memref<!tpu.dma_semaphore, #tpu.memory_space<semaphore_mem>>) src(%dma_wait3A_378 : memref<10000x128xf32, #tpu.memory_space<hbm>>) dst(%arg12 : memref<128x128xf32, #tpu.memory_space<vmem>>)
        %dma_start3A_381 = arith.constant 1 : i32
        %dma_start3A_382 = arith.constant 0 : i32
        %dma_start3A_383 = tpu.memref_slice %arg9[%dma_start3A_381, %dma_start3A_382] : memref<2x128xi32, #tpu.memory_space<vmem>> -> memref<1x128xi32, #tpu.memory_space<vmem>>
        %dma_start3A_384 = tpu.memref_squeeze %dma_start3A_383 : memref<1x128xi32, #tpu.memory_space<vmem>> -> memref<128xi32, #tpu.memory_space<vmem>>
        %dma_start3A_385 = arith.constant 0 : i32
        %dma_start3A_386 = arith.constant 0 : i32
        %dma_start3A_387 = tpu.memref_slice %arg14[%dma_start3A_385, %dma_start3A_386] : memref<10000x128xf32, #tpu.memory_space<vmem_shared>> -> memref<10000x128xf32, #tpu.memory_space<vmem_shared>>
        tpu.enqueue_indirect_dma source(%arg12 : memref<128x128xf32, #tpu.memory_space<vmem>>) target(%dma_start3A_387 : memref<10000x128xf32, #tpu.memory_space<vmem_shared>>) offsets(%dma_start3A_384 : memref<128xi32, #tpu.memory_space<vmem>>) semaphore(%arg18 : memref<!tpu.dma_semaphore, #tpu.memory_space<semaphore_mem>>) {add = true}
        %dma_wait3A_388 = arith.constant 0 : i32
        %dma_wait3A_389 = arith.constant 2 : i32
        %dma_wait3A_390 = arith.constant 0 : i32
        %dma_wait3A_391 = tpu.memref_slice %arg10[%dma_wait3A_388, %dma_wait3A_390] : memref<2x128xi32, #tpu.memory_space<vmem>> -> memref<1x128xi32, #tpu.memory_space<vmem>>
        %dma_wait3A_392 = tpu.memref_squeeze %dma_wait3A_391 : memref<1x128xi32, #tpu.memory_space<vmem>> -> memref<128xi32, #tpu.memory_space<vmem>>
        %dma_wait3A_393 = arith.constant 0 : i32
        %dma_wait3A_394 = arith.constant 0 : i32
        %dma_wait3A_395 = tpu.memref_slice %arg2[%dma_wait3A_393, %dma_wait3A_394] : memref<10000x128xf32, #tpu.memory_space<hbm>> -> memref<10000x128xf32, #tpu.memory_space<hbm>>
        %dma_wait3A_396 = tpu.memref_slice %arg17[%dma_wait3A_389] : memref<3x!tpu.dma_semaphore, #tpu.memory_space<semaphore_mem>> -> memref<1x!tpu.dma_semaphore, #tpu.memory_space<semaphore_mem>>
        %dma_wait3A_397 = tpu.memref_squeeze %dma_wait3A_396 : memref<1x!tpu.dma_semaphore, #tpu.memory_space<semaphore_mem>> -> memref<!tpu.dma_semaphore, #tpu.memory_space<semaphore_mem>>
        tpu.wait_indirect_dma semaphore(%dma_wait3A_397 : memref<!tpu.dma_semaphore, #tpu.memory_space<semaphore_mem>>) src(%dma_wait3A_395 : memref<10000x128xf32, #tpu.memory_space<hbm>>) dst(%arg13 : memref<128x128xf32, #tpu.memory_space<vmem>>)
        %dma_start3A_398 = arith.constant 1 : i32
        %dma_start3A_399 = arith.constant 0 : i32
        %dma_start3A_400 = tpu.memref_slice %arg10[%dma_start3A_398, %dma_start3A_399] : memref<2x128xi32, #tpu.memory_space<vmem>> -> memref<1x128xi32, #tpu.memory_space<vmem>>
        %dma_start3A_401 = tpu.memref_squeeze %dma_start3A_400 : memref<1x128xi32, #tpu.memory_space<vmem>> -> memref<128xi32, #tpu.memory_space<vmem>>
        %dma_start3A_402 = arith.constant 0 : i32
        %dma_start3A_403 = arith.constant 0 : i32
        %dma_start3A_404 = tpu.memref_slice %arg14[%dma_start3A_402, %dma_start3A_403] : memref<10000x128xf32, #tpu.memory_space<vmem_shared>> -> memref<10000x128xf32, #tpu.memory_space<vmem_shared>>
        tpu.enqueue_indirect_dma source(%arg13 : memref<128x128xf32, #tpu.memory_space<vmem>>) target(%dma_start3A_404 : memref<10000x128xf32, #tpu.memory_space<vmem_shared>>) offsets(%dma_start3A_401 : memref<128xi32, #tpu.memory_space<vmem>>) semaphore(%arg18 : memref<!tpu.dma_semaphore, #tpu.memory_space<semaphore_mem>>) {add = true}
        %dma_wait3A_405 = arith.constant 1 : i32
        %dma_wait3A_406 = arith.constant 0 : i32
        %dma_wait3A_407 = tpu.memref_slice %arg8[%dma_wait3A_405, %dma_wait3A_406] : memref<2x128xi32, #tpu.memory_space<vmem>> -> memref<1x128xi32, #tpu.memory_space<vmem>>
        %dma_wait3A_408 = tpu.memref_squeeze %dma_wait3A_407 : memref<1x128xi32, #tpu.memory_space<vmem>> -> memref<128xi32, #tpu.memory_space<vmem>>
        %dma_wait3A_409 = arith.constant 0 : i32
        %dma_wait3A_410 = arith.constant 0 : i32
        %dma_wait3A_411 = tpu.memref_slice %arg14[%dma_wait3A_409, %dma_wait3A_410] : memref<10000x128xf32, #tpu.memory_space<vmem_shared>> -> memref<10000x128xf32, #tpu.memory_space<vmem_shared>>
        tpu.wait_indirect_dma semaphore(%arg18 : memref<!tpu.dma_semaphore, #tpu.memory_space<semaphore_mem>>) src(%arg11 : memref<128x128xf32, #tpu.memory_space<vmem>>) dst(%dma_wait3A_411 : memref<10000x128xf32, #tpu.memory_space<vmem_shared>>)
        %dma_wait3A_412 = arith.constant 1 : i32
        %dma_wait3A_413 = arith.constant 0 : i32
        %dma_wait3A_414 = tpu.memref_slice %arg9[%dma_wait3A_412, %dma_wait3A_413] : memref<2x128xi32, #tpu.memory_space<vmem>> -> memref<1x128xi32, #tpu.memory_space<vmem>>
        %dma_wait3A_415 = tpu.memref_squeeze %dma_wait3A_414 : memref<1x128xi32, #tpu.memory_space<vmem>> -> memref<128xi32, #tpu.memory_space<vmem>>
        %dma_wait3A_416 = arith.constant 0 : i32
        %dma_wait3A_417 = arith.constant 0 : i32
        %dma_wait3A_418 = tpu.memref_slice %arg14[%dma_wait3A_416, %dma_wait3A_417] : memref<10000x128xf32, #tpu.memory_space<vmem_shared>> -> memref<10000x128xf32, #tpu.memory_space<vmem_shared>>
        tpu.wait_indirect_dma semaphore(%arg18 : memref<!tpu.dma_semaphore, #tpu.memory_space<semaphore_mem>>) src(%arg12 : memref<128x128xf32, #tpu.memory_space<vmem>>) dst(%dma_wait3A_418 : memref<10000x128xf32, #tpu.memory_space<vmem_shared>>)
        %dma_wait3A_419 = arith.constant 1 : i32
        %dma_wait3A_420 = arith.constant 0 : i32
        %dma_wait3A_421 = tpu.memref_slice %arg10[%dma_wait3A_419, %dma_wait3A_420] : memref<2x128xi32, #tpu.memory_space<vmem>> -> memref<1x128xi32, #tpu.memory_space<vmem>>
        %dma_wait3A_422 = tpu.memref_squeeze %dma_wait3A_421 : memref<1x128xi32, #tpu.memory_space<vmem>> -> memref<128xi32, #tpu.memory_space<vmem>>
        %dma_wait3A_423 = arith.constant 0 : i32
        %dma_wait3A_424 = arith.constant 0 : i32
        %dma_wait3A_425 = tpu.memref_slice %arg14[%dma_wait3A_423, %dma_wait3A_424] : memref<10000x128xf32, #tpu.memory_space<vmem_shared>> -> memref<10000x128xf32, #tpu.memory_space<vmem_shared>>
        tpu.wait_indirect_dma semaphore(%arg18 : memref<!tpu.dma_semaphore, #tpu.memory_space<semaphore_mem>>) src(%arg13 : memref<128x128xf32, #tpu.memory_space<vmem>>) dst(%dma_wait3A_425 : memref<10000x128xf32, #tpu.memory_space<vmem_shared>>)
      } else {
      }
      %eq3A_272 = arith.constant 12 : i32
      %eq3A_273 = arith.cmpi eq, %add3A_66, %eq3A_272 : i32
      %convert_element_type3A_274 = arith.extui %eq3A_273 : i1 to i32
      %cond3A_275 = arith.constant 0 : i32
      %cond3A_276 = arith.cmpi ne, %convert_element_type3A_274, %cond3A_275 : i32
      scf.if %cond3A_276 {
        %mul3A_277 = arith.constant 2 : i32
        %mul3A_278 = arith.muli %mul3A_277, %add3A_66 : i32
        %add3A_279 = arith.constant 1 : i32
        %add3A_280 = arith.addi %mul3A_278, %add3A_279 : i32
        %dma_start3A_281 = arith.constant 0 : i32
        %dma_start3A_282 = arith.constant 0 : i32
        %dma_start3A_283 = arith.constant 0 : i32
        %dma_start3A_284 = tpu.memref_slice %arg8[%dma_start3A_281, %dma_start3A_283] : memref<2x128xi32, #tpu.memory_space<vmem>> -> memref<1x128xi32, #tpu.memory_space<vmem>>
        %dma_start3A_285 = tpu.memref_squeeze %dma_start3A_284 : memref<1x128xi32, #tpu.memory_space<vmem>> -> memref<128xi32, #tpu.memory_space<vmem>>
        %dma_start3A_286 = arith.constant 0 : i32
        %dma_start3A_287 = arith.constant 0 : i32
        %dma_start3A_288 = tpu.memref_slice %arg2[%dma_start3A_286, %dma_start3A_287] : memref<10000x128xf32, #tpu.memory_space<hbm>> -> memref<10000x128xf32, #tpu.memory_space<hbm>>
        %dma_start3A_289 = tpu.memref_slice %arg17[%dma_start3A_282] : memref<3x!tpu.dma_semaphore, #tpu.memory_space<semaphore_mem>> -> memref<1x!tpu.dma_semaphore, #tpu.memory_space<semaphore_mem>>
        %dma_start3A_290 = tpu.memref_squeeze %dma_start3A_289 : memref<1x!tpu.dma_semaphore, #tpu.memory_space<semaphore_mem>> -> memref<!tpu.dma_semaphore, #tpu.memory_space<semaphore_mem>>
        tpu.enqueue_indirect_dma source(%dma_start3A_288 : memref<10000x128xf32, #tpu.memory_space<hbm>>) target(%arg11 : memref<128x128xf32, #tpu.memory_space<vmem>>) offsets(%dma_start3A_285 : memref<128xi32, #tpu.memory_space<vmem>>) semaphore(%dma_start3A_290 : memref<!tpu.dma_semaphore, #tpu.memory_space<semaphore_mem>>)
        %dma_start3A_291 = arith.constant 0 : i32
        %dma_start3A_292 = arith.constant 1 : i32
        %dma_start3A_293 = arith.constant 0 : i32
        %dma_start3A_294 = tpu.memref_slice %arg9[%dma_start3A_291, %dma_start3A_293] : memref<2x128xi32, #tpu.memory_space<vmem>> -> memref<1x128xi32, #tpu.memory_space<vmem>>
        %dma_start3A_295 = tpu.memref_squeeze %dma_start3A_294 : memref<1x128xi32, #tpu.memory_space<vmem>> -> memref<128xi32, #tpu.memory_space<vmem>>
        %dma_start3A_296 = arith.constant 0 : i32
        %dma_start3A_297 = arith.constant 0 : i32
        %dma_start3A_298 = tpu.memref_slice %arg2[%dma_start3A_296, %dma_start3A_297] : memref<10000x128xf32, #tpu.memory_space<hbm>> -> memref<10000x128xf32, #tpu.memory_space<hbm>>
        %dma_start3A_299 = tpu.memref_slice %arg17[%dma_start3A_292] : memref<3x!tpu.dma_semaphore, #tpu.memory_space<semaphore_mem>> -> memref<1x!tpu.dma_semaphore, #tpu.memory_space<semaphore_mem>>
        %dma_start3A_300 = tpu.memref_squeeze %dma_start3A_299 : memref<1x!tpu.dma_semaphore, #tpu.memory_space<semaphore_mem>> -> memref<!tpu.dma_semaphore, #tpu.memory_space<semaphore_mem>>
        tpu.enqueue_indirect_dma source(%dma_start3A_298 : memref<10000x128xf32, #tpu.memory_space<hbm>>) target(%arg12 : memref<128x128xf32, #tpu.memory_space<vmem>>) offsets(%dma_start3A_295 : memref<128xi32, #tpu.memory_space<vmem>>) semaphore(%dma_start3A_300 : memref<!tpu.dma_semaphore, #tpu.memory_space<semaphore_mem>>)
        %dma_start3A_301 = arith.constant 0 : i32
        %dma_start3A_302 = arith.constant 2 : i32
        %dma_start3A_303 = arith.constant 0 : i32
        %dma_start3A_304 = tpu.memref_slice %arg10[%dma_start3A_301, %dma_start3A_303] : memref<2x128xi32, #tpu.memory_space<vmem>> -> memref<1x128xi32, #tpu.memory_space<vmem>>
        %dma_start3A_305 = tpu.memref_squeeze %dma_start3A_304 : memref<1x128xi32, #tpu.memory_space<vmem>> -> memref<128xi32, #tpu.memory_space<vmem>>
        %dma_start3A_306 = arith.constant 0 : i32
        %dma_start3A_307 = arith.constant 0 : i32
        %dma_start3A_308 = tpu.memref_slice %arg2[%dma_start3A_306, %dma_start3A_307] : memref<10000x128xf32, #tpu.memory_space<hbm>> -> memref<10000x128xf32, #tpu.memory_space<hbm>>
        %dma_start3A_309 = tpu.memref_slice %arg17[%dma_start3A_302] : memref<3x!tpu.dma_semaphore, #tpu.memory_space<semaphore_mem>> -> memref<1x!tpu.dma_semaphore, #tpu.memory_space<semaphore_mem>>
        %dma_start3A_310 = tpu.memref_squeeze %dma_start3A_309 : memref<1x!tpu.dma_semaphore, #tpu.memory_space<semaphore_mem>> -> memref<!tpu.dma_semaphore, #tpu.memory_space<semaphore_mem>>
        tpu.enqueue_indirect_dma source(%dma_start3A_308 : memref<10000x128xf32, #tpu.memory_space<hbm>>) target(%arg13 : memref<128x128xf32, #tpu.memory_space<vmem>>) offsets(%dma_start3A_305 : memref<128xi32, #tpu.memory_space<vmem>>) semaphore(%dma_start3A_310 : memref<!tpu.dma_semaphore, #tpu.memory_space<semaphore_mem>>)
        %dma_wait3A_311 = arith.constant 0 : i32
        %dma_wait3A_312 = arith.constant 0 : i32
        %dma_wait3A_313 = arith.constant 0 : i32
        %dma_wait3A_314 = tpu.memref_slice %arg8[%dma_wait3A_311, %dma_wait3A_313] : memref<2x128xi32, #tpu.memory_space<vmem>> -> memref<1x128xi32, #tpu.memory_space<vmem>>
        %dma_wait3A_315 = tpu.memref_squeeze %dma_wait3A_314 : memref<1x128xi32, #tpu.memory_space<vmem>> -> memref<128xi32, #tpu.memory_space<vmem>>
        %dma_wait3A_316 = arith.constant 0 : i32
        %dma_wait3A_317 = arith.constant 0 : i32
        %dma_wait3A_318 = tpu.memref_slice %arg2[%dma_wait3A_316, %dma_wait3A_317] : memref<10000x128xf32, #tpu.memory_space<hbm>> -> memref<10000x128xf32, #tpu.memory_space<hbm>>
        %dma_wait3A_319 = tpu.memref_slice %arg17[%dma_wait3A_312] : memref<3x!tpu.dma_semaphore, #tpu.memory_space<semaphore_mem>> -> memref<1x!tpu.dma_semaphore, #tpu.memory_space<semaphore_mem>>
        %dma_wait3A_320 = tpu.memref_squeeze %dma_wait3A_319 : memref<1x!tpu.dma_semaphore, #tpu.memory_space<semaphore_mem>> -> memref<!tpu.dma_semaphore, #tpu.memory_space<semaphore_mem>>
        tpu.wait_indirect_dma semaphore(%dma_wait3A_320 : memref<!tpu.dma_semaphore, #tpu.memory_space<semaphore_mem>>) src(%dma_wait3A_318 : memref<10000x128xf32, #tpu.memory_space<hbm>>) dst(%arg11 : memref<128x128xf32, #tpu.memory_space<vmem>>)
        %dma_start3A_321 = arith.constant 1 : i32
        %dma_start3A_322 = arith.constant 0 : i32
        %dma_start3A_323 = tpu.memref_slice %arg8[%dma_start3A_321, %dma_start3A_322] : memref<2x128xi32, #tpu.memory_space<vmem>> -> memref<1x128xi32, #tpu.memory_space<vmem>>
        %dma_start3A_324 = tpu.memref_squeeze %dma_start3A_323 : memref<1x128xi32, #tpu.memory_space<vmem>> -> memref<128xi32, #tpu.memory_space<vmem>>
        %dma_start3A_325 = arith.constant 0 : i32
        %dma_start3A_326 = arith.constant 0 : i32
        %dma_start3A_327 = tpu.memref_slice %arg14[%dma_start3A_325, %dma_start3A_326] : memref<10000x128xf32, #tpu.memory_space<vmem_shared>> -> memref<10000x128xf32, #tpu.memory_space<vmem_shared>>
        tpu.enqueue_indirect_dma source(%arg11 : memref<128x128xf32, #tpu.memory_space<vmem>>) target(%dma_start3A_327 : memref<10000x128xf32, #tpu.memory_space<vmem_shared>>) offsets(%dma_start3A_324 : memref<128xi32, #tpu.memory_space<vmem>>) semaphore(%arg18 : memref<!tpu.dma_semaphore, #tpu.memory_space<semaphore_mem>>) {add = true}
        %dma_wait3A_328 = arith.constant 0 : i32
        %dma_wait3A_329 = arith.constant 1 : i32
        %dma_wait3A_330 = arith.constant 0 : i32
        %dma_wait3A_331 = tpu.memref_slice %arg9[%dma_wait3A_328, %dma_wait3A_330] : memref<2x128xi32, #tpu.memory_space<vmem>> -> memref<1x128xi32, #tpu.memory_space<vmem>>
        %dma_wait3A_332 = tpu.memref_squeeze %dma_wait3A_331 : memref<1x128xi32, #tpu.memory_space<vmem>> -> memref<128xi32, #tpu.memory_space<vmem>>
        %dma_wait3A_333 = arith.constant 0 : i32
        %dma_wait3A_334 = arith.constant 0 : i32
        %dma_wait3A_335 = tpu.memref_slice %arg2[%dma_wait3A_333, %dma_wait3A_334] : memref<10000x128xf32, #tpu.memory_space<hbm>> -> memref<10000x128xf32, #tpu.memory_space<hbm>>
        %dma_wait3A_336 = tpu.memref_slice %arg17[%dma_wait3A_329] : memref<3x!tpu.dma_semaphore, #tpu.memory_space<semaphore_mem>> -> memref<1x!tpu.dma_semaphore, #tpu.memory_space<semaphore_mem>>
        %dma_wait3A_337 = tpu.memref_squeeze %dma_wait3A_336 : memref<1x!tpu.dma_semaphore, #tpu.memory_space<semaphore_mem>> -> memref<!tpu.dma_semaphore, #tpu.memory_space<semaphore_mem>>
        tpu.wait_indirect_dma semaphore(%dma_wait3A_337 : memref<!tpu.dma_semaphore, #tpu.memory_space<semaphore_mem>>) src(%dma_wait3A_335 : memref<10000x128xf32, #tpu.memory_space<hbm>>) dst(%arg12 : memref<128x128xf32, #tpu.memory_space<vmem>>)
        %dma_start3A_338 = arith.constant 1 : i32
        %dma_start3A_339 = arith.constant 0 : i32
        %dma_start3A_340 = tpu.memref_slice %arg9[%dma_start3A_338, %dma_start3A_339] : memref<2x128xi32, #tpu.memory_space<vmem>> -> memref<1x128xi32, #tpu.memory_space<vmem>>
        %dma_start3A_341 = tpu.memref_squeeze %dma_start3A_340 : memref<1x128xi32, #tpu.memory_space<vmem>> -> memref<128xi32, #tpu.memory_space<vmem>>
        %dma_start3A_342 = arith.constant 0 : i32
        %dma_start3A_343 = arith.constant 0 : i32
        %dma_start3A_344 = tpu.memref_slice %arg14[%dma_start3A_342, %dma_start3A_343] : memref<10000x128xf32, #tpu.memory_space<vmem_shared>> -> memref<10000x128xf32, #tpu.memory_space<vmem_shared>>
        tpu.enqueue_indirect_dma source(%arg12 : memref<128x128xf32, #tpu.memory_space<vmem>>) target(%dma_start3A_344 : memref<10000x128xf32, #tpu.memory_space<vmem_shared>>) offsets(%dma_start3A_341 : memref<128xi32, #tpu.memory_space<vmem>>) semaphore(%arg18 : memref<!tpu.dma_semaphore, #tpu.memory_space<semaphore_mem>>) {add = true}
        %dma_wait3A_345 = arith.constant 0 : i32
        %dma_wait3A_346 = arith.constant 2 : i32
        %dma_wait3A_347 = arith.constant 0 : i32
        %dma_wait3A_348 = tpu.memref_slice %arg10[%dma_wait3A_345, %dma_wait3A_347] : memref<2x128xi32, #tpu.memory_space<vmem>> -> memref<1x128xi32, #tpu.memory_space<vmem>>
        %dma_wait3A_349 = tpu.memref_squeeze %dma_wait3A_348 : memref<1x128xi32, #tpu.memory_space<vmem>> -> memref<128xi32, #tpu.memory_space<vmem>>
        %dma_wait3A_350 = arith.constant 0 : i32
        %dma_wait3A_351 = arith.constant 0 : i32
        %dma_wait3A_352 = tpu.memref_slice %arg2[%dma_wait3A_350, %dma_wait3A_351] : memref<10000x128xf32, #tpu.memory_space<hbm>> -> memref<10000x128xf32, #tpu.memory_space<hbm>>
        %dma_wait3A_353 = tpu.memref_slice %arg17[%dma_wait3A_346] : memref<3x!tpu.dma_semaphore, #tpu.memory_space<semaphore_mem>> -> memref<1x!tpu.dma_semaphore, #tpu.memory_space<semaphore_mem>>
        %dma_wait3A_354 = tpu.memref_squeeze %dma_wait3A_353 : memref<1x!tpu.dma_semaphore, #tpu.memory_space<semaphore_mem>> -> memref<!tpu.dma_semaphore, #tpu.memory_space<semaphore_mem>>
        tpu.wait_indirect_dma semaphore(%dma_wait3A_354 : memref<!tpu.dma_semaphore, #tpu.memory_space<semaphore_mem>>) src(%dma_wait3A_352 : memref<10000x128xf32, #tpu.memory_space<hbm>>) dst(%arg13 : memref<128x128xf32, #tpu.memory_space<vmem>>)
        %dma_start3A_355 = arith.constant 1 : i32
        %dma_start3A_356 = arith.constant 0 : i32
        %dma_start3A_357 = tpu.memref_slice %arg10[%dma_start3A_355, %dma_start3A_356] : memref<2x128xi32, #tpu.memory_space<vmem>> -> memref<1x128xi32, #tpu.memory_space<vmem>>
        %dma_start3A_358 = tpu.memref_squeeze %dma_start3A_357 : memref<1x128xi32, #tpu.memory_space<vmem>> -> memref<128xi32, #tpu.memory_space<vmem>>
        %dma_start3A_359 = arith.constant 0 : i32
        %dma_start3A_360 = arith.constant 0 : i32
        %dma_start3A_361 = tpu.memref_slice %arg14[%dma_start3A_359, %dma_start3A_360] : memref<10000x128xf32, #tpu.memory_space<vmem_shared>> -> memref<10000x128xf32, #tpu.memory_space<vmem_shared>>
        tpu.enqueue_indirect_dma source(%arg13 : memref<128x128xf32, #tpu.memory_space<vmem>>) target(%dma_start3A_361 : memref<10000x128xf32, #tpu.memory_space<vmem_shared>>) offsets(%dma_start3A_358 : memref<128xi32, #tpu.memory_space<vmem>>) semaphore(%arg18 : memref<!tpu.dma_semaphore, #tpu.memory_space<semaphore_mem>>) {add = true}
        %dma_wait3A_362 = arith.constant 1 : i32
        %dma_wait3A_363 = arith.constant 0 : i32
        %dma_wait3A_364 = tpu.memref_slice %arg8[%dma_wait3A_362, %dma_wait3A_363] : memref<2x128xi32, #tpu.memory_space<vmem>> -> memref<1x128xi32, #tpu.memory_space<vmem>>
        %dma_wait3A_365 = tpu.memref_squeeze %dma_wait3A_364 : memref<1x128xi32, #tpu.memory_space<vmem>> -> memref<128xi32, #tpu.memory_space<vmem>>
        %dma_wait3A_366 = arith.constant 0 : i32
        %dma_wait3A_367 = arith.constant 0 : i32
        %dma_wait3A_368 = tpu.memref_slice %arg14[%dma_wait3A_366, %dma_wait3A_367] : memref<10000x128xf32, #tpu.memory_space<vmem_shared>> -> memref<10000x128xf32, #tpu.memory_space<vmem_shared>>
        tpu.wait_indirect_dma semaphore(%arg18 : memref<!tpu.dma_semaphore, #tpu.memory_space<semaphore_mem>>) src(%arg11 : memref<128x128xf32, #tpu.memory_space<vmem>>) dst(%dma_wait3A_368 : memref<10000x128xf32, #tpu.memory_space<vmem_shared>>)
        %dma_wait3A_369 = arith.constant 1 : i32
        %dma_wait3A_370 = arith.constant 0 : i32
        %dma_wait3A_371 = tpu.memref_slice %arg9[%dma_wait3A_369, %dma_wait3A_370] : memref<2x128xi32, #tpu.memory_space<vmem>> -> memref<1x128xi32, #tpu.memory_space<vmem>>
        %dma_wait3A_372 = tpu.memref_squeeze %dma_wait3A_371 : memref<1x128xi32, #tpu.memory_space<vmem>> -> memref<128xi32, #tpu.memory_space<vmem>>
        %dma_wait3A_373 = arith.constant 0 : i32
        %dma_wait3A_374 = arith.constant 0 : i32
        %dma_wait3A_375 = tpu.memref_slice %arg14[%dma_wait3A_373, %dma_wait3A_374] : memref<10000x128xf32, #tpu.memory_space<vmem_shared>> -> memref<10000x128xf32, #tpu.memory_space<vmem_shared>>
        tpu.wait_indirect_dma semaphore(%arg18 : memref<!tpu.dma_semaphore, #tpu.memory_space<semaphore_mem>>) src(%arg12 : memref<128x128xf32, #tpu.memory_space<vmem>>) dst(%dma_wait3A_375 : memref<10000x128xf32, #tpu.memory_space<vmem_shared>>)
        %dma_wait3A_376 = arith.constant 1 : i32
        %dma_wait3A_377 = arith.constant 0 : i32
        %dma_wait3A_378 = tpu.memref_slice %arg10[%dma_wait3A_376, %dma_wait3A_377] : memref<2x128xi32, #tpu.memory_space<vmem>> -> memref<1x128xi32, #tpu.memory_space<vmem>>
        %dma_wait3A_379 = tpu.memref_squeeze %dma_wait3A_378 : memref<1x128xi32, #tpu.memory_space<vmem>> -> memref<128xi32, #tpu.memory_space<vmem>>
        %dma_wait3A_380 = arith.constant 0 : i32
        %dma_wait3A_381 = arith.constant 0 : i32
        %dma_wait3A_382 = tpu.memref_slice %arg14[%dma_wait3A_380, %dma_wait3A_381] : memref<10000x128xf32, #tpu.memory_space<vmem_shared>> -> memref<10000x128xf32, #tpu.memory_space<vmem_shared>>
        tpu.wait_indirect_dma semaphore(%arg18 : memref<!tpu.dma_semaphore, #tpu.memory_space<semaphore_mem>>) src(%arg13 : memref<128x128xf32, #tpu.memory_space<vmem>>) dst(%dma_wait3A_382 : memref<10000x128xf32, #tpu.memory_space<vmem_shared>>)
      } else {
      }
    }
    %scan3A_47 = arith.constant 13 : i32
    %lt3A = arith.constant 4 : i32
    %lt3A_48 = arith.cmpi slt, %add3A, %lt3A : i32
    %convert_element_type3A_49 = arith.extui %lt3A_48 : i1 to i32
    %cond3A_50 = arith.constant 0 : i32
    %cond3A_51 = arith.cmpi ne, %convert_element_type3A_49, %cond3A_50 : i32
    scf.if %cond3A_51 {
      %add3A_62 = arith.constant 2496 : i32
      %add3A_63 = arith.addi %add3A_62, %add3A : i32
      %dma_start3A_64 = arith.constant 0 : i32
      %dma_start3A_65 = arith.constant 0 : i32
      %dma_start3A_66 = tpu.memref_slice %arg3[%add3A_63, %dma_start3A_64, %dma_start3A_65] : memref<2500x2x128xi32, #tpu.memory_space<hbm>> -> memref<1x2x128xi32, #tpu.memory_space<hbm>>
      %dma_start3A_67 = tpu.memref_squeeze %dma_start3A_66 : memref<1x2x128xi32, #tpu.memory_space<hbm>> -> memref<2x128xi32, #tpu.memory_space<hbm>>
      %dma_start3A_68 = arith.constant 0 : i32
      %dma_start3A_69 = arith.constant 0 : i32
      %dma_start3A_70 = tpu.memref_slice %arg3[%add3A_63, %dma_start3A_68, %dma_start3A_69] : memref<2500x2x128xi32, #tpu.memory_space<hbm>> -> memref<1x2x128xi32, #tpu.memory_space<hbm>>
      %dma_start3A_71 = tpu.memref_squeeze %dma_start3A_70 : memref<1x2x128xi32, #tpu.memory_space<hbm>> -> memref<2x128xi32, #tpu.memory_space<hbm>>
      tpu.enqueue_dma source(%dma_start3A_71 : memref<2x128xi32, #tpu.memory_space<hbm>>) target(%arg5 : memref<2x128xi32, #tpu.memory_space<vmem>>) target_semaphore(%arg15 : memref<!tpu.dma_semaphore, #tpu.memory_space<semaphore_mem>>)
      %dma_wait3A = arith.constant 0 : i32
      %dma_wait3A_72 = arith.constant 0 : i32
      %dma_wait3A_73 = tpu.memref_slice %arg3[%add3A_63, %dma_wait3A, %dma_wait3A_72] : memref<2500x2x128xi32, #tpu.memory_space<hbm>> -> memref<1x2x128xi32, #tpu.memory_space<hbm>>
      %dma_wait3A_74 = tpu.memref_squeeze %dma_wait3A_73 : memref<1x2x128xi32, #tpu.memory_space<hbm>> -> memref<2x128xi32, #tpu.memory_space<hbm>>
      %dma_wait3A_75 = arith.constant 0 : i32
      %dma_wait3A_76 = arith.constant 0 : i32
      %dma_wait3A_77 = tpu.memref_slice %arg3[%add3A_63, %dma_wait3A_75, %dma_wait3A_76] : memref<2500x2x128xi32, #tpu.memory_space<hbm>> -> memref<1x2x128xi32, #tpu.memory_space<hbm>>
      %dma_wait3A_78 = tpu.memref_squeeze %dma_wait3A_77 : memref<1x2x128xi32, #tpu.memory_space<hbm>> -> memref<2x128xi32, #tpu.memory_space<hbm>>
      tpu.wait_dma2 semaphore(%arg15 : memref<!tpu.dma_semaphore, #tpu.memory_space<semaphore_mem>>) src(%dma_wait3A_78 : memref<2x128xi32, #tpu.memory_space<hbm>>) dst(%arg5 : memref<2x128xi32, #tpu.memory_space<vmem>>)
      %dma_start3A_79 = arith.constant 0 : i32
      %dma_start3A_80 = arith.constant 0 : i32
      %dma_start3A_81 = arith.constant 0 : i32
      %dma_start3A_82 = tpu.memref_slice %arg5[%dma_start3A_79, %dma_start3A_81] : memref<2x128xi32, #tpu.memory_space<vmem>> -> memref<1x128xi32, #tpu.memory_space<vmem>>
      %dma_start3A_83 = tpu.memref_squeeze %dma_start3A_82 : memref<1x128xi32, #tpu.memory_space<vmem>> -> memref<128xi32, #tpu.memory_space<vmem>>
      %dma_start3A_84 = arith.constant 0 : i32
      %dma_start3A_85 = arith.constant 0 : i32
      %dma_start3A_86 = tpu.memref_slice %arg2[%dma_start3A_84, %dma_start3A_85] : memref<10000x128xf32, #tpu.memory_space<hbm>> -> memref<10000x128xf32, #tpu.memory_space<hbm>>
      %dma_start3A_87 = tpu.memref_slice %arg17[%dma_start3A_80] : memref<3x!tpu.dma_semaphore, #tpu.memory_space<semaphore_mem>> -> memref<1x!tpu.dma_semaphore, #tpu.memory_space<semaphore_mem>>
      %dma_start3A_88 = tpu.memref_squeeze %dma_start3A_87 : memref<1x!tpu.dma_semaphore, #tpu.memory_space<semaphore_mem>> -> memref<!tpu.dma_semaphore, #tpu.memory_space<semaphore_mem>>
      tpu.enqueue_indirect_dma source(%dma_start3A_86 : memref<10000x128xf32, #tpu.memory_space<hbm>>) target(%arg11 : memref<128x128xf32, #tpu.memory_space<vmem>>) offsets(%dma_start3A_83 : memref<128xi32, #tpu.memory_space<vmem>>) semaphore(%dma_start3A_88 : memref<!tpu.dma_semaphore, #tpu.memory_space<semaphore_mem>>)
      %dma_wait3A_89 = arith.constant 0 : i32
      %dma_wait3A_90 = arith.constant 0 : i32
      %dma_wait3A_91 = arith.constant 0 : i32
      %dma_wait3A_92 = tpu.memref_slice %arg5[%dma_wait3A_89, %dma_wait3A_91] : memref<2x128xi32, #tpu.memory_space<vmem>> -> memref<1x128xi32, #tpu.memory_space<vmem>>
      %dma_wait3A_93 = tpu.memref_squeeze %dma_wait3A_92 : memref<1x128xi32, #tpu.memory_space<vmem>> -> memref<128xi32, #tpu.memory_space<vmem>>
      %dma_wait3A_94 = arith.constant 0 : i32
      %dma_wait3A_95 = arith.constant 0 : i32
      %dma_wait3A_96 = tpu.memref_slice %arg2[%dma_wait3A_94, %dma_wait3A_95] : memref<10000x128xf32, #tpu.memory_space<hbm>> -> memref<10000x128xf32, #tpu.memory_space<hbm>>
      %dma_wait3A_97 = tpu.memref_slice %arg17[%dma_wait3A_90] : memref<3x!tpu.dma_semaphore, #tpu.memory_space<semaphore_mem>> -> memref<1x!tpu.dma_semaphore, #tpu.memory_space<semaphore_mem>>
      %dma_wait3A_98 = tpu.memref_squeeze %dma_wait3A_97 : memref<1x!tpu.dma_semaphore, #tpu.memory_space<semaphore_mem>> -> memref<!tpu.dma_semaphore, #tpu.memory_space<semaphore_mem>>
      tpu.wait_indirect_dma semaphore(%dma_wait3A_98 : memref<!tpu.dma_semaphore, #tpu.memory_space<semaphore_mem>>) src(%dma_wait3A_96 : memref<10000x128xf32, #tpu.memory_space<hbm>>) dst(%arg11 : memref<128x128xf32, #tpu.memory_space<vmem>>)
      %dma_start3A_99 = arith.constant 1 : i32
      %dma_start3A_100 = arith.constant 0 : i32
      %dma_start3A_101 = tpu.memref_slice %arg5[%dma_start3A_99, %dma_start3A_100] : memref<2x128xi32, #tpu.memory_space<vmem>> -> memref<1x128xi32, #tpu.memory_space<vmem>>
      %dma_start3A_102 = tpu.memref_squeeze %dma_start3A_101 : memref<1x128xi32, #tpu.memory_space<vmem>> -> memref<128xi32, #tpu.memory_space<vmem>>
      %dma_start3A_103 = arith.constant 0 : i32
      %dma_start3A_104 = arith.constant 0 : i32
      %dma_start3A_105 = tpu.memref_slice %arg14[%dma_start3A_103, %dma_start3A_104] : memref<10000x128xf32, #tpu.memory_space<vmem_shared>> -> memref<10000x128xf32, #tpu.memory_space<vmem_shared>>
      tpu.enqueue_indirect_dma source(%arg11 : memref<128x128xf32, #tpu.memory_space<vmem>>) target(%dma_start3A_105 : memref<10000x128xf32, #tpu.memory_space<vmem_shared>>) offsets(%dma_start3A_102 : memref<128xi32, #tpu.memory_space<vmem>>) semaphore(%arg18 : memref<!tpu.dma_semaphore, #tpu.memory_space<semaphore_mem>>) {add = true}
      %dma_wait3A_106 = arith.constant 1 : i32
      %dma_wait3A_107 = arith.constant 0 : i32
      %dma_wait3A_108 = tpu.memref_slice %arg5[%dma_wait3A_106, %dma_wait3A_107] : memref<2x128xi32, #tpu.memory_space<vmem>> -> memref<1x128xi32, #tpu.memory_space<vmem>>
      %dma_wait3A_109 = tpu.memref_squeeze %dma_wait3A_108 : memref<1x128xi32, #tpu.memory_space<vmem>> -> memref<128xi32, #tpu.memory_space<vmem>>
      %dma_wait3A_110 = arith.constant 0 : i32
      %dma_wait3A_111 = arith.constant 0 : i32
      %dma_wait3A_112 = tpu.memref_slice %arg14[%dma_wait3A_110, %dma_wait3A_111] : memref<10000x128xf32, #tpu.memory_space<vmem_shared>> -> memref<10000x128xf32, #tpu.memory_space<vmem_shared>>
      tpu.wait_indirect_dma semaphore(%arg18 : memref<!tpu.dma_semaphore, #tpu.memory_space<semaphore_mem>>) src(%arg11 : memref<128x128xf32, #tpu.memory_space<vmem>>) dst(%dma_wait3A_112 : memref<10000x128xf32, #tpu.memory_space<vmem_shared>>)
    } else {
    }
    %barrier3A_52 = arith.constant 0 : index
    tpu.barrier barrier_id(%barrier3A_52)
    %mul3A_53 = arith.constant 624 : i32
    %mul3A_54 = arith.muli %arg1, %mul3A_53 : i32
    %mul3A_55 = arith.constant 624 : i32
    %mul3A_56 = arith.muli %arg1, %mul3A_55 : i32
    "tpu.region"() ({
      %run_scoped3A = tpu.sem_alloc : memref<!tpu.dma_semaphore, #tpu.memory_space<semaphore_mem>>
      %dma_start3A_62 = arith.constant 0 : i32
      %dma_start3A_63 = arith.constant 0 : i32
      %dma_start3A_64 = tpu.memref_slice %arg4[%arg0, %dma_start3A_62, %dma_start3A_63] : memref<2x10000x128xf32, #tpu.memory_space<hbm>> -> memref<1x10000x128xf32, #tpu.memory_space<hbm>>
      %dma_start3A_65 = tpu.memref_squeeze %dma_start3A_64 : memref<1x10000x128xf32, #tpu.memory_space<hbm>> -> memref<10000x128xf32, #tpu.memory_space<hbm>>
      %dma_start3A_66 = arith.constant 0 : i32
      %dma_start3A_67 = tpu.memref_slice %dma_start3A_65[%mul3A_54, %dma_start3A_66] : memref<10000x128xf32, #tpu.memory_space<hbm>> -> memref<624x128xf32, #tpu.memory_space<hbm>>
      %dma_start3A_68 = arith.constant 0 : i32
      %dma_start3A_69 = tpu.memref_slice %arg14[%mul3A_56, %dma_start3A_68] : memref<10000x128xf32, #tpu.memory_space<vmem_shared>> -> memref<624x128xf32, #tpu.memory_space<vmem_shared>>
      tpu.enqueue_dma source(%dma_start3A_69 : memref<624x128xf32, #tpu.memory_space<vmem_shared>>) target(%dma_start3A_67 : memref<624x128xf32, #tpu.memory_space<hbm>>) target_semaphore(%run_scoped3A : memref<!tpu.dma_semaphore, #tpu.memory_space<semaphore_mem>>)
      %dma_wait3A = arith.constant 0 : i32
      %dma_wait3A_70 = arith.constant 0 : i32
      %dma_wait3A_71 = tpu.memref_slice %arg4[%arg0, %dma_wait3A, %dma_wait3A_70] : memref<2x10000x128xf32, #tpu.memory_space<hbm>> -> memref<1x10000x128xf32, #tpu.memory_space<hbm>>
      %dma_wait3A_72 = tpu.memref_squeeze %dma_wait3A_71 : memref<1x10000x128xf32, #tpu.memory_space<hbm>> -> memref<10000x128xf32, #tpu.memory_space<hbm>>
      %dma_wait3A_73 = arith.constant 0 : i32
      %dma_wait3A_74 = tpu.memref_slice %dma_wait3A_72[%mul3A_54, %dma_wait3A_73] : memref<10000x128xf32, #tpu.memory_space<hbm>> -> memref<624x128xf32, #tpu.memory_space<hbm>>
      %dma_wait3A_75 = arith.constant 0 : i32
      %dma_wait3A_76 = tpu.memref_slice %arg14[%mul3A_56, %dma_wait3A_75] : memref<10000x128xf32, #tpu.memory_space<vmem_shared>> -> memref<624x128xf32, #tpu.memory_space<vmem_shared>>
      tpu.wait_dma2 semaphore(%run_scoped3A : memref<!tpu.dma_semaphore, #tpu.memory_space<semaphore_mem>>) src(%dma_wait3A_76 : memref<624x128xf32, #tpu.memory_space<vmem_shared>>) dst(%dma_wait3A_74 : memref<624x128xf32, #tpu.memory_space<hbm>>)
      tpu.yield
    }) : () -> ()
    %eq3A_57 = arith.constant 0 : i32
    %eq3A_58 = arith.cmpi eq, %arg1, %eq3A_57 : i32
    %convert_element_type3A_59 = arith.extui %eq3A_58 : i1 to i32
    %cond3A_60 = arith.constant 0 : i32
    %cond3A_61 = arith.cmpi ne, %convert_element_type3A_59, %cond3A_60 : i32
    scf.if %cond3A_61 {
      "tpu.region"() ({
        %run_scoped3A = tpu.sem_alloc : memref<!tpu.dma_semaphore, #tpu.memory_space<semaphore_mem>>
        %dma_start3A_62 = arith.constant 0 : i32
        %dma_start3A_63 = arith.constant 0 : i32
        %dma_start3A_64 = tpu.memref_slice %arg4[%arg0, %dma_start3A_62, %dma_start3A_63] : memref<2x10000x128xf32, #tpu.memory_space<hbm>> -> memref<1x10000x128xf32, #tpu.memory_space<hbm>>
        %dma_start3A_65 = tpu.memref_squeeze %dma_start3A_64 : memref<1x10000x128xf32, #tpu.memory_space<hbm>> -> memref<10000x128xf32, #tpu.memory_space<hbm>>
        %dma_start3A_66 = arith.constant 9984 : i32
        %dma_start3A_67 = arith.constant 0 : i32
        %dma_start3A_68 = tpu.memref_slice %dma_start3A_65[%dma_start3A_66, %dma_start3A_67] : memref<10000x128xf32, #tpu.memory_space<hbm>> -> memref<16x128xf32, #tpu.memory_space<hbm>>
        %dma_start3A_69 = arith.constant 9984 : i32
        %dma_start3A_70 = arith.constant 0 : i32
        %dma_start3A_71 = tpu.memref_slice %arg14[%dma_start3A_69, %dma_start3A_70] : memref<10000x128xf32, #tpu.memory_space<vmem_shared>> -> memref<16x128xf32, #tpu.memory_space<vmem_shared>>
        tpu.enqueue_dma source(%dma_start3A_71 : memref<16x128xf32, #tpu.memory_space<vmem_shared>>) target(%dma_start3A_68 : memref<16x128xf32, #tpu.memory_space<hbm>>) target_semaphore(%run_scoped3A : memref<!tpu.dma_semaphore, #tpu.memory_space<semaphore_mem>>)
        %dma_wait3A = arith.constant 0 : i32
        %dma_wait3A_72 = arith.constant 0 : i32
        %dma_wait3A_73 = tpu.memref_slice %arg4[%arg0, %dma_wait3A, %dma_wait3A_72] : memref<2x10000x128xf32, #tpu.memory_space<hbm>> -> memref<1x10000x128xf32, #tpu.memory_space<hbm>>
        %dma_wait3A_74 = tpu.memref_squeeze %dma_wait3A_73 : memref<1x10000x128xf32, #tpu.memory_space<hbm>> -> memref<10000x128xf32, #tpu.memory_space<hbm>>
        %dma_wait3A_75 = arith.constant 9984 : i32
        %dma_wait3A_76 = arith.constant 0 : i32
        %dma_wait3A_77 = tpu.memref_slice %dma_wait3A_74[%dma_wait3A_75, %dma_wait3A_76] : memref<10000x128xf32, #tpu.memory_space<hbm>> -> memref<16x128xf32, #tpu.memory_space<hbm>>
        %dma_wait3A_78 = arith.constant 9984 : i32
        %dma_wait3A_79 = arith.constant 0 : i32
        %dma_wait3A_80 = tpu.memref_slice %arg14[%dma_wait3A_78, %dma_wait3A_79] : memref<10000x128xf32, #tpu.memory_space<vmem_shared>> -> memref<16x128xf32, #tpu.memory_space<vmem_shared>>
        tpu.wait_dma2 semaphore(%run_scoped3A : memref<!tpu.dma_semaphore, #tpu.memory_space<semaphore_mem>>) src(%dma_wait3A_80 : memref<16x128xf32, #tpu.memory_space<vmem_shared>>) dst(%dma_wait3A_77 : memref<16x128xf32, #tpu.memory_space<hbm>>)
        tpu.yield
      }) : () -> ()
    } else {
    }
    return
  }
}

#map = affine_map<(d0, d1) -> (0, 0, 0)>
#map1 = affine_map<(d0, d1) -> (0, 0)>
module attributes {stable_mosaic.version = 14 : i64} {
  func.func @_sc_degree(%arg0: i32, %arg1: i32, %arg2: memref<2500x2x128xi32, #tpu.memory_space<hbm>>, %arg3: memref<10000x128xf32, #tpu.memory_space<hbm>>, %arg4: memref<2x128xi32, #tpu.memory_space<vmem>>, %arg5: memref<2x128xi32, #tpu.memory_space<vmem>>, %arg6: memref<2x128xi32, #tpu.memory_space<vmem>>, %arg7: memref<2x128xi32, #tpu.memory_space<vmem>>, %arg8: memref<2x128xi32, #tpu.memory_space<vmem>>, %arg9: memref<2x128xi32, #tpu.memory_space<vmem>>, %arg10: memref<128x16xf32, #tpu.memory_space<vmem>>, %arg11: memref<10000x16xf32, #tpu.memory_space<vmem_shared>>, %arg12: memref<!tpu.dma_semaphore, #tpu.memory_space<semaphore_mem>>, %arg13: memref<!tpu.dma_semaphore, #tpu.memory_space<semaphore_mem>>, %arg14: memref<!tpu.dma_semaphore, #tpu.memory_space<semaphore_mem>>) attributes {dimension_semantics = [#tpu.dimension_semantics<core_parallel>, #tpu.dimension_semantics<subcore_parallel>], iteration_bounds = array<i64: 2, 16>, scalar_prefetch = 0 : i64, scratch_operands = 11 : i64, tpu.core_type = #tpu.core_type<sc_vector_subcore>, window_params = [{transform_indices = #map}, {transform_indices = #map1}]} {
    %mul3A = arith.constant 2 : i32
    %mul3A_0 = arith.muli %arg1, %mul3A : i32
    %add3A = arith.addi %mul3A_0, %arg0 : i32
    %mul3A_1 = arith.constant 78 : i32
    %mul3A_2 = arith.muli %add3A, %mul3A_1 : i32
    %add3A_3 = arith.constant 0 : i32
    %add3A_4 = arith.addi %mul3A_2, %add3A_3 : i32
    %dma_start3A = arith.constant 0 : i32
    %dma_start3A_5 = arith.constant 0 : i32
    %dma_start3A_6 = tpu.memref_slice %arg2[%add3A_4, %dma_start3A, %dma_start3A_5] : memref<2500x2x128xi32, #tpu.memory_space<hbm>> -> memref<1x2x128xi32, #tpu.memory_space<hbm>>
    %dma_start3A_7 = tpu.memref_squeeze %dma_start3A_6 : memref<1x2x128xi32, #tpu.memory_space<hbm>> -> memref<2x128xi32, #tpu.memory_space<hbm>>
    %dma_start3A_8 = arith.constant 0 : i32
    %dma_start3A_9 = arith.constant 0 : i32
    %dma_start3A_10 = tpu.memref_slice %arg2[%add3A_4, %dma_start3A_8, %dma_start3A_9] : memref<2500x2x128xi32, #tpu.memory_space<hbm>> -> memref<1x2x128xi32, #tpu.memory_space<hbm>>
    %dma_start3A_11 = tpu.memref_squeeze %dma_start3A_10 : memref<1x2x128xi32, #tpu.memory_space<hbm>> -> memref<2x128xi32, #tpu.memory_space<hbm>>
    tpu.enqueue_dma source(%dma_start3A_11 : memref<2x128xi32, #tpu.memory_space<hbm>>) target(%arg4 : memref<2x128xi32, #tpu.memory_space<vmem>>) target_semaphore(%arg12 : memref<!tpu.dma_semaphore, #tpu.memory_space<semaphore_mem>>)
    %add3A_12 = arith.constant 1 : i32
    %add3A_13 = arith.addi %mul3A_2, %add3A_12 : i32
    %dma_start3A_14 = arith.constant 0 : i32
    %dma_start3A_15 = arith.constant 0 : i32
    %dma_start3A_16 = tpu.memref_slice %arg2[%add3A_13, %dma_start3A_14, %dma_start3A_15] : memref<2500x2x128xi32, #tpu.memory_space<hbm>> -> memref<1x2x128xi32, #tpu.memory_space<hbm>>
    %dma_start3A_17 = tpu.memref_squeeze %dma_start3A_16 : memref<1x2x128xi32, #tpu.memory_space<hbm>> -> memref<2x128xi32, #tpu.memory_space<hbm>>
    %dma_start3A_18 = arith.constant 0 : i32
    %dma_start3A_19 = arith.constant 0 : i32
    %dma_start3A_20 = tpu.memref_slice %arg2[%add3A_13, %dma_start3A_18, %dma_start3A_19] : memref<2500x2x128xi32, #tpu.memory_space<hbm>> -> memref<1x2x128xi32, #tpu.memory_space<hbm>>
    %dma_start3A_21 = tpu.memref_squeeze %dma_start3A_20 : memref<1x2x128xi32, #tpu.memory_space<hbm>> -> memref<2x128xi32, #tpu.memory_space<hbm>>
    tpu.enqueue_dma source(%dma_start3A_21 : memref<2x128xi32, #tpu.memory_space<hbm>>) target(%arg5 : memref<2x128xi32, #tpu.memory_space<vmem>>) target_semaphore(%arg12 : memref<!tpu.dma_semaphore, #tpu.memory_space<semaphore_mem>>)
    %add3A_22 = arith.constant 2 : i32
    %add3A_23 = arith.addi %mul3A_2, %add3A_22 : i32
    %dma_start3A_24 = arith.constant 0 : i32
    %dma_start3A_25 = arith.constant 0 : i32
    %dma_start3A_26 = tpu.memref_slice %arg2[%add3A_23, %dma_start3A_24, %dma_start3A_25] : memref<2500x2x128xi32, #tpu.memory_space<hbm>> -> memref<1x2x128xi32, #tpu.memory_space<hbm>>
    %dma_start3A_27 = tpu.memref_squeeze %dma_start3A_26 : memref<1x2x128xi32, #tpu.memory_space<hbm>> -> memref<2x128xi32, #tpu.memory_space<hbm>>
    %dma_start3A_28 = arith.constant 0 : i32
    %dma_start3A_29 = arith.constant 0 : i32
    %dma_start3A_30 = tpu.memref_slice %arg2[%add3A_23, %dma_start3A_28, %dma_start3A_29] : memref<2500x2x128xi32, #tpu.memory_space<hbm>> -> memref<1x2x128xi32, #tpu.memory_space<hbm>>
    %dma_start3A_31 = tpu.memref_squeeze %dma_start3A_30 : memref<1x2x128xi32, #tpu.memory_space<hbm>> -> memref<2x128xi32, #tpu.memory_space<hbm>>
    tpu.enqueue_dma source(%dma_start3A_31 : memref<2x128xi32, #tpu.memory_space<hbm>>) target(%arg6 : memref<2x128xi32, #tpu.memory_space<vmem>>) target_semaphore(%arg12 : memref<!tpu.dma_semaphore, #tpu.memory_space<semaphore_mem>>)
    %scan3A = arith.constant 0 : i32
    %scan3A_32 = arith.constant 128 : i32
    %scan3A_33 = arith.addi %scan3A, %scan3A_32 : i32
    %scan3A_34 = arith.constant 1 : i32
    scf.for %scan3A_69 = %scan3A to %scan3A_33 step %scan3A_34  : i32 {
      %mul3A_70 = arith.constant 1 : i32
      %mul3A_71 = arith.muli %scan3A_69, %mul3A_70 : i32
      %add3A_72 = arith.constant 0 : i32
      %add3A_73 = arith.addi %add3A_72, %mul3A_71 : i32
      %broadcast_in_dim3A = arith.constant 0.000000e+00 : f32
      %broadcast_in_dim3A_74 = vector.broadcast %broadcast_in_dim3A : f32 to vector<16xf32>
      %swap3A = arith.index_cast %add3A_73 : i32 to index
      %swap3A_75 = arith.constant 0 : index
      %swap3A_76 = tpu.vector_load %arg10[%swap3A, %swap3A_75] {strides = array<i32>} : memref<128x16xf32, #tpu.memory_space<vmem>>, vector<1x16xf32>,
      %swap3A_77 = vector.shape_cast %swap3A_76 : vector<1x16xf32> to vector<16xf32>
      %swap3A_78 = vector.shape_cast %broadcast_in_dim3A_74 : vector<16xf32> to vector<1x16xf32>
      tpu.vector_store %arg10[%swap3A, %swap3A_75], %swap3A_78 {strides = array<i32>} : memref<128x16xf32, #tpu.memory_space<vmem>>, vector<1x16xf32>,
    }
    %scan3A_35 = arith.constant 128 : i32
    %scan3A_36 = arith.constant 0 : i32
    %scan3A_37 = arith.constant 6 : i32
    %scan3A_38 = arith.addi %scan3A_36, %scan3A_37 : i32
    %scan3A_39 = arith.constant 1 : i32
    scf.for %scan3A_69 = %scan3A_36 to %scan3A_38 step %scan3A_39  : i32 {
      %mul3A_70 = arith.constant 1 : i32
      %mul3A_71 = arith.muli %scan3A_69, %mul3A_70 : i32
      %add3A_72 = arith.constant 0 : i32
      %add3A_73 = arith.addi %add3A_72, %mul3A_71 : i32
      %mul3A_74 = arith.constant 624 : i32
      %mul3A_75 = arith.muli %arg1, %mul3A_74 : i32
      %mul3A_76 = arith.constant 104 : i32
      %mul3A_77 = arith.muli %add3A_73, %mul3A_76 : i32
      %add3A_78 = arith.addi %mul3A_75, %mul3A_77 : i32
      "tpu.region"() ({
        %run_scoped3A = tpu.sem_alloc : memref<!tpu.dma_semaphore, #tpu.memory_space<semaphore_mem>>
        %dma_start3A_79 = arith.constant 0 : i32
        %dma_start3A_80 = arith.constant 0 : i32
        %dma_start3A_81 = tpu.memref_slice %arg10[%dma_start3A_79, %dma_start3A_80] : memref<128x16xf32, #tpu.memory_space<vmem>> -> memref<104x16xf32, #tpu.memory_space<vmem>>
        %dma_start3A_82 = arith.constant 0 : i32
        %dma_start3A_83 = tpu.memref_slice %arg11[%add3A_78, %dma_start3A_82] : memref<10000x16xf32, #tpu.memory_space<vmem_shared>> -> memref<104x16xf32, #tpu.memory_space<vmem_shared>>
        %dma_start3A_84 = arith.constant 0 : i32
        %dma_start3A_85 = tpu.memref_slice %arg11[%add3A_78, %dma_start3A_84] : memref<10000x16xf32, #tpu.memory_space<vmem_shared>> -> memref<104x16xf32, #tpu.memory_space<vmem_shared>>
        %dma_start3A_86 = arith.constant 0 : i32
        %dma_start3A_87 = arith.constant 0 : i32
        %dma_start3A_88 = tpu.memref_slice %arg10[%dma_start3A_86, %dma_start3A_87] : memref<128x16xf32, #tpu.memory_space<vmem>> -> memref<104x16xf32, #tpu.memory_space<vmem>>
        tpu.enqueue_dma source(%dma_start3A_88 : memref<104x16xf32, #tpu.memory_space<vmem>>) target(%dma_start3A_85 : memref<104x16xf32, #tpu.memory_space<vmem_shared>>) target_semaphore(%run_scoped3A : memref<!tpu.dma_semaphore, #tpu.memory_space<semaphore_mem>>)
        %dma_wait3A = arith.constant 0 : i32
        %dma_wait3A_89 = arith.constant 0 : i32
        %dma_wait3A_90 = tpu.memref_slice %arg10[%dma_wait3A, %dma_wait3A_89] : memref<128x16xf32, #tpu.memory_space<vmem>> -> memref<104x16xf32, #tpu.memory_space<vmem>>
        %dma_wait3A_91 = arith.constant 0 : i32
        %dma_wait3A_92 = tpu.memref_slice %arg11[%add3A_78, %dma_wait3A_91] : memref<10000x16xf32, #tpu.memory_space<vmem_shared>> -> memref<104x16xf32, #tpu.memory_space<vmem_shared>>
        %dma_wait3A_93 = arith.constant 0 : i32
        %dma_wait3A_94 = tpu.memref_slice %arg11[%add3A_78, %dma_wait3A_93] : memref<10000x16xf32, #tpu.memory_space<vmem_shared>> -> memref<104x16xf32, #tpu.memory_space<vmem_shared>>
        %dma_wait3A_95 = arith.constant 0 : i32
        %dma_wait3A_96 = arith.constant 0 : i32
        %dma_wait3A_97 = tpu.memref_slice %arg10[%dma_wait3A_95, %dma_wait3A_96] : memref<128x16xf32, #tpu.memory_space<vmem>> -> memref<104x16xf32, #tpu.memory_space<vmem>>
        tpu.wait_dma2 semaphore(%run_scoped3A : memref<!tpu.dma_semaphore, #tpu.memory_space<semaphore_mem>>) src(%dma_wait3A_97 : memref<104x16xf32, #tpu.memory_space<vmem>>) dst(%dma_wait3A_94 : memref<104x16xf32, #tpu.memory_space<vmem_shared>>)
        tpu.yield
      }) : () -> ()
    }
    %scan3A_40 = arith.constant 6 : i32
    %eq3A = arith.constant 0 : i32
    %eq3A_41 = arith.cmpi eq, %arg1, %eq3A : i32
    %convert_element_type3A = arith.extui %eq3A_41 : i1 to i32
    %cond3A = arith.constant 0 : i32
    %cond3A_42 = arith.cmpi ne, %convert_element_type3A, %cond3A : i32
    scf.if %cond3A_42 {
      "tpu.region"() ({
        %run_scoped3A = tpu.sem_alloc : memref<!tpu.dma_semaphore, #tpu.memory_space<semaphore_mem>>
        %dma_start3A_69 = arith.constant 0 : i32
        %dma_start3A_70 = arith.constant 0 : i32
        %dma_start3A_71 = tpu.memref_slice %arg10[%dma_start3A_69, %dma_start3A_70] : memref<128x16xf32, #tpu.memory_space<vmem>> -> memref<16x16xf32, #tpu.memory_space<vmem>>
        %dma_start3A_72 = arith.constant 9984 : i32
        %dma_start3A_73 = arith.constant 0 : i32
        %dma_start3A_74 = tpu.memref_slice %arg11[%dma_start3A_72, %dma_start3A_73] : memref<10000x16xf32, #tpu.memory_space<vmem_shared>> -> memref<16x16xf32, #tpu.memory_space<vmem_shared>>
        %dma_start3A_75 = arith.constant 9984 : i32
        %dma_start3A_76 = arith.constant 0 : i32
        %dma_start3A_77 = tpu.memref_slice %arg11[%dma_start3A_75, %dma_start3A_76] : memref<10000x16xf32, #tpu.memory_space<vmem_shared>> -> memref<16x16xf32, #tpu.memory_space<vmem_shared>>
        %dma_start3A_78 = arith.constant 0 : i32
        %dma_start3A_79 = arith.constant 0 : i32
        %dma_start3A_80 = tpu.memref_slice %arg10[%dma_start3A_78, %dma_start3A_79] : memref<128x16xf32, #tpu.memory_space<vmem>> -> memref<16x16xf32, #tpu.memory_space<vmem>>
        tpu.enqueue_dma source(%dma_start3A_80 : memref<16x16xf32, #tpu.memory_space<vmem>>) target(%dma_start3A_77 : memref<16x16xf32, #tpu.memory_space<vmem_shared>>) target_semaphore(%run_scoped3A : memref<!tpu.dma_semaphore, #tpu.memory_space<semaphore_mem>>)
        %dma_wait3A = arith.constant 0 : i32
        %dma_wait3A_81 = arith.constant 0 : i32
        %dma_wait3A_82 = tpu.memref_slice %arg10[%dma_wait3A, %dma_wait3A_81] : memref<128x16xf32, #tpu.memory_space<vmem>> -> memref<16x16xf32, #tpu.memory_space<vmem>>
        %dma_wait3A_83 = arith.constant 9984 : i32
        %dma_wait3A_84 = arith.constant 0 : i32
        %dma_wait3A_85 = tpu.memref_slice %arg11[%dma_wait3A_83, %dma_wait3A_84] : memref<10000x16xf32, #tpu.memory_space<vmem_shared>> -> memref<16x16xf32, #tpu.memory_space<vmem_shared>>
        %dma_wait3A_86 = arith.constant 9984 : i32
        %dma_wait3A_87 = arith.constant 0 : i32
        %dma_wait3A_88 = tpu.memref_slice %arg11[%dma_wait3A_86, %dma_wait3A_87] : memref<10000x16xf32, #tpu.memory_space<vmem_shared>> -> memref<16x16xf32, #tpu.memory_space<vmem_shared>>
        %dma_wait3A_89 = arith.constant 0 : i32
        %dma_wait3A_90 = arith.constant 0 : i32
        %dma_wait3A_91 = tpu.memref_slice %arg10[%dma_wait3A_89, %dma_wait3A_90] : memref<128x16xf32, #tpu.memory_space<vmem>> -> memref<16x16xf32, #tpu.memory_space<vmem>>
        tpu.wait_dma2 semaphore(%run_scoped3A : memref<!tpu.dma_semaphore, #tpu.memory_space<semaphore_mem>>) src(%dma_wait3A_91 : memref<16x16xf32, #tpu.memory_space<vmem>>) dst(%dma_wait3A_88 : memref<16x16xf32, #tpu.memory_space<vmem_shared>>)
        tpu.yield
      }) : () -> ()
    } else {
    }
    %scan3A_43 = arith.constant 0 : i32
    %scan3A_44 = arith.constant 128 : i32
    %scan3A_45 = arith.addi %scan3A_43, %scan3A_44 : i32
    %scan3A_46 = arith.constant 1 : i32
    scf.for %scan3A_69 = %scan3A_43 to %scan3A_45 step %scan3A_46  : i32 {
      %mul3A_70 = arith.constant 1 : i32
      %mul3A_71 = arith.muli %scan3A_69, %mul3A_70 : i32
      %add3A_72 = arith.constant 0 : i32
      %add3A_73 = arith.addi %add3A_72, %mul3A_71 : i32
      %broadcast_in_dim3A = arith.constant 1.000000e+00 : f32
      %broadcast_in_dim3A_74 = vector.broadcast %broadcast_in_dim3A : f32 to vector<16xf32>
      %swap3A = arith.index_cast %add3A_73 : i32 to index
      %swap3A_75 = arith.constant 0 : index
      %swap3A_76 = tpu.vector_load %arg10[%swap3A, %swap3A_75] {strides = array<i32>} : memref<128x16xf32, #tpu.memory_space<vmem>>, vector<1x16xf32>,
      %swap3A_77 = vector.shape_cast %swap3A_76 : vector<1x16xf32> to vector<16xf32>
      %swap3A_78 = vector.shape_cast %broadcast_in_dim3A_74 : vector<16xf32> to vector<1x16xf32>
      tpu.vector_store %arg10[%swap3A, %swap3A_75], %swap3A_78 {strides = array<i32>} : memref<128x16xf32, #tpu.memory_space<vmem>>, vector<1x16xf32>,
    }
    %scan3A_47 = arith.constant 128 : i32
    %barrier3A = arith.constant 0 : index
    tpu.barrier barrier_id(%barrier3A)
    %scan3A_48 = arith.constant 0 : i32
    %scan3A_49 = arith.constant 13 : i32
    %scan3A_50 = arith.addi %scan3A_48, %scan3A_49 : i32
    %scan3A_51 = arith.constant 1 : i32
    scf.for %scan3A_69 = %scan3A_48 to %scan3A_50 step %scan3A_51  : i32 {
      %mul3A_70 = arith.constant 1 : i32
      %mul3A_71 = arith.muli %scan3A_69, %mul3A_70 : i32
      %add3A_72 = arith.constant 0 : i32
      %add3A_73 = arith.addi %add3A_72, %mul3A_71 : i32
      %dma_wait3A = arith.constant 0 : i32
      %dma_wait3A_74 = arith.constant 0 : i32
      %dma_wait3A_75 = arith.constant 0 : i32
      %dma_wait3A_76 = tpu.memref_slice %arg2[%dma_wait3A, %dma_wait3A_74, %dma_wait3A_75] : memref<2500x2x128xi32, #tpu.memory_space<hbm>> -> memref<1x2x128xi32, #tpu.memory_space<hbm>>
      %dma_wait3A_77 = tpu.memref_squeeze %dma_wait3A_76 : memref<1x2x128xi32, #tpu.memory_space<hbm>> -> memref<2x128xi32, #tpu.memory_space<hbm>>
      %dma_wait3A_78 = arith.constant 0 : i32
      %dma_wait3A_79 = arith.constant 0 : i32
      %dma_wait3A_80 = tpu.memref_slice %arg2[%dma_wait3A, %dma_wait3A_78, %dma_wait3A_79] : memref<2500x2x128xi32, #tpu.memory_space<hbm>> -> memref<1x2x128xi32, #tpu.memory_space<hbm>>
      %dma_wait3A_81 = tpu.memref_squeeze %dma_wait3A_80 : memref<1x2x128xi32, #tpu.memory_space<hbm>> -> memref<2x128xi32, #tpu.memory_space<hbm>>
      tpu.wait_dma2 semaphore(%arg12 : memref<!tpu.dma_semaphore, #tpu.memory_space<semaphore_mem>>) src(%dma_wait3A_81 : memref<2x128xi32, #tpu.memory_space<hbm>>) dst(%arg4 : memref<2x128xi32, #tpu.memory_space<vmem>>)
      %dma_wait3A_82 = arith.constant 0 : i32
      %dma_wait3A_83 = arith.constant 0 : i32
      %dma_wait3A_84 = arith.constant 0 : i32
      %dma_wait3A_85 = tpu.memref_slice %arg2[%dma_wait3A_82, %dma_wait3A_83, %dma_wait3A_84] : memref<2500x2x128xi32, #tpu.memory_space<hbm>> -> memref<1x2x128xi32, #tpu.memory_space<hbm>>
      %dma_wait3A_86 = tpu.memref_squeeze %dma_wait3A_85 : memref<1x2x128xi32, #tpu.memory_space<hbm>> -> memref<2x128xi32, #tpu.memory_space<hbm>>
      %dma_wait3A_87 = arith.constant 0 : i32
      %dma_wait3A_88 = arith.constant 0 : i32
      %dma_wait3A_89 = tpu.memref_slice %arg2[%dma_wait3A_82, %dma_wait3A_87, %dma_wait3A_88] : memref<2500x2x128xi32, #tpu.memory_space<hbm>> -> memref<1x2x128xi32, #tpu.memory_space<hbm>>
      %dma_wait3A_90 = tpu.memref_squeeze %dma_wait3A_89 : memref<1x2x128xi32, #tpu.memory_space<hbm>> -> memref<2x128xi32, #tpu.memory_space<hbm>>
      tpu.wait_dma2 semaphore(%arg12 : memref<!tpu.dma_semaphore, #tpu.memory_space<semaphore_mem>>) src(%dma_wait3A_90 : memref<2x128xi32, #tpu.memory_space<hbm>>) dst(%arg5 : memref<2x128xi32, #tpu.memory_space<vmem>>)
      %dma_wait3A_91 = arith.constant 0 : i32
      %dma_wait3A_92 = arith.constant 0 : i32
      %dma_wait3A_93 = arith.constant 0 : i32
      %dma_wait3A_94 = tpu.memref_slice %arg2[%dma_wait3A_91, %dma_wait3A_92, %dma_wait3A_93] : memref<2500x2x128xi32, #tpu.memory_space<hbm>> -> memref<1x2x128xi32, #tpu.memory_space<hbm>>
      %dma_wait3A_95 = tpu.memref_squeeze %dma_wait3A_94 : memref<1x2x128xi32, #tpu.memory_space<hbm>> -> memref<2x128xi32, #tpu.memory_space<hbm>>
      %dma_wait3A_96 = arith.constant 0 : i32
      %dma_wait3A_97 = arith.constant 0 : i32
      %dma_wait3A_98 = tpu.memref_slice %arg2[%dma_wait3A_91, %dma_wait3A_96, %dma_wait3A_97] : memref<2500x2x128xi32, #tpu.memory_space<hbm>> -> memref<1x2x128xi32, #tpu.memory_space<hbm>>
      %dma_wait3A_99 = tpu.memref_squeeze %dma_wait3A_98 : memref<1x2x128xi32, #tpu.memory_space<hbm>> -> memref<2x128xi32, #tpu.memory_space<hbm>>
      tpu.wait_dma2 semaphore(%arg12 : memref<!tpu.dma_semaphore, #tpu.memory_space<semaphore_mem>>) src(%dma_wait3A_99 : memref<2x128xi32, #tpu.memory_space<hbm>>) dst(%arg6 : memref<2x128xi32, #tpu.memory_space<vmem>>)
      %mul3A_100 = arith.constant 2 : i32
      %mul3A_101 = arith.muli %mul3A_100, %add3A_73 : i32
      %mul3A_102 = arith.constant 2 : i32
      %mul3A_103 = arith.muli %mul3A_102, %add3A_73 : i32
      %add3A_104 = arith.constant 1 : i32
      %add3A_105 = arith.addi %mul3A_103, %add3A_104 : i32
      %mul3A_106 = arith.constant 3 : i32
      %mul3A_107 = arith.muli %add3A_105, %mul3A_106 : i32
      %add3A_108 = arith.addi %mul3A_2, %mul3A_107 : i32
      %add3A_109 = arith.constant 0 : i32
      %add3A_110 = arith.addi %add3A_108, %add3A_109 : i32
      %dma_start3A_111 = arith.constant 0 : i32
      %dma_start3A_112 = arith.constant 0 : i32
      %dma_start3A_113 = tpu.memref_slice %arg2[%add3A_110, %dma_start3A_111, %dma_start3A_112] : memref<2500x2x128xi32, #tpu.memory_space<hbm>> -> memref<1x2x128xi32, #tpu.memory_space<hbm>>
      %dma_start3A_114 = tpu.memref_squeeze %dma_start3A_113 : memref<1x2x128xi32, #tpu.memory_space<hbm>> -> memref<2x128xi32, #tpu.memory_space<hbm>>
      %dma_start3A_115 = arith.constant 0 : i32
      %dma_start3A_116 = arith.constant 0 : i32
      %dma_start3A_117 = tpu.memref_slice %arg2[%add3A_110, %dma_start3A_115, %dma_start3A_116] : memref<2500x2x128xi32, #tpu.memory_space<hbm>> -> memref<1x2x128xi32, #tpu.memory_space<hbm>>
      %dma_start3A_118 = tpu.memref_squeeze %dma_start3A_117 : memref<1x2x128xi32, #tpu.memory_space<hbm>> -> memref<2x128xi32, #tpu.memory_space<hbm>>
      tpu.enqueue_dma source(%dma_start3A_118 : memref<2x128xi32, #tpu.memory_space<hbm>>) target(%arg7 : memref<2x128xi32, #tpu.memory_space<vmem>>) target_semaphore(%arg13 : memref<!tpu.dma_semaphore, #tpu.memory_space<semaphore_mem>>)
      %mul3A_119 = arith.constant 3 : i32
      %mul3A_120 = arith.muli %add3A_105, %mul3A_119 : i32
      %add3A_121 = arith.addi %mul3A_2, %mul3A_120 : i32
      %add3A_122 = arith.constant 1 : i32
      %add3A_123 = arith.addi %add3A_121, %add3A_122 : i32
      %dma_start3A_124 = arith.constant 0 : i32
      %dma_start3A_125 = arith.constant 0 : i32
      %dma_start3A_126 = tpu.memref_slice %arg2[%add3A_123, %dma_start3A_124, %dma_start3A_125] : memref<2500x2x128xi32, #tpu.memory_space<hbm>> -> memref<1x2x128xi32, #tpu.memory_space<hbm>>
      %dma_start3A_127 = tpu.memref_squeeze %dma_start3A_126 : memref<1x2x128xi32, #tpu.memory_space<hbm>> -> memref<2x128xi32, #tpu.memory_space<hbm>>
      %dma_start3A_128 = arith.constant 0 : i32
      %dma_start3A_129 = arith.constant 0 : i32
      %dma_start3A_130 = tpu.memref_slice %arg2[%add3A_123, %dma_start3A_128, %dma_start3A_129] : memref<2500x2x128xi32, #tpu.memory_space<hbm>> -> memref<1x2x128xi32, #tpu.memory_space<hbm>>
      %dma_start3A_131 = tpu.memref_squeeze %dma_start3A_130 : memref<1x2x128xi32, #tpu.memory_space<hbm>> -> memref<2x128xi32, #tpu.memory_space<hbm>>
      tpu.enqueue_dma source(%dma_start3A_131 : memref<2x128xi32, #tpu.memory_space<hbm>>) target(%arg8 : memref<2x128xi32, #tpu.memory_space<vmem>>) target_semaphore(%arg13 : memref<!tpu.dma_semaphore, #tpu.memory_space<semaphore_mem>>)
      %mul3A_132 = arith.constant 3 : i32
      %mul3A_133 = arith.muli %add3A_105, %mul3A_132 : i32
      %add3A_134 = arith.addi %mul3A_2, %mul3A_133 : i32
      %add3A_135 = arith.constant 2 : i32
      %add3A_136 = arith.addi %add3A_134, %add3A_135 : i32
      %dma_start3A_137 = arith.constant 0 : i32
      %dma_start3A_138 = arith.constant 0 : i32
      %dma_start3A_139 = tpu.memref_slice %arg2[%add3A_136, %dma_start3A_137, %dma_start3A_138] : memref<2500x2x128xi32, #tpu.memory_space<hbm>> -> memref<1x2x128xi32, #tpu.memory_space<hbm>>
      %dma_start3A_140 = tpu.memref_squeeze %dma_start3A_139 : memref<1x2x128xi32, #tpu.memory_space<hbm>> -> memref<2x128xi32, #tpu.memory_space<hbm>>
      %dma_start3A_141 = arith.constant 0 : i32
      %dma_start3A_142 = arith.constant 0 : i32
      %dma_start3A_143 = tpu.memref_slice %arg2[%add3A_136, %dma_start3A_141, %dma_start3A_142] : memref<2500x2x128xi32, #tpu.memory_space<hbm>> -> memref<1x2x128xi32, #tpu.memory_space<hbm>>
      %dma_start3A_144 = tpu.memref_squeeze %dma_start3A_143 : memref<1x2x128xi32, #tpu.memory_space<hbm>> -> memref<2x128xi32, #tpu.memory_space<hbm>>
      tpu.enqueue_dma source(%dma_start3A_144 : memref<2x128xi32, #tpu.memory_space<hbm>>) target(%arg9 : memref<2x128xi32, #tpu.memory_space<vmem>>) target_semaphore(%arg13 : memref<!tpu.dma_semaphore, #tpu.memory_space<semaphore_mem>>)
      %dma_start3A_145 = arith.constant 1 : i32
      %dma_start3A_146 = arith.constant 0 : i32
      %dma_start3A_147 = tpu.memref_slice %arg4[%dma_start3A_145, %dma_start3A_146] : memref<2x128xi32, #tpu.memory_space<vmem>> -> memref<1x128xi32, #tpu.memory_space<vmem>>
      %dma_start3A_148 = tpu.memref_squeeze %dma_start3A_147 : memref<1x128xi32, #tpu.memory_space<vmem>> -> memref<128xi32, #tpu.memory_space<vmem>>
      %dma_start3A_149 = arith.constant 0 : i32
      %dma_start3A_150 = arith.constant 0 : i32
      %dma_start3A_151 = tpu.memref_slice %arg11[%dma_start3A_149, %dma_start3A_150] : memref<10000x16xf32, #tpu.memory_space<vmem_shared>> -> memref<10000x16xf32, #tpu.memory_space<vmem_shared>>
      tpu.enqueue_indirect_dma source(%arg10 : memref<128x16xf32, #tpu.memory_space<vmem>>) target(%dma_start3A_151 : memref<10000x16xf32, #tpu.memory_space<vmem_shared>>) offsets(%dma_start3A_148 : memref<128xi32, #tpu.memory_space<vmem>>) semaphore(%arg14 : memref<!tpu.dma_semaphore, #tpu.memory_space<semaphore_mem>>) {add = true}
      %dma_start3A_152 = arith.constant 1 : i32
      %dma_start3A_153 = arith.constant 0 : i32
      %dma_start3A_154 = tpu.memref_slice %arg5[%dma_start3A_152, %dma_start3A_153] : memref<2x128xi32, #tpu.memory_space<vmem>> -> memref<1x128xi32, #tpu.memory_space<vmem>>
      %dma_start3A_155 = tpu.memref_squeeze %dma_start3A_154 : memref<1x128xi32, #tpu.memory_space<vmem>> -> memref<128xi32, #tpu.memory_space<vmem>>
      %dma_start3A_156 = arith.constant 0 : i32
      %dma_start3A_157 = arith.constant 0 : i32
      %dma_start3A_158 = tpu.memref_slice %arg11[%dma_start3A_156, %dma_start3A_157] : memref<10000x16xf32, #tpu.memory_space<vmem_shared>> -> memref<10000x16xf32, #tpu.memory_space<vmem_shared>>
      tpu.enqueue_indirect_dma source(%arg10 : memref<128x16xf32, #tpu.memory_space<vmem>>) target(%dma_start3A_158 : memref<10000x16xf32, #tpu.memory_space<vmem_shared>>) offsets(%dma_start3A_155 : memref<128xi32, #tpu.memory_space<vmem>>) semaphore(%arg14 : memref<!tpu.dma_semaphore, #tpu.memory_space<semaphore_mem>>) {add = true}
      %dma_start3A_159 = arith.constant 1 : i32
      %dma_start3A_160 = arith.constant 0 : i32
      %dma_start3A_161 = tpu.memref_slice %arg6[%dma_start3A_159, %dma_start3A_160] : memref<2x128xi32, #tpu.memory_space<vmem>> -> memref<1x128xi32, #tpu.memory_space<vmem>>
      %dma_start3A_162 = tpu.memref_squeeze %dma_start3A_161 : memref<1x128xi32, #tpu.memory_space<vmem>> -> memref<128xi32, #tpu.memory_space<vmem>>
      %dma_start3A_163 = arith.constant 0 : i32
      %dma_start3A_164 = arith.constant 0 : i32
      %dma_start3A_165 = tpu.memref_slice %arg11[%dma_start3A_163, %dma_start3A_164] : memref<10000x16xf32, #tpu.memory_space<vmem_shared>> -> memref<10000x16xf32, #tpu.memory_space<vmem_shared>>
      tpu.enqueue_indirect_dma source(%arg10 : memref<128x16xf32, #tpu.memory_space<vmem>>) target(%dma_start3A_165 : memref<10000x16xf32, #tpu.memory_space<vmem_shared>>) offsets(%dma_start3A_162 : memref<128xi32, #tpu.memory_space<vmem>>) semaphore(%arg14 : memref<!tpu.dma_semaphore, #tpu.memory_space<semaphore_mem>>) {add = true}
      %dma_wait3A_166 = arith.constant 1 : i32
      %dma_wait3A_167 = arith.constant 0 : i32
      %dma_wait3A_168 = tpu.memref_slice %arg4[%dma_wait3A_166, %dma_wait3A_167] : memref<2x128xi32, #tpu.memory_space<vmem>> -> memref<1x128xi32, #tpu.memory_space<vmem>>
      %dma_wait3A_169 = tpu.memref_squeeze %dma_wait3A_168 : memref<1x128xi32, #tpu.memory_space<vmem>> -> memref<128xi32, #tpu.memory_space<vmem>>
      %dma_wait3A_170 = arith.constant 0 : i32
      %dma_wait3A_171 = arith.constant 0 : i32
      %dma_wait3A_172 = tpu.memref_slice %arg11[%dma_wait3A_170, %dma_wait3A_171] : memref<10000x16xf32, #tpu.memory_space<vmem_shared>> -> memref<10000x16xf32, #tpu.memory_space<vmem_shared>>
      tpu.wait_indirect_dma semaphore(%arg14 : memref<!tpu.dma_semaphore, #tpu.memory_space<semaphore_mem>>) src(%arg10 : memref<128x16xf32, #tpu.memory_space<vmem>>) dst(%dma_wait3A_172 : memref<10000x16xf32, #tpu.memory_space<vmem_shared>>)
      %dma_wait3A_173 = arith.constant 1 : i32
      %dma_wait3A_174 = arith.constant 0 : i32
      %dma_wait3A_175 = tpu.memref_slice %arg5[%dma_wait3A_173, %dma_wait3A_174] : memref<2x128xi32, #tpu.memory_space<vmem>> -> memref<1x128xi32, #tpu.memory_space<vmem>>
      %dma_wait3A_176 = tpu.memref_squeeze %dma_wait3A_175 : memref<1x128xi32, #tpu.memory_space<vmem>> -> memref<128xi32, #tpu.memory_space<vmem>>
      %dma_wait3A_177 = arith.constant 0 : i32
      %dma_wait3A_178 = arith.constant 0 : i32
      %dma_wait3A_179 = tpu.memref_slice %arg11[%dma_wait3A_177, %dma_wait3A_178] : memref<10000x16xf32, #tpu.memory_space<vmem_shared>> -> memref<10000x16xf32, #tpu.memory_space<vmem_shared>>
      tpu.wait_indirect_dma semaphore(%arg14 : memref<!tpu.dma_semaphore, #tpu.memory_space<semaphore_mem>>) src(%arg10 : memref<128x16xf32, #tpu.memory_space<vmem>>) dst(%dma_wait3A_179 : memref<10000x16xf32, #tpu.memory_space<vmem_shared>>)
      %dma_wait3A_180 = arith.constant 1 : i32
      %dma_wait3A_181 = arith.constant 0 : i32
      %dma_wait3A_182 = tpu.memref_slice %arg6[%dma_wait3A_180, %dma_wait3A_181] : memref<2x128xi32, #tpu.memory_space<vmem>> -> memref<1x128xi32, #tpu.memory_space<vmem>>
      %dma_wait3A_183 = tpu.memref_squeeze %dma_wait3A_182 : memref<1x128xi32, #tpu.memory_space<vmem>> -> memref<128xi32, #tpu.memory_space<vmem>>
      %dma_wait3A_184 = arith.constant 0 : i32
      %dma_wait3A_185 = arith.constant 0 : i32
      %dma_wait3A_186 = tpu.memref_slice %arg11[%dma_wait3A_184, %dma_wait3A_185] : memref<10000x16xf32, #tpu.memory_space<vmem_shared>> -> memref<10000x16xf32, #tpu.memory_space<vmem_shared>>
      tpu.wait_indirect_dma semaphore(%arg14 : memref<!tpu.dma_semaphore, #tpu.memory_space<semaphore_mem>>) src(%arg10 : memref<128x16xf32, #tpu.memory_space<vmem>>) dst(%dma_wait3A_186 : memref<10000x16xf32, #tpu.memory_space<vmem_shared>>)
      %dma_wait3A_187 = arith.constant 0 : i32
      %dma_wait3A_188 = arith.constant 0 : i32
      %dma_wait3A_189 = arith.constant 0 : i32
      %dma_wait3A_190 = tpu.memref_slice %arg2[%dma_wait3A_187, %dma_wait3A_188, %dma_wait3A_189] : memref<2500x2x128xi32, #tpu.memory_space<hbm>> -> memref<1x2x128xi32, #tpu.memory_space<hbm>>
      %dma_wait3A_191 = tpu.memref_squeeze %dma_wait3A_190 : memref<1x2x128xi32, #tpu.memory_space<hbm>> -> memref<2x128xi32, #tpu.memory_space<hbm>>
      %dma_wait3A_192 = arith.constant 0 : i32
      %dma_wait3A_193 = arith.constant 0 : i32
      %dma_wait3A_194 = tpu.memref_slice %arg2[%dma_wait3A_187, %dma_wait3A_192, %dma_wait3A_193] : memref<2500x2x128xi32, #tpu.memory_space<hbm>> -> memref<1x2x128xi32, #tpu.memory_space<hbm>>
      %dma_wait3A_195 = tpu.memref_squeeze %dma_wait3A_194 : memref<1x2x128xi32, #tpu.memory_space<hbm>> -> memref<2x128xi32, #tpu.memory_space<hbm>>
      tpu.wait_dma2 semaphore(%arg13 : memref<!tpu.dma_semaphore, #tpu.memory_space<semaphore_mem>>) src(%dma_wait3A_195 : memref<2x128xi32, #tpu.memory_space<hbm>>) dst(%arg7 : memref<2x128xi32, #tpu.memory_space<vmem>>)
      %dma_wait3A_196 = arith.constant 0 : i32
      %dma_wait3A_197 = arith.constant 0 : i32
      %dma_wait3A_198 = arith.constant 0 : i32
      %dma_wait3A_199 = tpu.memref_slice %arg2[%dma_wait3A_196, %dma_wait3A_197, %dma_wait3A_198] : memref<2500x2x128xi32, #tpu.memory_space<hbm>> -> memref<1x2x128xi32, #tpu.memory_space<hbm>>
      %dma_wait3A_200 = tpu.memref_squeeze %dma_wait3A_199 : memref<1x2x128xi32, #tpu.memory_space<hbm>> -> memref<2x128xi32, #tpu.memory_space<hbm>>
      %dma_wait3A_201 = arith.constant 0 : i32
      %dma_wait3A_202 = arith.constant 0 : i32
      %dma_wait3A_203 = tpu.memref_slice %arg2[%dma_wait3A_196, %dma_wait3A_201, %dma_wait3A_202] : memref<2500x2x128xi32, #tpu.memory_space<hbm>> -> memref<1x2x128xi32, #tpu.memory_space<hbm>>
      %dma_wait3A_204 = tpu.memref_squeeze %dma_wait3A_203 : memref<1x2x128xi32, #tpu.memory_space<hbm>> -> memref<2x128xi32, #tpu.memory_space<hbm>>
      tpu.wait_dma2 semaphore(%arg13 : memref<!tpu.dma_semaphore, #tpu.memory_space<semaphore_mem>>) src(%dma_wait3A_204 : memref<2x128xi32, #tpu.memory_space<hbm>>) dst(%arg8 : memref<2x128xi32, #tpu.memory_space<vmem>>)
      %dma_wait3A_205 = arith.constant 0 : i32
      %dma_wait3A_206 = arith.constant 0 : i32
      %dma_wait3A_207 = arith.constant 0 : i32
      %dma_wait3A_208 = tpu.memref_slice %arg2[%dma_wait3A_205, %dma_wait3A_206, %dma_wait3A_207] : memref<2500x2x128xi32, #tpu.memory_space<hbm>> -> memref<1x2x128xi32, #tpu.memory_space<hbm>>
      %dma_wait3A_209 = tpu.memref_squeeze %dma_wait3A_208 : memref<1x2x128xi32, #tpu.memory_space<hbm>> -> memref<2x128xi32, #tpu.memory_space<hbm>>
      %dma_wait3A_210 = arith.constant 0 : i32
      %dma_wait3A_211 = arith.constant 0 : i32
      %dma_wait3A_212 = tpu.memref_slice %arg2[%dma_wait3A_205, %dma_wait3A_210, %dma_wait3A_211] : memref<2500x2x128xi32, #tpu.memory_space<hbm>> -> memref<1x2x128xi32, #tpu.memory_space<hbm>>
      %dma_wait3A_213 = tpu.memref_squeeze %dma_wait3A_212 : memref<1x2x128xi32, #tpu.memory_space<hbm>> -> memref<2x128xi32, #tpu.memory_space<hbm>>
      tpu.wait_dma2 semaphore(%arg13 : memref<!tpu.dma_semaphore, #tpu.memory_space<semaphore_mem>>) src(%dma_wait3A_213 : memref<2x128xi32, #tpu.memory_space<hbm>>) dst(%arg9 : memref<2x128xi32, #tpu.memory_space<vmem>>)
      %lt3A_214 = arith.constant 12 : i32
      %lt3A_215 = arith.cmpi slt, %add3A_73, %lt3A_214 : i32
      %convert_element_type3A_216 = arith.extui %lt3A_215 : i1 to i32
      %cond3A_217 = arith.constant 0 : i32
      %cond3A_218 = arith.cmpi ne, %convert_element_type3A_216, %cond3A_217 : i32
      scf.if %cond3A_218 {
        %mul3A_224 = arith.constant 2 : i32
        %mul3A_225 = arith.muli %mul3A_224, %add3A_73 : i32
        %add3A_226 = arith.constant 1 : i32
        %add3A_227 = arith.addi %mul3A_225, %add3A_226 : i32
        %mul3A_228 = arith.constant 2 : i32
        %mul3A_229 = arith.muli %mul3A_228, %add3A_73 : i32
        %add3A_230 = arith.constant 2 : i32
        %add3A_231 = arith.addi %mul3A_229, %add3A_230 : i32
        %mul3A_232 = arith.constant 3 : i32
        %mul3A_233 = arith.muli %add3A_231, %mul3A_232 : i32
        %add3A_234 = arith.addi %mul3A_2, %mul3A_233 : i32
        %add3A_235 = arith.constant 0 : i32
        %add3A_236 = arith.addi %add3A_234, %add3A_235 : i32
        %dma_start3A_237 = arith.constant 0 : i32
        %dma_start3A_238 = arith.constant 0 : i32
        %dma_start3A_239 = tpu.memref_slice %arg2[%add3A_236, %dma_start3A_237, %dma_start3A_238] : memref<2500x2x128xi32, #tpu.memory_space<hbm>> -> memref<1x2x128xi32, #tpu.memory_space<hbm>>
        %dma_start3A_240 = tpu.memref_squeeze %dma_start3A_239 : memref<1x2x128xi32, #tpu.memory_space<hbm>> -> memref<2x128xi32, #tpu.memory_space<hbm>>
        %dma_start3A_241 = arith.constant 0 : i32
        %dma_start3A_242 = arith.constant 0 : i32
        %dma_start3A_243 = tpu.memref_slice %arg2[%add3A_236, %dma_start3A_241, %dma_start3A_242] : memref<2500x2x128xi32, #tpu.memory_space<hbm>> -> memref<1x2x128xi32, #tpu.memory_space<hbm>>
        %dma_start3A_244 = tpu.memref_squeeze %dma_start3A_243 : memref<1x2x128xi32, #tpu.memory_space<hbm>> -> memref<2x128xi32, #tpu.memory_space<hbm>>
        tpu.enqueue_dma source(%dma_start3A_244 : memref<2x128xi32, #tpu.memory_space<hbm>>) target(%arg4 : memref<2x128xi32, #tpu.memory_space<vmem>>) target_semaphore(%arg12 : memref<!tpu.dma_semaphore, #tpu.memory_space<semaphore_mem>>)
        %mul3A_245 = arith.constant 3 : i32
        %mul3A_246 = arith.muli %add3A_231, %mul3A_245 : i32
        %add3A_247 = arith.addi %mul3A_2, %mul3A_246 : i32
        %add3A_248 = arith.constant 1 : i32
        %add3A_249 = arith.addi %add3A_247, %add3A_248 : i32
        %dma_start3A_250 = arith.constant 0 : i32
        %dma_start3A_251 = arith.constant 0 : i32
        %dma_start3A_252 = tpu.memref_slice %arg2[%add3A_249, %dma_start3A_250, %dma_start3A_251] : memref<2500x2x128xi32, #tpu.memory_space<hbm>> -> memref<1x2x128xi32, #tpu.memory_space<hbm>>
        %dma_start3A_253 = tpu.memref_squeeze %dma_start3A_252 : memref<1x2x128xi32, #tpu.memory_space<hbm>> -> memref<2x128xi32, #tpu.memory_space<hbm>>
        %dma_start3A_254 = arith.constant 0 : i32
        %dma_start3A_255 = arith.constant 0 : i32
        %dma_start3A_256 = tpu.memref_slice %arg2[%add3A_249, %dma_start3A_254, %dma_start3A_255] : memref<2500x2x128xi32, #tpu.memory_space<hbm>> -> memref<1x2x128xi32, #tpu.memory_space<hbm>>
        %dma_start3A_257 = tpu.memref_squeeze %dma_start3A_256 : memref<1x2x128xi32, #tpu.memory_space<hbm>> -> memref<2x128xi32, #tpu.memory_space<hbm>>
        tpu.enqueue_dma source(%dma_start3A_257 : memref<2x128xi32, #tpu.memory_space<hbm>>) target(%arg5 : memref<2x128xi32, #tpu.memory_space<vmem>>) target_semaphore(%arg12 : memref<!tpu.dma_semaphore, #tpu.memory_space<semaphore_mem>>)
        %mul3A_258 = arith.constant 3 : i32
        %mul3A_259 = arith.muli %add3A_231, %mul3A_258 : i32
        %add3A_260 = arith.addi %mul3A_2, %mul3A_259 : i32
        %add3A_261 = arith.constant 2 : i32
        %add3A_262 = arith.addi %add3A_260, %add3A_261 : i32
        %dma_start3A_263 = arith.constant 0 : i32
        %dma_start3A_264 = arith.constant 0 : i32
        %dma_start3A_265 = tpu.memref_slice %arg2[%add3A_262, %dma_start3A_263, %dma_start3A_264] : memref<2500x2x128xi32, #tpu.memory_space<hbm>> -> memref<1x2x128xi32, #tpu.memory_space<hbm>>
        %dma_start3A_266 = tpu.memref_squeeze %dma_start3A_265 : memref<1x2x128xi32, #tpu.memory_space<hbm>> -> memref<2x128xi32, #tpu.memory_space<hbm>>
        %dma_start3A_267 = arith.constant 0 : i32
        %dma_start3A_268 = arith.constant 0 : i32
        %dma_start3A_269 = tpu.memref_slice %arg2[%add3A_262, %dma_start3A_267, %dma_start3A_268] : memref<2500x2x128xi32, #tpu.memory_space<hbm>> -> memref<1x2x128xi32, #tpu.memory_space<hbm>>
        %dma_start3A_270 = tpu.memref_squeeze %dma_start3A_269 : memref<1x2x128xi32, #tpu.memory_space<hbm>> -> memref<2x128xi32, #tpu.memory_space<hbm>>
        tpu.enqueue_dma source(%dma_start3A_270 : memref<2x128xi32, #tpu.memory_space<hbm>>) target(%arg6 : memref<2x128xi32, #tpu.memory_space<vmem>>) target_semaphore(%arg12 : memref<!tpu.dma_semaphore, #tpu.memory_space<semaphore_mem>>)
        %dma_start3A_271 = arith.constant 1 : i32
        %dma_start3A_272 = arith.constant 0 : i32
        %dma_start3A_273 = tpu.memref_slice %arg7[%dma_start3A_271, %dma_start3A_272] : memref<2x128xi32, #tpu.memory_space<vmem>> -> memref<1x128xi32, #tpu.memory_space<vmem>>
        %dma_start3A_274 = tpu.memref_squeeze %dma_start3A_273 : memref<1x128xi32, #tpu.memory_space<vmem>> -> memref<128xi32, #tpu.memory_space<vmem>>
        %dma_start3A_275 = arith.constant 0 : i32
        %dma_start3A_276 = arith.constant 0 : i32
        %dma_start3A_277 = tpu.memref_slice %arg11[%dma_start3A_275, %dma_start3A_276] : memref<10000x16xf32, #tpu.memory_space<vmem_shared>> -> memref<10000x16xf32, #tpu.memory_space<vmem_shared>>
        tpu.enqueue_indirect_dma source(%arg10 : memref<128x16xf32, #tpu.memory_space<vmem>>) target(%dma_start3A_277 : memref<10000x16xf32, #tpu.memory_space<vmem_shared>>) offsets(%dma_start3A_274 : memref<128xi32, #tpu.memory_space<vmem>>) semaphore(%arg14 : memref<!tpu.dma_semaphore, #tpu.memory_space<semaphore_mem>>) {add = true}
        %dma_start3A_278 = arith.constant 1 : i32
        %dma_start3A_279 = arith.constant 0 : i32
        %dma_start3A_280 = tpu.memref_slice %arg8[%dma_start3A_278, %dma_start3A_279] : memref<2x128xi32, #tpu.memory_space<vmem>> -> memref<1x128xi32, #tpu.memory_space<vmem>>
        %dma_start3A_281 = tpu.memref_squeeze %dma_start3A_280 : memref<1x128xi32, #tpu.memory_space<vmem>> -> memref<128xi32, #tpu.memory_space<vmem>>
        %dma_start3A_282 = arith.constant 0 : i32
        %dma_start3A_283 = arith.constant 0 : i32
        %dma_start3A_284 = tpu.memref_slice %arg11[%dma_start3A_282, %dma_start3A_283] : memref<10000x16xf32, #tpu.memory_space<vmem_shared>> -> memref<10000x16xf32, #tpu.memory_space<vmem_shared>>
        tpu.enqueue_indirect_dma source(%arg10 : memref<128x16xf32, #tpu.memory_space<vmem>>) target(%dma_start3A_284 : memref<10000x16xf32, #tpu.memory_space<vmem_shared>>) offsets(%dma_start3A_281 : memref<128xi32, #tpu.memory_space<vmem>>) semaphore(%arg14 : memref<!tpu.dma_semaphore, #tpu.memory_space<semaphore_mem>>) {add = true}
        %dma_start3A_285 = arith.constant 1 : i32
        %dma_start3A_286 = arith.constant 0 : i32
        %dma_start3A_287 = tpu.memref_slice %arg9[%dma_start3A_285, %dma_start3A_286] : memref<2x128xi32, #tpu.memory_space<vmem>> -> memref<1x128xi32, #tpu.memory_space<vmem>>
        %dma_start3A_288 = tpu.memref_squeeze %dma_start3A_287 : memref<1x128xi32, #tpu.memory_space<vmem>> -> memref<128xi32, #tpu.memory_space<vmem>>
        %dma_start3A_289 = arith.constant 0 : i32
        %dma_start3A_290 = arith.constant 0 : i32
        %dma_start3A_291 = tpu.memref_slice %arg11[%dma_start3A_289, %dma_start3A_290] : memref<10000x16xf32, #tpu.memory_space<vmem_shared>> -> memref<10000x16xf32, #tpu.memory_space<vmem_shared>>
        tpu.enqueue_indirect_dma source(%arg10 : memref<128x16xf32, #tpu.memory_space<vmem>>) target(%dma_start3A_291 : memref<10000x16xf32, #tpu.memory_space<vmem_shared>>) offsets(%dma_start3A_288 : memref<128xi32, #tpu.memory_space<vmem>>) semaphore(%arg14 : memref<!tpu.dma_semaphore, #tpu.memory_space<semaphore_mem>>) {add = true}
        %dma_wait3A_292 = arith.constant 1 : i32
        %dma_wait3A_293 = arith.constant 0 : i32
        %dma_wait3A_294 = tpu.memref_slice %arg7[%dma_wait3A_292, %dma_wait3A_293] : memref<2x128xi32, #tpu.memory_space<vmem>> -> memref<1x128xi32, #tpu.memory_space<vmem>>
        %dma_wait3A_295 = tpu.memref_squeeze %dma_wait3A_294 : memref<1x128xi32, #tpu.memory_space<vmem>> -> memref<128xi32, #tpu.memory_space<vmem>>
        %dma_wait3A_296 = arith.constant 0 : i32
        %dma_wait3A_297 = arith.constant 0 : i32
        %dma_wait3A_298 = tpu.memref_slice %arg11[%dma_wait3A_296, %dma_wait3A_297] : memref<10000x16xf32, #tpu.memory_space<vmem_shared>> -> memref<10000x16xf32, #tpu.memory_space<vmem_shared>>
        tpu.wait_indirect_dma semaphore(%arg14 : memref<!tpu.dma_semaphore, #tpu.memory_space<semaphore_mem>>) src(%arg10 : memref<128x16xf32, #tpu.memory_space<vmem>>) dst(%dma_wait3A_298 : memref<10000x16xf32, #tpu.memory_space<vmem_shared>>)
        %dma_wait3A_299 = arith.constant 1 : i32
        %dma_wait3A_300 = arith.constant 0 : i32
        %dma_wait3A_301 = tpu.memref_slice %arg8[%dma_wait3A_299, %dma_wait3A_300] : memref<2x128xi32, #tpu.memory_space<vmem>> -> memref<1x128xi32, #tpu.memory_space<vmem>>
        %dma_wait3A_302 = tpu.memref_squeeze %dma_wait3A_301 : memref<1x128xi32, #tpu.memory_space<vmem>> -> memref<128xi32, #tpu.memory_space<vmem>>
        %dma_wait3A_303 = arith.constant 0 : i32
        %dma_wait3A_304 = arith.constant 0 : i32
        %dma_wait3A_305 = tpu.memref_slice %arg11[%dma_wait3A_303, %dma_wait3A_304] : memref<10000x16xf32, #tpu.memory_space<vmem_shared>> -> memref<10000x16xf32, #tpu.memory_space<vmem_shared>>
        tpu.wait_indirect_dma semaphore(%arg14 : memref<!tpu.dma_semaphore, #tpu.memory_space<semaphore_mem>>) src(%arg10 : memref<128x16xf32, #tpu.memory_space<vmem>>) dst(%dma_wait3A_305 : memref<10000x16xf32, #tpu.memory_space<vmem_shared>>)
        %dma_wait3A_306 = arith.constant 1 : i32
        %dma_wait3A_307 = arith.constant 0 : i32
        %dma_wait3A_308 = tpu.memref_slice %arg9[%dma_wait3A_306, %dma_wait3A_307] : memref<2x128xi32, #tpu.memory_space<vmem>> -> memref<1x128xi32, #tpu.memory_space<vmem>>
        %dma_wait3A_309 = tpu.memref_squeeze %dma_wait3A_308 : memref<1x128xi32, #tpu.memory_space<vmem>> -> memref<128xi32, #tpu.memory_space<vmem>>
        %dma_wait3A_310 = arith.constant 0 : i32
        %dma_wait3A_311 = arith.constant 0 : i32
        %dma_wait3A_312 = tpu.memref_slice %arg11[%dma_wait3A_310, %dma_wait3A_311] : memref<10000x16xf32, #tpu.memory_space<vmem_shared>> -> memref<10000x16xf32, #tpu.memory_space<vmem_shared>>
        tpu.wait_indirect_dma semaphore(%arg14 : memref<!tpu.dma_semaphore, #tpu.memory_space<semaphore_mem>>) src(%arg10 : memref<128x16xf32, #tpu.memory_space<vmem>>) dst(%dma_wait3A_312 : memref<10000x16xf32, #tpu.memory_space<vmem_shared>>)
      } else {
      }
      %eq3A_219 = arith.constant 12 : i32
      %eq3A_220 = arith.cmpi eq, %add3A_73, %eq3A_219 : i32
      %convert_element_type3A_221 = arith.extui %eq3A_220 : i1 to i32
      %cond3A_222 = arith.constant 0 : i32
      %cond3A_223 = arith.cmpi ne, %convert_element_type3A_221, %cond3A_222 : i32
      scf.if %cond3A_223 {
        %mul3A_224 = arith.constant 2 : i32
        %mul3A_225 = arith.muli %mul3A_224, %add3A_73 : i32
        %add3A_226 = arith.constant 1 : i32
        %add3A_227 = arith.addi %mul3A_225, %add3A_226 : i32
        %dma_start3A_228 = arith.constant 1 : i32
        %dma_start3A_229 = arith.constant 0 : i32
        %dma_start3A_230 = tpu.memref_slice %arg7[%dma_start3A_228, %dma_start3A_229] : memref<2x128xi32, #tpu.memory_space<vmem>> -> memref<1x128xi32, #tpu.memory_space<vmem>>
        %dma_start3A_231 = tpu.memref_squeeze %dma_start3A_230 : memref<1x128xi32, #tpu.memory_space<vmem>> -> memref<128xi32, #tpu.memory_space<vmem>>
        %dma_start3A_232 = arith.constant 0 : i32
        %dma_start3A_233 = arith.constant 0 : i32
        %dma_start3A_234 = tpu.memref_slice %arg11[%dma_start3A_232, %dma_start3A_233] : memref<10000x16xf32, #tpu.memory_space<vmem_shared>> -> memref<10000x16xf32, #tpu.memory_space<vmem_shared>>
        tpu.enqueue_indirect_dma source(%arg10 : memref<128x16xf32, #tpu.memory_space<vmem>>) target(%dma_start3A_234 : memref<10000x16xf32, #tpu.memory_space<vmem_shared>>) offsets(%dma_start3A_231 : memref<128xi32, #tpu.memory_space<vmem>>) semaphore(%arg14 : memref<!tpu.dma_semaphore, #tpu.memory_space<semaphore_mem>>) {add = true}
        %dma_start3A_235 = arith.constant 1 : i32
        %dma_start3A_236 = arith.constant 0 : i32
        %dma_start3A_237 = tpu.memref_slice %arg8[%dma_start3A_235, %dma_start3A_236] : memref<2x128xi32, #tpu.memory_space<vmem>> -> memref<1x128xi32, #tpu.memory_space<vmem>>
        %dma_start3A_238 = tpu.memref_squeeze %dma_start3A_237 : memref<1x128xi32, #tpu.memory_space<vmem>> -> memref<128xi32, #tpu.memory_space<vmem>>
        %dma_start3A_239 = arith.constant 0 : i32
        %dma_start3A_240 = arith.constant 0 : i32
        %dma_start3A_241 = tpu.memref_slice %arg11[%dma_start3A_239, %dma_start3A_240] : memref<10000x16xf32, #tpu.memory_space<vmem_shared>> -> memref<10000x16xf32, #tpu.memory_space<vmem_shared>>
        tpu.enqueue_indirect_dma source(%arg10 : memref<128x16xf32, #tpu.memory_space<vmem>>) target(%dma_start3A_241 : memref<10000x16xf32, #tpu.memory_space<vmem_shared>>) offsets(%dma_start3A_238 : memref<128xi32, #tpu.memory_space<vmem>>) semaphore(%arg14 : memref<!tpu.dma_semaphore, #tpu.memory_space<semaphore_mem>>) {add = true}
        %dma_start3A_242 = arith.constant 1 : i32
        %dma_start3A_243 = arith.constant 0 : i32
        %dma_start3A_244 = tpu.memref_slice %arg9[%dma_start3A_242, %dma_start3A_243] : memref<2x128xi32, #tpu.memory_space<vmem>> -> memref<1x128xi32, #tpu.memory_space<vmem>>
        %dma_start3A_245 = tpu.memref_squeeze %dma_start3A_244 : memref<1x128xi32, #tpu.memory_space<vmem>> -> memref<128xi32, #tpu.memory_space<vmem>>
        %dma_start3A_246 = arith.constant 0 : i32
        %dma_start3A_247 = arith.constant 0 : i32
        %dma_start3A_248 = tpu.memref_slice %arg11[%dma_start3A_246, %dma_start3A_247] : memref<10000x16xf32, #tpu.memory_space<vmem_shared>> -> memref<10000x16xf32, #tpu.memory_space<vmem_shared>>
        tpu.enqueue_indirect_dma source(%arg10 : memref<128x16xf32, #tpu.memory_space<vmem>>) target(%dma_start3A_248 : memref<10000x16xf32, #tpu.memory_space<vmem_shared>>) offsets(%dma_start3A_245 : memref<128xi32, #tpu.memory_space<vmem>>) semaphore(%arg14 : memref<!tpu.dma_semaphore, #tpu.memory_space<semaphore_mem>>) {add = true}
        %dma_wait3A_249 = arith.constant 1 : i32
        %dma_wait3A_250 = arith.constant 0 : i32
        %dma_wait3A_251 = tpu.memref_slice %arg7[%dma_wait3A_249, %dma_wait3A_250] : memref<2x128xi32, #tpu.memory_space<vmem>> -> memref<1x128xi32, #tpu.memory_space<vmem>>
        %dma_wait3A_252 = tpu.memref_squeeze %dma_wait3A_251 : memref<1x128xi32, #tpu.memory_space<vmem>> -> memref<128xi32, #tpu.memory_space<vmem>>
        %dma_wait3A_253 = arith.constant 0 : i32
        %dma_wait3A_254 = arith.constant 0 : i32
        %dma_wait3A_255 = tpu.memref_slice %arg11[%dma_wait3A_253, %dma_wait3A_254] : memref<10000x16xf32, #tpu.memory_space<vmem_shared>> -> memref<10000x16xf32, #tpu.memory_space<vmem_shared>>
        tpu.wait_indirect_dma semaphore(%arg14 : memref<!tpu.dma_semaphore, #tpu.memory_space<semaphore_mem>>) src(%arg10 : memref<128x16xf32, #tpu.memory_space<vmem>>) dst(%dma_wait3A_255 : memref<10000x16xf32, #tpu.memory_space<vmem_shared>>)
        %dma_wait3A_256 = arith.constant 1 : i32
        %dma_wait3A_257 = arith.constant 0 : i32
        %dma_wait3A_258 = tpu.memref_slice %arg8[%dma_wait3A_256, %dma_wait3A_257] : memref<2x128xi32, #tpu.memory_space<vmem>> -> memref<1x128xi32, #tpu.memory_space<vmem>>
        %dma_wait3A_259 = tpu.memref_squeeze %dma_wait3A_258 : memref<1x128xi32, #tpu.memory_space<vmem>> -> memref<128xi32, #tpu.memory_space<vmem>>
        %dma_wait3A_260 = arith.constant 0 : i32
        %dma_wait3A_261 = arith.constant 0 : i32
        %dma_wait3A_262 = tpu.memref_slice %arg11[%dma_wait3A_260, %dma_wait3A_261] : memref<10000x16xf32, #tpu.memory_space<vmem_shared>> -> memref<10000x16xf32, #tpu.memory_space<vmem_shared>>
        tpu.wait_indirect_dma semaphore(%arg14 : memref<!tpu.dma_semaphore, #tpu.memory_space<semaphore_mem>>) src(%arg10 : memref<128x16xf32, #tpu.memory_space<vmem>>) dst(%dma_wait3A_262 : memref<10000x16xf32, #tpu.memory_space<vmem_shared>>)
        %dma_wait3A_263 = arith.constant 1 : i32
        %dma_wait3A_264 = arith.constant 0 : i32
        %dma_wait3A_265 = tpu.memref_slice %arg9[%dma_wait3A_263, %dma_wait3A_264] : memref<2x128xi32, #tpu.memory_space<vmem>> -> memref<1x128xi32, #tpu.memory_space<vmem>>
        %dma_wait3A_266 = tpu.memref_squeeze %dma_wait3A_265 : memref<1x128xi32, #tpu.memory_space<vmem>> -> memref<128xi32, #tpu.memory_space<vmem>>
        %dma_wait3A_267 = arith.constant 0 : i32
        %dma_wait3A_268 = arith.constant 0 : i32
        %dma_wait3A_269 = tpu.memref_slice %arg11[%dma_wait3A_267, %dma_wait3A_268] : memref<10000x16xf32, #tpu.memory_space<vmem_shared>> -> memref<10000x16xf32, #tpu.memory_space<vmem_shared>>
        tpu.wait_indirect_dma semaphore(%arg14 : memref<!tpu.dma_semaphore, #tpu.memory_space<semaphore_mem>>) src(%arg10 : memref<128x16xf32, #tpu.memory_space<vmem>>) dst(%dma_wait3A_269 : memref<10000x16xf32, #tpu.memory_space<vmem_shared>>)
      } else {
      }
    }
    %scan3A_52 = arith.constant 13 : i32
    %lt3A = arith.constant 4 : i32
    %lt3A_53 = arith.cmpi slt, %add3A, %lt3A : i32
    %convert_element_type3A_54 = arith.extui %lt3A_53 : i1 to i32
    %cond3A_55 = arith.constant 0 : i32
    %cond3A_56 = arith.cmpi ne, %convert_element_type3A_54, %cond3A_55 : i32
    scf.if %cond3A_56 {
      %add3A_69 = arith.constant 2496 : i32
      %add3A_70 = arith.addi %add3A_69, %add3A : i32
      %dma_start3A_71 = arith.constant 0 : i32
      %dma_start3A_72 = arith.constant 0 : i32
      %dma_start3A_73 = tpu.memref_slice %arg2[%add3A_70, %dma_start3A_71, %dma_start3A_72] : memref<2500x2x128xi32, #tpu.memory_space<hbm>> -> memref<1x2x128xi32, #tpu.memory_space<hbm>>
      %dma_start3A_74 = tpu.memref_squeeze %dma_start3A_73 : memref<1x2x128xi32, #tpu.memory_space<hbm>> -> memref<2x128xi32, #tpu.memory_space<hbm>>
      %dma_start3A_75 = arith.constant 0 : i32
      %dma_start3A_76 = arith.constant 0 : i32
      %dma_start3A_77 = tpu.memref_slice %arg2[%add3A_70, %dma_start3A_75, %dma_start3A_76] : memref<2500x2x128xi32, #tpu.memory_space<hbm>> -> memref<1x2x128xi32, #tpu.memory_space<hbm>>
      %dma_start3A_78 = tpu.memref_squeeze %dma_start3A_77 : memref<1x2x128xi32, #tpu.memory_space<hbm>> -> memref<2x128xi32, #tpu.memory_space<hbm>>
      tpu.enqueue_dma source(%dma_start3A_78 : memref<2x128xi32, #tpu.memory_space<hbm>>) target(%arg4 : memref<2x128xi32, #tpu.memory_space<vmem>>) target_semaphore(%arg12 : memref<!tpu.dma_semaphore, #tpu.memory_space<semaphore_mem>>)
      %dma_wait3A = arith.constant 0 : i32
      %dma_wait3A_79 = arith.constant 0 : i32
      %dma_wait3A_80 = tpu.memref_slice %arg2[%add3A_70, %dma_wait3A, %dma_wait3A_79] : memref<2500x2x128xi32, #tpu.memory_space<hbm>> -> memref<1x2x128xi32, #tpu.memory_space<hbm>>
      %dma_wait3A_81 = tpu.memref_squeeze %dma_wait3A_80 : memref<1x2x128xi32, #tpu.memory_space<hbm>> -> memref<2x128xi32, #tpu.memory_space<hbm>>
      %dma_wait3A_82 = arith.constant 0 : i32
      %dma_wait3A_83 = arith.constant 0 : i32
      %dma_wait3A_84 = tpu.memref_slice %arg2[%add3A_70, %dma_wait3A_82, %dma_wait3A_83] : memref<2500x2x128xi32, #tpu.memory_space<hbm>> -> memref<1x2x128xi32, #tpu.memory_space<hbm>>
      %dma_wait3A_85 = tpu.memref_squeeze %dma_wait3A_84 : memref<1x2x128xi32, #tpu.memory_space<hbm>> -> memref<2x128xi32, #tpu.memory_space<hbm>>
      tpu.wait_dma2 semaphore(%arg12 : memref<!tpu.dma_semaphore, #tpu.memory_space<semaphore_mem>>) src(%dma_wait3A_85 : memref<2x128xi32, #tpu.memory_space<hbm>>) dst(%arg4 : memref<2x128xi32, #tpu.memory_space<vmem>>)
      %dma_start3A_86 = arith.constant 1 : i32
      %dma_start3A_87 = arith.constant 0 : i32
      %dma_start3A_88 = tpu.memref_slice %arg4[%dma_start3A_86, %dma_start3A_87] : memref<2x128xi32, #tpu.memory_space<vmem>> -> memref<1x128xi32, #tpu.memory_space<vmem>>
      %dma_start3A_89 = tpu.memref_squeeze %dma_start3A_88 : memref<1x128xi32, #tpu.memory_space<vmem>> -> memref<128xi32, #tpu.memory_space<vmem>>
      %dma_start3A_90 = arith.constant 0 : i32
      %dma_start3A_91 = arith.constant 0 : i32
      %dma_start3A_92 = tpu.memref_slice %arg11[%dma_start3A_90, %dma_start3A_91] : memref<10000x16xf32, #tpu.memory_space<vmem_shared>> -> memref<10000x16xf32, #tpu.memory_space<vmem_shared>>
      tpu.enqueue_indirect_dma source(%arg10 : memref<128x16xf32, #tpu.memory_space<vmem>>) target(%dma_start3A_92 : memref<10000x16xf32, #tpu.memory_space<vmem_shared>>) offsets(%dma_start3A_89 : memref<128xi32, #tpu.memory_space<vmem>>) semaphore(%arg14 : memref<!tpu.dma_semaphore, #tpu.memory_space<semaphore_mem>>) {add = true}
      %dma_wait3A_93 = arith.constant 1 : i32
      %dma_wait3A_94 = arith.constant 0 : i32
      %dma_wait3A_95 = tpu.memref_slice %arg4[%dma_wait3A_93, %dma_wait3A_94] : memref<2x128xi32, #tpu.memory_space<vmem>> -> memref<1x128xi32, #tpu.memory_space<vmem>>
      %dma_wait3A_96 = tpu.memref_squeeze %dma_wait3A_95 : memref<1x128xi32, #tpu.memory_space<vmem>> -> memref<128xi32, #tpu.memory_space<vmem>>
      %dma_wait3A_97 = arith.constant 0 : i32
      %dma_wait3A_98 = arith.constant 0 : i32
      %dma_wait3A_99 = tpu.memref_slice %arg11[%dma_wait3A_97, %dma_wait3A_98] : memref<10000x16xf32, #tpu.memory_space<vmem_shared>> -> memref<10000x16xf32, #tpu.memory_space<vmem_shared>>
      tpu.wait_indirect_dma semaphore(%arg14 : memref<!tpu.dma_semaphore, #tpu.memory_space<semaphore_mem>>) src(%arg10 : memref<128x16xf32, #tpu.memory_space<vmem>>) dst(%dma_wait3A_99 : memref<10000x16xf32, #tpu.memory_space<vmem_shared>>)
    } else {
    }
    %barrier3A_57 = arith.constant 0 : index
    tpu.barrier barrier_id(%barrier3A_57)
    %mul3A_58 = arith.constant 624 : i32
    %mul3A_59 = arith.muli %arg1, %mul3A_58 : i32
    %mul3A_60 = arith.constant 624 : i32
    %mul3A_61 = arith.muli %arg1, %mul3A_60 : i32
    %mul3A_62 = arith.constant 16 : i32
    %mul3A_63 = arith.muli %arg0, %mul3A_62 : i32
    "tpu.region"() ({
      %run_scoped3A = tpu.sem_alloc : memref<!tpu.dma_semaphore, #tpu.memory_space<semaphore_mem>>
      %dma_start3A_69 = tpu.memref_slice %arg3[%mul3A_61, %mul3A_63] : memref<10000x128xf32, #tpu.memory_space<hbm>> -> memref<624x16xf32, #tpu.memory_space<hbm>>
      %dma_start3A_70 = arith.constant 0 : i32
      %dma_start3A_71 = tpu.memref_slice %arg11[%mul3A_59, %dma_start3A_70] : memref<10000x16xf32, #tpu.memory_space<vmem_shared>> -> memref<624x16xf32, #tpu.memory_space<vmem_shared>>
      tpu.enqueue_dma source(%dma_start3A_71 : memref<624x16xf32, #tpu.memory_space<vmem_shared>>) target(%dma_start3A_69 : memref<624x16xf32, #tpu.memory_space<hbm>>) target_semaphore(%run_scoped3A : memref<!tpu.dma_semaphore, #tpu.memory_space<semaphore_mem>>)
      %dma_wait3A = tpu.memref_slice %arg3[%mul3A_61, %mul3A_63] : memref<10000x128xf32, #tpu.memory_space<hbm>> -> memref<624x16xf32, #tpu.memory_space<hbm>>
      %dma_wait3A_72 = arith.constant 0 : i32
      %dma_wait3A_73 = tpu.memref_slice %arg11[%mul3A_59, %dma_wait3A_72] : memref<10000x16xf32, #tpu.memory_space<vmem_shared>> -> memref<624x16xf32, #tpu.memory_space<vmem_shared>>
      tpu.wait_dma2 semaphore(%run_scoped3A : memref<!tpu.dma_semaphore, #tpu.memory_space<semaphore_mem>>) src(%dma_wait3A_73 : memref<624x16xf32, #tpu.memory_space<vmem_shared>>) dst(%dma_wait3A : memref<624x16xf32, #tpu.memory_space<hbm>>)
      tpu.yield
    }) : () -> ()
    %eq3A_64 = arith.constant 0 : i32
    %eq3A_65 = arith.cmpi eq, %arg1, %eq3A_64 : i32
    %convert_element_type3A_66 = arith.extui %eq3A_65 : i1 to i32
    %cond3A_67 = arith.constant 0 : i32
    %cond3A_68 = arith.cmpi ne, %convert_element_type3A_66, %cond3A_67 : i32
    scf.if %cond3A_68 {
      %mul3A_69 = arith.constant 16 : i32
      %mul3A_70 = arith.muli %arg0, %mul3A_69 : i32
      "tpu.region"() ({
        %run_scoped3A = tpu.sem_alloc : memref<!tpu.dma_semaphore, #tpu.memory_space<semaphore_mem>>
        %dma_start3A_71 = arith.constant 9984 : i32
        %dma_start3A_72 = tpu.memref_slice %arg3[%dma_start3A_71, %mul3A_70] : memref<10000x128xf32, #tpu.memory_space<hbm>> -> memref<16x16xf32, #tpu.memory_space<hbm>>
        %dma_start3A_73 = arith.constant 9984 : i32
        %dma_start3A_74 = arith.constant 0 : i32
        %dma_start3A_75 = tpu.memref_slice %arg11[%dma_start3A_73, %dma_start3A_74] : memref<10000x16xf32, #tpu.memory_space<vmem_shared>> -> memref<16x16xf32, #tpu.memory_space<vmem_shared>>
        tpu.enqueue_dma source(%dma_start3A_75 : memref<16x16xf32, #tpu.memory_space<vmem_shared>>) target(%dma_start3A_72 : memref<16x16xf32, #tpu.memory_space<hbm>>) target_semaphore(%run_scoped3A : memref<!tpu.dma_semaphore, #tpu.memory_space<semaphore_mem>>)
        %dma_wait3A = arith.constant 9984 : i32
        %dma_wait3A_76 = tpu.memref_slice %arg3[%dma_wait3A, %mul3A_70] : memref<10000x128xf32, #tpu.memory_space<hbm>> -> memref<16x16xf32, #tpu.memory_space<hbm>>
        %dma_wait3A_77 = arith.constant 9984 : i32
        %dma_wait3A_78 = arith.constant 0 : i32
        %dma_wait3A_79 = tpu.memref_slice %arg11[%dma_wait3A_77, %dma_wait3A_78] : memref<10000x16xf32, #tpu.memory_space<vmem_shared>> -> memref<16x16xf32, #tpu.memory_space<vmem_shared>>
        tpu.wait_dma2 semaphore(%run_scoped3A : memref<!tpu.dma_semaphore, #tpu.memory_space<semaphore_mem>>) src(%dma_wait3A_79 : memref<16x16xf32, #tpu.memory_space<vmem_shared>>) dst(%dma_wait3A_76 : memref<16x16xf32, #tpu.memory_space<hbm>>)
        tpu.yield
      }) : () -> ()
    } else {
    }
    return
  }
}

#map = affine_map<(d0, d1) -> (0, 0)>
#map1 = affine_map<(d0, d1) -> (0, 0, 0)>
module attributes {stable_mosaic.version = 14 : i64} {
  func.func @k(%arg0: i32, %arg1: i32, %arg2: memref<10000x64xf32, #tpu.memory_space<hbm>>, %arg3: memref<2500x2x128xi32, #tpu.memory_space<hbm>>, %arg4: memref<10000x128xf32, #tpu.memory_space<hbm>>, %arg5: memref<2x128xi32, #tpu.memory_space<vmem>>, %arg6: memref<2x128xi32, #tpu.memory_space<vmem>>, %arg7: memref<2x128xi32, #tpu.memory_space<vmem>>, %arg8: memref<2x128xi32, #tpu.memory_space<vmem>>, %arg9: memref<2x128xi32, #tpu.memory_space<vmem>>, %arg10: memref<2x128xi32, #tpu.memory_space<vmem>>, %arg11: memref<128x64xf32, #tpu.memory_space<vmem>>, %arg12: memref<128x64xf32, #tpu.memory_space<vmem>>, %arg13: memref<128x64xf32, #tpu.memory_space<vmem>>, %arg14: memref<10000x64xf32, #tpu.memory_space<vmem_shared>>, %arg15: memref<10000x64xf32, #tpu.memory_space<vmem_shared>>, %arg16: memref<!tpu.dma_semaphore, #tpu.memory_space<semaphore_mem>>, %arg17: memref<!tpu.dma_semaphore, #tpu.memory_space<semaphore_mem>>, %arg18: memref<3x!tpu.dma_semaphore, #tpu.memory_space<semaphore_mem>>, %arg19: memref<!tpu.dma_semaphore, #tpu.memory_space<semaphore_mem>>) attributes {dimension_semantics = [#tpu.dimension_semantics<core_parallel>, #tpu.dimension_semantics<subcore_parallel>], iteration_bounds = array<i64: 2, 16>, scalar_prefetch = 0 : i64, scratch_operands = 15 : i64, tpu.core_type = #tpu.core_type<sc_vector_subcore>, window_params = [{transform_indices = #map}, {transform_indices = #map1}, {transform_indices = #map}]} {
    %mul3A = arith.constant 2 : i32
    %mul3A_0 = arith.muli %arg1, %mul3A : i32
    %add3A = arith.addi %mul3A_0, %arg0 : i32
    %mul3A_1 = arith.constant 78 : i32
    %mul3A_2 = arith.muli %add3A, %mul3A_1 : i32
    %add3A_3 = arith.constant 0 : i32
    %add3A_4 = arith.addi %mul3A_2, %add3A_3 : i32
    %dma_start3A = arith.constant 0 : i32
    %dma_start3A_5 = arith.constant 0 : i32
    %dma_start3A_6 = tpu.memref_slice %arg3[%add3A_4, %dma_start3A, %dma_start3A_5] : memref<2500x2x128xi32, #tpu.memory_space<hbm>> -> memref<1x2x128xi32, #tpu.memory_space<hbm>>
    %dma_start3A_7 = tpu.memref_squeeze %dma_start3A_6 : memref<1x2x128xi32, #tpu.memory_space<hbm>> -> memref<2x128xi32, #tpu.memory_space<hbm>>
    %dma_start3A_8 = arith.constant 0 : i32
    %dma_start3A_9 = arith.constant 0 : i32
    %dma_start3A_10 = tpu.memref_slice %arg3[%add3A_4, %dma_start3A_8, %dma_start3A_9] : memref<2500x2x128xi32, #tpu.memory_space<hbm>> -> memref<1x2x128xi32, #tpu.memory_space<hbm>>
    %dma_start3A_11 = tpu.memref_squeeze %dma_start3A_10 : memref<1x2x128xi32, #tpu.memory_space<hbm>> -> memref<2x128xi32, #tpu.memory_space<hbm>>
    tpu.enqueue_dma source(%dma_start3A_11 : memref<2x128xi32, #tpu.memory_space<hbm>>) target(%arg5 : memref<2x128xi32, #tpu.memory_space<vmem>>) target_semaphore(%arg16 : memref<!tpu.dma_semaphore, #tpu.memory_space<semaphore_mem>>)
    %add3A_12 = arith.constant 1 : i32
    %add3A_13 = arith.addi %mul3A_2, %add3A_12 : i32
    %dma_start3A_14 = arith.constant 0 : i32
    %dma_start3A_15 = arith.constant 0 : i32
    %dma_start3A_16 = tpu.memref_slice %arg3[%add3A_13, %dma_start3A_14, %dma_start3A_15] : memref<2500x2x128xi32, #tpu.memory_space<hbm>> -> memref<1x2x128xi32, #tpu.memory_space<hbm>>
    %dma_start3A_17 = tpu.memref_squeeze %dma_start3A_16 : memref<1x2x128xi32, #tpu.memory_space<hbm>> -> memref<2x128xi32, #tpu.memory_space<hbm>>
    %dma_start3A_18 = arith.constant 0 : i32
    %dma_start3A_19 = arith.constant 0 : i32
    %dma_start3A_20 = tpu.memref_slice %arg3[%add3A_13, %dma_start3A_18, %dma_start3A_19] : memref<2500x2x128xi32, #tpu.memory_space<hbm>> -> memref<1x2x128xi32, #tpu.memory_space<hbm>>
    %dma_start3A_21 = tpu.memref_squeeze %dma_start3A_20 : memref<1x2x128xi32, #tpu.memory_space<hbm>> -> memref<2x128xi32, #tpu.memory_space<hbm>>
    tpu.enqueue_dma source(%dma_start3A_21 : memref<2x128xi32, #tpu.memory_space<hbm>>) target(%arg6 : memref<2x128xi32, #tpu.memory_space<vmem>>) target_semaphore(%arg16 : memref<!tpu.dma_semaphore, #tpu.memory_space<semaphore_mem>>)
    %add3A_22 = arith.constant 2 : i32
    %add3A_23 = arith.addi %mul3A_2, %add3A_22 : i32
    %dma_start3A_24 = arith.constant 0 : i32
    %dma_start3A_25 = arith.constant 0 : i32
    %dma_start3A_26 = tpu.memref_slice %arg3[%add3A_23, %dma_start3A_24, %dma_start3A_25] : memref<2500x2x128xi32, #tpu.memory_space<hbm>> -> memref<1x2x128xi32, #tpu.memory_space<hbm>>
    %dma_start3A_27 = tpu.memref_squeeze %dma_start3A_26 : memref<1x2x128xi32, #tpu.memory_space<hbm>> -> memref<2x128xi32, #tpu.memory_space<hbm>>
    %dma_start3A_28 = arith.constant 0 : i32
    %dma_start3A_29 = arith.constant 0 : i32
    %dma_start3A_30 = tpu.memref_slice %arg3[%add3A_23, %dma_start3A_28, %dma_start3A_29] : memref<2500x2x128xi32, #tpu.memory_space<hbm>> -> memref<1x2x128xi32, #tpu.memory_space<hbm>>
    %dma_start3A_31 = tpu.memref_squeeze %dma_start3A_30 : memref<1x2x128xi32, #tpu.memory_space<hbm>> -> memref<2x128xi32, #tpu.memory_space<hbm>>
    tpu.enqueue_dma source(%dma_start3A_31 : memref<2x128xi32, #tpu.memory_space<hbm>>) target(%arg7 : memref<2x128xi32, #tpu.memory_space<vmem>>) target_semaphore(%arg16 : memref<!tpu.dma_semaphore, #tpu.memory_space<semaphore_mem>>)
    %mul3A_32 = arith.constant 624 : i32
    %mul3A_33 = arith.muli %arg1, %mul3A_32 : i32
    %mul3A_34 = arith.constant 624 : i32
    %mul3A_35 = arith.muli %arg1, %mul3A_34 : i32
    "tpu.region"() ({
      %run_scoped3A = tpu.sem_alloc : memref<!tpu.dma_semaphore, #tpu.memory_space<semaphore_mem>>
      %dma_start3A_75 = arith.constant 0 : i32
      %dma_start3A_76 = tpu.memref_slice %arg14[%mul3A_35, %dma_start3A_75] : memref<10000x64xf32, #tpu.memory_space<vmem_shared>> -> memref<624x64xf32, #tpu.memory_space<vmem_shared>>
      %dma_start3A_77 = arith.constant 0 : i32
      %dma_start3A_78 = tpu.memref_slice %arg2[%mul3A_33, %dma_start3A_77] : memref<10000x64xf32, #tpu.memory_space<hbm>> -> memref<624x64xf32, #tpu.memory_space<hbm>>
      tpu.enqueue_dma source(%dma_start3A_78 : memref<624x64xf32, #tpu.memory_space<hbm>>) target(%dma_start3A_76 : memref<624x64xf32, #tpu.memory_space<vmem_shared>>) target_semaphore(%run_scoped3A : memref<!tpu.dma_semaphore, #tpu.memory_space<semaphore_mem>>)
      %dma_wait3A = arith.constant 0 : i32
      %dma_wait3A_79 = tpu.memref_slice %arg14[%mul3A_35, %dma_wait3A] : memref<10000x64xf32, #tpu.memory_space<vmem_shared>> -> memref<624x64xf32, #tpu.memory_space<vmem_shared>>
      %dma_wait3A_80 = arith.constant 0 : i32
      %dma_wait3A_81 = tpu.memref_slice %arg2[%mul3A_33, %dma_wait3A_80] : memref<10000x64xf32, #tpu.memory_space<hbm>> -> memref<624x64xf32, #tpu.memory_space<hbm>>
      tpu.wait_dma2 semaphore(%run_scoped3A : memref<!tpu.dma_semaphore, #tpu.memory_space<semaphore_mem>>) src(%dma_wait3A_81 : memref<624x64xf32, #tpu.memory_space<hbm>>) dst(%dma_wait3A_79 : memref<624x64xf32, #tpu.memory_space<vmem_shared>>)
      tpu.yield
    }) : () -> ()
    %eq3A = arith.constant 0 : i32
    %eq3A_36 = arith.cmpi eq, %arg1, %eq3A : i32
    %convert_element_type3A = arith.extui %eq3A_36 : i1 to i32
    %cond3A = arith.constant 0 : i32
    %cond3A_37 = arith.cmpi ne, %convert_element_type3A, %cond3A : i32
    scf.if %cond3A_37 {
      "tpu.region"() ({
        %run_scoped3A = tpu.sem_alloc : memref<!tpu.dma_semaphore, #tpu.memory_space<semaphore_mem>>
        %dma_start3A_75 = arith.constant 9984 : i32
        %dma_start3A_76 = arith.constant 0 : i32
        %dma_start3A_77 = tpu.memref_slice %arg14[%dma_start3A_75, %dma_start3A_76] : memref<10000x64xf32, #tpu.memory_space<vmem_shared>> -> memref<16x64xf32, #tpu.memory_space<vmem_shared>>
        %dma_start3A_78 = arith.constant 9984 : i32
        %dma_start3A_79 = arith.constant 0 : i32
        %dma_start3A_80 = tpu.memref_slice %arg2[%dma_start3A_78, %dma_start3A_79] : memref<10000x64xf32, #tpu.memory_space<hbm>> -> memref<16x64xf32, #tpu.memory_space<hbm>>
        tpu.enqueue_dma source(%dma_start3A_80 : memref<16x64xf32, #tpu.memory_space<hbm>>) target(%dma_start3A_77 : memref<16x64xf32, #tpu.memory_space<vmem_shared>>) target_semaphore(%run_scoped3A : memref<!tpu.dma_semaphore, #tpu.memory_space<semaphore_mem>>)
        %dma_wait3A = arith.constant 9984 : i32
        %dma_wait3A_81 = arith.constant 0 : i32
        %dma_wait3A_82 = tpu.memref_slice %arg14[%dma_wait3A, %dma_wait3A_81] : memref<10000x64xf32, #tpu.memory_space<vmem_shared>> -> memref<16x64xf32, #tpu.memory_space<vmem_shared>>
        %dma_wait3A_83 = arith.constant 9984 : i32
        %dma_wait3A_84 = arith.constant 0 : i32
        %dma_wait3A_85 = tpu.memref_slice %arg2[%dma_wait3A_83, %dma_wait3A_84] : memref<10000x64xf32, #tpu.memory_space<hbm>> -> memref<16x64xf32, #tpu.memory_space<hbm>>
        tpu.wait_dma2 semaphore(%run_scoped3A : memref<!tpu.dma_semaphore, #tpu.memory_space<semaphore_mem>>) src(%dma_wait3A_85 : memref<16x64xf32, #tpu.memory_space<hbm>>) dst(%dma_wait3A_82 : memref<16x64xf32, #tpu.memory_space<vmem_shared>>)
        tpu.yield
      }) : () -> ()
    } else {
    }
    %scan3A = arith.constant 0 : i32
    %scan3A_38 = arith.constant 104 : i32
    %scan3A_39 = arith.addi %scan3A, %scan3A_38 : i32
    %scan3A_40 = arith.constant 1 : i32
    scf.for %scan3A_75 = %scan3A to %scan3A_39 step %scan3A_40  : i32 {
      %mul3A_76 = arith.constant 1 : i32
      %mul3A_77 = arith.muli %scan3A_75, %mul3A_76 : i32
      %add3A_78 = arith.constant 0 : i32
      %add3A_79 = arith.addi %add3A_78, %mul3A_77 : i32
      %scan3A_80 = arith.constant 0 : i32
      %scan3A_81 = arith.constant 4 : i32
      %scan3A_82 = arith.addi %scan3A_80, %scan3A_81 : i32
      %scan3A_83 = arith.constant 1 : i32
      scf.for %scan3A_85 = %scan3A_80 to %scan3A_82 step %scan3A_83  : i32 {
        %mul3A_86 = arith.constant 1 : i32
        %mul3A_87 = arith.muli %scan3A_85, %mul3A_86 : i32
        %add3A_88 = arith.constant 0 : i32
        %add3A_89 = arith.addi %add3A_88, %mul3A_87 : i32
        %broadcast_in_dim3A = arith.constant 0.000000e+00 : f32
        %broadcast_in_dim3A_90 = vector.broadcast %broadcast_in_dim3A : f32 to vector<16xf32>
        %mul3A_91 = arith.constant 16 : i32
        %mul3A_92 = arith.muli %add3A_89, %mul3A_91 : i32
        %swap3A = arith.index_cast %add3A_79 : i32 to index
        %swap3A_93 = arith.index_cast %mul3A_92 : i32 to index
        %swap3A_94 = tpu.vector_load %arg11[%swap3A, %swap3A_93] {strides = array<i32>} : memref<128x64xf32, #tpu.memory_space<vmem>>, vector<1x16xf32>,
        %swap3A_95 = vector.shape_cast %swap3A_94 : vector<1x16xf32> to vector<16xf32>
        %swap3A_96 = vector.shape_cast %broadcast_in_dim3A_90 : vector<16xf32> to vector<1x16xf32>
        tpu.vector_store %arg11[%swap3A, %swap3A_93], %swap3A_96 {strides = array<i32>} : memref<128x64xf32, #tpu.memory_space<vmem>>, vector<1x16xf32>,
      }
      %scan3A_84 = arith.constant 4 : i32
    }
    %scan3A_41 = arith.constant 104 : i32
    %scan3A_42 = arith.constant 0 : i32
    %scan3A_43 = arith.constant 6 : i32
    %scan3A_44 = arith.addi %scan3A_42, %scan3A_43 : i32
    %scan3A_45 = arith.constant 1 : i32
    scf.for %scan3A_75 = %scan3A_42 to %scan3A_44 step %scan3A_45  : i32 {
      %mul3A_76 = arith.constant 1 : i32
      %mul3A_77 = arith.muli %scan3A_75, %mul3A_76 : i32
      %add3A_78 = arith.constant 0 : i32
      %add3A_79 = arith.addi %add3A_78, %mul3A_77 : i32
      %mul3A_80 = arith.constant 624 : i32
      %mul3A_81 = arith.muli %arg1, %mul3A_80 : i32
      %mul3A_82 = arith.constant 104 : i32
      %mul3A_83 = arith.muli %add3A_79, %mul3A_82 : i32
      %add3A_84 = arith.addi %mul3A_81, %mul3A_83 : i32
      "tpu.region"() ({
        %run_scoped3A = tpu.sem_alloc : memref<!tpu.dma_semaphore, #tpu.memory_space<semaphore_mem>>
        %dma_start3A_85 = arith.constant 0 : i32
        %dma_start3A_86 = arith.constant 0 : i32
        %dma_start3A_87 = tpu.memref_slice %arg11[%dma_start3A_85, %dma_start3A_86] : memref<128x64xf32, #tpu.memory_space<vmem>> -> memref<104x64xf32, #tpu.memory_space<vmem>>
        %dma_start3A_88 = arith.constant 0 : i32
        %dma_start3A_89 = tpu.memref_slice %arg15[%add3A_84, %dma_start3A_88] : memref<10000x64xf32, #tpu.memory_space<vmem_shared>> -> memref<104x64xf32, #tpu.memory_space<vmem_shared>>
        %dma_start3A_90 = arith.constant 0 : i32
        %dma_start3A_91 = tpu.memref_slice %arg15[%add3A_84, %dma_start3A_90] : memref<10000x64xf32, #tpu.memory_space<vmem_shared>> -> memref<104x64xf32, #tpu.memory_space<vmem_shared>>
        %dma_start3A_92 = arith.constant 0 : i32
        %dma_start3A_93 = arith.constant 0 : i32
        %dma_start3A_94 = tpu.memref_slice %arg11[%dma_start3A_92, %dma_start3A_93] : memref<128x64xf32, #tpu.memory_space<vmem>> -> memref<104x64xf32, #tpu.memory_space<vmem>>
        tpu.enqueue_dma source(%dma_start3A_94 : memref<104x64xf32, #tpu.memory_space<vmem>>) target(%dma_start3A_91 : memref<104x64xf32, #tpu.memory_space<vmem_shared>>) target_semaphore(%run_scoped3A : memref<!tpu.dma_semaphore, #tpu.memory_space<semaphore_mem>>)
        %dma_wait3A = arith.constant 0 : i32
        %dma_wait3A_95 = arith.constant 0 : i32
        %dma_wait3A_96 = tpu.memref_slice %arg11[%dma_wait3A, %dma_wait3A_95] : memref<128x64xf32, #tpu.memory_space<vmem>> -> memref<104x64xf32, #tpu.memory_space<vmem>>
        %dma_wait3A_97 = arith.constant 0 : i32
        %dma_wait3A_98 = tpu.memref_slice %arg15[%add3A_84, %dma_wait3A_97] : memref<10000x64xf32, #tpu.memory_space<vmem_shared>> -> memref<104x64xf32, #tpu.memory_space<vmem_shared>>
        %dma_wait3A_99 = arith.constant 0 : i32
        %dma_wait3A_100 = tpu.memref_slice %arg15[%add3A_84, %dma_wait3A_99] : memref<10000x64xf32, #tpu.memory_space<vmem_shared>> -> memref<104x64xf32, #tpu.memory_space<vmem_shared>>
        %dma_wait3A_101 = arith.constant 0 : i32
        %dma_wait3A_102 = arith.constant 0 : i32
        %dma_wait3A_103 = tpu.memref_slice %arg11[%dma_wait3A_101, %dma_wait3A_102] : memref<128x64xf32, #tpu.memory_space<vmem>> -> memref<104x64xf32, #tpu.memory_space<vmem>>
        tpu.wait_dma2 semaphore(%run_scoped3A : memref<!tpu.dma_semaphore, #tpu.memory_space<semaphore_mem>>) src(%dma_wait3A_103 : memref<104x64xf32, #tpu.memory_space<vmem>>) dst(%dma_wait3A_100 : memref<104x64xf32, #tpu.memory_space<vmem_shared>>)
        tpu.yield
      }) : () -> ()
    }
    %scan3A_46 = arith.constant 6 : i32
    %eq3A_47 = arith.constant 0 : i32
    %eq3A_48 = arith.cmpi eq, %arg1, %eq3A_47 : i32
    %convert_element_type3A_49 = arith.extui %eq3A_48 : i1 to i32
    %cond3A_50 = arith.constant 0 : i32
    %cond3A_51 = arith.cmpi ne, %convert_element_type3A_49, %cond3A_50 : i32
    scf.if %cond3A_51 {
      "tpu.region"() ({
        %run_scoped3A = tpu.sem_alloc : memref<!tpu.dma_semaphore, #tpu.memory_space<semaphore_mem>>
        %dma_start3A_75 = arith.constant 0 : i32
        %dma_start3A_76 = arith.constant 0 : i32
        %dma_start3A_77 = tpu.memref_slice %arg11[%dma_start3A_75, %dma_start3A_76] : memref<128x64xf32, #tpu.memory_space<vmem>> -> memref<16x64xf32, #tpu.memory_space<vmem>>
        %dma_start3A_78 = arith.constant 9984 : i32
        %dma_start3A_79 = arith.constant 0 : i32
        %dma_start3A_80 = tpu.memref_slice %arg15[%dma_start3A_78, %dma_start3A_79] : memref<10000x64xf32, #tpu.memory_space<vmem_shared>> -> memref<16x64xf32, #tpu.memory_space<vmem_shared>>
        %dma_start3A_81 = arith.constant 9984 : i32
        %dma_start3A_82 = arith.constant 0 : i32
        %dma_start3A_83 = tpu.memref_slice %arg15[%dma_start3A_81, %dma_start3A_82] : memref<10000x64xf32, #tpu.memory_space<vmem_shared>> -> memref<16x64xf32, #tpu.memory_space<vmem_shared>>
        %dma_start3A_84 = arith.constant 0 : i32
        %dma_start3A_85 = arith.constant 0 : i32
        %dma_start3A_86 = tpu.memref_slice %arg11[%dma_start3A_84, %dma_start3A_85] : memref<128x64xf32, #tpu.memory_space<vmem>> -> memref<16x64xf32, #tpu.memory_space<vmem>>
        tpu.enqueue_dma source(%dma_start3A_86 : memref<16x64xf32, #tpu.memory_space<vmem>>) target(%dma_start3A_83 : memref<16x64xf32, #tpu.memory_space<vmem_shared>>) target_semaphore(%run_scoped3A : memref<!tpu.dma_semaphore, #tpu.memory_space<semaphore_mem>>)
        %dma_wait3A = arith.constant 0 : i32
        %dma_wait3A_87 = arith.constant 0 : i32
        %dma_wait3A_88 = tpu.memref_slice %arg11[%dma_wait3A, %dma_wait3A_87] : memref<128x64xf32, #tpu.memory_space<vmem>> -> memref<16x64xf32, #tpu.memory_space<vmem>>
        %dma_wait3A_89 = arith.constant 9984 : i32
        %dma_wait3A_90 = arith.constant 0 : i32
        %dma_wait3A_91 = tpu.memref_slice %arg15[%dma_wait3A_89, %dma_wait3A_90] : memref<10000x64xf32, #tpu.memory_space<vmem_shared>> -> memref<16x64xf32, #tpu.memory_space<vmem_shared>>
        %dma_wait3A_92 = arith.constant 9984 : i32
        %dma_wait3A_93 = arith.constant 0 : i32
        %dma_wait3A_94 = tpu.memref_slice %arg15[%dma_wait3A_92, %dma_wait3A_93] : memref<10000x64xf32, #tpu.memory_space<vmem_shared>> -> memref<16x64xf32, #tpu.memory_space<vmem_shared>>
        %dma_wait3A_95 = arith.constant 0 : i32
        %dma_wait3A_96 = arith.constant 0 : i32
        %dma_wait3A_97 = tpu.memref_slice %arg11[%dma_wait3A_95, %dma_wait3A_96] : memref<128x64xf32, #tpu.memory_space<vmem>> -> memref<16x64xf32, #tpu.memory_space<vmem>>
        tpu.wait_dma2 semaphore(%run_scoped3A : memref<!tpu.dma_semaphore, #tpu.memory_space<semaphore_mem>>) src(%dma_wait3A_97 : memref<16x64xf32, #tpu.memory_space<vmem>>) dst(%dma_wait3A_94 : memref<16x64xf32, #tpu.memory_space<vmem_shared>>)
        tpu.yield
      }) : () -> ()
    } else {
    }
    %barrier3A = arith.constant 0 : index
    tpu.barrier barrier_id(%barrier3A)
    %scan3A_52 = arith.constant 0 : i32
    %scan3A_53 = arith.constant 13 : i32
    %scan3A_54 = arith.addi %scan3A_52, %scan3A_53 : i32
    %scan3A_55 = arith.constant 1 : i32
    scf.for %scan3A_75 = %scan3A_52 to %scan3A_54 step %scan3A_55  : i32 {
      %mul3A_76 = arith.constant 1 : i32
      %mul3A_77 = arith.muli %scan3A_75, %mul3A_76 : i32
      %add3A_78 = arith.constant 0 : i32
      %add3A_79 = arith.addi %add3A_78, %mul3A_77 : i32
      %dma_wait3A = arith.constant 0 : i32
      %dma_wait3A_80 = arith.constant 0 : i32
      %dma_wait3A_81 = arith.constant 0 : i32
      %dma_wait3A_82 = tpu.memref_slice %arg3[%dma_wait3A, %dma_wait3A_80, %dma_wait3A_81] : memref<2500x2x128xi32, #tpu.memory_space<hbm>> -> memref<1x2x128xi32, #tpu.memory_space<hbm>>
      %dma_wait3A_83 = tpu.memref_squeeze %dma_wait3A_82 : memref<1x2x128xi32, #tpu.memory_space<hbm>> -> memref<2x128xi32, #tpu.memory_space<hbm>>
      %dma_wait3A_84 = arith.constant 0 : i32
      %dma_wait3A_85 = arith.constant 0 : i32
      %dma_wait3A_86 = tpu.memref_slice %arg3[%dma_wait3A, %dma_wait3A_84, %dma_wait3A_85] : memref<2500x2x128xi32, #tpu.memory_space<hbm>> -> memref<1x2x128xi32, #tpu.memory_space<hbm>>
      %dma_wait3A_87 = tpu.memref_squeeze %dma_wait3A_86 : memref<1x2x128xi32, #tpu.memory_space<hbm>> -> memref<2x128xi32, #tpu.memory_space<hbm>>
      tpu.wait_dma2 semaphore(%arg16 : memref<!tpu.dma_semaphore, #tpu.memory_space<semaphore_mem>>) src(%dma_wait3A_87 : memref<2x128xi32, #tpu.memory_space<hbm>>) dst(%arg5 : memref<2x128xi32, #tpu.memory_space<vmem>>)
      %dma_wait3A_88 = arith.constant 0 : i32
      %dma_wait3A_89 = arith.constant 0 : i32
      %dma_wait3A_90 = arith.constant 0 : i32
      %dma_wait3A_91 = tpu.memref_slice %arg3[%dma_wait3A_88, %dma_wait3A_89, %dma_wait3A_90] : memref<2500x2x128xi32, #tpu.memory_space<hbm>> -> memref<1x2x128xi32, #tpu.memory_space<hbm>>
      %dma_wait3A_92 = tpu.memref_squeeze %dma_wait3A_91 : memref<1x2x128xi32, #tpu.memory_space<hbm>> -> memref<2x128xi32, #tpu.memory_space<hbm>>
      %dma_wait3A_93 = arith.constant 0 : i32
      %dma_wait3A_94 = arith.constant 0 : i32
      %dma_wait3A_95 = tpu.memref_slice %arg3[%dma_wait3A_88, %dma_wait3A_93, %dma_wait3A_94] : memref<2500x2x128xi32, #tpu.memory_space<hbm>> -> memref<1x2x128xi32, #tpu.memory_space<hbm>>
      %dma_wait3A_96 = tpu.memref_squeeze %dma_wait3A_95 : memref<1x2x128xi32, #tpu.memory_space<hbm>> -> memref<2x128xi32, #tpu.memory_space<hbm>>
      tpu.wait_dma2 semaphore(%arg16 : memref<!tpu.dma_semaphore, #tpu.memory_space<semaphore_mem>>) src(%dma_wait3A_96 : memref<2x128xi32, #tpu.memory_space<hbm>>) dst(%arg6 : memref<2x128xi32, #tpu.memory_space<vmem>>)
      %dma_wait3A_97 = arith.constant 0 : i32
      %dma_wait3A_98 = arith.constant 0 : i32
      %dma_wait3A_99 = arith.constant 0 : i32
      %dma_wait3A_100 = tpu.memref_slice %arg3[%dma_wait3A_97, %dma_wait3A_98, %dma_wait3A_99] : memref<2500x2x128xi32, #tpu.memory_space<hbm>> -> memref<1x2x128xi32, #tpu.memory_space<hbm>>
      %dma_wait3A_101 = tpu.memref_squeeze %dma_wait3A_100 : memref<1x2x128xi32, #tpu.memory_space<hbm>> -> memref<2x128xi32, #tpu.memory_space<hbm>>
      %dma_wait3A_102 = arith.constant 0 : i32
      %dma_wait3A_103 = arith.constant 0 : i32
      %dma_wait3A_104 = tpu.memref_slice %arg3[%dma_wait3A_97, %dma_wait3A_102, %dma_wait3A_103] : memref<2500x2x128xi32, #tpu.memory_space<hbm>> -> memref<1x2x128xi32, #tpu.memory_space<hbm>>
      %dma_wait3A_105 = tpu.memref_squeeze %dma_wait3A_104 : memref<1x2x128xi32, #tpu.memory_space<hbm>> -> memref<2x128xi32, #tpu.memory_space<hbm>>
      tpu.wait_dma2 semaphore(%arg16 : memref<!tpu.dma_semaphore, #tpu.memory_space<semaphore_mem>>) src(%dma_wait3A_105 : memref<2x128xi32, #tpu.memory_space<hbm>>) dst(%arg7 : memref<2x128xi32, #tpu.memory_space<vmem>>)
      %mul3A_106 = arith.constant 2 : i32
      %mul3A_107 = arith.muli %mul3A_106, %add3A_79 : i32
      %mul3A_108 = arith.constant 2 : i32
      %mul3A_109 = arith.muli %mul3A_108, %add3A_79 : i32
      %add3A_110 = arith.constant 1 : i32
      %add3A_111 = arith.addi %mul3A_109, %add3A_110 : i32
      %dma_start3A_112 = arith.constant 0 : i32
      %dma_start3A_113 = arith.constant 0 : i32
      %dma_start3A_114 = arith.constant 0 : i32
      %dma_start3A_115 = tpu.memref_slice %arg5[%dma_start3A_112, %dma_start3A_114] : memref<2x128xi32, #tpu.memory_space<vmem>> -> memref<1x128xi32, #tpu.memory_space<vmem>>
      %dma_start3A_116 = tpu.memref_squeeze %dma_start3A_115 : memref<1x128xi32, #tpu.memory_space<vmem>> -> memref<128xi32, #tpu.memory_space<vmem>>
      %dma_start3A_117 = arith.constant 0 : i32
      %dma_start3A_118 = arith.constant 0 : i32
      %dma_start3A_119 = tpu.memref_slice %arg14[%dma_start3A_117, %dma_start3A_118] : memref<10000x64xf32, #tpu.memory_space<vmem_shared>> -> memref<10000x64xf32, #tpu.memory_space<vmem_shared>>
      %dma_start3A_120 = tpu.memref_slice %arg18[%dma_start3A_113] : memref<3x!tpu.dma_semaphore, #tpu.memory_space<semaphore_mem>> -> memref<1x!tpu.dma_semaphore, #tpu.memory_space<semaphore_mem>>
      %dma_start3A_121 = tpu.memref_squeeze %dma_start3A_120 : memref<1x!tpu.dma_semaphore, #tpu.memory_space<semaphore_mem>> -> memref<!tpu.dma_semaphore, #tpu.memory_space<semaphore_mem>>
      tpu.enqueue_indirect_dma source(%dma_start3A_119 : memref<10000x64xf32, #tpu.memory_space<vmem_shared>>) target(%arg11 : memref<128x64xf32, #tpu.memory_space<vmem>>) offsets(%dma_start3A_116 : memref<128xi32, #tpu.memory_space<vmem>>) semaphore(%dma_start3A_121 : memref<!tpu.dma_semaphore, #tpu.memory_space<semaphore_mem>>)
      %dma_start3A_122 = arith.constant 0 : i32
      %dma_start3A_123 = arith.constant 1 : i32
      %dma_start3A_124 = arith.constant 0 : i32
      %dma_start3A_125 = tpu.memref_slice %arg6[%dma_start3A_122, %dma_start3A_124] : memref<2x128xi32, #tpu.memory_space<vmem>> -> memref<1x128xi32, #tpu.memory_space<vmem>>
      %dma_start3A_126 = tpu.memref_squeeze %dma_start3A_125 : memref<1x128xi32, #tpu.memory_space<vmem>> -> memref<128xi32, #tpu.memory_space<vmem>>
      %dma_start3A_127 = arith.constant 0 : i32
      %dma_start3A_128 = arith.constant 0 : i32
      %dma_start3A_129 = tpu.memref_slice %arg14[%dma_start3A_127, %dma_start3A_128] : memref<10000x64xf32, #tpu.memory_space<vmem_shared>> -> memref<10000x64xf32, #tpu.memory_space<vmem_shared>>
      %dma_start3A_130 = tpu.memref_slice %arg18[%dma_start3A_123] : memref<3x!tpu.dma_semaphore, #tpu.memory_space<semaphore_mem>> -> memref<1x!tpu.dma_semaphore, #tpu.memory_space<semaphore_mem>>
      %dma_start3A_131 = tpu.memref_squeeze %dma_start3A_130 : memref<1x!tpu.dma_semaphore, #tpu.memory_space<semaphore_mem>> -> memref<!tpu.dma_semaphore, #tpu.memory_space<semaphore_mem>>
      tpu.enqueue_indirect_dma source(%dma_start3A_129 : memref<10000x64xf32, #tpu.memory_space<vmem_shared>>) target(%arg12 : memref<128x64xf32, #tpu.memory_space<vmem>>) offsets(%dma_start3A_126 : memref<128xi32, #tpu.memory_space<vmem>>) semaphore(%dma_start3A_131 : memref<!tpu.dma_semaphore, #tpu.memory_space<semaphore_mem>>)
      %dma_start3A_132 = arith.constant 0 : i32
      %dma_start3A_133 = arith.constant 2 : i32
      %dma_start3A_134 = arith.constant 0 : i32
      %dma_start3A_135 = tpu.memref_slice %arg7[%dma_start3A_132, %dma_start3A_134] : memref<2x128xi32, #tpu.memory_space<vmem>> -> memref<1x128xi32, #tpu.memory_space<vmem>>
      %dma_start3A_136 = tpu.memref_squeeze %dma_start3A_135 : memref<1x128xi32, #tpu.memory_space<vmem>> -> memref<128xi32, #tpu.memory_space<vmem>>
      %dma_start3A_137 = arith.constant 0 : i32
      %dma_start3A_138 = arith.constant 0 : i32
      %dma_start3A_139 = tpu.memref_slice %arg14[%dma_start3A_137, %dma_start3A_138] : memref<10000x64xf32, #tpu.memory_space<vmem_shared>> -> memref<10000x64xf32, #tpu.memory_space<vmem_shared>>
      %dma_start3A_140 = tpu.memref_slice %arg18[%dma_start3A_133] : memref<3x!tpu.dma_semaphore, #tpu.memory_space<semaphore_mem>> -> memref<1x!tpu.dma_semaphore, #tpu.memory_space<semaphore_mem>>
      %dma_start3A_141 = tpu.memref_squeeze %dma_start3A_140 : memref<1x!tpu.dma_semaphore, #tpu.memory_space<semaphore_mem>> -> memref<!tpu.dma_semaphore, #tpu.memory_space<semaphore_mem>>
      tpu.enqueue_indirect_dma source(%dma_start3A_139 : memref<10000x64xf32, #tpu.memory_space<vmem_shared>>) target(%arg13 : memref<128x64xf32, #tpu.memory_space<vmem>>) offsets(%dma_start3A_136 : memref<128xi32, #tpu.memory_space<vmem>>) semaphore(%dma_start3A_141 : memref<!tpu.dma_semaphore, #tpu.memory_space<semaphore_mem>>)
      %mul3A_142 = arith.constant 3 : i32
      %mul3A_143 = arith.muli %add3A_111, %mul3A_142 : i32
      %add3A_144 = arith.addi %mul3A_2, %mul3A_143 : i32
      %add3A_145 = arith.constant 0 : i32
      %add3A_146 = arith.addi %add3A_144, %add3A_145 : i32
      %dma_start3A_147 = arith.constant 0 : i32
      %dma_start3A_148 = arith.constant 0 : i32
      %dma_start3A_149 = tpu.memref_slice %arg3[%add3A_146, %dma_start3A_147, %dma_start3A_148] : memref<2500x2x128xi32, #tpu.memory_space<hbm>> -> memref<1x2x128xi32, #tpu.memory_space<hbm>>
      %dma_start3A_150 = tpu.memref_squeeze %dma_start3A_149 : memref<1x2x128xi32, #tpu.memory_space<hbm>> -> memref<2x128xi32, #tpu.memory_space<hbm>>
      %dma_start3A_151 = arith.constant 0 : i32
      %dma_start3A_152 = arith.constant 0 : i32
      %dma_start3A_153 = tpu.memref_slice %arg3[%add3A_146, %dma_start3A_151, %dma_start3A_152] : memref<2500x2x128xi32, #tpu.memory_space<hbm>> -> memref<1x2x128xi32, #tpu.memory_space<hbm>>
      %dma_start3A_154 = tpu.memref_squeeze %dma_start3A_153 : memref<1x2x128xi32, #tpu.memory_space<hbm>> -> memref<2x128xi32, #tpu.memory_space<hbm>>
      tpu.enqueue_dma source(%dma_start3A_154 : memref<2x128xi32, #tpu.memory_space<hbm>>) target(%arg8 : memref<2x128xi32, #tpu.memory_space<vmem>>) target_semaphore(%arg17 : memref<!tpu.dma_semaphore, #tpu.memory_space<semaphore_mem>>)
      %mul3A_155 = arith.constant 3 : i32
      %mul3A_156 = arith.muli %add3A_111, %mul3A_155 : i32
      %add3A_157 = arith.addi %mul3A_2, %mul3A_156 : i32
      %add3A_158 = arith.constant 1 : i32
      %add3A_159 = arith.addi %add3A_157, %add3A_158 : i32
      %dma_start3A_160 = arith.constant 0 : i32
      %dma_start3A_161 = arith.constant 0 : i32
      %dma_start3A_162 = tpu.memref_slice %arg3[%add3A_159, %dma_start3A_160, %dma_start3A_161] : memref<2500x2x128xi32, #tpu.memory_space<hbm>> -> memref<1x2x128xi32, #tpu.memory_space<hbm>>
      %dma_start3A_163 = tpu.memref_squeeze %dma_start3A_162 : memref<1x2x128xi32, #tpu.memory_space<hbm>> -> memref<2x128xi32, #tpu.memory_space<hbm>>
      %dma_start3A_164 = arith.constant 0 : i32
      %dma_start3A_165 = arith.constant 0 : i32
      %dma_start3A_166 = tpu.memref_slice %arg3[%add3A_159, %dma_start3A_164, %dma_start3A_165] : memref<2500x2x128xi32, #tpu.memory_space<hbm>> -> memref<1x2x128xi32, #tpu.memory_space<hbm>>
      %dma_start3A_167 = tpu.memref_squeeze %dma_start3A_166 : memref<1x2x128xi32, #tpu.memory_space<hbm>> -> memref<2x128xi32, #tpu.memory_space<hbm>>
      tpu.enqueue_dma source(%dma_start3A_167 : memref<2x128xi32, #tpu.memory_space<hbm>>) target(%arg9 : memref<2x128xi32, #tpu.memory_space<vmem>>) target_semaphore(%arg17 : memref<!tpu.dma_semaphore, #tpu.memory_space<semaphore_mem>>)
      %mul3A_168 = arith.constant 3 : i32
      %mul3A_169 = arith.muli %add3A_111, %mul3A_168 : i32
      %add3A_170 = arith.addi %mul3A_2, %mul3A_169 : i32
      %add3A_171 = arith.constant 2 : i32
      %add3A_172 = arith.addi %add3A_170, %add3A_171 : i32
      %dma_start3A_173 = arith.constant 0 : i32
      %dma_start3A_174 = arith.constant 0 : i32
      %dma_start3A_175 = tpu.memref_slice %arg3[%add3A_172, %dma_start3A_173, %dma_start3A_174] : memref<2500x2x128xi32, #tpu.memory_space<hbm>> -> memref<1x2x128xi32, #tpu.memory_space<hbm>>
      %dma_start3A_176 = tpu.memref_squeeze %dma_start3A_175 : memref<1x2x128xi32, #tpu.memory_space<hbm>> -> memref<2x128xi32, #tpu.memory_space<hbm>>
      %dma_start3A_177 = arith.constant 0 : i32
      %dma_start3A_178 = arith.constant 0 : i32
      %dma_start3A_179 = tpu.memref_slice %arg3[%add3A_172, %dma_start3A_177, %dma_start3A_178] : memref<2500x2x128xi32, #tpu.memory_space<hbm>> -> memref<1x2x128xi32, #tpu.memory_space<hbm>>
      %dma_start3A_180 = tpu.memref_squeeze %dma_start3A_179 : memref<1x2x128xi32, #tpu.memory_space<hbm>> -> memref<2x128xi32, #tpu.memory_space<hbm>>
      tpu.enqueue_dma source(%dma_start3A_180 : memref<2x128xi32, #tpu.memory_space<hbm>>) target(%arg10 : memref<2x128xi32, #tpu.memory_space<vmem>>) target_semaphore(%arg17 : memref<!tpu.dma_semaphore, #tpu.memory_space<semaphore_mem>>)
      %dma_wait3A_181 = arith.constant 0 : i32
      %dma_wait3A_182 = arith.constant 0 : i32
      %dma_wait3A_183 = arith.constant 0 : i32
      %dma_wait3A_184 = tpu.memref_slice %arg5[%dma_wait3A_181, %dma_wait3A_183] : memref<2x128xi32, #tpu.memory_space<vmem>> -> memref<1x128xi32, #tpu.memory_space<vmem>>
      %dma_wait3A_185 = tpu.memref_squeeze %dma_wait3A_184 : memref<1x128xi32, #tpu.memory_space<vmem>> -> memref<128xi32, #tpu.memory_space<vmem>>
      %dma_wait3A_186 = arith.constant 0 : i32
      %dma_wait3A_187 = arith.constant 0 : i32
      %dma_wait3A_188 = tpu.memref_slice %arg14[%dma_wait3A_186, %dma_wait3A_187] : memref<10000x64xf32, #tpu.memory_space<vmem_shared>> -> memref<10000x64xf32, #tpu.memory_space<vmem_shared>>
      %dma_wait3A_189 = tpu.memref_slice %arg18[%dma_wait3A_182] : memref<3x!tpu.dma_semaphore, #tpu.memory_space<semaphore_mem>> -> memref<1x!tpu.dma_semaphore, #tpu.memory_space<semaphore_mem>>
      %dma_wait3A_190 = tpu.memref_squeeze %dma_wait3A_189 : memref<1x!tpu.dma_semaphore, #tpu.memory_space<semaphore_mem>> -> memref<!tpu.dma_semaphore, #tpu.memory_space<semaphore_mem>>
      tpu.wait_indirect_dma semaphore(%dma_wait3A_190 : memref<!tpu.dma_semaphore, #tpu.memory_space<semaphore_mem>>) src(%dma_wait3A_188 : memref<10000x64xf32, #tpu.memory_space<vmem_shared>>) dst(%arg11 : memref<128x64xf32, #tpu.memory_space<vmem>>)
      %dma_start3A_191 = arith.constant 1 : i32
      %dma_start3A_192 = arith.constant 0 : i32
      %dma_start3A_193 = tpu.memref_slice %arg5[%dma_start3A_191, %dma_start3A_192] : memref<2x128xi32, #tpu.memory_space<vmem>> -> memref<1x128xi32, #tpu.memory_space<vmem>>
      %dma_start3A_194 = tpu.memref_squeeze %dma_start3A_193 : memref<1x128xi32, #tpu.memory_space<vmem>> -> memref<128xi32, #tpu.memory_space<vmem>>
      %dma_start3A_195 = arith.constant 0 : i32
      %dma_start3A_196 = arith.constant 0 : i32
      %dma_start3A_197 = tpu.memref_slice %arg15[%dma_start3A_195, %dma_start3A_196] : memref<10000x64xf32, #tpu.memory_space<vmem_shared>> -> memref<10000x64xf32, #tpu.memory_space<vmem_shared>>
      tpu.enqueue_indirect_dma source(%arg11 : memref<128x64xf32, #tpu.memory_space<vmem>>) target(%dma_start3A_197 : memref<10000x64xf32, #tpu.memory_space<vmem_shared>>) offsets(%dma_start3A_194 : memref<128xi32, #tpu.memory_space<vmem>>) semaphore(%arg19 : memref<!tpu.dma_semaphore, #tpu.memory_space<semaphore_mem>>) {add = true}
      %dma_wait3A_198 = arith.constant 0 : i32
      %dma_wait3A_199 = arith.constant 1 : i32
      %dma_wait3A_200 = arith.constant 0 : i32
      %dma_wait3A_201 = tpu.memref_slice %arg6[%dma_wait3A_198, %dma_wait3A_200] : memref<2x128xi32, #tpu.memory_space<vmem>> -> memref<1x128xi32, #tpu.memory_space<vmem>>
      %dma_wait3A_202 = tpu.memref_squeeze %dma_wait3A_201 : memref<1x128xi32, #tpu.memory_space<vmem>> -> memref<128xi32, #tpu.memory_space<vmem>>
      %dma_wait3A_203 = arith.constant 0 : i32
      %dma_wait3A_204 = arith.constant 0 : i32
      %dma_wait3A_205 = tpu.memref_slice %arg14[%dma_wait3A_203, %dma_wait3A_204] : memref<10000x64xf32, #tpu.memory_space<vmem_shared>> -> memref<10000x64xf32, #tpu.memory_space<vmem_shared>>
      %dma_wait3A_206 = tpu.memref_slice %arg18[%dma_wait3A_199] : memref<3x!tpu.dma_semaphore, #tpu.memory_space<semaphore_mem>> -> memref<1x!tpu.dma_semaphore, #tpu.memory_space<semaphore_mem>>
      %dma_wait3A_207 = tpu.memref_squeeze %dma_wait3A_206 : memref<1x!tpu.dma_semaphore, #tpu.memory_space<semaphore_mem>> -> memref<!tpu.dma_semaphore, #tpu.memory_space<semaphore_mem>>
      tpu.wait_indirect_dma semaphore(%dma_wait3A_207 : memref<!tpu.dma_semaphore, #tpu.memory_space<semaphore_mem>>) src(%dma_wait3A_205 : memref<10000x64xf32, #tpu.memory_space<vmem_shared>>) dst(%arg12 : memref<128x64xf32, #tpu.memory_space<vmem>>)
      %dma_start3A_208 = arith.constant 1 : i32
      %dma_start3A_209 = arith.constant 0 : i32
      %dma_start3A_210 = tpu.memref_slice %arg6[%dma_start3A_208, %dma_start3A_209] : memref<2x128xi32, #tpu.memory_space<vmem>> -> memref<1x128xi32, #tpu.memory_space<vmem>>
      %dma_start3A_211 = tpu.memref_squeeze %dma_start3A_210 : memref<1x128xi32, #tpu.memory_space<vmem>> -> memref<128xi32, #tpu.memory_space<vmem>>
      %dma_start3A_212 = arith.constant 0 : i32
      %dma_start3A_213 = arith.constant 0 : i32
      %dma_start3A_214 = tpu.memref_slice %arg15[%dma_start3A_212, %dma_start3A_213] : memref<10000x64xf32, #tpu.memory_space<vmem_shared>> -> memref<10000x64xf32, #tpu.memory_space<vmem_shared>>
      tpu.enqueue_indirect_dma source(%arg12 : memref<128x64xf32, #tpu.memory_space<vmem>>) target(%dma_start3A_214 : memref<10000x64xf32, #tpu.memory_space<vmem_shared>>) offsets(%dma_start3A_211 : memref<128xi32, #tpu.memory_space<vmem>>) semaphore(%arg19 : memref<!tpu.dma_semaphore, #tpu.memory_space<semaphore_mem>>) {add = true}
      %dma_wait3A_215 = arith.constant 0 : i32
      %dma_wait3A_216 = arith.constant 2 : i32
      %dma_wait3A_217 = arith.constant 0 : i32
      %dma_wait3A_218 = tpu.memref_slice %arg7[%dma_wait3A_215, %dma_wait3A_217] : memref<2x128xi32, #tpu.memory_space<vmem>> -> memref<1x128xi32, #tpu.memory_space<vmem>>
      %dma_wait3A_219 = tpu.memref_squeeze %dma_wait3A_218 : memref<1x128xi32, #tpu.memory_space<vmem>> -> memref<128xi32, #tpu.memory_space<vmem>>
      %dma_wait3A_220 = arith.constant 0 : i32
      %dma_wait3A_221 = arith.constant 0 : i32
      %dma_wait3A_222 = tpu.memref_slice %arg14[%dma_wait3A_220, %dma_wait3A_221] : memref<10000x64xf32, #tpu.memory_space<vmem_shared>> -> memref<10000x64xf32, #tpu.memory_space<vmem_shared>>
      %dma_wait3A_223 = tpu.memref_slice %arg18[%dma_wait3A_216] : memref<3x!tpu.dma_semaphore, #tpu.memory_space<semaphore_mem>> -> memref<1x!tpu.dma_semaphore, #tpu.memory_space<semaphore_mem>>
      %dma_wait3A_224 = tpu.memref_squeeze %dma_wait3A_223 : memref<1x!tpu.dma_semaphore, #tpu.memory_space<semaphore_mem>> -> memref<!tpu.dma_semaphore, #tpu.memory_space<semaphore_mem>>
      tpu.wait_indirect_dma semaphore(%dma_wait3A_224 : memref<!tpu.dma_semaphore, #tpu.memory_space<semaphore_mem>>) src(%dma_wait3A_222 : memref<10000x64xf32, #tpu.memory_space<vmem_shared>>) dst(%arg13 : memref<128x64xf32, #tpu.memory_space<vmem>>)
      %dma_start3A_225 = arith.constant 1 : i32
      %dma_start3A_226 = arith.constant 0 : i32
      %dma_start3A_227 = tpu.memref_slice %arg7[%dma_start3A_225, %dma_start3A_226] : memref<2x128xi32, #tpu.memory_space<vmem>> -> memref<1x128xi32, #tpu.memory_space<vmem>>
      %dma_start3A_228 = tpu.memref_squeeze %dma_start3A_227 : memref<1x128xi32, #tpu.memory_space<vmem>> -> memref<128xi32, #tpu.memory_space<vmem>>
      %dma_start3A_229 = arith.constant 0 : i32
      %dma_start3A_230 = arith.constant 0 : i32
      %dma_start3A_231 = tpu.memref_slice %arg15[%dma_start3A_229, %dma_start3A_230] : memref<10000x64xf32, #tpu.memory_space<vmem_shared>> -> memref<10000x64xf32, #tpu.memory_space<vmem_shared>>
      tpu.enqueue_indirect_dma source(%arg13 : memref<128x64xf32, #tpu.memory_space<vmem>>) target(%dma_start3A_231 : memref<10000x64xf32, #tpu.memory_space<vmem_shared>>) offsets(%dma_start3A_228 : memref<128xi32, #tpu.memory_space<vmem>>) semaphore(%arg19 : memref<!tpu.dma_semaphore, #tpu.memory_space<semaphore_mem>>) {add = true}
      %dma_wait3A_232 = arith.constant 1 : i32
      %dma_wait3A_233 = arith.constant 0 : i32
      %dma_wait3A_234 = tpu.memref_slice %arg5[%dma_wait3A_232, %dma_wait3A_233] : memref<2x128xi32, #tpu.memory_space<vmem>> -> memref<1x128xi32, #tpu.memory_space<vmem>>
      %dma_wait3A_235 = tpu.memref_squeeze %dma_wait3A_234 : memref<1x128xi32, #tpu.memory_space<vmem>> -> memref<128xi32, #tpu.memory_space<vmem>>
      %dma_wait3A_236 = arith.constant 0 : i32
      %dma_wait3A_237 = arith.constant 0 : i32
      %dma_wait3A_238 = tpu.memref_slice %arg15[%dma_wait3A_236, %dma_wait3A_237] : memref<10000x64xf32, #tpu.memory_space<vmem_shared>> -> memref<10000x64xf32, #tpu.memory_space<vmem_shared>>
      tpu.wait_indirect_dma semaphore(%arg19 : memref<!tpu.dma_semaphore, #tpu.memory_space<semaphore_mem>>) src(%arg11 : memref<128x64xf32, #tpu.memory_space<vmem>>) dst(%dma_wait3A_238 : memref<10000x64xf32, #tpu.memory_space<vmem_shared>>)
      %dma_wait3A_239 = arith.constant 1 : i32
      %dma_wait3A_240 = arith.constant 0 : i32
      %dma_wait3A_241 = tpu.memref_slice %arg6[%dma_wait3A_239, %dma_wait3A_240] : memref<2x128xi32, #tpu.memory_space<vmem>> -> memref<1x128xi32, #tpu.memory_space<vmem>>
      %dma_wait3A_242 = tpu.memref_squeeze %dma_wait3A_241 : memref<1x128xi32, #tpu.memory_space<vmem>> -> memref<128xi32, #tpu.memory_space<vmem>>
      %dma_wait3A_243 = arith.constant 0 : i32
      %dma_wait3A_244 = arith.constant 0 : i32
      %dma_wait3A_245 = tpu.memref_slice %arg15[%dma_wait3A_243, %dma_wait3A_244] : memref<10000x64xf32, #tpu.memory_space<vmem_shared>> -> memref<10000x64xf32, #tpu.memory_space<vmem_shared>>
      tpu.wait_indirect_dma semaphore(%arg19 : memref<!tpu.dma_semaphore, #tpu.memory_space<semaphore_mem>>) src(%arg12 : memref<128x64xf32, #tpu.memory_space<vmem>>) dst(%dma_wait3A_245 : memref<10000x64xf32, #tpu.memory_space<vmem_shared>>)
      %dma_wait3A_246 = arith.constant 1 : i32
      %dma_wait3A_247 = arith.constant 0 : i32
      %dma_wait3A_248 = tpu.memref_slice %arg7[%dma_wait3A_246, %dma_wait3A_247] : memref<2x128xi32, #tpu.memory_space<vmem>> -> memref<1x128xi32, #tpu.memory_space<vmem>>
      %dma_wait3A_249 = tpu.memref_squeeze %dma_wait3A_248 : memref<1x128xi32, #tpu.memory_space<vmem>> -> memref<128xi32, #tpu.memory_space<vmem>>
      %dma_wait3A_250 = arith.constant 0 : i32
      %dma_wait3A_251 = arith.constant 0 : i32
      %dma_wait3A_252 = tpu.memref_slice %arg15[%dma_wait3A_250, %dma_wait3A_251] : memref<10000x64xf32, #tpu.memory_space<vmem_shared>> -> memref<10000x64xf32, #tpu.memory_space<vmem_shared>>
      tpu.wait_indirect_dma semaphore(%arg19 : memref<!tpu.dma_semaphore, #tpu.memory_space<semaphore_mem>>) src(%arg13 : memref<128x64xf32, #tpu.memory_space<vmem>>) dst(%dma_wait3A_252 : memref<10000x64xf32, #tpu.memory_space<vmem_shared>>)
      %dma_wait3A_253 = arith.constant 0 : i32
      %dma_wait3A_254 = arith.constant 0 : i32
      %dma_wait3A_255 = arith.constant 0 : i32
      %dma_wait3A_256 = tpu.memref_slice %arg3[%dma_wait3A_253, %dma_wait3A_254, %dma_wait3A_255] : memref<2500x2x128xi32, #tpu.memory_space<hbm>> -> memref<1x2x128xi32, #tpu.memory_space<hbm>>
      %dma_wait3A_257 = tpu.memref_squeeze %dma_wait3A_256 : memref<1x2x128xi32, #tpu.memory_space<hbm>> -> memref<2x128xi32, #tpu.memory_space<hbm>>
      %dma_wait3A_258 = arith.constant 0 : i32
      %dma_wait3A_259 = arith.constant 0 : i32
      %dma_wait3A_260 = tpu.memref_slice %arg3[%dma_wait3A_253, %dma_wait3A_258, %dma_wait3A_259] : memref<2500x2x128xi32, #tpu.memory_space<hbm>> -> memref<1x2x128xi32, #tpu.memory_space<hbm>>
      %dma_wait3A_261 = tpu.memref_squeeze %dma_wait3A_260 : memref<1x2x128xi32, #tpu.memory_space<hbm>> -> memref<2x128xi32, #tpu.memory_space<hbm>>
      tpu.wait_dma2 semaphore(%arg17 : memref<!tpu.dma_semaphore, #tpu.memory_space<semaphore_mem>>) src(%dma_wait3A_261 : memref<2x128xi32, #tpu.memory_space<hbm>>) dst(%arg8 : memref<2x128xi32, #tpu.memory_space<vmem>>)
      %dma_wait3A_262 = arith.constant 0 : i32
      %dma_wait3A_263 = arith.constant 0 : i32
      %dma_wait3A_264 = arith.constant 0 : i32
      %dma_wait3A_265 = tpu.memref_slice %arg3[%dma_wait3A_262, %dma_wait3A_263, %dma_wait3A_264] : memref<2500x2x128xi32, #tpu.memory_space<hbm>> -> memref<1x2x128xi32, #tpu.memory_space<hbm>>
      %dma_wait3A_266 = tpu.memref_squeeze %dma_wait3A_265 : memref<1x2x128xi32, #tpu.memory_space<hbm>> -> memref<2x128xi32, #tpu.memory_space<hbm>>
      %dma_wait3A_267 = arith.constant 0 : i32
      %dma_wait3A_268 = arith.constant 0 : i32
      %dma_wait3A_269 = tpu.memref_slice %arg3[%dma_wait3A_262, %dma_wait3A_267, %dma_wait3A_268] : memref<2500x2x128xi32, #tpu.memory_space<hbm>> -> memref<1x2x128xi32, #tpu.memory_space<hbm>>
      %dma_wait3A_270 = tpu.memref_squeeze %dma_wait3A_269 : memref<1x2x128xi32, #tpu.memory_space<hbm>> -> memref<2x128xi32, #tpu.memory_space<hbm>>
      tpu.wait_dma2 semaphore(%arg17 : memref<!tpu.dma_semaphore, #tpu.memory_space<semaphore_mem>>) src(%dma_wait3A_270 : memref<2x128xi32, #tpu.memory_space<hbm>>) dst(%arg9 : memref<2x128xi32, #tpu.memory_space<vmem>>)
      %dma_wait3A_271 = arith.constant 0 : i32
      %dma_wait3A_272 = arith.constant 0 : i32
      %dma_wait3A_273 = arith.constant 0 : i32
      %dma_wait3A_274 = tpu.memref_slice %arg3[%dma_wait3A_271, %dma_wait3A_272, %dma_wait3A_273] : memref<2500x2x128xi32, #tpu.memory_space<hbm>> -> memref<1x2x128xi32, #tpu.memory_space<hbm>>
      %dma_wait3A_275 = tpu.memref_squeeze %dma_wait3A_274 : memref<1x2x128xi32, #tpu.memory_space<hbm>> -> memref<2x128xi32, #tpu.memory_space<hbm>>
      %dma_wait3A_276 = arith.constant 0 : i32
      %dma_wait3A_277 = arith.constant 0 : i32
      %dma_wait3A_278 = tpu.memref_slice %arg3[%dma_wait3A_271, %dma_wait3A_276, %dma_wait3A_277] : memref<2500x2x128xi32, #tpu.memory_space<hbm>> -> memref<1x2x128xi32, #tpu.memory_space<hbm>>
      %dma_wait3A_279 = tpu.memref_squeeze %dma_wait3A_278 : memref<1x2x128xi32, #tpu.memory_space<hbm>> -> memref<2x128xi32, #tpu.memory_space<hbm>>
      tpu.wait_dma2 semaphore(%arg17 : memref<!tpu.dma_semaphore, #tpu.memory_space<semaphore_mem>>) src(%dma_wait3A_279 : memref<2x128xi32, #tpu.memory_space<hbm>>) dst(%arg10 : memref<2x128xi32, #tpu.memory_space<vmem>>)
      %lt3A_280 = arith.constant 12 : i32
      %lt3A_281 = arith.cmpi slt, %add3A_79, %lt3A_280 : i32
      %convert_element_type3A_282 = arith.extui %lt3A_281 : i1 to i32
      %cond3A_283 = arith.constant 0 : i32
      %cond3A_284 = arith.cmpi ne, %convert_element_type3A_282, %cond3A_283 : i32
      scf.if %cond3A_284 {
        %mul3A_290 = arith.constant 2 : i32
        %mul3A_291 = arith.muli %mul3A_290, %add3A_79 : i32
        %add3A_292 = arith.constant 1 : i32
        %add3A_293 = arith.addi %mul3A_291, %add3A_292 : i32
        %mul3A_294 = arith.constant 2 : i32
        %mul3A_295 = arith.muli %mul3A_294, %add3A_79 : i32
        %add3A_296 = arith.constant 2 : i32
        %add3A_297 = arith.addi %mul3A_295, %add3A_296 : i32
        %dma_start3A_298 = arith.constant 0 : i32
        %dma_start3A_299 = arith.constant 0 : i32
        %dma_start3A_300 = arith.constant 0 : i32
        %dma_start3A_301 = tpu.memref_slice %arg8[%dma_start3A_298, %dma_start3A_300] : memref<2x128xi32, #tpu.memory_space<vmem>> -> memref<1x128xi32, #tpu.memory_space<vmem>>
        %dma_start3A_302 = tpu.memref_squeeze %dma_start3A_301 : memref<1x128xi32, #tpu.memory_space<vmem>> -> memref<128xi32, #tpu.memory_space<vmem>>
        %dma_start3A_303 = arith.constant 0 : i32
        %dma_start3A_304 = arith.constant 0 : i32
        %dma_start3A_305 = tpu.memref_slice %arg14[%dma_start3A_303, %dma_start3A_304] : memref<10000x64xf32, #tpu.memory_space<vmem_shared>> -> memref<10000x64xf32, #tpu.memory_space<vmem_shared>>
        %dma_start3A_306 = tpu.memref_slice %arg18[%dma_start3A_299] : memref<3x!tpu.dma_semaphore, #tpu.memory_space<semaphore_mem>> -> memref<1x!tpu.dma_semaphore, #tpu.memory_space<semaphore_mem>>
        %dma_start3A_307 = tpu.memref_squeeze %dma_start3A_306 : memref<1x!tpu.dma_semaphore, #tpu.memory_space<semaphore_mem>> -> memref<!tpu.dma_semaphore, #tpu.memory_space<semaphore_mem>>
        tpu.enqueue_indirect_dma source(%dma_start3A_305 : memref<10000x64xf32, #tpu.memory_space<vmem_shared>>) target(%arg11 : memref<128x64xf32, #tpu.memory_space<vmem>>) offsets(%dma_start3A_302 : memref<128xi32, #tpu.memory_space<vmem>>) semaphore(%dma_start3A_307 : memref<!tpu.dma_semaphore, #tpu.memory_space<semaphore_mem>>)
        %dma_start3A_308 = arith.constant 0 : i32
        %dma_start3A_309 = arith.constant 1 : i32
        %dma_start3A_310 = arith.constant 0 : i32
        %dma_start3A_311 = tpu.memref_slice %arg9[%dma_start3A_308, %dma_start3A_310] : memref<2x128xi32, #tpu.memory_space<vmem>> -> memref<1x128xi32, #tpu.memory_space<vmem>>
        %dma_start3A_312 = tpu.memref_squeeze %dma_start3A_311 : memref<1x128xi32, #tpu.memory_space<vmem>> -> memref<128xi32, #tpu.memory_space<vmem>>
        %dma_start3A_313 = arith.constant 0 : i32
        %dma_start3A_314 = arith.constant 0 : i32
        %dma_start3A_315 = tpu.memref_slice %arg14[%dma_start3A_313, %dma_start3A_314] : memref<10000x64xf32, #tpu.memory_space<vmem_shared>> -> memref<10000x64xf32, #tpu.memory_space<vmem_shared>>
        %dma_start3A_316 = tpu.memref_slice %arg18[%dma_start3A_309] : memref<3x!tpu.dma_semaphore, #tpu.memory_space<semaphore_mem>> -> memref<1x!tpu.dma_semaphore, #tpu.memory_space<semaphore_mem>>
        %dma_start3A_317 = tpu.memref_squeeze %dma_start3A_316 : memref<1x!tpu.dma_semaphore, #tpu.memory_space<semaphore_mem>> -> memref<!tpu.dma_semaphore, #tpu.memory_space<semaphore_mem>>
        tpu.enqueue_indirect_dma source(%dma_start3A_315 : memref<10000x64xf32, #tpu.memory_space<vmem_shared>>) target(%arg12 : memref<128x64xf32, #tpu.memory_space<vmem>>) offsets(%dma_start3A_312 : memref<128xi32, #tpu.memory_space<vmem>>) semaphore(%dma_start3A_317 : memref<!tpu.dma_semaphore, #tpu.memory_space<semaphore_mem>>)
        %dma_start3A_318 = arith.constant 0 : i32
        %dma_start3A_319 = arith.constant 2 : i32
        %dma_start3A_320 = arith.constant 0 : i32
        %dma_start3A_321 = tpu.memref_slice %arg10[%dma_start3A_318, %dma_start3A_320] : memref<2x128xi32, #tpu.memory_space<vmem>> -> memref<1x128xi32, #tpu.memory_space<vmem>>
        %dma_start3A_322 = tpu.memref_squeeze %dma_start3A_321 : memref<1x128xi32, #tpu.memory_space<vmem>> -> memref<128xi32, #tpu.memory_space<vmem>>
        %dma_start3A_323 = arith.constant 0 : i32
        %dma_start3A_324 = arith.constant 0 : i32
        %dma_start3A_325 = tpu.memref_slice %arg14[%dma_start3A_323, %dma_start3A_324] : memref<10000x64xf32, #tpu.memory_space<vmem_shared>> -> memref<10000x64xf32, #tpu.memory_space<vmem_shared>>
        %dma_start3A_326 = tpu.memref_slice %arg18[%dma_start3A_319] : memref<3x!tpu.dma_semaphore, #tpu.memory_space<semaphore_mem>> -> memref<1x!tpu.dma_semaphore, #tpu.memory_space<semaphore_mem>>
        %dma_start3A_327 = tpu.memref_squeeze %dma_start3A_326 : memref<1x!tpu.dma_semaphore, #tpu.memory_space<semaphore_mem>> -> memref<!tpu.dma_semaphore, #tpu.memory_space<semaphore_mem>>
        tpu.enqueue_indirect_dma source(%dma_start3A_325 : memref<10000x64xf32, #tpu.memory_space<vmem_shared>>) target(%arg13 : memref<128x64xf32, #tpu.memory_space<vmem>>) offsets(%dma_start3A_322 : memref<128xi32, #tpu.memory_space<vmem>>) semaphore(%dma_start3A_327 : memref<!tpu.dma_semaphore, #tpu.memory_space<semaphore_mem>>)
        %mul3A_328 = arith.constant 3 : i32
        %mul3A_329 = arith.muli %add3A_297, %mul3A_328 : i32
        %add3A_330 = arith.addi %mul3A_2, %mul3A_329 : i32
        %add3A_331 = arith.constant 0 : i32
        %add3A_332 = arith.addi %add3A_330, %add3A_331 : i32
        %dma_start3A_333 = arith.constant 0 : i32
        %dma_start3A_334 = arith.constant 0 : i32
        %dma_start3A_335 = tpu.memref_slice %arg3[%add3A_332, %dma_start3A_333, %dma_start3A_334] : memref<2500x2x128xi32, #tpu.memory_space<hbm>> -> memref<1x2x128xi32, #tpu.memory_space<hbm>>
        %dma_start3A_336 = tpu.memref_squeeze %dma_start3A_335 : memref<1x2x128xi32, #tpu.memory_space<hbm>> -> memref<2x128xi32, #tpu.memory_space<hbm>>
        %dma_start3A_337 = arith.constant 0 : i32
        %dma_start3A_338 = arith.constant 0 : i32
        %dma_start3A_339 = tpu.memref_slice %arg3[%add3A_332, %dma_start3A_337, %dma_start3A_338] : memref<2500x2x128xi32, #tpu.memory_space<hbm>> -> memref<1x2x128xi32, #tpu.memory_space<hbm>>
        %dma_start3A_340 = tpu.memref_squeeze %dma_start3A_339 : memref<1x2x128xi32, #tpu.memory_space<hbm>> -> memref<2x128xi32, #tpu.memory_space<hbm>>
        tpu.enqueue_dma source(%dma_start3A_340 : memref<2x128xi32, #tpu.memory_space<hbm>>) target(%arg5 : memref<2x128xi32, #tpu.memory_space<vmem>>) target_semaphore(%arg16 : memref<!tpu.dma_semaphore, #tpu.memory_space<semaphore_mem>>)
        %mul3A_341 = arith.constant 3 : i32
        %mul3A_342 = arith.muli %add3A_297, %mul3A_341 : i32
        %add3A_343 = arith.addi %mul3A_2, %mul3A_342 : i32
        %add3A_344 = arith.constant 1 : i32
        %add3A_345 = arith.addi %add3A_343, %add3A_344 : i32
        %dma_start3A_346 = arith.constant 0 : i32
        %dma_start3A_347 = arith.constant 0 : i32
        %dma_start3A_348 = tpu.memref_slice %arg3[%add3A_345, %dma_start3A_346, %dma_start3A_347] : memref<2500x2x128xi32, #tpu.memory_space<hbm>> -> memref<1x2x128xi32, #tpu.memory_space<hbm>>
        %dma_start3A_349 = tpu.memref_squeeze %dma_start3A_348 : memref<1x2x128xi32, #tpu.memory_space<hbm>> -> memref<2x128xi32, #tpu.memory_space<hbm>>
        %dma_start3A_350 = arith.constant 0 : i32
        %dma_start3A_351 = arith.constant 0 : i32
        %dma_start3A_352 = tpu.memref_slice %arg3[%add3A_345, %dma_start3A_350, %dma_start3A_351] : memref<2500x2x128xi32, #tpu.memory_space<hbm>> -> memref<1x2x128xi32, #tpu.memory_space<hbm>>
        %dma_start3A_353 = tpu.memref_squeeze %dma_start3A_352 : memref<1x2x128xi32, #tpu.memory_space<hbm>> -> memref<2x128xi32, #tpu.memory_space<hbm>>
        tpu.enqueue_dma source(%dma_start3A_353 : memref<2x128xi32, #tpu.memory_space<hbm>>) target(%arg6 : memref<2x128xi32, #tpu.memory_space<vmem>>) target_semaphore(%arg16 : memref<!tpu.dma_semaphore, #tpu.memory_space<semaphore_mem>>)
        %mul3A_354 = arith.constant 3 : i32
        %mul3A_355 = arith.muli %add3A_297, %mul3A_354 : i32
        %add3A_356 = arith.addi %mul3A_2, %mul3A_355 : i32
        %add3A_357 = arith.constant 2 : i32
        %add3A_358 = arith.addi %add3A_356, %add3A_357 : i32
        %dma_start3A_359 = arith.constant 0 : i32
        %dma_start3A_360 = arith.constant 0 : i32
        %dma_start3A_361 = tpu.memref_slice %arg3[%add3A_358, %dma_start3A_359, %dma_start3A_360] : memref<2500x2x128xi32, #tpu.memory_space<hbm>> -> memref<1x2x128xi32, #tpu.memory_space<hbm>>
        %dma_start3A_362 = tpu.memref_squeeze %dma_start3A_361 : memref<1x2x128xi32, #tpu.memory_space<hbm>> -> memref<2x128xi32, #tpu.memory_space<hbm>>
        %dma_start3A_363 = arith.constant 0 : i32
        %dma_start3A_364 = arith.constant 0 : i32
        %dma_start3A_365 = tpu.memref_slice %arg3[%add3A_358, %dma_start3A_363, %dma_start3A_364] : memref<2500x2x128xi32, #tpu.memory_space<hbm>> -> memref<1x2x128xi32, #tpu.memory_space<hbm>>
        %dma_start3A_366 = tpu.memref_squeeze %dma_start3A_365 : memref<1x2x128xi32, #tpu.memory_space<hbm>> -> memref<2x128xi32, #tpu.memory_space<hbm>>
        tpu.enqueue_dma source(%dma_start3A_366 : memref<2x128xi32, #tpu.memory_space<hbm>>) target(%arg7 : memref<2x128xi32, #tpu.memory_space<vmem>>) target_semaphore(%arg16 : memref<!tpu.dma_semaphore, #tpu.memory_space<semaphore_mem>>)
        %dma_wait3A_367 = arith.constant 0 : i32
        %dma_wait3A_368 = arith.constant 0 : i32
        %dma_wait3A_369 = arith.constant 0 : i32
        %dma_wait3A_370 = tpu.memref_slice %arg8[%dma_wait3A_367, %dma_wait3A_369] : memref<2x128xi32, #tpu.memory_space<vmem>> -> memref<1x128xi32, #tpu.memory_space<vmem>>
        %dma_wait3A_371 = tpu.memref_squeeze %dma_wait3A_370 : memref<1x128xi32, #tpu.memory_space<vmem>> -> memref<128xi32, #tpu.memory_space<vmem>>
        %dma_wait3A_372 = arith.constant 0 : i32
        %dma_wait3A_373 = arith.constant 0 : i32
        %dma_wait3A_374 = tpu.memref_slice %arg14[%dma_wait3A_372, %dma_wait3A_373] : memref<10000x64xf32, #tpu.memory_space<vmem_shared>> -> memref<10000x64xf32, #tpu.memory_space<vmem_shared>>
        %dma_wait3A_375 = tpu.memref_slice %arg18[%dma_wait3A_368] : memref<3x!tpu.dma_semaphore, #tpu.memory_space<semaphore_mem>> -> memref<1x!tpu.dma_semaphore, #tpu.memory_space<semaphore_mem>>
        %dma_wait3A_376 = tpu.memref_squeeze %dma_wait3A_375 : memref<1x!tpu.dma_semaphore, #tpu.memory_space<semaphore_mem>> -> memref<!tpu.dma_semaphore, #tpu.memory_space<semaphore_mem>>
        tpu.wait_indirect_dma semaphore(%dma_wait3A_376 : memref<!tpu.dma_semaphore, #tpu.memory_space<semaphore_mem>>) src(%dma_wait3A_374 : memref<10000x64xf32, #tpu.memory_space<vmem_shared>>) dst(%arg11 : memref<128x64xf32, #tpu.memory_space<vmem>>)
        %dma_start3A_377 = arith.constant 1 : i32
        %dma_start3A_378 = arith.constant 0 : i32
        %dma_start3A_379 = tpu.memref_slice %arg8[%dma_start3A_377, %dma_start3A_378] : memref<2x128xi32, #tpu.memory_space<vmem>> -> memref<1x128xi32, #tpu.memory_space<vmem>>
        %dma_start3A_380 = tpu.memref_squeeze %dma_start3A_379 : memref<1x128xi32, #tpu.memory_space<vmem>> -> memref<128xi32, #tpu.memory_space<vmem>>
        %dma_start3A_381 = arith.constant 0 : i32
        %dma_start3A_382 = arith.constant 0 : i32
        %dma_start3A_383 = tpu.memref_slice %arg15[%dma_start3A_381, %dma_start3A_382] : memref<10000x64xf32, #tpu.memory_space<vmem_shared>> -> memref<10000x64xf32, #tpu.memory_space<vmem_shared>>
        tpu.enqueue_indirect_dma source(%arg11 : memref<128x64xf32, #tpu.memory_space<vmem>>) target(%dma_start3A_383 : memref<10000x64xf32, #tpu.memory_space<vmem_shared>>) offsets(%dma_start3A_380 : memref<128xi32, #tpu.memory_space<vmem>>) semaphore(%arg19 : memref<!tpu.dma_semaphore, #tpu.memory_space<semaphore_mem>>) {add = true}
        %dma_wait3A_384 = arith.constant 0 : i32
        %dma_wait3A_385 = arith.constant 1 : i32
        %dma_wait3A_386 = arith.constant 0 : i32
        %dma_wait3A_387 = tpu.memref_slice %arg9[%dma_wait3A_384, %dma_wait3A_386] : memref<2x128xi32, #tpu.memory_space<vmem>> -> memref<1x128xi32, #tpu.memory_space<vmem>>
        %dma_wait3A_388 = tpu.memref_squeeze %dma_wait3A_387 : memref<1x128xi32, #tpu.memory_space<vmem>> -> memref<128xi32, #tpu.memory_space<vmem>>
        %dma_wait3A_389 = arith.constant 0 : i32
        %dma_wait3A_390 = arith.constant 0 : i32
        %dma_wait3A_391 = tpu.memref_slice %arg14[%dma_wait3A_389, %dma_wait3A_390] : memref<10000x64xf32, #tpu.memory_space<vmem_shared>> -> memref<10000x64xf32, #tpu.memory_space<vmem_shared>>
        %dma_wait3A_392 = tpu.memref_slice %arg18[%dma_wait3A_385] : memref<3x!tpu.dma_semaphore, #tpu.memory_space<semaphore_mem>> -> memref<1x!tpu.dma_semaphore, #tpu.memory_space<semaphore_mem>>
        %dma_wait3A_393 = tpu.memref_squeeze %dma_wait3A_392 : memref<1x!tpu.dma_semaphore, #tpu.memory_space<semaphore_mem>> -> memref<!tpu.dma_semaphore, #tpu.memory_space<semaphore_mem>>
        tpu.wait_indirect_dma semaphore(%dma_wait3A_393 : memref<!tpu.dma_semaphore, #tpu.memory_space<semaphore_mem>>) src(%dma_wait3A_391 : memref<10000x64xf32, #tpu.memory_space<vmem_shared>>) dst(%arg12 : memref<128x64xf32, #tpu.memory_space<vmem>>)
        %dma_start3A_394 = arith.constant 1 : i32
        %dma_start3A_395 = arith.constant 0 : i32
        %dma_start3A_396 = tpu.memref_slice %arg9[%dma_start3A_394, %dma_start3A_395] : memref<2x128xi32, #tpu.memory_space<vmem>> -> memref<1x128xi32, #tpu.memory_space<vmem>>
        %dma_start3A_397 = tpu.memref_squeeze %dma_start3A_396 : memref<1x128xi32, #tpu.memory_space<vmem>> -> memref<128xi32, #tpu.memory_space<vmem>>
        %dma_start3A_398 = arith.constant 0 : i32
        %dma_start3A_399 = arith.constant 0 : i32
        %dma_start3A_400 = tpu.memref_slice %arg15[%dma_start3A_398, %dma_start3A_399] : memref<10000x64xf32, #tpu.memory_space<vmem_shared>> -> memref<10000x64xf32, #tpu.memory_space<vmem_shared>>
        tpu.enqueue_indirect_dma source(%arg12 : memref<128x64xf32, #tpu.memory_space<vmem>>) target(%dma_start3A_400 : memref<10000x64xf32, #tpu.memory_space<vmem_shared>>) offsets(%dma_start3A_397 : memref<128xi32, #tpu.memory_space<vmem>>) semaphore(%arg19 : memref<!tpu.dma_semaphore, #tpu.memory_space<semaphore_mem>>) {add = true}
        %dma_wait3A_401 = arith.constant 0 : i32
        %dma_wait3A_402 = arith.constant 2 : i32
        %dma_wait3A_403 = arith.constant 0 : i32
        %dma_wait3A_404 = tpu.memref_slice %arg10[%dma_wait3A_401, %dma_wait3A_403] : memref<2x128xi32, #tpu.memory_space<vmem>> -> memref<1x128xi32, #tpu.memory_space<vmem>>
        %dma_wait3A_405 = tpu.memref_squeeze %dma_wait3A_404 : memref<1x128xi32, #tpu.memory_space<vmem>> -> memref<128xi32, #tpu.memory_space<vmem>>
        %dma_wait3A_406 = arith.constant 0 : i32
        %dma_wait3A_407 = arith.constant 0 : i32
        %dma_wait3A_408 = tpu.memref_slice %arg14[%dma_wait3A_406, %dma_wait3A_407] : memref<10000x64xf32, #tpu.memory_space<vmem_shared>> -> memref<10000x64xf32, #tpu.memory_space<vmem_shared>>
        %dma_wait3A_409 = tpu.memref_slice %arg18[%dma_wait3A_402] : memref<3x!tpu.dma_semaphore, #tpu.memory_space<semaphore_mem>> -> memref<1x!tpu.dma_semaphore, #tpu.memory_space<semaphore_mem>>
        %dma_wait3A_410 = tpu.memref_squeeze %dma_wait3A_409 : memref<1x!tpu.dma_semaphore, #tpu.memory_space<semaphore_mem>> -> memref<!tpu.dma_semaphore, #tpu.memory_space<semaphore_mem>>
        tpu.wait_indirect_dma semaphore(%dma_wait3A_410 : memref<!tpu.dma_semaphore, #tpu.memory_space<semaphore_mem>>) src(%dma_wait3A_408 : memref<10000x64xf32, #tpu.memory_space<vmem_shared>>) dst(%arg13 : memref<128x64xf32, #tpu.memory_space<vmem>>)
        %dma_start3A_411 = arith.constant 1 : i32
        %dma_start3A_412 = arith.constant 0 : i32
        %dma_start3A_413 = tpu.memref_slice %arg10[%dma_start3A_411, %dma_start3A_412] : memref<2x128xi32, #tpu.memory_space<vmem>> -> memref<1x128xi32, #tpu.memory_space<vmem>>
        %dma_start3A_414 = tpu.memref_squeeze %dma_start3A_413 : memref<1x128xi32, #tpu.memory_space<vmem>> -> memref<128xi32, #tpu.memory_space<vmem>>
        %dma_start3A_415 = arith.constant 0 : i32
        %dma_start3A_416 = arith.constant 0 : i32
        %dma_start3A_417 = tpu.memref_slice %arg15[%dma_start3A_415, %dma_start3A_416] : memref<10000x64xf32, #tpu.memory_space<vmem_shared>> -> memref<10000x64xf32, #tpu.memory_space<vmem_shared>>
        tpu.enqueue_indirect_dma source(%arg13 : memref<128x64xf32, #tpu.memory_space<vmem>>) target(%dma_start3A_417 : memref<10000x64xf32, #tpu.memory_space<vmem_shared>>) offsets(%dma_start3A_414 : memref<128xi32, #tpu.memory_space<vmem>>) semaphore(%arg19 : memref<!tpu.dma_semaphore, #tpu.memory_space<semaphore_mem>>) {add = true}
        %dma_wait3A_418 = arith.constant 1 : i32
        %dma_wait3A_419 = arith.constant 0 : i32
        %dma_wait3A_420 = tpu.memref_slice %arg8[%dma_wait3A_418, %dma_wait3A_419] : memref<2x128xi32, #tpu.memory_space<vmem>> -> memref<1x128xi32, #tpu.memory_space<vmem>>
        %dma_wait3A_421 = tpu.memref_squeeze %dma_wait3A_420 : memref<1x128xi32, #tpu.memory_space<vmem>> -> memref<128xi32, #tpu.memory_space<vmem>>
        %dma_wait3A_422 = arith.constant 0 : i32
        %dma_wait3A_423 = arith.constant 0 : i32
        %dma_wait3A_424 = tpu.memref_slice %arg15[%dma_wait3A_422, %dma_wait3A_423] : memref<10000x64xf32, #tpu.memory_space<vmem_shared>> -> memref<10000x64xf32, #tpu.memory_space<vmem_shared>>
        tpu.wait_indirect_dma semaphore(%arg19 : memref<!tpu.dma_semaphore, #tpu.memory_space<semaphore_mem>>) src(%arg11 : memref<128x64xf32, #tpu.memory_space<vmem>>) dst(%dma_wait3A_424 : memref<10000x64xf32, #tpu.memory_space<vmem_shared>>)
        %dma_wait3A_425 = arith.constant 1 : i32
        %dma_wait3A_426 = arith.constant 0 : i32
        %dma_wait3A_427 = tpu.memref_slice %arg9[%dma_wait3A_425, %dma_wait3A_426] : memref<2x128xi32, #tpu.memory_space<vmem>> -> memref<1x128xi32, #tpu.memory_space<vmem>>
        %dma_wait3A_428 = tpu.memref_squeeze %dma_wait3A_427 : memref<1x128xi32, #tpu.memory_space<vmem>> -> memref<128xi32, #tpu.memory_space<vmem>>
        %dma_wait3A_429 = arith.constant 0 : i32
        %dma_wait3A_430 = arith.constant 0 : i32
        %dma_wait3A_431 = tpu.memref_slice %arg15[%dma_wait3A_429, %dma_wait3A_430] : memref<10000x64xf32, #tpu.memory_space<vmem_shared>> -> memref<10000x64xf32, #tpu.memory_space<vmem_shared>>
        tpu.wait_indirect_dma semaphore(%arg19 : memref<!tpu.dma_semaphore, #tpu.memory_space<semaphore_mem>>) src(%arg12 : memref<128x64xf32, #tpu.memory_space<vmem>>) dst(%dma_wait3A_431 : memref<10000x64xf32, #tpu.memory_space<vmem_shared>>)
        %dma_wait3A_432 = arith.constant 1 : i32
        %dma_wait3A_433 = arith.constant 0 : i32
        %dma_wait3A_434 = tpu.memref_slice %arg10[%dma_wait3A_432, %dma_wait3A_433] : memref<2x128xi32, #tpu.memory_space<vmem>> -> memref<1x128xi32, #tpu.memory_space<vmem>>
        %dma_wait3A_435 = tpu.memref_squeeze %dma_wait3A_434 : memref<1x128xi32, #tpu.memory_space<vmem>> -> memref<128xi32, #tpu.memory_space<vmem>>
        %dma_wait3A_436 = arith.constant 0 : i32
        %dma_wait3A_437 = arith.constant 0 : i32
        %dma_wait3A_438 = tpu.memref_slice %arg15[%dma_wait3A_436, %dma_wait3A_437] : memref<10000x64xf32, #tpu.memory_space<vmem_shared>> -> memref<10000x64xf32, #tpu.memory_space<vmem_shared>>
        tpu.wait_indirect_dma semaphore(%arg19 : memref<!tpu.dma_semaphore, #tpu.memory_space<semaphore_mem>>) src(%arg13 : memref<128x64xf32, #tpu.memory_space<vmem>>) dst(%dma_wait3A_438 : memref<10000x64xf32, #tpu.memory_space<vmem_shared>>)
      } else {
      }
      %eq3A_285 = arith.constant 12 : i32
      %eq3A_286 = arith.cmpi eq, %add3A_79, %eq3A_285 : i32
      %convert_element_type3A_287 = arith.extui %eq3A_286 : i1 to i32
      %cond3A_288 = arith.constant 0 : i32
      %cond3A_289 = arith.cmpi ne, %convert_element_type3A_287, %cond3A_288 : i32
      scf.if %cond3A_289 {
        %mul3A_290 = arith.constant 2 : i32
        %mul3A_291 = arith.muli %mul3A_290, %add3A_79 : i32
        %add3A_292 = arith.constant 1 : i32
        %add3A_293 = arith.addi %mul3A_291, %add3A_292 : i32
        %dma_start3A_294 = arith.constant 0 : i32
        %dma_start3A_295 = arith.constant 0 : i32
        %dma_start3A_296 = arith.constant 0 : i32
        %dma_start3A_297 = tpu.memref_slice %arg8[%dma_start3A_294, %dma_start3A_296] : memref<2x128xi32, #tpu.memory_space<vmem>> -> memref<1x128xi32, #tpu.memory_space<vmem>>
        %dma_start3A_298 = tpu.memref_squeeze %dma_start3A_297 : memref<1x128xi32, #tpu.memory_space<vmem>> -> memref<128xi32, #tpu.memory_space<vmem>>
        %dma_start3A_299 = arith.constant 0 : i32
        %dma_start3A_300 = arith.constant 0 : i32
        %dma_start3A_301 = tpu.memref_slice %arg14[%dma_start3A_299, %dma_start3A_300] : memref<10000x64xf32, #tpu.memory_space<vmem_shared>> -> memref<10000x64xf32, #tpu.memory_space<vmem_shared>>
        %dma_start3A_302 = tpu.memref_slice %arg18[%dma_start3A_295] : memref<3x!tpu.dma_semaphore, #tpu.memory_space<semaphore_mem>> -> memref<1x!tpu.dma_semaphore, #tpu.memory_space<semaphore_mem>>
        %dma_start3A_303 = tpu.memref_squeeze %dma_start3A_302 : memref<1x!tpu.dma_semaphore, #tpu.memory_space<semaphore_mem>> -> memref<!tpu.dma_semaphore, #tpu.memory_space<semaphore_mem>>
        tpu.enqueue_indirect_dma source(%dma_start3A_301 : memref<10000x64xf32, #tpu.memory_space<vmem_shared>>) target(%arg11 : memref<128x64xf32, #tpu.memory_space<vmem>>) offsets(%dma_start3A_298 : memref<128xi32, #tpu.memory_space<vmem>>) semaphore(%dma_start3A_303 : memref<!tpu.dma_semaphore, #tpu.memory_space<semaphore_mem>>)
        %dma_start3A_304 = arith.constant 0 : i32
        %dma_start3A_305 = arith.constant 1 : i32
        %dma_start3A_306 = arith.constant 0 : i32
        %dma_start3A_307 = tpu.memref_slice %arg9[%dma_start3A_304, %dma_start3A_306] : memref<2x128xi32, #tpu.memory_space<vmem>> -> memref<1x128xi32, #tpu.memory_space<vmem>>
        %dma_start3A_308 = tpu.memref_squeeze %dma_start3A_307 : memref<1x128xi32, #tpu.memory_space<vmem>> -> memref<128xi32, #tpu.memory_space<vmem>>
        %dma_start3A_309 = arith.constant 0 : i32
        %dma_start3A_310 = arith.constant 0 : i32
        %dma_start3A_311 = tpu.memref_slice %arg14[%dma_start3A_309, %dma_start3A_310] : memref<10000x64xf32, #tpu.memory_space<vmem_shared>> -> memref<10000x64xf32, #tpu.memory_space<vmem_shared>>
        %dma_start3A_312 = tpu.memref_slice %arg18[%dma_start3A_305] : memref<3x!tpu.dma_semaphore, #tpu.memory_space<semaphore_mem>> -> memref<1x!tpu.dma_semaphore, #tpu.memory_space<semaphore_mem>>
        %dma_start3A_313 = tpu.memref_squeeze %dma_start3A_312 : memref<1x!tpu.dma_semaphore, #tpu.memory_space<semaphore_mem>> -> memref<!tpu.dma_semaphore, #tpu.memory_space<semaphore_mem>>
        tpu.enqueue_indirect_dma source(%dma_start3A_311 : memref<10000x64xf32, #tpu.memory_space<vmem_shared>>) target(%arg12 : memref<128x64xf32, #tpu.memory_space<vmem>>) offsets(%dma_start3A_308 : memref<128xi32, #tpu.memory_space<vmem>>) semaphore(%dma_start3A_313 : memref<!tpu.dma_semaphore, #tpu.memory_space<semaphore_mem>>)
        %dma_start3A_314 = arith.constant 0 : i32
        %dma_start3A_315 = arith.constant 2 : i32
        %dma_start3A_316 = arith.constant 0 : i32
        %dma_start3A_317 = tpu.memref_slice %arg10[%dma_start3A_314, %dma_start3A_316] : memref<2x128xi32, #tpu.memory_space<vmem>> -> memref<1x128xi32, #tpu.memory_space<vmem>>
        %dma_start3A_318 = tpu.memref_squeeze %dma_start3A_317 : memref<1x128xi32, #tpu.memory_space<vmem>> -> memref<128xi32, #tpu.memory_space<vmem>>
        %dma_start3A_319 = arith.constant 0 : i32
        %dma_start3A_320 = arith.constant 0 : i32
        %dma_start3A_321 = tpu.memref_slice %arg14[%dma_start3A_319, %dma_start3A_320] : memref<10000x64xf32, #tpu.memory_space<vmem_shared>> -> memref<10000x64xf32, #tpu.memory_space<vmem_shared>>
        %dma_start3A_322 = tpu.memref_slice %arg18[%dma_start3A_315] : memref<3x!tpu.dma_semaphore, #tpu.memory_space<semaphore_mem>> -> memref<1x!tpu.dma_semaphore, #tpu.memory_space<semaphore_mem>>
        %dma_start3A_323 = tpu.memref_squeeze %dma_start3A_322 : memref<1x!tpu.dma_semaphore, #tpu.memory_space<semaphore_mem>> -> memref<!tpu.dma_semaphore, #tpu.memory_space<semaphore_mem>>
        tpu.enqueue_indirect_dma source(%dma_start3A_321 : memref<10000x64xf32, #tpu.memory_space<vmem_shared>>) target(%arg13 : memref<128x64xf32, #tpu.memory_space<vmem>>) offsets(%dma_start3A_318 : memref<128xi32, #tpu.memory_space<vmem>>) semaphore(%dma_start3A_323 : memref<!tpu.dma_semaphore, #tpu.memory_space<semaphore_mem>>)
        %dma_wait3A_324 = arith.constant 0 : i32
        %dma_wait3A_325 = arith.constant 0 : i32
        %dma_wait3A_326 = arith.constant 0 : i32
        %dma_wait3A_327 = tpu.memref_slice %arg8[%dma_wait3A_324, %dma_wait3A_326] : memref<2x128xi32, #tpu.memory_space<vmem>> -> memref<1x128xi32, #tpu.memory_space<vmem>>
        %dma_wait3A_328 = tpu.memref_squeeze %dma_wait3A_327 : memref<1x128xi32, #tpu.memory_space<vmem>> -> memref<128xi32, #tpu.memory_space<vmem>>
        %dma_wait3A_329 = arith.constant 0 : i32
        %dma_wait3A_330 = arith.constant 0 : i32
        %dma_wait3A_331 = tpu.memref_slice %arg14[%dma_wait3A_329, %dma_wait3A_330] : memref<10000x64xf32, #tpu.memory_space<vmem_shared>> -> memref<10000x64xf32, #tpu.memory_space<vmem_shared>>
        %dma_wait3A_332 = tpu.memref_slice %arg18[%dma_wait3A_325] : memref<3x!tpu.dma_semaphore, #tpu.memory_space<semaphore_mem>> -> memref<1x!tpu.dma_semaphore, #tpu.memory_space<semaphore_mem>>
        %dma_wait3A_333 = tpu.memref_squeeze %dma_wait3A_332 : memref<1x!tpu.dma_semaphore, #tpu.memory_space<semaphore_mem>> -> memref<!tpu.dma_semaphore, #tpu.memory_space<semaphore_mem>>
        tpu.wait_indirect_dma semaphore(%dma_wait3A_333 : memref<!tpu.dma_semaphore, #tpu.memory_space<semaphore_mem>>) src(%dma_wait3A_331 : memref<10000x64xf32, #tpu.memory_space<vmem_shared>>) dst(%arg11 : memref<128x64xf32, #tpu.memory_space<vmem>>)
        %dma_start3A_334 = arith.constant 1 : i32
        %dma_start3A_335 = arith.constant 0 : i32
        %dma_start3A_336 = tpu.memref_slice %arg8[%dma_start3A_334, %dma_start3A_335] : memref<2x128xi32, #tpu.memory_space<vmem>> -> memref<1x128xi32, #tpu.memory_space<vmem>>
        %dma_start3A_337 = tpu.memref_squeeze %dma_start3A_336 : memref<1x128xi32, #tpu.memory_space<vmem>> -> memref<128xi32, #tpu.memory_space<vmem>>
        %dma_start3A_338 = arith.constant 0 : i32
        %dma_start3A_339 = arith.constant 0 : i32
        %dma_start3A_340 = tpu.memref_slice %arg15[%dma_start3A_338, %dma_start3A_339] : memref<10000x64xf32, #tpu.memory_space<vmem_shared>> -> memref<10000x64xf32, #tpu.memory_space<vmem_shared>>
        tpu.enqueue_indirect_dma source(%arg11 : memref<128x64xf32, #tpu.memory_space<vmem>>) target(%dma_start3A_340 : memref<10000x64xf32, #tpu.memory_space<vmem_shared>>) offsets(%dma_start3A_337 : memref<128xi32, #tpu.memory_space<vmem>>) semaphore(%arg19 : memref<!tpu.dma_semaphore, #tpu.memory_space<semaphore_mem>>) {add = true}
        %dma_wait3A_341 = arith.constant 0 : i32
        %dma_wait3A_342 = arith.constant 1 : i32
        %dma_wait3A_343 = arith.constant 0 : i32
        %dma_wait3A_344 = tpu.memref_slice %arg9[%dma_wait3A_341, %dma_wait3A_343] : memref<2x128xi32, #tpu.memory_space<vmem>> -> memref<1x128xi32, #tpu.memory_space<vmem>>
        %dma_wait3A_345 = tpu.memref_squeeze %dma_wait3A_344 : memref<1x128xi32, #tpu.memory_space<vmem>> -> memref<128xi32, #tpu.memory_space<vmem>>
        %dma_wait3A_346 = arith.constant 0 : i32
        %dma_wait3A_347 = arith.constant 0 : i32
        %dma_wait3A_348 = tpu.memref_slice %arg14[%dma_wait3A_346, %dma_wait3A_347] : memref<10000x64xf32, #tpu.memory_space<vmem_shared>> -> memref<10000x64xf32, #tpu.memory_space<vmem_shared>>
        %dma_wait3A_349 = tpu.memref_slice %arg18[%dma_wait3A_342] : memref<3x!tpu.dma_semaphore, #tpu.memory_space<semaphore_mem>> -> memref<1x!tpu.dma_semaphore, #tpu.memory_space<semaphore_mem>>
        %dma_wait3A_350 = tpu.memref_squeeze %dma_wait3A_349 : memref<1x!tpu.dma_semaphore, #tpu.memory_space<semaphore_mem>> -> memref<!tpu.dma_semaphore, #tpu.memory_space<semaphore_mem>>
        tpu.wait_indirect_dma semaphore(%dma_wait3A_350 : memref<!tpu.dma_semaphore, #tpu.memory_space<semaphore_mem>>) src(%dma_wait3A_348 : memref<10000x64xf32, #tpu.memory_space<vmem_shared>>) dst(%arg12 : memref<128x64xf32, #tpu.memory_space<vmem>>)
        %dma_start3A_351 = arith.constant 1 : i32
        %dma_start3A_352 = arith.constant 0 : i32
        %dma_start3A_353 = tpu.memref_slice %arg9[%dma_start3A_351, %dma_start3A_352] : memref<2x128xi32, #tpu.memory_space<vmem>> -> memref<1x128xi32, #tpu.memory_space<vmem>>
        %dma_start3A_354 = tpu.memref_squeeze %dma_start3A_353 : memref<1x128xi32, #tpu.memory_space<vmem>> -> memref<128xi32, #tpu.memory_space<vmem>>
        %dma_start3A_355 = arith.constant 0 : i32
        %dma_start3A_356 = arith.constant 0 : i32
        %dma_start3A_357 = tpu.memref_slice %arg15[%dma_start3A_355, %dma_start3A_356] : memref<10000x64xf32, #tpu.memory_space<vmem_shared>> -> memref<10000x64xf32, #tpu.memory_space<vmem_shared>>
        tpu.enqueue_indirect_dma source(%arg12 : memref<128x64xf32, #tpu.memory_space<vmem>>) target(%dma_start3A_357 : memref<10000x64xf32, #tpu.memory_space<vmem_shared>>) offsets(%dma_start3A_354 : memref<128xi32, #tpu.memory_space<vmem>>) semaphore(%arg19 : memref<!tpu.dma_semaphore, #tpu.memory_space<semaphore_mem>>) {add = true}
        %dma_wait3A_358 = arith.constant 0 : i32
        %dma_wait3A_359 = arith.constant 2 : i32
        %dma_wait3A_360 = arith.constant 0 : i32
        %dma_wait3A_361 = tpu.memref_slice %arg10[%dma_wait3A_358, %dma_wait3A_360] : memref<2x128xi32, #tpu.memory_space<vmem>> -> memref<1x128xi32, #tpu.memory_space<vmem>>
        %dma_wait3A_362 = tpu.memref_squeeze %dma_wait3A_361 : memref<1x128xi32, #tpu.memory_space<vmem>> -> memref<128xi32, #tpu.memory_space<vmem>>
        %dma_wait3A_363 = arith.constant 0 : i32
        %dma_wait3A_364 = arith.constant 0 : i32
        %dma_wait3A_365 = tpu.memref_slice %arg14[%dma_wait3A_363, %dma_wait3A_364] : memref<10000x64xf32, #tpu.memory_space<vmem_shared>> -> memref<10000x64xf32, #tpu.memory_space<vmem_shared>>
        %dma_wait3A_366 = tpu.memref_slice %arg18[%dma_wait3A_359] : memref<3x!tpu.dma_semaphore, #tpu.memory_space<semaphore_mem>> -> memref<1x!tpu.dma_semaphore, #tpu.memory_space<semaphore_mem>>
        %dma_wait3A_367 = tpu.memref_squeeze %dma_wait3A_366 : memref<1x!tpu.dma_semaphore, #tpu.memory_space<semaphore_mem>> -> memref<!tpu.dma_semaphore, #tpu.memory_space<semaphore_mem>>
        tpu.wait_indirect_dma semaphore(%dma_wait3A_367 : memref<!tpu.dma_semaphore, #tpu.memory_space<semaphore_mem>>) src(%dma_wait3A_365 : memref<10000x64xf32, #tpu.memory_space<vmem_shared>>) dst(%arg13 : memref<128x64xf32, #tpu.memory_space<vmem>>)
        %dma_start3A_368 = arith.constant 1 : i32
        %dma_start3A_369 = arith.constant 0 : i32
        %dma_start3A_370 = tpu.memref_slice %arg10[%dma_start3A_368, %dma_start3A_369] : memref<2x128xi32, #tpu.memory_space<vmem>> -> memref<1x128xi32, #tpu.memory_space<vmem>>
        %dma_start3A_371 = tpu.memref_squeeze %dma_start3A_370 : memref<1x128xi32, #tpu.memory_space<vmem>> -> memref<128xi32, #tpu.memory_space<vmem>>
        %dma_start3A_372 = arith.constant 0 : i32
        %dma_start3A_373 = arith.constant 0 : i32
        %dma_start3A_374 = tpu.memref_slice %arg15[%dma_start3A_372, %dma_start3A_373] : memref<10000x64xf32, #tpu.memory_space<vmem_shared>> -> memref<10000x64xf32, #tpu.memory_space<vmem_shared>>
        tpu.enqueue_indirect_dma source(%arg13 : memref<128x64xf32, #tpu.memory_space<vmem>>) target(%dma_start3A_374 : memref<10000x64xf32, #tpu.memory_space<vmem_shared>>) offsets(%dma_start3A_371 : memref<128xi32, #tpu.memory_space<vmem>>) semaphore(%arg19 : memref<!tpu.dma_semaphore, #tpu.memory_space<semaphore_mem>>) {add = true}
        %dma_wait3A_375 = arith.constant 1 : i32
        %dma_wait3A_376 = arith.constant 0 : i32
        %dma_wait3A_377 = tpu.memref_slice %arg8[%dma_wait3A_375, %dma_wait3A_376] : memref<2x128xi32, #tpu.memory_space<vmem>> -> memref<1x128xi32, #tpu.memory_space<vmem>>
        %dma_wait3A_378 = tpu.memref_squeeze %dma_wait3A_377 : memref<1x128xi32, #tpu.memory_space<vmem>> -> memref<128xi32, #tpu.memory_space<vmem>>
        %dma_wait3A_379 = arith.constant 0 : i32
        %dma_wait3A_380 = arith.constant 0 : i32
        %dma_wait3A_381 = tpu.memref_slice %arg15[%dma_wait3A_379, %dma_wait3A_380] : memref<10000x64xf32, #tpu.memory_space<vmem_shared>> -> memref<10000x64xf32, #tpu.memory_space<vmem_shared>>
        tpu.wait_indirect_dma semaphore(%arg19 : memref<!tpu.dma_semaphore, #tpu.memory_space<semaphore_mem>>) src(%arg11 : memref<128x64xf32, #tpu.memory_space<vmem>>) dst(%dma_wait3A_381 : memref<10000x64xf32, #tpu.memory_space<vmem_shared>>)
        %dma_wait3A_382 = arith.constant 1 : i32
        %dma_wait3A_383 = arith.constant 0 : i32
        %dma_wait3A_384 = tpu.memref_slice %arg9[%dma_wait3A_382, %dma_wait3A_383] : memref<2x128xi32, #tpu.memory_space<vmem>> -> memref<1x128xi32, #tpu.memory_space<vmem>>
        %dma_wait3A_385 = tpu.memref_squeeze %dma_wait3A_384 : memref<1x128xi32, #tpu.memory_space<vmem>> -> memref<128xi32, #tpu.memory_space<vmem>>
        %dma_wait3A_386 = arith.constant 0 : i32
        %dma_wait3A_387 = arith.constant 0 : i32
        %dma_wait3A_388 = tpu.memref_slice %arg15[%dma_wait3A_386, %dma_wait3A_387] : memref<10000x64xf32, #tpu.memory_space<vmem_shared>> -> memref<10000x64xf32, #tpu.memory_space<vmem_shared>>
        tpu.wait_indirect_dma semaphore(%arg19 : memref<!tpu.dma_semaphore, #tpu.memory_space<semaphore_mem>>) src(%arg12 : memref<128x64xf32, #tpu.memory_space<vmem>>) dst(%dma_wait3A_388 : memref<10000x64xf32, #tpu.memory_space<vmem_shared>>)
        %dma_wait3A_389 = arith.constant 1 : i32
        %dma_wait3A_390 = arith.constant 0 : i32
        %dma_wait3A_391 = tpu.memref_slice %arg10[%dma_wait3A_389, %dma_wait3A_390] : memref<2x128xi32, #tpu.memory_space<vmem>> -> memref<1x128xi32, #tpu.memory_space<vmem>>
        %dma_wait3A_392 = tpu.memref_squeeze %dma_wait3A_391 : memref<1x128xi32, #tpu.memory_space<vmem>> -> memref<128xi32, #tpu.memory_space<vmem>>
        %dma_wait3A_393 = arith.constant 0 : i32
        %dma_wait3A_394 = arith.constant 0 : i32
        %dma_wait3A_395 = tpu.memref_slice %arg15[%dma_wait3A_393, %dma_wait3A_394] : memref<10000x64xf32, #tpu.memory_space<vmem_shared>> -> memref<10000x64xf32, #tpu.memory_space<vmem_shared>>
        tpu.wait_indirect_dma semaphore(%arg19 : memref<!tpu.dma_semaphore, #tpu.memory_space<semaphore_mem>>) src(%arg13 : memref<128x64xf32, #tpu.memory_space<vmem>>) dst(%dma_wait3A_395 : memref<10000x64xf32, #tpu.memory_space<vmem_shared>>)
      } else {
      }
    }
    %scan3A_56 = arith.constant 13 : i32
    %lt3A = arith.constant 4 : i32
    %lt3A_57 = arith.cmpi slt, %add3A, %lt3A : i32
    %convert_element_type3A_58 = arith.extui %lt3A_57 : i1 to i32
    %cond3A_59 = arith.constant 0 : i32
    %cond3A_60 = arith.cmpi ne, %convert_element_type3A_58, %cond3A_59 : i32
    scf.if %cond3A_60 {
      %add3A_75 = arith.constant 2496 : i32
      %add3A_76 = arith.addi %add3A_75, %add3A : i32
      %dma_start3A_77 = arith.constant 0 : i32
      %dma_start3A_78 = arith.constant 0 : i32
      %dma_start3A_79 = tpu.memref_slice %arg3[%add3A_76, %dma_start3A_77, %dma_start3A_78] : memref<2500x2x128xi32, #tpu.memory_space<hbm>> -> memref<1x2x128xi32, #tpu.memory_space<hbm>>
      %dma_start3A_80 = tpu.memref_squeeze %dma_start3A_79 : memref<1x2x128xi32, #tpu.memory_space<hbm>> -> memref<2x128xi32, #tpu.memory_space<hbm>>
      %dma_start3A_81 = arith.constant 0 : i32
      %dma_start3A_82 = arith.constant 0 : i32
      %dma_start3A_83 = tpu.memref_slice %arg3[%add3A_76, %dma_start3A_81, %dma_start3A_82] : memref<2500x2x128xi32, #tpu.memory_space<hbm>> -> memref<1x2x128xi32, #tpu.memory_space<hbm>>
      %dma_start3A_84 = tpu.memref_squeeze %dma_start3A_83 : memref<1x2x128xi32, #tpu.memory_space<hbm>> -> memref<2x128xi32, #tpu.memory_space<hbm>>
      tpu.enqueue_dma source(%dma_start3A_84 : memref<2x128xi32, #tpu.memory_space<hbm>>) target(%arg5 : memref<2x128xi32, #tpu.memory_space<vmem>>) target_semaphore(%arg16 : memref<!tpu.dma_semaphore, #tpu.memory_space<semaphore_mem>>)
      %dma_wait3A = arith.constant 0 : i32
      %dma_wait3A_85 = arith.constant 0 : i32
      %dma_wait3A_86 = tpu.memref_slice %arg3[%add3A_76, %dma_wait3A, %dma_wait3A_85] : memref<2500x2x128xi32, #tpu.memory_space<hbm>> -> memref<1x2x128xi32, #tpu.memory_space<hbm>>
      %dma_wait3A_87 = tpu.memref_squeeze %dma_wait3A_86 : memref<1x2x128xi32, #tpu.memory_space<hbm>> -> memref<2x128xi32, #tpu.memory_space<hbm>>
      %dma_wait3A_88 = arith.constant 0 : i32
      %dma_wait3A_89 = arith.constant 0 : i32
      %dma_wait3A_90 = tpu.memref_slice %arg3[%add3A_76, %dma_wait3A_88, %dma_wait3A_89] : memref<2500x2x128xi32, #tpu.memory_space<hbm>> -> memref<1x2x128xi32, #tpu.memory_space<hbm>>
      %dma_wait3A_91 = tpu.memref_squeeze %dma_wait3A_90 : memref<1x2x128xi32, #tpu.memory_space<hbm>> -> memref<2x128xi32, #tpu.memory_space<hbm>>
      tpu.wait_dma2 semaphore(%arg16 : memref<!tpu.dma_semaphore, #tpu.memory_space<semaphore_mem>>) src(%dma_wait3A_91 : memref<2x128xi32, #tpu.memory_space<hbm>>) dst(%arg5 : memref<2x128xi32, #tpu.memory_space<vmem>>)
      %dma_start3A_92 = arith.constant 0 : i32
      %dma_start3A_93 = arith.constant 0 : i32
      %dma_start3A_94 = arith.constant 0 : i32
      %dma_start3A_95 = tpu.memref_slice %arg5[%dma_start3A_92, %dma_start3A_94] : memref<2x128xi32, #tpu.memory_space<vmem>> -> memref<1x128xi32, #tpu.memory_space<vmem>>
      %dma_start3A_96 = tpu.memref_squeeze %dma_start3A_95 : memref<1x128xi32, #tpu.memory_space<vmem>> -> memref<128xi32, #tpu.memory_space<vmem>>
      %dma_start3A_97 = arith.constant 0 : i32
      %dma_start3A_98 = arith.constant 0 : i32
      %dma_start3A_99 = tpu.memref_slice %arg14[%dma_start3A_97, %dma_start3A_98] : memref<10000x64xf32, #tpu.memory_space<vmem_shared>> -> memref<10000x64xf32, #tpu.memory_space<vmem_shared>>
      %dma_start3A_100 = tpu.memref_slice %arg18[%dma_start3A_93] : memref<3x!tpu.dma_semaphore, #tpu.memory_space<semaphore_mem>> -> memref<1x!tpu.dma_semaphore, #tpu.memory_space<semaphore_mem>>
      %dma_start3A_101 = tpu.memref_squeeze %dma_start3A_100 : memref<1x!tpu.dma_semaphore, #tpu.memory_space<semaphore_mem>> -> memref<!tpu.dma_semaphore, #tpu.memory_space<semaphore_mem>>
      tpu.enqueue_indirect_dma source(%dma_start3A_99 : memref<10000x64xf32, #tpu.memory_space<vmem_shared>>) target(%arg11 : memref<128x64xf32, #tpu.memory_space<vmem>>) offsets(%dma_start3A_96 : memref<128xi32, #tpu.memory_space<vmem>>) semaphore(%dma_start3A_101 : memref<!tpu.dma_semaphore, #tpu.memory_space<semaphore_mem>>)
      %dma_wait3A_102 = arith.constant 0 : i32
      %dma_wait3A_103 = arith.constant 0 : i32
      %dma_wait3A_104 = arith.constant 0 : i32
      %dma_wait3A_105 = tpu.memref_slice %arg5[%dma_wait3A_102, %dma_wait3A_104] : memref<2x128xi32, #tpu.memory_space<vmem>> -> memref<1x128xi32, #tpu.memory_space<vmem>>
      %dma_wait3A_106 = tpu.memref_squeeze %dma_wait3A_105 : memref<1x128xi32, #tpu.memory_space<vmem>> -> memref<128xi32, #tpu.memory_space<vmem>>
      %dma_wait3A_107 = arith.constant 0 : i32
      %dma_wait3A_108 = arith.constant 0 : i32
      %dma_wait3A_109 = tpu.memref_slice %arg14[%dma_wait3A_107, %dma_wait3A_108] : memref<10000x64xf32, #tpu.memory_space<vmem_shared>> -> memref<10000x64xf32, #tpu.memory_space<vmem_shared>>
      %dma_wait3A_110 = tpu.memref_slice %arg18[%dma_wait3A_103] : memref<3x!tpu.dma_semaphore, #tpu.memory_space<semaphore_mem>> -> memref<1x!tpu.dma_semaphore, #tpu.memory_space<semaphore_mem>>
      %dma_wait3A_111 = tpu.memref_squeeze %dma_wait3A_110 : memref<1x!tpu.dma_semaphore, #tpu.memory_space<semaphore_mem>> -> memref<!tpu.dma_semaphore, #tpu.memory_space<semaphore_mem>>
      tpu.wait_indirect_dma semaphore(%dma_wait3A_111 : memref<!tpu.dma_semaphore, #tpu.memory_space<semaphore_mem>>) src(%dma_wait3A_109 : memref<10000x64xf32, #tpu.memory_space<vmem_shared>>) dst(%arg11 : memref<128x64xf32, #tpu.memory_space<vmem>>)
      %dma_start3A_112 = arith.constant 1 : i32
      %dma_start3A_113 = arith.constant 0 : i32
      %dma_start3A_114 = tpu.memref_slice %arg5[%dma_start3A_112, %dma_start3A_113] : memref<2x128xi32, #tpu.memory_space<vmem>> -> memref<1x128xi32, #tpu.memory_space<vmem>>
      %dma_start3A_115 = tpu.memref_squeeze %dma_start3A_114 : memref<1x128xi32, #tpu.memory_space<vmem>> -> memref<128xi32, #tpu.memory_space<vmem>>
      %dma_start3A_116 = arith.constant 0 : i32
      %dma_start3A_117 = arith.constant 0 : i32
      %dma_start3A_118 = tpu.memref_slice %arg15[%dma_start3A_116, %dma_start3A_117] : memref<10000x64xf32, #tpu.memory_space<vmem_shared>> -> memref<10000x64xf32, #tpu.memory_space<vmem_shared>>
      tpu.enqueue_indirect_dma source(%arg11 : memref<128x64xf32, #tpu.memory_space<vmem>>) target(%dma_start3A_118 : memref<10000x64xf32, #tpu.memory_space<vmem_shared>>) offsets(%dma_start3A_115 : memref<128xi32, #tpu.memory_space<vmem>>) semaphore(%arg19 : memref<!tpu.dma_semaphore, #tpu.memory_space<semaphore_mem>>) {add = true}
      %dma_wait3A_119 = arith.constant 1 : i32
      %dma_wait3A_120 = arith.constant 0 : i32
      %dma_wait3A_121 = tpu.memref_slice %arg5[%dma_wait3A_119, %dma_wait3A_120] : memref<2x128xi32, #tpu.memory_space<vmem>> -> memref<1x128xi32, #tpu.memory_space<vmem>>
      %dma_wait3A_122 = tpu.memref_squeeze %dma_wait3A_121 : memref<1x128xi32, #tpu.memory_space<vmem>> -> memref<128xi32, #tpu.memory_space<vmem>>
      %dma_wait3A_123 = arith.constant 0 : i32
      %dma_wait3A_124 = arith.constant 0 : i32
      %dma_wait3A_125 = tpu.memref_slice %arg15[%dma_wait3A_123, %dma_wait3A_124] : memref<10000x64xf32, #tpu.memory_space<vmem_shared>> -> memref<10000x64xf32, #tpu.memory_space<vmem_shared>>
      tpu.wait_indirect_dma semaphore(%arg19 : memref<!tpu.dma_semaphore, #tpu.memory_space<semaphore_mem>>) src(%arg11 : memref<128x64xf32, #tpu.memory_space<vmem>>) dst(%dma_wait3A_125 : memref<10000x64xf32, #tpu.memory_space<vmem_shared>>)
    } else {
    }
    %barrier3A_61 = arith.constant 0 : index
    tpu.barrier barrier_id(%barrier3A_61)
    %mul3A_62 = arith.constant 624 : i32
    %mul3A_63 = arith.muli %arg1, %mul3A_62 : i32
    %mul3A_64 = arith.constant 64 : i32
    %mul3A_65 = arith.muli %arg0, %mul3A_64 : i32
    %mul3A_66 = arith.constant 64 : i32
    %mul3A_67 = arith.muli %arg0, %mul3A_66 : i32
    %mul3A_68 = arith.constant 624 : i32
    %mul3A_69 = arith.muli %arg1, %mul3A_68 : i32
    "tpu.region"() ({
      %run_scoped3A = tpu.sem_alloc : memref<!tpu.dma_semaphore, #tpu.memory_space<semaphore_mem>>
      %dma_start3A_75 = tpu.memref_slice %arg4[%mul3A_63, %mul3A_65] : memref<10000x128xf32, #tpu.memory_space<hbm>> -> memref<624x64xf32, #tpu.memory_space<hbm>>
      %dma_start3A_76 = arith.constant 0 : i32
      %dma_start3A_77 = tpu.memref_slice %arg15[%mul3A_69, %dma_start3A_76] : memref<10000x64xf32, #tpu.memory_space<vmem_shared>> -> memref<624x64xf32, #tpu.memory_space<vmem_shared>>
      tpu.enqueue_dma source(%dma_start3A_77 : memref<624x64xf32, #tpu.memory_space<vmem_shared>>) target(%dma_start3A_75 : memref<624x64xf32, #tpu.memory_space<hbm>>) target_semaphore(%run_scoped3A : memref<!tpu.dma_semaphore, #tpu.memory_space<semaphore_mem>>)
      %dma_wait3A = tpu.memref_slice %arg4[%mul3A_63, %mul3A_65] : memref<10000x128xf32, #tpu.memory_space<hbm>> -> memref<624x64xf32, #tpu.memory_space<hbm>>
      %dma_wait3A_78 = arith.constant 0 : i32
      %dma_wait3A_79 = tpu.memref_slice %arg15[%mul3A_69, %dma_wait3A_78] : memref<10000x64xf32, #tpu.memory_space<vmem_shared>> -> memref<624x64xf32, #tpu.memory_space<vmem_shared>>
      tpu.wait_dma2 semaphore(%run_scoped3A : memref<!tpu.dma_semaphore, #tpu.memory_space<semaphore_mem>>) src(%dma_wait3A_79 : memref<624x64xf32, #tpu.memory_space<vmem_shared>>) dst(%dma_wait3A : memref<624x64xf32, #tpu.memory_space<hbm>>)
      tpu.yield
    }) : () -> ()
    %eq3A_70 = arith.constant 0 : i32
    %eq3A_71 = arith.cmpi eq, %arg1, %eq3A_70 : i32
    %convert_element_type3A_72 = arith.extui %eq3A_71 : i1 to i32
    %cond3A_73 = arith.constant 0 : i32
    %cond3A_74 = arith.cmpi ne, %convert_element_type3A_72, %cond3A_73 : i32
    scf.if %cond3A_74 {
      "tpu.region"() ({
        %run_scoped3A = tpu.sem_alloc : memref<!tpu.dma_semaphore, #tpu.memory_space<semaphore_mem>>
        %dma_start3A_75 = arith.constant 9984 : i32
        %dma_start3A_76 = tpu.memref_slice %arg4[%dma_start3A_75, %mul3A_67] : memref<10000x128xf32, #tpu.memory_space<hbm>> -> memref<16x64xf32, #tpu.memory_space<hbm>>
        %dma_start3A_77 = arith.constant 9984 : i32
        %dma_start3A_78 = arith.constant 0 : i32
        %dma_start3A_79 = tpu.memref_slice %arg15[%dma_start3A_77, %dma_start3A_78] : memref<10000x64xf32, #tpu.memory_space<vmem_shared>> -> memref<16x64xf32, #tpu.memory_space<vmem_shared>>
        tpu.enqueue_dma source(%dma_start3A_79 : memref<16x64xf32, #tpu.memory_space<vmem_shared>>) target(%dma_start3A_76 : memref<16x64xf32, #tpu.memory_space<hbm>>) target_semaphore(%run_scoped3A : memref<!tpu.dma_semaphore, #tpu.memory_space<semaphore_mem>>)
        %dma_wait3A = arith.constant 9984 : i32
        %dma_wait3A_80 = tpu.memref_slice %arg4[%dma_wait3A, %mul3A_67] : memref<10000x128xf32, #tpu.memory_space<hbm>> -> memref<16x64xf32, #tpu.memory_space<hbm>>
        %dma_wait3A_81 = arith.constant 9984 : i32
        %dma_wait3A_82 = arith.constant 0 : i32
        %dma_wait3A_83 = tpu.memref_slice %arg15[%dma_wait3A_81, %dma_wait3A_82] : memref<10000x64xf32, #tpu.memory_space<vmem_shared>> -> memref<16x64xf32, #tpu.memory_space<vmem_shared>>
        tpu.wait_dma2 semaphore(%run_scoped3A : memref<!tpu.dma_semaphore, #tpu.memory_space<semaphore_mem>>) src(%dma_wait3A_83 : memref<16x64xf32, #tpu.memory_space<vmem_shared>>) dst(%dma_wait3A_80 : memref<16x64xf32, #tpu.memory_space<hbm>>)
        tpu.yield
      }) : () -> ()
    } else {
    }
    return
  }
}

module attributes {stable_mosaic.version = 14 : i64} {
  func.func @body(%arg0: i32, %arg1: memref<2000x128xf32, #tpu.memory_space<vmem>>, %arg2: memref<2000x128xf32, #tpu.memory_space<vmem>>, %arg3: memref<2000x128xf32, #tpu.memory_space<vmem>>, %arg4: memref<2000x128xf32, #tpu.memory_space<vmem>>, %arg5: memref<2000x64xf32, #tpu.memory_space<vmem>>, %arg6: memref<128xf32, #tpu.memory_space<vmem>>, %arg7: memref<128x64xf32, #tpu.memory_space<vmem>>, %arg8: memref<2000x64xf32, #tpu.memory_space<vmem>>, %arg9: memref<2000x64xf32, #tpu.memory_space<vmem>>) attributes {dimension_semantics = [#tpu.dimension_semantics<arbitrary>], iteration_bounds = array<i64: 5>, scalar_prefetch = 0 : i64, scratch_operands = 0 : i64, tpu.core_type = #tpu.core_type<tc>, window_params = [{transform_indices = @transform_0, window_bounds = array<i64: 2000, 128>}, {transform_indices = @transform_1, window_bounds = array<i64: 2000, 128>}, {transform_indices = @transform_2, window_bounds = array<i64: 2000, 128>}, {transform_indices = @transform_3, window_bounds = array<i64: 2000, 128>}, {transform_indices = @transform_4, window_bounds = array<i64: 2000, 64>}, {pipeline_mode = #tpu.pipeline_mode<synchronous>, transform_indices = @transform_5, window_bounds = array<i64: 128>}, {pipeline_mode = #tpu.pipeline_mode<synchronous>, transform_indices = @transform_6, window_bounds = array<i64: 128, 64>}, {transform_indices = @transform_7, window_bounds = array<i64: 2000, 64>}, {transform_indices = @transform_8, window_bounds = array<i64: 2000, 64>}]} {
    %get3A = arith.constant 0 : index
    %get3A_0 = arith.constant 0 : index
    %get3A_1 = vector.load %arg4[%get3A, %get3A_0] : memref<2000x128xf32, #tpu.memory_space<vmem>>, vector<2000x128xf32>
    %get3A_2 = arith.constant 0 : index
    %get3A_3 = arith.constant 0 : index
    %get3A_4 = vector.load %arg1[%get3A_2, %get3A_3] : memref<2000x128xf32, #tpu.memory_space<vmem>>, vector<2000x128xf32>
    %get3A_5 = arith.constant 0 : index
    %get3A_6 = arith.constant 0 : index
    %get3A_7 = vector.load %arg2[%get3A_5, %get3A_6] : memref<2000x128xf32, #tpu.memory_space<vmem>>, vector<2000x128xf32>
    %add3A = arith.addf %get3A_4, %get3A_7 : vector<2000x128xf32>
    %mul3A = arith.mulf %get3A_1, %add3A : vector<2000x128xf32>
    %mul3A_8 = arith.mulf %get3A_1, %get3A_1 : vector<2000x128xf32>
    %get3A_9 = arith.constant 0 : index
    %get3A_10 = arith.constant 0 : index
    %get3A_11 = vector.load %arg3[%get3A_9, %get3A_10] : memref<2000x128xf32, #tpu.memory_space<vmem>>, vector<2000x128xf32>
    %mul3A_12 = arith.mulf %mul3A_8, %get3A_11 : vector<2000x128xf32>
    %add3A_13 = arith.addf %mul3A, %mul3A_12 : vector<2000x128xf32>
    %get3A_14 = arith.constant 0 : index
    %get3A_15 = vector.load %arg6[%get3A_14] : memref<128xf32, #tpu.memory_space<vmem>>, vector<128xf32>
    %broadcast_in_dim3A = vector.shape_cast %get3A_15 : vector<128xf32> to vector<1x128xf32>
    %add3A_16 = vector.broadcast %broadcast_in_dim3A : vector<1x128xf32> to vector<2000x128xf32>
    %add3A_17 = arith.addf %add3A_13, %add3A_16 : vector<2000x128xf32>
    %max3A = arith.constant 0.000000e+00 : f32
    %max3A_18 = vector.broadcast %max3A : f32 to vector<2000x128xf32>
    %max3A_19 = arith.maximumf %add3A_17, %max3A_18 : vector<2000x128xf32>
    %get3A_20 = arith.constant 0 : index
    %get3A_21 = arith.constant 0 : index
    %get3A_22 = vector.load %arg7[%get3A_20, %get3A_21] : memref<128x64xf32, #tpu.memory_space<vmem>>, vector<128x64xf32>
    %dot_general3A = arith.constant dense<0.000000e+00> : vector<2000x64xf32>
    %dot_general3A_23 = tpu.matmul %max3A_19, %get3A_22, %dot_general3A {dimension_numbers = #tpu.dot_dimension_numbers<[1], [0], [0], [1], [0, 0, 1, 1], [], []>, transpose_lhs_hint = false} : vector<2000x128xf32>, vector<128x64xf32>, vector<2000x64xf32> -> vector<2000x64xf32>
    %swap3A = arith.constant 0 : index
    %swap3A_24 = arith.constant 0 : index
    %swap3A_25 = vector.load %arg8[%swap3A, %swap3A_24] : memref<2000x64xf32, #tpu.memory_space<vmem>>, vector<2000x64xf32>
    tpu.vector_store %arg8[%swap3A, %swap3A_24], %dot_general3A_23 {strides = array<i32>} : memref<2000x64xf32, #tpu.memory_space<vmem>>, vector<2000x64xf32>,
    %get3A_26 = arith.constant 0 : index
    %get3A_27 = arith.constant 0 : index
    %get3A_28 = vector.load %arg5[%get3A_26, %get3A_27] : memref<2000x64xf32, #tpu.memory_space<vmem>>, vector<2000x64xf32>
    %mul3A_29 = arith.mulf %dot_general3A_23, %get3A_28 : vector<2000x64xf32>
    %swap3A_30 = arith.constant 0 : index
    %swap3A_31 = arith.constant 0 : index
    %swap3A_32 = vector.load %arg9[%swap3A_30, %swap3A_31] : memref<2000x64xf32, #tpu.memory_space<vmem>>, vector<2000x64xf32>
    tpu.vector_store %arg9[%swap3A_30, %swap3A_31], %mul3A_29 {strides = array<i32>} : memref<2000x64xf32, #tpu.memory_space<vmem>>, vector<2000x64xf32>,
    return
  }
  func.func @transform_0(%arg0: i32) -> (i32, i32) {
    %c0_i32 = arith.constant 0 : i32
    %c0_i32_0 = arith.constant 0 : i32
    return %arg0, %c0_i32 : i32, i32
  }
  func.func @transform_1(%arg0: i32) -> (i32, i32) {
    %add3A = arith.constant 5 : i32
    %add3A_0 = arith.addi %add3A, %arg0 : i32
    %c0_i32 = arith.constant 0 : i32
    %c0_i32_1 = arith.constant 0 : i32
    return %add3A_0, %c0_i32 : i32, i32
  }
  func.func @transform_2(%arg0: i32) -> (i32, i32) {
    %c0_i32 = arith.constant 0 : i32
    %c0_i32_0 = arith.constant 0 : i32
    return %arg0, %c0_i32 : i32, i32
  }
  func.func @transform_3(%arg0: i32) -> (i32, i32) {
    %c0_i32 = arith.constant 0 : i32
    %c0_i32_0 = arith.constant 0 : i32
    return %arg0, %c0_i32 : i32, i32
  }
  func.func @transform_4(%arg0: i32) -> (i32, i32) {
    %c0_i32 = arith.constant 0 : i32
    %c0_i32_0 = arith.constant 0 : i32
    return %arg0, %c0_i32 : i32, i32
  }
  func.func @transform_5(%arg0: i32) -> i32 {
    %c0_i32 = arith.constant 0 : i32
    %c0_i32_0 = arith.constant 0 : i32
    return %c0_i32 : i32
  }
  func.func @transform_6(%arg0: i32) -> (i32, i32) {
    %c0_i32 = arith.constant 0 : i32
    %c0_i32_0 = arith.constant 0 : i32
    %c0_i32_1 = arith.constant 0 : i32
    return %c0_i32, %c0_i32_0 : i32, i32
  }
  func.func @transform_7(%arg0: i32) -> (i32, i32) {
    %c0_i32 = arith.constant 0 : i32
    %c0_i32_0 = arith.constant 0 : i32
    return %arg0, %c0_i32 : i32, i32
  }
  func.func @transform_8(%arg0: i32) -> (i32, i32) {
    %c0_i32 = arith.constant 0 : i32
    %c0_i32_0 = arith.constant 0 : i32
    return %arg0, %c0_i32 : i32, i32
  }
}

module attributes {stable_mosaic.version = 14 : i64} {
  func.func @body(%arg0: i32, %arg1: memref<2000x128xf32, #tpu.memory_space<vmem>>, %arg2: memref<2000x128xf32, #tpu.memory_space<vmem>>, %arg3: memref<2000x128xf32, #tpu.memory_space<vmem>>, %arg4: memref<2000x128xf32, #tpu.memory_space<vmem>>, %arg5: memref<2000x64xf32, #tpu.memory_space<vmem>>) attributes {dimension_semantics = [#tpu.dimension_semantics<arbitrary>], iteration_bounds = array<i64: 5>, scalar_prefetch = 0 : i64, scratch_operands = 0 : i64, tpu.core_type = #tpu.core_type<tc>, window_params = [{transform_indices = @transform_0, window_bounds = array<i64: 2000, 128>}, {transform_indices = @transform_1, window_bounds = array<i64: 2000, 128>}, {transform_indices = @transform_2, window_bounds = array<i64: 2000, 128>}, {transform_indices = @transform_3, window_bounds = array<i64: 2000, 128>}, {transform_indices = @transform_4, window_bounds = array<i64: 2000, 64>}]} {
    %get3A = arith.constant 0 : index
    %get3A_0 = arith.constant 0 : index
    %get3A_1 = vector.load %arg1[%get3A, %get3A_0] : memref<2000x128xf32, #tpu.memory_space<vmem>>, vector<2000x1xf32>
    %get3A_2 = vector.shape_cast %get3A_1 : vector<2000x1xf32> to vector<2000xf32>
    %get3A_3 = arith.constant 0 : index
    %get3A_4 = arith.constant 16 : index
    %get3A_5 = vector.load %arg1[%get3A_3, %get3A_4] : memref<2000x128xf32, #tpu.memory_space<vmem>>, vector<2000x1xf32>
    %get3A_6 = vector.shape_cast %get3A_5 : vector<2000x1xf32> to vector<2000xf32>
    %add3A = arith.addf %get3A_2, %get3A_6 : vector<2000xf32>
    %add3A_7 = arith.constant 1.000000e+00 : f32
    %add3A_8 = vector.broadcast %add3A_7 : f32 to vector<2000xf32>
    %add3A_9 = arith.addf %add3A, %add3A_8 : vector<2000xf32>
    %rsqrt3A = math.rsqrt %add3A_9 : vector<2000xf32>
    %broadcast_in_dim3A = vector.shape_cast %rsqrt3A : vector<2000xf32> to vector<2000x1xf32>
    %get3A_10 = arith.constant 0 : index
    %get3A_11 = arith.constant 0 : index
    %get3A_12 = vector.load %arg2[%get3A_10, %get3A_11] : memref<2000x128xf32, #tpu.memory_space<vmem>>, vector<2000x128xf32>
    %mul3A = vector.broadcast %broadcast_in_dim3A : vector<2000x1xf32> to vector<2000x128xf32>
    %mul3A_13 = arith.mulf %get3A_12, %mul3A : vector<2000x128xf32>
    %swap3A = arith.constant 0 : index
    %swap3A_14 = arith.constant 0 : index
    %swap3A_15 = vector.load %arg3[%swap3A, %swap3A_14] : memref<2000x128xf32, #tpu.memory_space<vmem>>, vector<2000x128xf32>
    tpu.vector_store %arg3[%swap3A, %swap3A_14], %mul3A_13 {strides = array<i32>} : memref<2000x128xf32, #tpu.memory_space<vmem>>, vector<2000x128xf32>,
    %broadcast_in_dim3A_16 = vector.shape_cast %broadcast_in_dim3A : vector<2000x1xf32> to vector<2000x1xf32>
    %broadcast_in_dim3A_17 = vector.broadcast %broadcast_in_dim3A_16 : vector<2000x1xf32> to vector<2000x128xf32>
    %swap3A_18 = arith.constant 0 : index
    %swap3A_19 = arith.constant 0 : index
    %swap3A_20 = vector.load %arg4[%swap3A_18, %swap3A_19] : memref<2000x128xf32, #tpu.memory_space<vmem>>, vector<2000x128xf32>
    tpu.vector_store %arg4[%swap3A_18, %swap3A_19], %broadcast_in_dim3A_17 {strides = array<i32>} : memref<2000x128xf32, #tpu.memory_space<vmem>>, vector<2000x128xf32>,
    %broadcast_in_dim3A_21 = vector.shape_cast %broadcast_in_dim3A : vector<2000x1xf32> to vector<2000x1xf32>
    %broadcast_in_dim3A_22 = vector.broadcast %broadcast_in_dim3A_21 : vector<2000x1xf32> to vector<2000x64xf32>
    %swap3A_23 = arith.constant 0 : index
    %swap3A_24 = arith.constant 0 : index
    %swap3A_25 = vector.load %arg5[%swap3A_23, %swap3A_24] : memref<2000x64xf32, #tpu.memory_space<vmem>>, vector<2000x64xf32>
    tpu.vector_store %arg5[%swap3A_23, %swap3A_24], %broadcast_in_dim3A_22 {strides = array<i32>} : memref<2000x64xf32, #tpu.memory_space<vmem>>, vector<2000x64xf32>,
    return
  }
  func.func @transform_0(%arg0: i32) -> (i32, i32) {
    %c0_i32 = arith.constant 0 : i32
    %c0_i32_0 = arith.constant 0 : i32
    return %arg0, %c0_i32 : i32, i32
  }
  func.func @transform_1(%arg0: i32) -> (i32, i32) {
    %c0_i32 = arith.constant 0 : i32
    %c0_i32_0 = arith.constant 0 : i32
    return %arg0, %c0_i32 : i32, i32
  }
  func.func @transform_2(%arg0: i32) -> (i32, i32) {
    %c0_i32 = arith.constant 0 : i32
    %c0_i32_0 = arith.constant 0 : i32
    return %arg0, %c0_i32 : i32, i32
  }
  func.func @transform_3(%arg0: i32) -> (i32, i32) {
    %c0_i32 = arith.constant 0 : i32
    %c0_i32_0 = arith.constant 0 : i32
    return %arg0, %c0_i32 : i32, i32
  }
  func.func @transform_4(%arg0: i32) -> (i32, i32) {
    %c0_i32 = arith.constant 0 : i32
    %c0_i32_0 = arith.constant 0 : i32
    return %arg0, %c0_i32 : i32, i32
  }
}

module attributes {stable_mosaic.version = 14 : i64} {
  func.func @body(%arg0: i32, %arg1: memref<2000x128xf32, #tpu.memory_space<vmem>>, %arg2: memref<128x128xf32, #tpu.memory_space<vmem>>, %arg3: memref<2000x128xf32, #tpu.memory_space<vmem>>) attributes {dimension_semantics = [#tpu.dimension_semantics<arbitrary>], iteration_bounds = array<i64: 5>, scalar_prefetch = 0 : i64, scratch_operands = 0 : i64, tpu.core_type = #tpu.core_type<tc>, window_params = [{transform_indices = @transform_0, window_bounds = array<i64: 2000, 128>}, {pipeline_mode = #tpu.pipeline_mode<synchronous>, transform_indices = @transform_1, window_bounds = array<i64: 128, 128>}, {transform_indices = @transform_2, window_bounds = array<i64: 2000, 128>}]} {
    %get3A = arith.constant 0 : index
    %get3A_0 = arith.constant 0 : index
    %get3A_1 = vector.load %arg1[%get3A, %get3A_0] : memref<2000x128xf32, #tpu.memory_space<vmem>>, vector<2000x128xf32>
    %get3A_2 = arith.constant 0 : index
    %get3A_3 = arith.constant 0 : index
    %get3A_4 = vector.load %arg2[%get3A_2, %get3A_3] : memref<128x128xf32, #tpu.memory_space<vmem>>, vector<128x128xf32>
    %dot_general3A = arith.constant dense<0.000000e+00> : vector<2000x128xf32>
    %dot_general3A_5 = tpu.matmul %get3A_1, %get3A_4, %dot_general3A {dimension_numbers = #tpu.dot_dimension_numbers<[1], [0], [0], [1], [0, 0, 1, 1], [], []>, transpose_lhs_hint = false} : vector<2000x128xf32>, vector<128x128xf32>, vector<2000x128xf32> -> vector<2000x128xf32>
    %swap3A = arith.constant 0 : index
    %swap3A_6 = arith.constant 0 : index
    %swap3A_7 = vector.load %arg3[%swap3A, %swap3A_6] : memref<2000x128xf32, #tpu.memory_space<vmem>>, vector<2000x128xf32>
    tpu.vector_store %arg3[%swap3A, %swap3A_6], %dot_general3A_5 {strides = array<i32>} : memref<2000x128xf32, #tpu.memory_space<vmem>>, vector<2000x128xf32>,
    return
  }
  func.func @transform_0(%arg0: i32) -> (i32, i32) {
    %c0_i32 = arith.constant 0 : i32
    %c0_i32_0 = arith.constant 0 : i32
    return %arg0, %c0_i32 : i32, i32
  }
  func.func @transform_1(%arg0: i32) -> (i32, i32) {
    %c0_i32 = arith.constant 0 : i32
    %c0_i32_0 = arith.constant 0 : i32
    %c0_i32_1 = arith.constant 0 : i32
    return %c0_i32, %c0_i32_0 : i32, i32
  }
  func.func @transform_2(%arg0: i32) -> (i32, i32) {
    %c0_i32 = arith.constant 0 : i32
    %c0_i32_0 = arith.constant 0 : i32
    return %arg0, %c0_i32 : i32, i32
  }
}

module attributes {stable_mosaic.version = 14 : i64} {
  func.func @body(%arg0: i32, %arg1: memref<2000x128xf32, #tpu.memory_space<vmem>>, %arg2: memref<2000x64xf32, #tpu.memory_space<vmem>>, %arg3: memref<2000x64xf32, #tpu.memory_space<vmem>>, %arg4: memref<64xf32, #tpu.memory_space<vmem>>, %arg5: memref<2000x64xf32, #tpu.memory_space<vmem>>) attributes {dimension_semantics = [#tpu.dimension_semantics<arbitrary>], iteration_bounds = array<i64: 5>, scalar_prefetch = 0 : i64, scratch_operands = 0 : i64, tpu.core_type = #tpu.core_type<tc>, window_params = [{transform_indices = @transform_0, window_bounds = array<i64: 2000, 128>}, {transform_indices = @transform_1, window_bounds = array<i64: 2000, 64>}, {transform_indices = @transform_2, window_bounds = array<i64: 2000, 64>}, {pipeline_mode = #tpu.pipeline_mode<synchronous>, transform_indices = @transform_3, window_bounds = array<i64: 64>}, {transform_indices = @transform_4, window_bounds = array<i64: 2000, 64>}]} {
    %get3A = arith.constant 0 : index
    %get3A_0 = arith.constant 0 : index
    %get3A_1 = vector.load %arg3[%get3A, %get3A_0] : memref<2000x64xf32, #tpu.memory_space<vmem>>, vector<2000x64xf32>
    %get3A_2 = arith.constant 0 : index
    %get3A_3 = arith.constant 0 : index
    %get3A_4 = vector.load %arg1[%get3A_2, %get3A_3] : memref<2000x128xf32, #tpu.memory_space<vmem>>, vector<2000x128xf32>
    %slice3A = vector.extract_strided_slice %get3A_4 {offsets = [0, 0], sizes = [2000, 64], strides = [1, 1]} : vector<2000x128xf32> to vector<2000x64xf32>
    %slice3A_5 = vector.extract_strided_slice %get3A_4 {offsets = [0, 64], sizes = [2000, 64], strides = [1, 1]} : vector<2000x128xf32> to vector<2000x64xf32>
    %add3A = arith.addf %slice3A, %slice3A_5 : vector<2000x64xf32>
    %mul3A = arith.mulf %get3A_1, %add3A : vector<2000x64xf32>
    %mul3A_6 = arith.mulf %get3A_1, %get3A_1 : vector<2000x64xf32>
    %get3A_7 = arith.constant 0 : index
    %get3A_8 = arith.constant 0 : index
    %get3A_9 = vector.load %arg2[%get3A_7, %get3A_8] : memref<2000x64xf32, #tpu.memory_space<vmem>>, vector<2000x64xf32>
    %mul3A_10 = arith.mulf %mul3A_6, %get3A_9 : vector<2000x64xf32>
    %add3A_11 = arith.addf %mul3A, %mul3A_10 : vector<2000x64xf32>
    %get3A_12 = arith.constant 0 : index
    %get3A_13 = vector.load %arg4[%get3A_12] : memref<64xf32, #tpu.memory_space<vmem>>, vector<64xf32>
    %broadcast_in_dim3A = vector.shape_cast %get3A_13 : vector<64xf32> to vector<1x64xf32>
    %add3A_14 = vector.broadcast %broadcast_in_dim3A : vector<1x64xf32> to vector<2000x64xf32>
    %add3A_15 = arith.addf %add3A_11, %add3A_14 : vector<2000x64xf32>
    %reduce_max3A = arith.constant dense<0xFF800000> : vector<2000xf32>
    %reduce_max3A_16 = vector.multi_reduction <maximumf>, %add3A_15, %reduce_max3A [1] : vector<2000x64xf32> to vector<2000xf32>
    %broadcast_in_dim3A_17 = vector.shape_cast %reduce_max3A_16 : vector<2000xf32> to vector<2000x1xf32>
    %sub3A = vector.broadcast %broadcast_in_dim3A_17 : vector<2000x1xf32> to vector<2000x64xf32>
    %sub3A_18 = arith.subf %add3A_15, %sub3A : vector<2000x64xf32>
    %exp3A = math.exp %sub3A_18 : vector<2000x64xf32>
    %reduce_sum3A = arith.constant dense<0.000000e+00> : vector<2000xf32>
    %reduce_sum3A_19 = vector.multi_reduction <add>, %exp3A, %reduce_sum3A [1] : vector<2000x64xf32> to vector<2000xf32>
    %broadcast_in_dim3A_20 = vector.shape_cast %reduce_sum3A_19 : vector<2000xf32> to vector<2000x1xf32>
    %log3A = math.log %broadcast_in_dim3A_20 : vector<2000x1xf32>
    %sub3A_21 = vector.broadcast %log3A : vector<2000x1xf32> to vector<2000x64xf32>
    %sub3A_22 = arith.subf %sub3A_18, %sub3A_21 : vector<2000x64xf32>
    %swap3A = arith.constant 0 : index
    %swap3A_23 = arith.constant 0 : index
    %swap3A_24 = vector.load %arg5[%swap3A, %swap3A_23] : memref<2000x64xf32, #tpu.memory_space<vmem>>, vector<2000x64xf32>
    tpu.vector_store %arg5[%swap3A, %swap3A_23], %sub3A_22 {strides = array<i32>} : memref<2000x64xf32, #tpu.memory_space<vmem>>, vector<2000x64xf32>,
    return
  }
  func.func @transform_0(%arg0: i32) -> (i32, i32) {
    %c0_i32 = arith.constant 0 : i32
    %c0_i32_0 = arith.constant 0 : i32
    return %arg0, %c0_i32 : i32, i32
  }
  func.func @transform_1(%arg0: i32) -> (i32, i32) {
    %c0_i32 = arith.constant 0 : i32
    %c0_i32_0 = arith.constant 0 : i32
    return %arg0, %c0_i32 : i32, i32
  }
  func.func @transform_2(%arg0: i32) -> (i32, i32) {
    %c0_i32 = arith.constant 0 : i32
    %c0_i32_0 = arith.constant 0 : i32
    return %arg0, %c0_i32 : i32, i32
  }
  func.func @transform_3(%arg0: i32) -> i32 {
    %c0_i32 = arith.constant 0 : i32
    %c0_i32_0 = arith.constant 0 : i32
    return %c0_i32 : i32
  }
  func.func @transform_4(%arg0: i32) -> (i32, i32) {
    %c0_i32 = arith.constant 0 : i32
    %c0_i32_0 = arith.constant 0 : i32
    return %arg0, %c0_i32 : i32, i32
  }
}

</mosaic_0001>

<sc_bundles>
// kernel: kernel.12.cloned.1.call-start
scs
__scs_entry_jumppad:
0x0: {  	(pc) =	sbr.rel $0x88, $3  }
0x1: {  	(tag) =	ssettag $0x0;
	lr =	simm.s32 $0x1  }
0x2: {  	[smem:$0x3F9B] =	sst lr;
	_ =	strace $0xD0000000  }
0x3: {  	_ = 	snop  }
0x4: {  	_ = 	snop  }
0x5: {  	_ = 	snop  }
0x6: {  	_ = 	snop  }
0x7: {  	_ = 	snop  }
__scs_overlays_trampoline_lowered:
0x8: {  	[smem:$0x3FAA] =	sst s0  }
0x9: {  	[smem:$0x3FAB] =	sst s1  }
0xa: {  	[smem:$0x3FAC] =	sst s2  }
0xb: {  	[smem:$0x3FAD] =	sst s3  }
0xc: {  	[smem:$0x3FAE] =	sst s4  }
0xd: {  	[smem:$0x3FAF] =	sst s5  }
0xe: {  	[smem:$0x3FB0] =	sst s6  }
0xf: {  	[smem:$0x3FB1] =	sst s7  }
0x10: {  	[smem:$0x3FB2] =	sst s8  }
0x11: {  	[smem:$0x3FB3] =	sst s9;
	s0 =	simm.s32 @!p0 $0x0  }
0x12: {  	s1 =	sld [smem:$0x3F99];
	s0 =	simm.s32 @p0 $0x1  }
0x13: {  	[smem:$0x3FB4] =	sst s0;
	s0 =	simm.s32 @!p1 $0x0  }
0x14: {  	s2 =	sld [smem:$0x3F98];
	s0 =	simm.s32 @p1 $0x1  }
0x15: {  	[smem:$0x3FB5] =	sst s0;
	s0 =	simm.s32 @!p2 $0x0  }
0x16: {  	s3 =	sld [smem:$0x3FDB];
	s0 =	simm.s32 @p2 $0x1  }
0x17: {  	s4 =	simm.s32 $0x1BF5;
	[smem:$0x3FB7] =	sst s0  }
0x18: {  	s0 =	sld [smem:$0x3F9A];
	_ =	swait.ge [sflag:s4], $0x0  }
0x19: {  	s7 =	sld [smem:$0x3F9B]  }
0x1a: {  	s8 =	sadd.s32 $0xFFFFE003, lr  }
0x1b: {  	s9 =	sadd.s32 $0xFFFFFEF7, lr;
	s5 =	simm.s32 $0xFFFFFFFF;
	p2 =	slt.u32 s8, $0xFFFFF086  }
0x1c: {  	p1 =	slt.u32 s9, $0xF7A;
	s5 =	simm.s32 @!p2 $0x0  }
0x1d: {  	s5 =	simm.s32 @p1 $0x1;
	p0 =	seq.s32 s7, s2  }
0x1e: {  	s7 =	smul.u32 @!p0 $0xF7A, s2;
	p2 =	seq.s32 @!p0 s5, $0x0  }
0x1f: {  	s9 =	smul.u32 $0xF7A, s1;
	s8 =	simm.s32 @!p0 $0x1BF5;
	p2 =	por !p2, p0  }
0x20: {  	[sflag:s8] =	ssyncset.s32 @!p0 $0xFFFFF086;
	s6 =	sadd.s32 @!p0 s3, s7;
	s7 =	simm.s32 @!p0 $0x108  }
0x21: {  	s3 =	sadd.s32 s3, s9;
	s6 =	sadd.s32 @!p0 $0x88, s6;
	s7 =	simm.s32 @p2 $0x1082  }
0x22: {  	[simem:s7], [sflag:s8] =	dma.local @!p0 [hbm:s6], $0xF7A  }
0x23: {  	s9 =	sor.u32 $0xD0000000, s2;
	s6 =	simm.s32 $0x108;
	_ =	swait.ge @!p0 [sflag:s8], $0x0  }
0x24: {  	s3 =	sadd.s32 $0x88, s3;
	s6 =	simm.s32 @!p1 $0x1082;
	[sflag:s4] =	ssyncset.s32 $0xFFFFF086  }
0x25: {  	[simem:s6], [sflag:s4] =	dma.local [hbm:s3], $0xF7A  }
0x26: {  	[smem:$0x3F9B] =	sst s1;
	(tag) =	ssettag s2;
	_ =	strace s9  }
0x27: {  	s1 =	sld [smem:$0x3FAB]  }
0x28: {  	s2 =	sld [smem:$0x3FAC]  }
0x29: {  	s4 =	sld [smem:$0x3FAE]  }
0x2a: {  	p0 =	seq.s32 s5, $0x0;
	s5 =	sld [smem:$0x3FAF]  }
0x2b: {  	s6 =	sld [smem:$0x3FB0]  }
0x2c: {  	s7 =	sld [smem:$0x3FB1]  }
0x2d: {  	s3 =	simm.s32 $0x108;
	s8 =	sld [smem:$0x3FB2]  }
0x2e: {  	s3 =	simm.s32 @!p0 $0x1082;
	s9 =	sld [smem:$0x3FB3]  }
0x2f: {  	lr =	sadd.s32 s0, s3;
	s0 =	sld [smem:$0x3FAA]  }
0x30: {  	s3 =	sld [smem:$0x3FAD]  }
0x31: {  	[smem:$0x3FB6] =	sst s10  }
0x32: {  	s10 =	sld [smem:$0x3FB4];
	_ =	sdelay $0x3  }
0x33: {  	p0 =	seq.s32 s10, $0x1;
	s10 =	sld [smem:$0x3FB6];
	_ =	sdelay $0x3  }
0x34: {  	[smem:$0x3FB6] =	sst s10  }
0x35: {  	s10 =	sld [smem:$0x3FB5];
	_ =	sdelay $0x3  }
0x36: {  	p1 =	seq.s32 s10, $0x1;
	s10 =	sld [smem:$0x3FB6];
	_ =	sdelay $0x3  }
0x37: {  	[smem:$0x3FB6] =	sst s10  }
0x38: {  	s10 =	sld [smem:$0x3FB7]  }
0x39: {  	_ = 	snop;
	(pc) =	sbr.ind lr, $3  }
0x3a: {  	_ = 	snop  }
0x3b: {  	_ = 	snop  }
0x3c: {  	p2 =	seq.s32 s10, $0x1;
	s10 =	sld [smem:$0x3FB6]  }
0x3d: {  	_ =	shalt  }
0x3e: {  	_ =	shalt  }
0x3f: {  	_ =	shalt  }
0x40: {  	_ =	shalt  }
0x41: {  	_ =	shalt  }
0x42: {  	_ =	shalt  }
0x43: {  	_ =	shalt  }
0x44: {  	_ =	shalt  }
0x45: {  	_ =	shalt  }
0x46: {  	_ =	shalt  }
0x47: {  	_ =	shalt  }
0x48: {  	_ =	shalt  }
0x49: {  	_ =	shalt  }
0x4a: {  	_ =	shalt  }
0x4b: {  	_ =	shalt  }
0x4c: {  	_ =	shalt  }
0x4d: {  	_ =	shalt  }
0x4e: {  	_ =	shalt  }
0x4f: {  	_ =	shalt  }
0x50: {  	_ =	shalt  }
0x51: {  	_ =	shalt  }
0x52: {  	_ =	shalt  }
0x53: {  	_ =	shalt  }
0x54: {  	_ =	shalt  }
0x55: {  	_ =	shalt  }
0x56: {  	_ =	shalt  }
0x57: {  	_ =	shalt  }
0x58: {  	_ =	shalt  }
0x59: {  	_ =	shalt  }
0x5a: {  	_ =	shalt  }
0x5b: {  	_ =	shalt  }
0x5c: {  	_ =	shalt  }
0x5d: {  	_ =	shalt  }
0x5e: {  	_ =	shalt  }
0x5f: {  	_ =	shalt  }
0x60: {  	_ =	shalt  }
0x61: {  	_ =	shalt  }
0x62: {  	_ =	shalt  }
0x63: {  	_ =	shalt  }
0x64: {  	_ =	shalt  }
0x65: {  	_ =	shalt  }
0x66: {  	_ =	shalt  }
0x67: {  	_ =	shalt  }
0x68: {  	_ =	shalt  }
0x69: {  	_ =	shalt  }
0x6a: {  	_ =	shalt  }
0x6b: {  	_ =	shalt  }
0x6c: {  	_ =	shalt  }
0x6d: {  	_ =	shalt  }
0x6e: {  	_ =	shalt  }
0x6f: {  	_ =	shalt  }
0x70: {  	_ =	shalt  }
0x71: {  	_ =	shalt  }
0x72: {  	_ =	shalt  }
0x73: {  	_ =	shalt  }
0x74: {  	_ =	shalt  }
0x75: {  	_ =	shalt  }
0x76: {  	_ =	shalt  }
0x77: {  	_ =	shalt  }
0x78: {  	_ =	shalt  }
0x79: {  	_ =	shalt  }
0x7a: {  	_ =	shalt  }
0x7b: {  	_ =	shalt  }
0x7c: {  	_ =	shalt  }
0x7d: {  	_ =	shalt  }
0x7e: {  	_ =	shalt  }
0x7f: {  	_ =	shalt  }
0x80: {  	_ =	shalt  }
0x81: {  	_ =	shalt  }
0x82: {  	_ =	shalt  }
0x83: {  	_ =	shalt  }
0x84: {  	_ =	shalt  }
0x85: {  	_ =	shalt  }
0x86: {  	_ =	shalt  }
0x87: {  	_ =	shalt  }
.Lfunc_end0:
.L_simem_size_0:
called_computation.1_lowered:
.L_overlay_start_0:
0x88: {  	s2 =	sld [smem:$0x3FD9]  }
0x89: {  	s3 =	sld [smem:$0x3FFE];
	_ =	sdelay $0x1  }
0x8a: {  	s1 =	srdreg.scid  }
0x8b: {  	s0 =	sand.u32 $0x1, s1  }
0x8c: {  	s17 =	sshll.u32 s0, $0xA;
	s2 =	sadd.s32 s3, s2  }
0x8d: {  	s2 =	sadd.s32 s2, s17  }
0x8e: {  	[smem:$0x3FC2] =	sst s2  }
0x8f: {  	_ = 	snop  }
0x90: {  	s2 =	sld [smem:$0x3FC8];
	(tm) =	ssettm $0x1  }
0x91: {  	s18 =	sld [smem:$0x3FFB];
	_ =	sdelay $0x3  }
0x92: {  	_ =	strace s18  }
0x93: {  	s3 =	sld [smem:$0x3FFC];
	_ =	sdelay $0x3  }
0x94: {  	_ =	strace s3  }
0x95: {  	s3 =	sld [smem:$0x3FFD];
	_ =	sdelay $0x3  }
0x96: {  	_ =	strace s3  }
0x97: {  	_ =	strace $0x8FFFFFFF  }
0x98: {  	s19 =	sld [smem:$0x3FDB];
	_ =	sdelay $0x1  }
0x99: {  	s4 =	simm.s32 $_scs_section_size  }
0x9a: {  	s5 =	simm.s32 $_size__tile_overlayer_lowered;
	s6 =	simm.s32 $_tile_overlayer_lowered  }
0x9b: {  	s22 =	simm.s32 $0x1BFF;
	s21 =	sshll.u32 s6, $0x1;
	s3 =	sadd.s32 s4, s19  }
0x9c: {  	s7 =	simm.s32 $0x0;
	s20 =	sshll.u32 s5, $0x1;
	s5 =	sadd.s32 s21, s3  }
0x9d: {  	[timem:s7], [sflag:s22] =	dma.local [hbm:s5], s20  }
0x9e: {  	_ =	swait.ge [sflag:s22], s20  }
0x9f: {  	s4 =	ssub.s32 $0x0, s20;
	[sflag:s22] =	ssyncset.done $0x0  }
0xa0: {  	[sflag:s22] =	ssyncadd.s32 s4;
	_ =	sdelay $0x1  }
0xa1: {  	s23 =	simm.s32 $0x1B8B  }
0xa2: {  	_ =	swait.ge [sflag:s23], $0x1  }
0xa3: {  	[sflag:s23] =	ssyncset.done $0x0  }
0xa4: {  	s25 =	simm.s32 $0x1B8E;
	s24 =	sld [smem:$0x3FFE];
	[sflag:s23] =	ssyncadd.s32 $0xFFFFFFFF  }
0xa5: {  	s26 =	simm.s32 $execute0_lowered;
	[smem:$0x3FD2] =	sst s25  }
0xa6: {  	s5 =	sshll.u32 s26, $0x1;
	_ =	strace $0x80000049;
	[dreg:$0x1] =	wrdreg $0xFFFFFFFF  }
0xa7: {  	s28 =	simm.s32 $_size_execute0_lowered;
	s3 =	sadd.s32 s3, s5;
	[dreg:$0x0] =	wrdreg $0x0  }
0xa8: {  	s5 =	sshll.u32 s28, $0x1;
	[dreg:$0x2] =	wrdreg s3  }
0xa9: {  	[dreg:$0x3] =	wrdreg s5  }
0xaa: {  	[dreg:$0x4] =	wrdreg $0xC0  }
0xab: {  	_ =	task [dreg:s7], $0x5FFFF  }
0xac: {  	[dreg:$0x1] =	wrdreg $0xFFFFFFFF  }
0xad: {  	[dreg:$0x0] =	wrdreg $0x60  }
0xae: {  	[dreg:$0x2] =	wrdreg s24  }
0xaf: {  	[dreg:$0x3] =	wrdreg s2  }
0xb0: {  	[dreg:$0x4] =	wrdreg $0xC6000  }
0xb1: {  	[dreg:$0x5] =	wrdreg $0x9  }
0xb2: {  	_ =	task.clear_ibuf [dreg:s7], $0x6FFFF;
	_ =	strace $0x90000049  }
0xb3: {  	s29 =	simm.s32 $0x9;
	_ =	strace $0x8000004B  }
0xb4: {  	_ =	swait.ge [sflag:s29], $0x1  }
0xb5: {  	[sflag:s29] =	ssyncadd.s32 $0xFFFFFFFF  }
0xb6: {  	_ =	strace $0x9000004B  }
0xb7: {  	_ =	sfence  }
0xb8: {  	s30 =	sld [smem:$0x0];
	_ =	sdelay $0x2  }
0xb9: {  	s31 =	sshll.u32 s1, $0xD;
	s1 =	sshrl.u32 s1, $0x2  }
0xba: {  	s3 =	sand.u32 $0x4000, s31;
	s1 =	sadd.s32 s1, s30  }
0xbb: {  	s0 =	sor.u32 s3, s0;
	s1 =	sshll.u32 s1, $0x11  }
0xbc: {  	s0 =	sor.u32 s1, s0  }
0xbd: {  	s0 =	sadd.s32 $0x8F2B, s0  }
0xbe: {  	[sflag:s0] =	ssyncadd.remote.s32 $0x1  }
0xbf: {  	_ =	sfence.sel $0xFFFF  }
0xc0: {  	[dreg:$0x0] =	wrdreg $0xFFFFFFFF;
	(pc) =	sbr.abs _section_cstart, $3  }
0xc1: {  	[dreg:$0x1] =	wrdreg $0xFFFFFFFF  }
0xc2: {  	_ =	task.clear_ibuf [dreg:s7], $0x2FFFF;
	_ =	strace $0x9FFFFFFF  }
0xc3: {  	(tm) =	ssettm $0x7FFFFFFF  }
tec
execute0_lowered:
.L_overlay_start_1:
0x0: {  	(tag) =	ssettag $0x1  }
0x1: {  	s0 =	rddreg [dreg:$0x0]  }
0x2: {  	s2 =	rddreg [dreg:$0x1]  }
0x3: {  	s1 =	rddreg [dreg:$0x2]  }
0x4: {  	s4 =	srdreg.scid;
	s12 =	stileid.u32;
	s3 =	simm.s32 $0x0  }
0x5: {  	s28 =	simm.s32 $0x1;
	s29 =	simm.s32 $0x80;
	s25 =	smul.u32 $0x13800, s12  }
0x6: {  	s30 =	simm.s32 $0x4600;
	s31 =	simm.s32 $0x8600;
	s26 =	smul.u32 $0x4E000, s12  }
0x7: {  	s5 =	sand.u32 $0x1, s4;
	s20 =	sshll.u32 s12, $0x1;
	s17 =	smul.u32 $0x9C, s12  }
0x8: {  	[smem:$0x7FF] =	sst s3;
	s4 =	sadd.s32 $0x3E00, s0;
	s6 =	smul.u32 $0x27100, s5  }
0x9: {  	s13 =	sadd.s32 $0x138000, s1;
	p0 =	sne.s32 s12, $0x0;
	s18 =	smul.u32 $0x4E, s5  }
0xa: {  	s7 =	sor.u32 s5, s20;
	s8 =	ssub.s32 $0x2, s5;
	s5 =	smul.u32 $0x9C0, s5  }
0xb: {  	p1 =	sgt.u32 s12, $0x1;
	_ =	strace $0x8000004A;
	s9 =	smul.u32 $0x9C0, s7  }
0xc: {  	[dreg:$0x7] =	wrdreg s13;
	s10 =	sshrl.u32 s8, $0x1;
	s11 =	smul.u32 $0x4E00, s7  }
0xd: {  	s7 =	sshll.u32 s7, $0x5;
	s15 =	sshrl.u32 s25, $0x3;
	s16 =	sshrl.u32 s26, $0x2  }
0xe: {  	s0 =	sadd.s32 s6, s0;
	s21 =	ssub.s32 s8, s10;
	s13 =	sadd.s32 s16, s1  }
0xf: {  	s10 =	sadd.s32 $0x20, s2;
	s22 =	sadd.s32 s2, s9;
	[dreg:$0xa] =	wrdreg s13  }
0x10: {  	s7 =	sadd.s32 s7, s2;
	s23 =	sadd.s32 s9, s10;
	[dreg:$0x4] =	wrdreg s22  }
0x11: {  	s16 =	simm.s32 $0x480;
	s7 =	sadd.s32 $0x13800, s7;
	[dreg:$0x5] =	wrdreg s23  }
0x12: {  	s24 =	sshrl.u32 s11, $0x3;
	s6 =	smax.u32 s21, $0x1;
	[dreg:$0x8] =	wrdreg s7  }
0x13: {  	s14 =	sadd.s32 $0x79400, s0;
	s19 =	sadd.s32 $0x3400, s13;
	[dreg:$0xb] =	wrdreg s6  }
0x14: {  	s9 =	sadd.s32 s25, s1;
	s20 =	sadd.s32 $0x6800, s13;
	[dreg:$0xc] =	wrdreg s19  }
0x15: {  	s21 =	sadd.s32 $0x9C00, s13;
	s8 =	sadd.s32 s2, s24;
	[dreg:$0xd] =	wrdreg s20  }
0x16: {  	[dreg:$0xe] =	wrdreg s21;
	s22 =	smul.u32 $0x1380, s12;
	s7 =	sadd.s32 s18, s17  }
0x17: {  	s23 =	sadd.s32 $0xD000, s13;
	s24 =	sadd.s32 $0x10400, s13;
	s21 =	simm.s32 $0x100  }
0x18: {  	[dreg:$0x9] =	wrdreg s14;
	s0 =	sadd.s32 s15, s14;
	s26 =	sshrl.u32 s9, $0x3  }
0x19: {  	s9 =	simm.s32 $0x180;
	s12 =	simm.s32 $0x5;
	s13 =	simm.s32 $0x280  }
0x1a: {  	s14 =	simm.s32 $0x2;
	s15 =	simm.s32 $0x380;
	[dreg:$0xf] =	wrdreg s23  }
0x1b: {  	s17 =	simm.s32 $0x580;
	s8 =	sadd.s32 $0x40, s8;
	[dreg:$0x10] =	wrdreg s24  }
0x1c: {  	s7 =	sshll.u32 s7, $0x5;
	s23 =	simm.s32 $0x600;
	[dreg:$0x11] =	wrdreg s0  }
0x1d: {  	[dreg:$0x12] =	wrdreg s26;
	s26 =	simm.s32 $0x7;
	s0 =	simm.s32 $0x300  }
.Ltmp0:
0x1e: {  	s24 =	simm.s32 $0x0;
	[dreg:$0x6] =	wrdreg s8;
	(pc) =	sbr.rel .LBB2_1-.Ltmp0, $4  }
0x1f: {  	s6 =	sadd.s32 s22, s2;
	s2 =	sadd.s32 s2, s7;
	s25 =	sadd.s32 s10, s7  }
0x20: {  	s22 =	simm.s32 $0x200;
	s7 =	simm.s32 $0x4;
	s10 =	simm.s32 $0x6  }
0x21: {  	s18 =	sadd.s32 s5, s6;
	s19 =	sadd.s32 $0xC0, s2;
	s20 =	sadd.s32 $0x40, s25  }
0x22: {  	v0 =	vimm.f32 $0.0e+00;
	s2 =	simm.s32 $0x400;
	s5 =	simm.s32 $0x500;
	s6 =	simm.s32 $0x3  }
.LBB2_6:
0x23: {  	_ =	swait.ge [sflag:s6], $0x4000  }
0x24: {  	[sflag:s6] =	ssyncset.done $0x0  }
0x25: {  	[sflag:s6] =	ssyncadd.s32 $0xFFFFC000  }
0x26: {  	[spmem:s1] =	stream.indirect.scatter.add.f32 [tilespmem:s23], [sflag:$0x6], $0x80, s15, s29, $0xb8;
	[tilespmem:$0x1FE80] =	vst v63  }
0x27: {  	_ =	swait.ge [sflag:s7], $0x4000  }
0x28: {  	[sflag:s7] =	ssyncset.done $0x0  }
0x29: {  	[sflag:s7] =	ssyncadd.s32 $0xFFFFC000  }
0x2a: {  	[spmem:s1] =	stream.indirect.scatter.add.f32 [tilespmem:s30], [sflag:$0x6], $0x80, s16, s29, $0xb8;
	[tilespmem:$0x1FE80] =	vst v63  }
0x2b: {  	_ =	swait.ge [sflag:s12], $0x4000  }
0x2c: {  	[sflag:s12] =	ssyncset.done $0x0  }
0x2d: {  	[sflag:s12] =	ssyncadd.s32 $0xFFFFC000  }
0x2e: {  	[spmem:s1] =	stream.indirect.scatter.add.f32 [tilespmem:s31], [sflag:$0x6], $0x80, s17, s29, $0xb8;
	[tilespmem:$0x1FE80] =	vst v63  }
0x2f: {  	_ =	swait.ge [sflag:s10], $0x4000  }
0x30: {  	[sflag:s10] =	ssyncset.done $0x0  }
0x31: {  	[sflag:s10] =	ssyncadd.s32 $0xFFFFC000  }
0x32: {  	_ =	swait.ge [sflag:s10], $0x4000  }
0x33: {  	[sflag:s10] =	ssyncset.done $0x0  }
0x34: {  	[sflag:s10] =	ssyncadd.s32 $0xFFFFC000  }
0x35: {  	_ =	swait.ge [sflag:s10], $0x4000  }
0x36: {  	[sflag:s10] =	ssyncset.done $0x0  }
0x37: {  	s8 =	simm.s32 @!p1 $0x0;
	s11 =	rddreg [dreg:$0x8];
	[sflag:s10] =	ssyncadd.s32 $0xFFFFC000  }
0x38: {  	[tilespmem:s8], [sflag:$0x1] =	stream.linear.gather @!p1 [hbm4b:s11+s8], $0x100, $0x38;
	[tilespmem:$0x1FE80] =	vst v63  }
0x39: {  	s11 =	simm.s32 @!p1 $0x1  }
0x3a: {  	_ =	swait.ge @!p1 [sflag:s11], $0x100  }
0x3b: {  	[sflag:s11] =	ssyncset.done @!p1 $0x0  }
0x3c: {  	s25 =	simm.s32 @!p1 $0x600;
	[sflag:s11] =	ssyncadd.s32 @!p1 $0xFFFFFF00;
	s11 =	simm.s32 @!p1 $0x80  }
0x3d: {  	[tilespmem:s25], [sflag:$0x3] =	stream.indirect.gather @!p1 [hbm4b:s4+s11], $0x80, s8, s11, $0xb8;
	[tilespmem:$0x1FE80] =	vst v63  }
0x3e: {  	s8 =	simm.s32 @!p1 $0x3  }
0x3f: {  	_ =	swait.ge @!p1 [sflag:s8], $0x4000  }
0x40: {  	[sflag:s8] =	ssyncset.done @!p1 $0x0  }
0x41: {  	[sflag:s8] =	ssyncadd.s32 @!p1 $0xFFFFC000;
	s8 =	simm.s32 @!p1 $0x6  }
0x42: {  	[spmem:s1] =	stream.indirect.scatter.add.f32 @!p1 [tilespmem:s25], [sflag:$0x6], $0x80, s11, s11, $0xb8;
	[tilespmem:$0x1FE80] =	vst v63  }
0x43: {  	_ =	swait.ge @!p1 [sflag:s8], $0x4000  }
0x44: {  	[sflag:s8] =	ssyncset.done @!p1 $0x0  }
0x45: {  	[sflag:s8] =	ssyncadd.s32 @!p1 $0xFFFFC000  }
0x46: {  	s11 =	stileid.u32;
	[bflag:$0x0] =	sbarrier.arrive $0xFFFF  }
0x47: {  	s8 =	sshll.u32 s11, $0x6;
	s11 =	rddreg [dreg:$0x11]  }
0x48: {  	s8 =	sor.u32 $0x1C07, s8;
	s25 =	rddreg [dreg:$0x12]  }
0x49: {  	[hbm:s11], [sflag:s8] =	dma.local [spmem:s25], $0x2700  }
0x4a: {  	_ =	swait.ge [sflag:s26], $0x2700  }
0x4b: {  	s11 =	rddreg [dreg:$0x9]  }
0x4c: {  	[sflag:s26] =	ssyncset.done $0x0;
	s25 =	rddreg [dreg:$0x7]  }
0x4d: {  	[sflag:s26] =	ssyncadd.s32 $0xFFFFD900;
	s11 =	sadd.s32 @!p0 $0x27000, s11;
	s25 =	sshrl.u32 @!p0 s25, $0x3  }
0x4e: {  	[hbm:s11], [sflag:s8] =	dma.local @!p0 [spmem:s25], $0x100  }
0x4f: {  	s8 =	simm.s32 @!p0 $0x7  }
0x50: {  	_ =	swait.ge @!p0 [sflag:s8], $0x100  }
0x51: {  	s24 =	sadd.s32 $0x1, s24;
	s25 =	rddreg [dreg:$0xb]  }
0x52: {  	p2 =	sne.s32 s24, s25  }
.Ltmp1:
0x53: {  	_ = 	snop;
	(pc) =	sbr.rel @!p2 .LBB2_7-.Ltmp1, $3  }
0x54: {  	_ =	sdelay $0x1  }
0x55: {  	[sflag:s8] =	ssyncset.done @!p0 $0x0  }
0x56: {  	[sflag:s8] =	ssyncadd.s32 @!p0 $0xFFFFFF00  }
.LBB2_1:
0x57: {  	s8 =	rddreg [dreg:$0x4]  }
0x58: {  	[tilespmem:s3], [sflag:$0x1] =	stream.linear.gather [hbm4b:s8+s3], $0x100, $0x38;
	[tilespmem:$0x1FE80] =	vst v63  }
0x59: {  	s11 =	rddreg [dreg:$0x5]  }
0x5a: {  	[tilespmem:s21], [sflag:$0x1] =	stream.linear.gather [hbm4b:s11+s3], $0x100, $0x38;
	[tilespmem:$0x1FE80] =	vst v63  }
0x5b: {  	s25 =	rddreg [dreg:$0x6]  }
0x5c: {  	[tilespmem:s22], [sflag:$0x1] =	stream.linear.gather [hbm4b:s25+s3], $0x100, $0x38;
	[tilespmem:$0x1FE80] =	vst v63  }
0x5d: {  	s11 =	simm.s32 $0x70;
	s25 =	simm.s32 $0x3C0  }
.LBB2_2:
0x5e: {  	p2 =	sne.s32 s25, $0xCFC0;
	[tilespmem:s11+$0x600] =	vst v0  }
0x5f: {  	[tilespmem:s11+$0x590] =	vst v0  }
0x60: {  	[tilespmem:s11+$0x5A0] =	vst v0  }
.Ltmp2:
0x61: {  	[tilespmem:s11+$0x5B0] =	vst v0;
	(pc) =	sbr.rel @p2 .LBB2_2-.Ltmp2, $4  }
0x62: {  	[tilespmem:s11+$0x5C0] =	vst v0  }
0x63: {  	[tilespmem:s11+$0x5D0] =	vst v0  }
0x64: {  	[tilespmem:s11+$0x5E0] =	vst v0  }
0x65: {  	[tilespmem:s11+$0x5F0] =	vst v0;
	s11 =	sshra.s32 s25, $0x2;
	s25 =	sadd.s32 $0x200, s25  }
0x66: {  	[tilespmem:s11+$0x600] =	vst v0  }
0x67: {  	[tilespmem:s11+$0x590] =	vst v0  }
0x68: {  	[tilespmem:s11+$0x5A0] =	vst v0  }
0x69: {  	[tilespmem:s11+$0x5B0] =	vst v0  }
0x6a: {  	[tilespmem:s11+$0x5C0] =	vst v0  }
0x6b: {  	[tilespmem:s11+$0x5D0] =	vst v0  }
0x6c: {  	[tilespmem:s11+$0x5E0] =	vst v0  }
0x6d: {  	[tilespmem:s11+$0x5F0] =	vst v0;
	s8 =	rddreg [dreg:$0xa]  }
0x6e: {  	[spmem:s8] =	stream.linear.scatter [tilespmem:s23], [sflag:$0x7], $0x3400, $0x38;
	[tilespmem:$0x1FE80] =	vst v63  }
0x6f: {  	_ =	swait.ge [sflag:s26], $0x3400  }
0x70: {  	[sflag:s26] =	ssyncset.done $0x0  }
0x71: {  	s25 =	rddreg [dreg:$0xc];
	[sflag:s26] =	ssyncadd.s32 $0xFFFFCC00  }
0x72: {  	[spmem:s25] =	stream.linear.scatter [tilespmem:s23], [sflag:$0x7], $0x3400, $0x38;
	[tilespmem:$0x1FE80] =	vst v63  }
0x73: {  	_ =	swait.ge [sflag:s26], $0x3400  }
0x74: {  	[sflag:s26] =	ssyncset.done $0x0  }
0x75: {  	s11 =	rddreg [dreg:$0xd];
	[sflag:s26] =	ssyncadd.s32 $0xFFFFCC00  }
0x76: {  	[spmem:s11] =	stream.linear.scatter [tilespmem:s23], [sflag:$0x7], $0x3400, $0x38;
	[tilespmem:$0x1FE80] =	vst v63  }
0x77: {  	_ =	swait.ge [sflag:s26], $0x3400  }
0x78: {  	[sflag:s26] =	ssyncset.done $0x0  }
0x79: {  	s25 =	rddreg [dreg:$0xe];
	[sflag:s26] =	ssyncadd.s32 $0xFFFFCC00  }
0x7a: {  	[spmem:s25] =	stream.linear.scatter [tilespmem:s23], [sflag:$0x7], $0x3400, $0x38;
	[tilespmem:$0x1FE80] =	vst v63  }
0x7b: {  	_ =	swait.ge [sflag:s26], $0x3400  }
0x7c: {  	[sflag:s26] =	ssyncset.done $0x0  }
0x7d: {  	s11 =	rddreg [dreg:$0xf];
	[sflag:s26] =	ssyncadd.s32 $0xFFFFCC00  }
0x7e: {  	[spmem:s11] =	stream.linear.scatter [tilespmem:s23], [sflag:$0x7], $0x3400, $0x38;
	[tilespmem:$0x1FE80] =	vst v63  }
0x7f: {  	_ =	swait.ge [sflag:s26], $0x3400  }
0x80: {  	[sflag:s26] =	ssyncset.done $0x0  }
0x81: {  	s25 =	rddreg [dreg:$0x10];
	[sflag:s26] =	ssyncadd.s32 $0xFFFFCC00  }
0x82: {  	[spmem:s25] =	stream.linear.scatter [tilespmem:s23], [sflag:$0x7], $0x3400, $0x38;
	[tilespmem:$0x1FE80] =	vst v63  }
0x83: {  	_ =	swait.ge [sflag:s26], $0x3400  }
0x84: {  	[sflag:s26] =	ssyncset.done $0x0  }
0x85: {  	s11 =	simm.s32 @!p0 $0x600;
	s8 =	rddreg [dreg:$0x7];
	[sflag:s26] =	ssyncadd.s32 $0xFFFFCC00  }
0x86: {  	[spmem:s8] =	stream.linear.scatter @!p0 [tilespmem:s11], [sflag:$0x7], $0x800, $0x38;
	[tilespmem:$0x1FE80] =	vst v63  }
0x87: {  	s11 =	simm.s32 @!p0 $0x7  }
0x88: {  	_ =	swait.ge @!p0 [sflag:s11], $0x800  }
0x89: {  	[sflag:s11] =	ssyncset.done @!p0 $0x0  }
0x8a: {  	[sflag:s11] =	ssyncadd.s32 @!p0 $0xFFFFF800  }
0x8b: {  	s25 =	simm.s32 $0x0;
	[bflag:$0x0] =	sbarrier.arrive $0xFFFF  }
.LBB2_4:
0x8c: {  	_ =	swait.ge [sflag:s28], $0x100  }
0x8d: {  	[sflag:s28] =	ssyncset.done $0x0  }
0x8e: {  	[sflag:s28] =	ssyncadd.s32 $0xFFFFFF00  }
0x8f: {  	_ =	swait.ge [sflag:s28], $0x100  }
0x90: {  	[sflag:s28] =	ssyncset.done $0x0  }
0x91: {  	[sflag:s28] =	ssyncadd.s32 $0xFFFFFF00  }
0x92: {  	_ =	swait.ge [sflag:s28], $0x100  }
0x93: {  	[sflag:s28] =	ssyncset.done $0x0  }
0x94: {  	[sflag:s28] =	ssyncadd.s32 $0xFFFFFF00  }
0x95: {  	[tilespmem:s23], [sflag:$0x3] =	stream.indirect.gather [hbm4b:s4+s29], $0x80, s3, s29, $0xb8;
	[tilespmem:$0x1FE80] =	vst v63  }
0x96: {  	_ = 	snop  }
0x97: {  	[tilespmem:s30], [sflag:$0x4] =	stream.indirect.gather [hbm4b:s4+s29], $0x80, s21, s29, $0xb8;
	[tilespmem:$0x1FE80] =	vst v63  }
0x98: {  	_ = 	snop  }
0x99: {  	[tilespmem:s31], [sflag:$0x5] =	stream.indirect.gather [hbm4b:s4+s29], $0x80, s22, s29, $0xb8;
	[tilespmem:$0x1FE80] =	vst v63  }
0x9a: {  	s11 =	sadd.s32 s25, s20  }
0x9b: {  	[tilespmem:s0], [sflag:$0x2] =	stream.linear.gather [hbm4b:s11+s3], $0x100, $0x38;
	[tilespmem:$0x1FE80] =	vst v63  }
0x9c: {  	s11 =	sadd.s32 s25, s18  }
0x9d: {  	s8 =	sadd.s32 $0x80, s11  }
0x9e: {  	[tilespmem:s2], [sflag:$0x2] =	stream.linear.gather [hbm4b:s8+s3], $0x100, $0x38;
	[tilespmem:$0x1FE80] =	vst v63  }
0x9f: {  	s8 =	sadd.s32 $0xA0, s11  }
0xa0: {  	[tilespmem:s5], [sflag:$0x2] =	stream.linear.gather [hbm4b:s8+s3], $0x100, $0x38;
	[tilespmem:$0x1FE80] =	vst v63  }
0xa1: {  	_ =	swait.ge [sflag:s6], $0x4000  }
0xa2: {  	[sflag:s6] =	ssyncset.done $0x0  }
0xa3: {  	[sflag:s6] =	ssyncadd.s32 $0xFFFFC000  }
0xa4: {  	[spmem:s1] =	stream.indirect.scatter.add.f32 [tilespmem:s23], [sflag:$0x6], $0x80, s29, s29, $0xb8;
	[tilespmem:$0x1FE80] =	vst v63  }
0xa5: {  	_ =	swait.ge [sflag:s7], $0x4000  }
0xa6: {  	[sflag:s7] =	ssyncset.done $0x0  }
0xa7: {  	[sflag:s7] =	ssyncadd.s32 $0xFFFFC000  }
0xa8: {  	[spmem:s1] =	stream.indirect.scatter.add.f32 [tilespmem:s30], [sflag:$0x6], $0x80, s9, s29, $0xb8;
	[tilespmem:$0x1FE80] =	vst v63  }
0xa9: {  	_ =	swait.ge [sflag:s12], $0x4000  }
0xaa: {  	[sflag:s12] =	ssyncset.done $0x0  }
0xab: {  	[sflag:s12] =	ssyncadd.s32 $0xFFFFC000  }
0xac: {  	[spmem:s1] =	stream.indirect.scatter.add.f32 [tilespmem:s31], [sflag:$0x6], $0x80, s13, s29, $0xb8;
	[tilespmem:$0x1FE80] =	vst v63  }
0xad: {  	_ =	swait.ge [sflag:s10], $0x4000  }
0xae: {  	[sflag:s10] =	ssyncset.done $0x0  }
0xaf: {  	[sflag:s10] =	ssyncadd.s32 $0xFFFFC000  }
0xb0: {  	_ =	swait.ge [sflag:s10], $0x4000  }
0xb1: {  	[sflag:s10] =	ssyncset.done $0x0  }
0xb2: {  	[sflag:s10] =	ssyncadd.s32 $0xFFFFC000  }
0xb3: {  	_ =	swait.ge [sflag:s10], $0x4000  }
0xb4: {  	[sflag:s10] =	ssyncset.done $0x0  }
0xb5: {  	[sflag:s10] =	ssyncadd.s32 $0xFFFFC000  }
0xb6: {  	_ =	swait.ge [sflag:s14], $0x100  }
0xb7: {  	[sflag:s14] =	ssyncset.done $0x0  }
0xb8: {  	[sflag:s14] =	ssyncadd.s32 $0xFFFFFF00  }
0xb9: {  	_ =	swait.ge [sflag:s14], $0x100  }
0xba: {  	[sflag:s14] =	ssyncset.done $0x0  }
0xbb: {  	[sflag:s14] =	ssyncadd.s32 $0xFFFFFF00  }
0xbc: {  	_ =	swait.ge [sflag:s14], $0x100  }
0xbd: {  	[sflag:s14] =	ssyncset.done $0x0  }
0xbe: {  	p2 =	seq.s32 s25, $0x900;
	[sflag:s14] =	ssyncadd.s32 $0xFFFFFF00  }
0xbf: {  	[tilespmem:s23], [sflag:$0x3] =	stream.indirect.gather [hbm4b:s4+s29], $0x80, s0, s29, $0xb8;
	[tilespmem:$0x1FE80] =	vst v63  }
.Ltmp3:
0xc0: {  	_ = 	snop;
	(pc) =	sbr.rel @p2 .LBB2_6-.Ltmp3, $4  }
0xc1: {  	_ = 	snop  }
0xc2: {  	[tilespmem:s30], [sflag:$0x4] =	stream.indirect.gather [hbm4b:s4+s29], $0x80, s2, s29, $0xb8;
	[tilespmem:$0x1FE80] =	vst v63  }
0xc3: {  	_ = 	snop  }
0xc4: {  	[tilespmem:s31], [sflag:$0x5] =	stream.indirect.gather [hbm4b:s4+s29], $0x80, s5, s29, $0xb8;
	[tilespmem:$0x1FE80] =	vst v63  }
0xc5: {  	s8 =	sadd.s32 s25, s19  }
0xc6: {  	[tilespmem:s3], [sflag:$0x1] =	stream.linear.gather [hbm4b:s8+s3], $0x100, $0x38;
	[tilespmem:$0x1FE80] =	vst v63  }
0xc7: {  	s8 =	sadd.s32 $0x20, s8  }
0xc8: {  	[tilespmem:s21], [sflag:$0x1] =	stream.linear.gather [hbm4b:s8+s3], $0x100, $0x38;
	[tilespmem:$0x1FE80] =	vst v63  }
0xc9: {  	s11 =	sadd.s32 $0x100, s11  }
0xca: {  	[tilespmem:s22], [sflag:$0x1] =	stream.linear.gather [hbm4b:s11+s3], $0x100, $0x38;
	[tilespmem:$0x1FE80] =	vst v63  }
0xcb: {  	_ =	swait.ge [sflag:s6], $0x4000  }
0xcc: {  	[sflag:s6] =	ssyncset.done $0x0  }
0xcd: {  	[sflag:s6] =	ssyncadd.s32 $0xFFFFC000  }
0xce: {  	[spmem:s1] =	stream.indirect.scatter.add.f32 [tilespmem:s23], [sflag:$0x6], $0x80, s15, s29, $0xb8;
	[tilespmem:$0x1FE80] =	vst v63  }
0xcf: {  	_ =	swait.ge [sflag:s7], $0x4000  }
0xd0: {  	[sflag:s7] =	ssyncset.done $0x0  }
0xd1: {  	[sflag:s7] =	ssyncadd.s32 $0xFFFFC000  }
0xd2: {  	[spmem:s1] =	stream.indirect.scatter.add.f32 [tilespmem:s30], [sflag:$0x6], $0x80, s16, s29, $0xb8;
	[tilespmem:$0x1FE80] =	vst v63  }
0xd3: {  	_ =	swait.ge [sflag:s12], $0x4000  }
0xd4: {  	[sflag:s12] =	ssyncset.done $0x0  }
0xd5: {  	[sflag:s12] =	ssyncadd.s32 $0xFFFFC000  }
0xd6: {  	[spmem:s1] =	stream.indirect.scatter.add.f32 [tilespmem:s31], [sflag:$0x6], $0x80, s17, s29, $0xb8;
	[tilespmem:$0x1FE80] =	vst v63  }
0xd7: {  	_ =	swait.ge [sflag:s10], $0x4000  }
0xd8: {  	[sflag:s10] =	ssyncset.done $0x0  }
0xd9: {  	[sflag:s10] =	ssyncadd.s32 $0xFFFFC000  }
0xda: {  	_ =	swait.ge [sflag:s10], $0x4000  }
.Ltmp4:
0xdb: {  	[sflag:s10] =	ssyncset.done $0x0;
	(pc) =	sbr.rel .LBB2_4-.Ltmp4, $4  }
0xdc: {  	[sflag:s10] =	ssyncadd.s32 $0xFFFFC000  }
0xdd: {  	_ =	swait.ge [sflag:s10], $0x4000  }
0xde: {  	[sflag:s10] =	ssyncset.done $0x0  }
0xdf: {  	s25 =	sadd.s32 $0xC0, s25;
	[sflag:s10] =	ssyncadd.s32 $0xFFFFC000  }
.LBB2_7:
0xe0: {  	_ =	sfence.sel $0x180000  }
0xe1: {  	[bflag:$0x0] =	sbarrier.arrive $0xFFFF  }
0xe2: {  	_ =	strace $0x9000004A  }
0xe3: {  	[bflag:$0x2] =	sbarrier.arrive $0xFFFF  }
0xe4: {  	s0 =	rddreg [dreg:$0x3]  }
0xe5: {  	s0 =	sadd.s32 @!p0 $0x100000, s0  }
0xe6: {  	[sflag:s0] =	ssyncadd.tile.s32 @!p0 $0x1;
	_ =	shalt  }
.Lfunc_end2:
_tile_overlayer_lowered:
.L_overlay_start_2:
0xe7: {  	(tag) =	ssettag $0x2  }
0xe8: {  	s0 =	rddreg [dreg:$0x0];
	s2 =	stileid.u32  }
0xe9: {  	s1 =	rddreg [dreg:$0x1];
	p0 =	sne.s32 s2, $0x0  }
0xea: {  	s3 =	rddreg [dreg:$0x2];
	[bflag:$0x3] =	sbarrier.arrive $0xFFFF;
	s2 =	simm.s32 @!p0 $0x1C07  }
0xeb: {  	[timem:s3], [sflag:s2] =	dma.local @!p0 [hbm:s0], s1  }
0xec: {  	s0 =	simm.s32 @!p0 $0x7  }
0xed: {  	_ =	swait.ge @!p0 [sflag:s0], s1  }
0xee: {  	s1 =	ssub.s32 @!p0 $0x0, s1;
	[sflag:s0] =	ssyncset.done @!p0 $0x0  }
0xef: {  	[sflag:s0] =	ssyncadd.s32 @!p0 s1  }
0xf0: {  	[bflag:$0x3] =	sbarrier.arrive $0xFFFF  }
0xf1: {  	_ =	shalt  }

// kernel: kernel.15.cloned.1.call-start
scs
__scs_entry_jumppad:
0x0: {  	(pc) =	sbr.rel $0x88, $3  }
0x1: {  	(tag) =	ssettag $0x0;
	lr =	simm.s32 $0x1  }
0x2: {  	[smem:$0x3F9B] =	sst lr;
	_ =	strace $0xD0000000  }
0x3: {  	_ = 	snop  }
0x4: {  	_ = 	snop  }
0x5: {  	_ = 	snop  }
0x6: {  	_ = 	snop  }
0x7: {  	_ = 	snop  }
__scs_overlays_trampoline_lowered:
0x8: {  	[smem:$0x3FAA] =	sst s0  }
0x9: {  	[smem:$0x3FAB] =	sst s1  }
0xa: {  	[smem:$0x3FAC] =	sst s2  }
0xb: {  	[smem:$0x3FAD] =	sst s3  }
0xc: {  	[smem:$0x3FAE] =	sst s4  }
0xd: {  	[smem:$0x3FAF] =	sst s5  }
0xe: {  	[smem:$0x3FB0] =	sst s6  }
0xf: {  	[smem:$0x3FB1] =	sst s7  }
0x10: {  	[smem:$0x3FB2] =	sst s8  }
0x11: {  	[smem:$0x3FB3] =	sst s9;
	s0 =	simm.s32 @!p0 $0x0  }
0x12: {  	s1 =	sld [smem:$0x3F99];
	s0 =	simm.s32 @p0 $0x1  }
0x13: {  	[smem:$0x3FB4] =	sst s0;
	s0 =	simm.s32 @!p1 $0x0  }
0x14: {  	s2 =	sld [smem:$0x3F98];
	s0 =	simm.s32 @p1 $0x1  }
0x15: {  	[smem:$0x3FB5] =	sst s0;
	s0 =	simm.s32 @!p2 $0x0  }
0x16: {  	s3 =	sld [smem:$0x3FDB];
	s0 =	simm.s32 @p2 $0x1  }
0x17: {  	s4 =	simm.s32 $0x1BF5;
	[smem:$0x3FB7] =	sst s0  }
0x18: {  	s0 =	sld [smem:$0x3F9A];
	_ =	swait.ge [sflag:s4], $0x0  }
0x19: {  	s7 =	sld [smem:$0x3F9B]  }
0x1a: {  	s8 =	sadd.s32 $0xFFFFE003, lr  }
0x1b: {  	s9 =	sadd.s32 $0xFFFFFEF7, lr;
	s5 =	simm.s32 $0xFFFFFFFF;
	p2 =	slt.u32 s8, $0xFFFFF086  }
0x1c: {  	p1 =	slt.u32 s9, $0xF7A;
	s5 =	simm.s32 @!p2 $0x0  }
0x1d: {  	s5 =	simm.s32 @p1 $0x1;
	p0 =	seq.s32 s7, s2  }
0x1e: {  	s7 =	smul.u32 @!p0 $0xF7A, s2;
	p2 =	seq.s32 @!p0 s5, $0x0  }
0x1f: {  	s9 =	smul.u32 $0xF7A, s1;
	s8 =	simm.s32 @!p0 $0x1BF5;
	p2 =	por !p2, p0  }
0x20: {  	[sflag:s8] =	ssyncset.s32 @!p0 $0xFFFFF086;
	s6 =	sadd.s32 @!p0 s3, s7;
	s7 =	simm.s32 @!p0 $0x108  }
0x21: {  	s3 =	sadd.s32 s3, s9;
	s6 =	sadd.s32 @!p0 $0x88, s6;
	s7 =	simm.s32 @p2 $0x1082  }
0x22: {  	[simem:s7], [sflag:s8] =	dma.local @!p0 [hbm:s6], $0xF7A  }
0x23: {  	s9 =	sor.u32 $0xD0000000, s2;
	s6 =	simm.s32 $0x108;
	_ =	swait.ge @!p0 [sflag:s8], $0x0  }
0x24: {  	s3 =	sadd.s32 $0x88, s3;
	s6 =	simm.s32 @!p1 $0x1082;
	[sflag:s4] =	ssyncset.s32 $0xFFFFF086  }
0x25: {  	[simem:s6], [sflag:s4] =	dma.local [hbm:s3], $0xF7A  }
0x26: {  	[smem:$0x3F9B] =	sst s1;
	(tag) =	ssettag s2;
	_ =	strace s9  }
0x27: {  	s1 =	sld [smem:$0x3FAB]  }
0x28: {  	s2 =	sld [smem:$0x3FAC]  }
0x29: {  	s4 =	sld [smem:$0x3FAE]  }
0x2a: {  	p0 =	seq.s32 s5, $0x0;
	s5 =	sld [smem:$0x3FAF]  }
0x2b: {  	s6 =	sld [smem:$0x3FB0]  }
0x2c: {  	s7 =	sld [smem:$0x3FB1]  }
0x2d: {  	s3 =	simm.s32 $0x108;
	s8 =	sld [smem:$0x3FB2]  }
0x2e: {  	s3 =	simm.s32 @!p0 $0x1082;
	s9 =	sld [smem:$0x3FB3]  }
0x2f: {  	lr =	sadd.s32 s0, s3;
	s0 =	sld [smem:$0x3FAA]  }
0x30: {  	s3 =	sld [smem:$0x3FAD]  }
0x31: {  	[smem:$0x3FB6] =	sst s10  }
0x32: {  	s10 =	sld [smem:$0x3FB4];
	_ =	sdelay $0x3  }
0x33: {  	p0 =	seq.s32 s10, $0x1;
	s10 =	sld [smem:$0x3FB6];
	_ =	sdelay $0x3  }
0x34: {  	[smem:$0x3FB6] =	sst s10  }
0x35: {  	s10 =	sld [smem:$0x3FB5];
	_ =	sdelay $0x3  }
0x36: {  	p1 =	seq.s32 s10, $0x1;
	s10 =	sld [smem:$0x3FB6];
	_ =	sdelay $0x3  }
0x37: {  	[smem:$0x3FB6] =	sst s10  }
0x38: {  	s10 =	sld [smem:$0x3FB7]  }
0x39: {  	_ = 	snop;
	(pc) =	sbr.ind lr, $3  }
0x3a: {  	_ = 	snop  }
0x3b: {  	_ = 	snop  }
0x3c: {  	p2 =	seq.s32 s10, $0x1;
	s10 =	sld [smem:$0x3FB6]  }
0x3d: {  	_ =	shalt  }
0x3e: {  	_ =	shalt  }
0x3f: {  	_ =	shalt  }
0x40: {  	_ =	shalt  }
0x41: {  	_ =	shalt  }
0x42: {  	_ =	shalt  }
0x43: {  	_ =	shalt  }
0x44: {  	_ =	shalt  }
0x45: {  	_ =	shalt  }
0x46: {  	_ =	shalt  }
0x47: {  	_ =	shalt  }
0x48: {  	_ =	shalt  }
0x49: {  	_ =	shalt  }
0x4a: {  	_ =	shalt  }
0x4b: {  	_ =	shalt  }
0x4c: {  	_ =	shalt  }
0x4d: {  	_ =	shalt  }
0x4e: {  	_ =	shalt  }
0x4f: {  	_ =	shalt  }
0x50: {  	_ =	shalt  }
0x51: {  	_ =	shalt  }
0x52: {  	_ =	shalt  }
0x53: {  	_ =	shalt  }
0x54: {  	_ =	shalt  }
0x55: {  	_ =	shalt  }
0x56: {  	_ =	shalt  }
0x57: {  	_ =	shalt  }
0x58: {  	_ =	shalt  }
0x59: {  	_ =	shalt  }
0x5a: {  	_ =	shalt  }
0x5b: {  	_ =	shalt  }
0x5c: {  	_ =	shalt  }
0x5d: {  	_ =	shalt  }
0x5e: {  	_ =	shalt  }
0x5f: {  	_ =	shalt  }
0x60: {  	_ =	shalt  }
0x61: {  	_ =	shalt  }
0x62: {  	_ =	shalt  }
0x63: {  	_ =	shalt  }
0x64: {  	_ =	shalt  }
0x65: {  	_ =	shalt  }
0x66: {  	_ =	shalt  }
0x67: {  	_ =	shalt  }
0x68: {  	_ =	shalt  }
0x69: {  	_ =	shalt  }
0x6a: {  	_ =	shalt  }
0x6b: {  	_ =	shalt  }
0x6c: {  	_ =	shalt  }
0x6d: {  	_ =	shalt  }
0x6e: {  	_ =	shalt  }
0x6f: {  	_ =	shalt  }
0x70: {  	_ =	shalt  }
0x71: {  	_ =	shalt  }
0x72: {  	_ =	shalt  }
0x73: {  	_ =	shalt  }
0x74: {  	_ =	shalt  }
0x75: {  	_ =	shalt  }
0x76: {  	_ =	shalt  }
0x77: {  	_ =	shalt  }
0x78: {  	_ =	shalt  }
0x79: {  	_ =	shalt  }
0x7a: {  	_ =	shalt  }
0x7b: {  	_ =	shalt  }
0x7c: {  	_ =	shalt  }
0x7d: {  	_ =	shalt  }
0x7e: {  	_ =	shalt  }
0x7f: {  	_ =	shalt  }
0x80: {  	_ =	shalt  }
0x81: {  	_ =	shalt  }
0x82: {  	_ =	shalt  }
0x83: {  	_ =	shalt  }
0x84: {  	_ =	shalt  }
0x85: {  	_ =	shalt  }
0x86: {  	_ =	shalt  }
0x87: {  	_ =	shalt  }
.Lfunc_end0:
.L_simem_size_0:
called_computation.2_lowered:
.L_overlay_start_0:
0x88: {  	s2 =	sld [smem:$0x3FD9]  }
0x89: {  	s3 =	sld [smem:$0x3FFE];
	_ =	sdelay $0x1  }
0x8a: {  	s1 =	srdreg.scid  }
0x8b: {  	s0 =	sand.u32 $0x1, s1  }
0x8c: {  	s17 =	sshll.u32 s0, $0xA;
	s2 =	sadd.s32 s3, s2  }
0x8d: {  	s2 =	sadd.s32 s2, s17  }
0x8e: {  	[smem:$0x3FC2] =	sst s2  }
0x8f: {  	_ = 	snop  }
0x90: {  	s2 =	sld [smem:$0x3FC8]  }
0x91: {  	s18 =	sld [smem:$0x3FD0];
	(tm) =	ssettm $0x1  }
0x92: {  	s4 =	sld [smem:$0x3FFB];
	_ =	sdelay $0x3  }
0x93: {  	_ =	strace s4  }
0x94: {  	s4 =	sld [smem:$0x3FFC];
	_ =	sdelay $0x3  }
0x95: {  	_ =	strace s4  }
0x96: {  	s4 =	sld [smem:$0x3FFD];
	_ =	sdelay $0x3  }
0x97: {  	_ =	strace s4  }
0x98: {  	_ =	strace $0x8FFFFFFF  }
0x99: {  	s19 =	sld [smem:$0x3FDB];
	_ =	sdelay $0x1  }
0x9a: {  	s5 =	simm.s32 $_scs_section_size  }
0x9b: {  	s6 =	simm.s32 $_size__tile_overlayer_lowered;
	s7 =	simm.s32 $_tile_overlayer_lowered  }
0x9c: {  	s22 =	simm.s32 $0x1BFF;
	s21 =	sshll.u32 s7, $0x1;
	s4 =	sadd.s32 s5, s19  }
0x9d: {  	s8 =	simm.s32 $0x0;
	s20 =	sshll.u32 s6, $0x1;
	s6 =	sadd.s32 s21, s4  }
0x9e: {  	[timem:s8], [sflag:s22] =	dma.local [hbm:s6], s20  }
0x9f: {  	_ =	swait.ge [sflag:s22], s20  }
0xa0: {  	s5 =	ssub.s32 $0x0, s20;
	[sflag:s22] =	ssyncset.done $0x0  }
0xa1: {  	[sflag:s22] =	ssyncadd.s32 s5;
	_ =	sdelay $0x1  }
0xa2: {  	s23 =	simm.s32 $0x1B8B  }
0xa3: {  	_ =	swait.ge [sflag:s23], $0x1  }
0xa4: {  	[sflag:s23] =	ssyncset.done $0x0  }
0xa5: {  	s25 =	simm.s32 $0x1B8E;
	s24 =	sld [smem:$0x3FFE];
	[sflag:s23] =	ssyncadd.s32 $0xFFFFFFFF  }
0xa6: {  	s26 =	simm.s32 $execute0_lowered;
	[smem:$0x3FD2] =	sst s25  }
0xa7: {  	s6 =	sshll.u32 s26, $0x1;
	_ =	strace $0x8000004C;
	[dreg:$0x1] =	wrdreg $0xFFFFFFFF  }
0xa8: {  	s28 =	simm.s32 $_size_execute0_lowered;
	s4 =	sadd.s32 s4, s6;
	[dreg:$0x0] =	wrdreg $0x0  }
0xa9: {  	s6 =	sshll.u32 s28, $0x1;
	[dreg:$0x2] =	wrdreg s4  }
0xaa: {  	[dreg:$0x3] =	wrdreg s6  }
0xab: {  	[dreg:$0x4] =	wrdreg $0xC0  }
0xac: {  	_ =	task [dreg:s8], $0x5FFFF  }
0xad: {  	[dreg:$0x1] =	wrdreg $0xFFFFFFFF  }
0xae: {  	[dreg:$0x0] =	wrdreg $0x60  }
0xaf: {  	[dreg:$0x2] =	wrdreg s18  }
0xb0: {  	[dreg:$0x3] =	wrdreg s2  }
0xb1: {  	[dreg:$0x4] =	wrdreg s24  }
0xb2: {  	[dreg:$0x5] =	wrdreg $0x66000  }
0xb3: {  	[dreg:$0x6] =	wrdreg $0x102400  }
0xb4: {  	[dreg:$0x7] =	wrdreg $0x9  }
0xb5: {  	_ =	task.clear_ibuf [dreg:s8], $0x8FFFF;
	_ =	strace $0x9000004C  }
0xb6: {  	s29 =	simm.s32 $0x9;
	_ =	strace $0x8000004E  }
0xb7: {  	_ =	swait.ge [sflag:s29], $0x1  }
0xb8: {  	[sflag:s29] =	ssyncadd.s32 $0xFFFFFFFF  }
0xb9: {  	_ =	strace $0x9000004E  }
0xba: {  	_ =	sfence  }
0xbb: {  	s30 =	sld [smem:$0x0];
	_ =	sdelay $0x2  }
0xbc: {  	s31 =	sshll.u32 s1, $0xD;
	s1 =	sshrl.u32 s1, $0x2  }
0xbd: {  	s3 =	sand.u32 $0x4000, s31;
	s1 =	sadd.s32 s1, s30  }
0xbe: {  	s0 =	sor.u32 s3, s0;
	s1 =	sshll.u32 s1, $0x11  }
0xbf: {  	s0 =	sor.u32 s1, s0  }
0xc0: {  	s0 =	sadd.s32 $0x8F2B, s0  }
0xc1: {  	[sflag:s0] =	ssyncadd.remote.s32 $0x1  }
0xc2: {  	_ =	sfence.sel $0xFFFF  }
0xc3: {  	[dreg:$0x0] =	wrdreg $0xFFFFFFFF;
	(pc) =	sbr.abs _section_cstart, $3  }
0xc4: {  	[dreg:$0x1] =	wrdreg $0xFFFFFFFF  }
0xc5: {  	_ =	task.clear_ibuf [dreg:s8], $0x2FFFF;
	_ =	strace $0x9FFFFFFF  }
0xc6: {  	(tm) =	ssettm $0x7FFFFFFF  }
0xc7: {  	_ =	shalt  }
tec
execute0_lowered:
.L_overlay_start_1:
0x0: {  	(tag) =	ssettag $0x1  }
0x1: {  	s0 =	rddreg [dreg:$0x0]  }
0x2: {  	s4 =	rddreg [dreg:$0x1]  }
0x3: {  	s5 =	rddreg [dreg:$0x2]  }
0x4: {  	s1 =	rddreg [dreg:$0x3]  }
0x5: {  	s2 =	rddreg [dreg:$0x4]  }
0x6: {  	s6 =	srdreg.scid;
	s7 =	stileid.u32  }
0x7: {  	s3 =	simm.s32 $0x0;
	s28 =	simm.s32 $0x100;
	s29 =	simm.s32 $0x200  }
0x8: {  	s30 =	simm.s32 $0x7;
	s31 =	simm.s32 $0x600;
	s6 =	sand.u32 $0x1, s6  }
0x9: {  	s8 =	sshll.u32 s7, $0x1;
	[smem:$0x7FF] =	sst s3;
	s26 =	smul.u32 $0x9C00, s7  }
0xa: {  	s5 =	sadd.s32 $0x2B000, s5;
	s16 =	sshll.u32 s7, $0x6;
	s21 =	smul.u32 $0x27000, s7  }
0xb: {  	s14 =	sadd.s32 $0x9C000, s1;
	s19 =	sadd.s32 $0x9C000, s2;
	s23 =	smul.u32 $0x1380, s7  }
0xc: {  	p0 =	sne.s32 s7, $0x0;
	p1 =	sgt.u32 s7, $0x1;
	s9 =	sor.u32 s6, s8  }
0xd: {  	_ =	strace $0x8000004D;
	s24 =	ssub.s32 $0x2, s6;
	s18 =	sshll.u32 s6, $0x6  }
0xe: {  	[dreg:$0xb] =	wrdreg s19;
	s22 =	sshll.u32 s6, $0x3;
	s10 =	smul.u32 $0x4E00, s9  }
0xf: {  	s11 =	sshrl.u32 s24, $0x1;
	s12 =	smul.u32 $0x9C0, s9;
	s15 =	sshrl.u32 s26, $0x3  }
0x10: {  	s17 =	sshll.u32 s9, $0x5;
	s19 =	sadd.s32 s23, s4;
	s11 =	ssub.s32 s24, s11  }
0x11: {  	s24 =	smul.u32 $0x9C, s7;
	s25 =	sshrl.u32 s10, $0x3;
	s13 =	sadd.s32 s4, s12  }
0x12: {  	s11 =	smax.u32 s11, $0x1;
	[dreg:$0x6] =	wrdreg s13;
	s13 =	sadd.s32 $0x20, s4  }
0x13: {  	s8 =	sadd.s32 s4, s25;
	[dreg:$0xf] =	wrdreg s11;
	s12 =	sadd.s32 s12, s13  }
0x14: {  	s10 =	sadd.s32 s26, s2;
	s8 =	sadd.s32 $0x40, s8;
	[dreg:$0x7] =	wrdreg s12  }
0x15: {  	s25 =	sshrl.u32 s21, $0x2;
	s11 =	simm.s32 $0x500;
	[dreg:$0x8] =	wrdreg s8  }
0x16: {  	s12 =	sadd.s32 s26, s1;
	s8 =	sadd.s32 s0, s15;
	s15 =	smul.u32 $0x13800, s7  }
0x17: {  	s0 =	sadd.s32 $0x13800, s0;
	s26 =	smul.u32 $0x4E, s6;
	[dreg:$0x9] =	wrdreg s8  }
0x18: {  	s7 =	simm.s32 $0x300;
	s8 =	sor.u32 $0x1C07, s16;
	[dreg:$0xa] =	wrdreg s0  }
0x19: {  	s16 =	sadd.s32 s25, s2;
	s25 =	sshrl.u32 s10, $0x3;
	[dreg:$0x19] =	wrdreg s8  }
0x1a: {  	s0 =	sadd.s32 s17, s4;
	s17 =	smul.u32 $0x9C0, s6;
	[dreg:$0x17] =	wrdreg s25  }
0x1b: {  	s6 =	simm.s32 $0x4600;
	s0 =	sadd.s32 $0x13800, s0;
	[dreg:$0x10] =	wrdreg s16  }
0x1c: {  	s9 =	sor.u32 s18, s15;
	s18 =	sadd.s32 $0x1A00, s16;
	[dreg:$0xc] =	wrdreg s0  }
0x1d: {  	s23 =	sadd.s32 $0x6800, s16;
	s25 =	simm.s32 $0x580;
	[dreg:$0x11] =	wrdreg s18  }
0x1e: {  	s20 =	sshrl.u32 s9, $0x3;
	s17 =	sadd.s32 s17, s19;
	[dreg:$0x14] =	wrdreg s23  }
0x1f: {  	s9 =	simm.s32 $0x400;
	s18 =	simm.s32 $0x280;
	s19 =	simm.s32 $0x6  }
0x20: {  	s23 =	simm.s32 $0x380;
	s0 =	sadd.s32 s5, s20;
	s20 =	sadd.s32 $0x3400, s16  }
0x21: {  	[dreg:$0xd] =	wrdreg s0;
	s0 =	sadd.s32 s22, s5;
	s5 =	sadd.s32 s26, s24  }
0x22: {  	[dreg:$0x12] =	wrdreg s20;
	s22 =	sadd.s32 $0x4E00, s16;
	s24 =	sshrl.u32 s12, $0x3  }
0x23: {  	s26 =	sadd.s32 $0x8200, s16;
	s12 =	simm.s32 $0x3;
	[dreg:$0x13] =	wrdreg s22  }
0x24: {  	s16 =	simm.s32 $0x5;
	s20 =	simm.s32 $0x2;
	[dreg:$0x15] =	wrdreg s24  }
0x25: {  	s0 =	sadd.s32 $0x27000, s0;
	s21 =	sshll.u32 s5, $0x5;
	[dreg:$0x18] =	wrdreg s26  }
.Ltmp0:
0x26: {  	s5 =	simm.s32 $0x2600;
	s26 =	simm.s32 $0x180;
	(pc) =	sbr.rel .LBB2_1-.Ltmp0, $4  }
0x27: {  	s24 =	simm.s32 $0x480;
	[dreg:$0xe] =	wrdreg s0;
	s4 =	sadd.s32 s4, s21  }
0x28: {  	s0 =	sadd.s32 s13, s21;
	s13 =	simm.s32 $0x4;
	s21 =	sadd.s32 $0xC0, s4  }
0x29: {  	s22 =	sadd.s32 $0x40, s0;
	s0 =	sshrl.u32 @!p0 s14, $0x3;
	s4 =	simm.s32 $0x80  }
0x2a: {  	v0 =	vimm.f32 $0.0e+00;
	s14 =	simm.s32 $0x0;
	[dreg:$0x16] =	wrdreg s0;
	s0 =	simm.s32 $0x1  }
.LBB2_6:
0x2b: {  	_ =	swait.ge [sflag:s12], $0x2000  }
0x2c: {  	[sflag:s12] =	ssyncset.done $0x0  }
0x2d: {  	[sflag:s12] =	ssyncadd.s32 $0xFFFFE000  }
0x2e: {  	[spmem:s2] =	stream.indirect.scatter.add.f32 [tilespmem:s31], [sflag:$0x6], $0x40, s23, s4, $0xb8;
	[tilespmem:$0x19E80] =	vst v63  }
0x2f: {  	_ =	swait.ge [sflag:s13], $0x2000  }
0x30: {  	[sflag:s13] =	ssyncset.done $0x0  }
0x31: {  	[sflag:s13] =	ssyncadd.s32 $0xFFFFE000  }
0x32: {  	[spmem:s2] =	stream.indirect.scatter.add.f32 [tilespmem:s5], [sflag:$0x6], $0x40, s24, s4, $0xb8;
	[tilespmem:$0x19E80] =	vst v63  }
0x33: {  	_ =	swait.ge [sflag:s16], $0x2000  }
0x34: {  	[sflag:s16] =	ssyncset.done $0x0  }
0x35: {  	[sflag:s16] =	ssyncadd.s32 $0xFFFFE000  }
0x36: {  	[spmem:s2] =	stream.indirect.scatter.add.f32 [tilespmem:s6], [sflag:$0x6], $0x40, s25, s4, $0xb8;
	[tilespmem:$0x19E80] =	vst v63  }
0x37: {  	_ =	swait.ge [sflag:s19], $0x2000  }
0x38: {  	[sflag:s19] =	ssyncset.done $0x0  }
0x39: {  	[sflag:s19] =	ssyncadd.s32 $0xFFFFE000  }
0x3a: {  	_ =	swait.ge [sflag:s19], $0x2000  }
0x3b: {  	[sflag:s19] =	ssyncset.done $0x0  }
0x3c: {  	[sflag:s19] =	ssyncadd.s32 $0xFFFFE000  }
0x3d: {  	_ =	swait.ge [sflag:s19], $0x2000  }
0x3e: {  	[sflag:s19] =	ssyncset.done $0x0  }
0x3f: {  	s8 =	simm.s32 @!p1 $0x0;
	s10 =	rddreg [dreg:$0xc];
	[sflag:s19] =	ssyncadd.s32 $0xFFFFE000  }
0x40: {  	[tilespmem:s8], [sflag:$0x1] =	stream.linear.gather @!p1 [hbm4b:s10+s8], $0x100, $0x38;
	[tilespmem:$0x19E80] =	vst v63  }
0x41: {  	s10 =	simm.s32 @!p1 $0x1  }
0x42: {  	_ =	swait.ge @!p1 [sflag:s10], $0x100  }
0x43: {  	[sflag:s10] =	ssyncset.done @!p1 $0x0  }
0x44: {  	s15 =	simm.s32 @!p1 $0x600;
	[sflag:s10] =	ssyncadd.s32 @!p1 $0xFFFFFF00;
	s10 =	simm.s32 @!p1 $0x80  }
0x45: {  	[tilespmem:s15], [sflag:$0x3] =	stream.indirect.gather @!p1 [spmem:s1], $0x40, s8, s10, $0xb8;
	[tilespmem:$0x19E80] =	vst v63  }
0x46: {  	s8 =	simm.s32 @!p1 $0x3  }
0x47: {  	_ =	swait.ge @!p1 [sflag:s8], $0x2000  }
0x48: {  	[sflag:s8] =	ssyncset.done @!p1 $0x0  }
0x49: {  	[sflag:s8] =	ssyncadd.s32 @!p1 $0xFFFFE000;
	s8 =	simm.s32 @!p1 $0x6  }
0x4a: {  	[spmem:s2] =	stream.indirect.scatter.add.f32 @!p1 [tilespmem:s15], [sflag:$0x6], $0x40, s10, s10, $0xb8;
	[tilespmem:$0x19E80] =	vst v63  }
0x4b: {  	_ =	swait.ge @!p1 [sflag:s8], $0x2000  }
0x4c: {  	[sflag:s8] =	ssyncset.done @!p1 $0x0  }
0x4d: {  	[sflag:s8] =	ssyncadd.s32 @!p1 $0xFFFFE000  }
0x4e: {  	[bflag:$0x0] =	sbarrier.arrive $0xFFFF  }
0x4f: {  	s8 =	rddreg [dreg:$0xd]  }
0x50: {  	s10 =	rddreg [dreg:$0x17]  }
0x51: {  	s26 =	simm.s32 $0x8;
	s15 =	simm.s32 $0x10;
	s14 =	rddreg [dreg:$0x19]  }
0x52: {  	[hbm:s8@s15], [sflag:s14] =	dma.strided [spmem:s10@s26], $0x1380, s0, $0x8   }
0x53: {  	_ =	swait.ge [sflag:s30], $0x1380  }
0x54: {  	s15 =	simm.s32 @!p0 $0x10;
	s8 =	rddreg [dreg:$0xb]  }
0x55: {  	s26 =	simm.s32 @!p0 $0x8;
	[sflag:s30] =	ssyncset.done $0x0;
	s10 =	rddreg [dreg:$0xe]  }
0x56: {  	[sflag:s30] =	ssyncadd.s32 $0xFFFFEC80;
	s8 =	sshrl.u32 @!p0 s8, $0x3;
	s30 =	simm.s32 @!p0 $0x1  }
0x57: {  	[hbm:s10@s15], [sflag:s14] =	dma.strided @!p0 [spmem:s8@s26], $0x80, s30, $0x8   }
0x58: {  	s8 =	simm.s32 @!p0 $0x7  }
0x59: {  	_ =	swait.ge @!p0 [sflag:s8], $0x80  }
0x5a: {  	s10 =	rddreg [dreg:$0x1a]  }
0x5b: {  	s15 =	rddreg [dreg:$0xf];
	s14 =	sadd.s32 $0x1, s10  }
0x5c: {  	p2 =	sne.s32 s14, s15  }
.Ltmp1:
0x5d: {  	_ = 	snop;
	(pc) =	sbr.rel @!p2 .LBB2_7-.Ltmp1, $3  }
0x5e: {  	_ =	sdelay $0x1  }
0x5f: {  	[sflag:s8] =	ssyncset.done @!p0 $0x0  }
0x60: {  	s26 =	simm.s32 $0x180;
	s30 =	simm.s32 $0x7;
	[sflag:s8] =	ssyncadd.s32 @!p0 $0xFFFFFF80  }
.LBB2_1:
0x61: {  	[dreg:$0x1a] =	wrdreg s14  }
0x62: {  	s8 =	rddreg [dreg:$0x6]  }
0x63: {  	s10 =	rddreg [dreg:$0x7]  }
0x64: {  	s14 =	rddreg [dreg:$0x8]  }
0x65: {  	[tilespmem:s3], [sflag:$0x1] =	stream.linear.gather [hbm4b:s8+s3], $0x100, $0x38;
	[tilespmem:$0x19E80] =	vst v63  }
0x66: {  	s15 =	rddreg [dreg:$0x9]  }
0x67: {  	[tilespmem:s28], [sflag:$0x1] =	stream.linear.gather [hbm4b:s10+s3], $0x100, $0x38;
	[tilespmem:$0x19E80] =	vst v63  }
0x68: {  	s10 =	rddreg [dreg:$0x15]  }
0x69: {  	[tilespmem:s29], [sflag:$0x1] =	stream.linear.gather [hbm4b:s14+s3], $0x100, $0x38;
	[tilespmem:$0x19E80] =	vst v63  }
0x6a: {  	s14 =	rddreg [dreg:$0x19]  }
0x6b: {  	[spmem:s10], [sflag:s14] =	dma.local [hbm:s15], $0x1380  }
0x6c: {  	_ =	swait.ge [sflag:s30], $0x1380  }
0x6d: {  	[sflag:s30] =	ssyncset.done $0x0;
	s8 =	rddreg [dreg:$0xa]  }
0x6e: {  	s10 =	rddreg [dreg:$0x16];
	[sflag:s30] =	ssyncadd.s32 $0xFFFFEC80  }
0x6f: {  	[spmem:s10], [sflag:s14] =	dma.local @!p0 [hbm:s8], $0x80  }
0x70: {  	s10 =	simm.s32 @!p0 $0x7  }
0x71: {  	_ =	swait.ge @!p0 [sflag:s10], $0x80  }
0x72: {  	[sflag:s10] =	ssyncset.done @!p0 $0x0  }
0x73: {  	s15 =	simm.s32 $0x100;
	[sflag:s10] =	ssyncadd.s32 @!p0 $0xFFFFFF80;
	s10 =	simm.s32 $0x0  }
.LBB2_2:
0x74: {  	p2 =	sne.s32 s15, $0x6700;
	[tilespmem:s10+$0x630] =	vst v0;
	s8 =	smov.u32 s15;
	s15 =	sadd.s32 $0x100, s15  }
.Ltmp2:
0x75: {  	[tilespmem:s10+$0x620] =	vst v0;
	(pc) =	sbr.rel @p2 .LBB2_2-.Ltmp2, $3  }
0x76: {  	[tilespmem:s10+$0x600] =	vst v0  }
0x77: {  	[tilespmem:s10+$0x610] =	vst v0;
	_ =	sdelay $0x1  }
0x78: {  	s10 =	sshra.s32 s8, $0x2  }
0x79: {  	[tilespmem:s10+$0x630] =	vst v0  }
0x7a: {  	[tilespmem:s10+$0x620] =	vst v0  }
0x7b: {  	[tilespmem:s10+$0x600] =	vst v0  }
0x7c: {  	[tilespmem:s10+$0x610] =	vst v0;
	s8 =	rddreg [dreg:$0x10]  }
0x7d: {  	[spmem:s8] =	stream.linear.scatter [tilespmem:s31], [sflag:$0x7], $0x1A00, $0x38;
	[tilespmem:$0x19E80] =	vst v63  }
0x7e: {  	_ =	swait.ge [sflag:s30], $0x1A00  }
0x7f: {  	[sflag:s30] =	ssyncset.done $0x0  }
0x80: {  	s14 =	rddreg [dreg:$0x11];
	[sflag:s30] =	ssyncadd.s32 $0xFFFFE600  }
0x81: {  	[spmem:s14] =	stream.linear.scatter [tilespmem:s31], [sflag:$0x7], $0x1A00, $0x38;
	[tilespmem:$0x19E80] =	vst v63  }
0x82: {  	_ =	swait.ge [sflag:s30], $0x1A00  }
0x83: {  	[sflag:s30] =	ssyncset.done $0x0  }
0x84: {  	s15 =	rddreg [dreg:$0x12];
	[sflag:s30] =	ssyncadd.s32 $0xFFFFE600  }
0x85: {  	[spmem:s15] =	stream.linear.scatter [tilespmem:s31], [sflag:$0x7], $0x1A00, $0x38;
	[tilespmem:$0x19E80] =	vst v63  }
0x86: {  	_ =	swait.ge [sflag:s30], $0x1A00  }
0x87: {  	[sflag:s30] =	ssyncset.done $0x0  }
0x88: {  	s10 =	rddreg [dreg:$0x13];
	[sflag:s30] =	ssyncadd.s32 $0xFFFFE600  }
0x89: {  	[spmem:s10] =	stream.linear.scatter [tilespmem:s31], [sflag:$0x7], $0x1A00, $0x38;
	[tilespmem:$0x19E80] =	vst v63  }
0x8a: {  	_ =	swait.ge [sflag:s30], $0x1A00  }
0x8b: {  	[sflag:s30] =	ssyncset.done $0x0  }
0x8c: {  	s14 =	rddreg [dreg:$0x14];
	[sflag:s30] =	ssyncadd.s32 $0xFFFFE600  }
0x8d: {  	[spmem:s14] =	stream.linear.scatter [tilespmem:s31], [sflag:$0x7], $0x1A00, $0x38;
	[tilespmem:$0x19E80] =	vst v63  }
0x8e: {  	_ =	swait.ge [sflag:s30], $0x1A00  }
0x8f: {  	[sflag:s30] =	ssyncset.done $0x0  }
0x90: {  	s15 =	rddreg [dreg:$0x18];
	[sflag:s30] =	ssyncadd.s32 $0xFFFFE600  }
0x91: {  	[spmem:s15] =	stream.linear.scatter [tilespmem:s31], [sflag:$0x7], $0x1A00, $0x38;
	[tilespmem:$0x19E80] =	vst v63  }
0x92: {  	_ =	swait.ge [sflag:s30], $0x1A00  }
0x93: {  	[sflag:s30] =	ssyncset.done $0x0  }
0x94: {  	s8 =	simm.s32 @!p0 $0x600;
	s10 =	rddreg [dreg:$0xb];
	[sflag:s30] =	ssyncadd.s32 $0xFFFFE600  }
0x95: {  	[spmem:s10] =	stream.linear.scatter @!p0 [tilespmem:s8], [sflag:$0x7], $0x400, $0x38;
	[tilespmem:$0x19E80] =	vst v63  }
0x96: {  	s8 =	simm.s32 @!p0 $0x7  }
0x97: {  	_ =	swait.ge @!p0 [sflag:s8], $0x400  }
0x98: {  	[sflag:s8] =	ssyncset.done @!p0 $0x0  }
0x99: {  	[sflag:s8] =	ssyncadd.s32 @!p0 $0xFFFFFC00  }
0x9a: {  	s15 =	simm.s32 $0x0;
	[bflag:$0x0] =	sbarrier.arrive $0xFFFF  }
.LBB2_4:
0x9b: {  	_ =	swait.ge [sflag:s0], $0x100  }
0x9c: {  	[sflag:s0] =	ssyncset.done $0x0  }
0x9d: {  	[sflag:s0] =	ssyncadd.s32 $0xFFFFFF00  }
0x9e: {  	_ =	swait.ge [sflag:s0], $0x100  }
0x9f: {  	[sflag:s0] =	ssyncset.done $0x0  }
0xa0: {  	[sflag:s0] =	ssyncadd.s32 $0xFFFFFF00  }
0xa1: {  	_ =	swait.ge [sflag:s0], $0x100  }
0xa2: {  	[sflag:s0] =	ssyncset.done $0x0  }
0xa3: {  	[sflag:s0] =	ssyncadd.s32 $0xFFFFFF00  }
0xa4: {  	[tilespmem:s31], [sflag:$0x3] =	stream.indirect.gather [spmem:s1], $0x40, s3, s4, $0xb8;
	[tilespmem:$0x19E80] =	vst v63  }
0xa5: {  	_ = 	snop  }
0xa6: {  	[tilespmem:s5], [sflag:$0x4] =	stream.indirect.gather [spmem:s1], $0x40, s28, s4, $0xb8;
	[tilespmem:$0x19E80] =	vst v63  }
0xa7: {  	_ = 	snop  }
0xa8: {  	[tilespmem:s6], [sflag:$0x5] =	stream.indirect.gather [spmem:s1], $0x40, s29, s4, $0xb8;
	[tilespmem:$0x19E80] =	vst v63  }
0xa9: {  	s8 =	sadd.s32 s15, s22;
	s10 =	sadd.s32 s15, s17  }
0xaa: {  	[tilespmem:s7], [sflag:$0x2] =	stream.linear.gather [hbm4b:s8+s3], $0x100, $0x38;
	[tilespmem:$0x19E80] =	vst v63  }
0xab: {  	s14 =	sadd.s32 $0x80, s10  }
0xac: {  	[tilespmem:s9], [sflag:$0x2] =	stream.linear.gather [hbm4b:s14+s3], $0x100, $0x38;
	[tilespmem:$0x19E80] =	vst v63  }
0xad: {  	s14 =	sadd.s32 $0xA0, s10  }
0xae: {  	[tilespmem:s11], [sflag:$0x2] =	stream.linear.gather [hbm4b:s14+s3], $0x100, $0x38;
	[tilespmem:$0x19E80] =	vst v63  }
0xaf: {  	_ =	swait.ge [sflag:s12], $0x2000  }
0xb0: {  	[sflag:s12] =	ssyncset.done $0x0  }
0xb1: {  	[sflag:s12] =	ssyncadd.s32 $0xFFFFE000  }
0xb2: {  	[spmem:s2] =	stream.indirect.scatter.add.f32 [tilespmem:s31], [sflag:$0x6], $0x40, s4, s4, $0xb8;
	[tilespmem:$0x19E80] =	vst v63  }
0xb3: {  	_ =	swait.ge [sflag:s13], $0x2000  }
0xb4: {  	[sflag:s13] =	ssyncset.done $0x0  }
0xb5: {  	[sflag:s13] =	ssyncadd.s32 $0xFFFFE000  }
0xb6: {  	[spmem:s2] =	stream.indirect.scatter.add.f32 [tilespmem:s5], [sflag:$0x6], $0x40, s26, s4, $0xb8;
	[tilespmem:$0x19E80] =	vst v63  }
0xb7: {  	_ =	swait.ge [sflag:s16], $0x2000  }
0xb8: {  	[sflag:s16] =	ssyncset.done $0x0  }
0xb9: {  	[sflag:s16] =	ssyncadd.s32 $0xFFFFE000  }
0xba: {  	[spmem:s2] =	stream.indirect.scatter.add.f32 [tilespmem:s6], [sflag:$0x6], $0x40, s18, s4, $0xb8;
	[tilespmem:$0x19E80] =	vst v63  }
0xbb: {  	_ =	swait.ge [sflag:s19], $0x2000  }
0xbc: {  	[sflag:s19] =	ssyncset.done $0x0  }
0xbd: {  	[sflag:s19] =	ssyncadd.s32 $0xFFFFE000  }
0xbe: {  	_ =	swait.ge [sflag:s19], $0x2000  }
0xbf: {  	[sflag:s19] =	ssyncset.done $0x0  }
0xc0: {  	[sflag:s19] =	ssyncadd.s32 $0xFFFFE000  }
0xc1: {  	_ =	swait.ge [sflag:s19], $0x2000  }
0xc2: {  	[sflag:s19] =	ssyncset.done $0x0  }
0xc3: {  	[sflag:s19] =	ssyncadd.s32 $0xFFFFE000  }
0xc4: {  	_ =	swait.ge [sflag:s20], $0x100  }
0xc5: {  	[sflag:s20] =	ssyncset.done $0x0  }
0xc6: {  	[sflag:s20] =	ssyncadd.s32 $0xFFFFFF00  }
0xc7: {  	_ =	swait.ge [sflag:s20], $0x100  }
0xc8: {  	[sflag:s20] =	ssyncset.done $0x0  }
0xc9: {  	[sflag:s20] =	ssyncadd.s32 $0xFFFFFF00  }
0xca: {  	_ =	swait.ge [sflag:s20], $0x100  }
0xcb: {  	[sflag:s20] =	ssyncset.done $0x0  }
0xcc: {  	p2 =	seq.s32 s15, $0x900;
	[sflag:s20] =	ssyncadd.s32 $0xFFFFFF00  }
0xcd: {  	[tilespmem:s31], [sflag:$0x3] =	stream.indirect.gather [spmem:s1], $0x40, s7, s4, $0xb8;
	[tilespmem:$0x19E80] =	vst v63  }
.Ltmp3:
0xce: {  	_ = 	snop;
	(pc) =	sbr.rel @p2 .LBB2_6-.Ltmp3, $4  }
0xcf: {  	_ = 	snop  }
0xd0: {  	[tilespmem:s5], [sflag:$0x4] =	stream.indirect.gather [spmem:s1], $0x40, s9, s4, $0xb8;
	[tilespmem:$0x19E80] =	vst v63  }
0xd1: {  	_ = 	snop  }
0xd2: {  	[tilespmem:s6], [sflag:$0x5] =	stream.indirect.gather [spmem:s1], $0x40, s11, s4, $0xb8;
	[tilespmem:$0x19E80] =	vst v63  }
0xd3: {  	s8 =	sadd.s32 s15, s21  }
0xd4: {  	[tilespmem:s3], [sflag:$0x1] =	stream.linear.gather [hbm4b:s8+s3], $0x100, $0x38;
	[tilespmem:$0x19E80] =	vst v63  }
0xd5: {  	s8 =	sadd.s32 $0x20, s8  }
0xd6: {  	[tilespmem:s28], [sflag:$0x1] =	stream.linear.gather [hbm4b:s8+s3], $0x100, $0x38;
	[tilespmem:$0x19E80] =	vst v63  }
0xd7: {  	s14 =	sadd.s32 $0x100, s10  }
0xd8: {  	[tilespmem:s29], [sflag:$0x1] =	stream.linear.gather [hbm4b:s14+s3], $0x100, $0x38;
	[tilespmem:$0x19E80] =	vst v63  }
0xd9: {  	_ =	swait.ge [sflag:s12], $0x2000  }
0xda: {  	[sflag:s12] =	ssyncset.done $0x0  }
0xdb: {  	[sflag:s12] =	ssyncadd.s32 $0xFFFFE000  }
0xdc: {  	[spmem:s2] =	stream.indirect.scatter.add.f32 [tilespmem:s31], [sflag:$0x6], $0x40, s23, s4, $0xb8;
	[tilespmem:$0x19E80] =	vst v63  }
0xdd: {  	_ =	swait.ge [sflag:s13], $0x2000  }
0xde: {  	[sflag:s13] =	ssyncset.done $0x0  }
0xdf: {  	[sflag:s13] =	ssyncadd.s32 $0xFFFFE000  }
0xe0: {  	[spmem:s2] =	stream.indirect.scatter.add.f32 [tilespmem:s5], [sflag:$0x6], $0x40, s24, s4, $0xb8;
	[tilespmem:$0x19E80] =	vst v63  }
0xe1: {  	_ =	swait.ge [sflag:s16], $0x2000  }
0xe2: {  	[sflag:s16] =	ssyncset.done $0x0  }
0xe3: {  	[sflag:s16] =	ssyncadd.s32 $0xFFFFE000  }
0xe4: {  	[spmem:s2] =	stream.indirect.scatter.add.f32 [tilespmem:s6], [sflag:$0x6], $0x40, s25, s4, $0xb8;
	[tilespmem:$0x19E80] =	vst v63  }
0xe5: {  	_ =	swait.ge [sflag:s19], $0x2000  }
0xe6: {  	[sflag:s19] =	ssyncset.done $0x0  }
0xe7: {  	[sflag:s19] =	ssyncadd.s32 $0xFFFFE000  }
0xe8: {  	_ =	swait.ge [sflag:s19], $0x2000  }
.Ltmp4:
0xe9: {  	[sflag:s19] =	ssyncset.done $0x0;
	(pc) =	sbr.rel .LBB2_4-.Ltmp4, $4  }
0xea: {  	[sflag:s19] =	ssyncadd.s32 $0xFFFFE000  }
0xeb: {  	_ =	swait.ge [sflag:s19], $0x2000  }
0xec: {  	[sflag:s19] =	ssyncset.done $0x0  }
0xed: {  	s15 =	sadd.s32 $0xC0, s15;
	[sflag:s19] =	ssyncadd.s32 $0xFFFFE000  }
.LBB2_7:
0xee: {  	_ =	sfence.sel $0x180000  }
0xef: {  	[bflag:$0x0] =	sbarrier.arrive $0xFFFF  }
0xf0: {  	_ =	strace $0x9000004D  }
0xf1: {  	[bflag:$0x2] =	sbarrier.arrive $0xFFFF  }
0xf2: {  	s0 =	rddreg [dreg:$0x5]  }
0xf3: {  	s0 =	sadd.s32 @!p0 $0x100000, s0  }
0xf4: {  	[sflag:s0] =	ssyncadd.tile.s32 @!p0 $0x1;
	_ =	shalt  }
.Lfunc_end2:
_tile_overlayer_lowered:
.L_overlay_start_2:
0xf5: {  	(tag) =	ssettag $0x2  }
0xf6: {  	s0 =	rddreg [dreg:$0x0];
	s2 =	stileid.u32  }
0xf7: {  	s1 =	rddreg [dreg:$0x1];
	p0 =	sne.s32 s2, $0x0  }
0xf8: {  	s3 =	rddreg [dreg:$0x2];
	[bflag:$0x3] =	sbarrier.arrive $0xFFFF;
	s2 =	simm.s32 @!p0 $0x1C07  }
0xf9: {  	[timem:s3], [sflag:s2] =	dma.local @!p0 [hbm:s0], s1  }
0xfa: {  	s0 =	simm.s32 @!p0 $0x7  }
0xfb: {  	_ =	swait.ge @!p0 [sflag:s0], s1  }
0xfc: {  	s1 =	ssub.s32 @!p0 $0x0, s1;
	[sflag:s0] =	ssyncset.done @!p0 $0x0  }
0xfd: {  	[sflag:s0] =	ssyncadd.s32 @!p0 s1  }
0xfe: {  	[bflag:$0x3] =	sbarrier.arrive $0xFFFF  }
0xff: {  	_ =	shalt  }

// kernel: kernel.9.cloned.1.call-start
scs
__scs_entry_jumppad:
0x0: {  	(pc) =	sbr.rel $0x88, $3  }
0x1: {  	(tag) =	ssettag $0x0;
	lr =	simm.s32 $0x1  }
0x2: {  	[smem:$0x3F9B] =	sst lr;
	_ =	strace $0xD0000000  }
0x3: {  	_ = 	snop  }
0x4: {  	_ = 	snop  }
0x5: {  	_ = 	snop  }
0x6: {  	_ = 	snop  }
0x7: {  	_ = 	snop  }
__scs_overlays_trampoline_lowered:
0x8: {  	[smem:$0x3FAA] =	sst s0  }
0x9: {  	[smem:$0x3FAB] =	sst s1  }
0xa: {  	[smem:$0x3FAC] =	sst s2  }
0xb: {  	[smem:$0x3FAD] =	sst s3  }
0xc: {  	[smem:$0x3FAE] =	sst s4  }
0xd: {  	[smem:$0x3FAF] =	sst s5  }
0xe: {  	[smem:$0x3FB0] =	sst s6  }
0xf: {  	[smem:$0x3FB1] =	sst s7  }
0x10: {  	[smem:$0x3FB2] =	sst s8  }
0x11: {  	[smem:$0x3FB3] =	sst s9;
	s0 =	simm.s32 @!p0 $0x0  }
0x12: {  	s1 =	sld [smem:$0x3F99];
	s0 =	simm.s32 @p0 $0x1  }
0x13: {  	[smem:$0x3FB4] =	sst s0;
	s0 =	simm.s32 @!p1 $0x0  }
0x14: {  	s2 =	sld [smem:$0x3F98];
	s0 =	simm.s32 @p1 $0x1  }
0x15: {  	[smem:$0x3FB5] =	sst s0;
	s0 =	simm.s32 @!p2 $0x0  }
0x16: {  	s3 =	sld [smem:$0x3FDB];
	s0 =	simm.s32 @p2 $0x1  }
0x17: {  	s4 =	simm.s32 $0x1BF5;
	[smem:$0x3FB7] =	sst s0  }
0x18: {  	s0 =	sld [smem:$0x3F9A];
	_ =	swait.ge [sflag:s4], $0x0  }
0x19: {  	s7 =	sld [smem:$0x3F9B]  }
0x1a: {  	s8 =	sadd.s32 $0xFFFFE003, lr  }
0x1b: {  	s9 =	sadd.s32 $0xFFFFFEF7, lr;
	s5 =	simm.s32 $0xFFFFFFFF;
	p2 =	slt.u32 s8, $0xFFFFF086  }
0x1c: {  	p1 =	slt.u32 s9, $0xF7A;
	s5 =	simm.s32 @!p2 $0x0  }
0x1d: {  	s5 =	simm.s32 @p1 $0x1;
	p0 =	seq.s32 s7, s2  }
0x1e: {  	s7 =	smul.u32 @!p0 $0xF7A, s2;
	p2 =	seq.s32 @!p0 s5, $0x0  }
0x1f: {  	s9 =	smul.u32 $0xF7A, s1;
	s8 =	simm.s32 @!p0 $0x1BF5;
	p2 =	por !p2, p0  }
0x20: {  	[sflag:s8] =	ssyncset.s32 @!p0 $0xFFFFF086;
	s6 =	sadd.s32 @!p0 s3, s7;
	s7 =	simm.s32 @!p0 $0x108  }
0x21: {  	s3 =	sadd.s32 s3, s9;
	s6 =	sadd.s32 @!p0 $0x88, s6;
	s7 =	simm.s32 @p2 $0x1082  }
0x22: {  	[simem:s7], [sflag:s8] =	dma.local @!p0 [hbm:s6], $0xF7A  }
0x23: {  	s9 =	sor.u32 $0xD0000000, s2;
	s6 =	simm.s32 $0x108;
	_ =	swait.ge @!p0 [sflag:s8], $0x0  }
0x24: {  	s3 =	sadd.s32 $0x88, s3;
	s6 =	simm.s32 @!p1 $0x1082;
	[sflag:s4] =	ssyncset.s32 $0xFFFFF086  }
0x25: {  	[simem:s6], [sflag:s4] =	dma.local [hbm:s3], $0xF7A  }
0x26: {  	[smem:$0x3F9B] =	sst s1;
	(tag) =	ssettag s2;
	_ =	strace s9  }
0x27: {  	s1 =	sld [smem:$0x3FAB]  }
0x28: {  	s2 =	sld [smem:$0x3FAC]  }
0x29: {  	s4 =	sld [smem:$0x3FAE]  }
0x2a: {  	p0 =	seq.s32 s5, $0x0;
	s5 =	sld [smem:$0x3FAF]  }
0x2b: {  	s6 =	sld [smem:$0x3FB0]  }
0x2c: {  	s7 =	sld [smem:$0x3FB1]  }
0x2d: {  	s3 =	simm.s32 $0x108;
	s8 =	sld [smem:$0x3FB2]  }
0x2e: {  	s3 =	simm.s32 @!p0 $0x1082;
	s9 =	sld [smem:$0x3FB3]  }
0x2f: {  	lr =	sadd.s32 s0, s3;
	s0 =	sld [smem:$0x3FAA]  }
0x30: {  	s3 =	sld [smem:$0x3FAD]  }
0x31: {  	[smem:$0x3FB6] =	sst s10  }
0x32: {  	s10 =	sld [smem:$0x3FB4];
	_ =	sdelay $0x3  }
0x33: {  	p0 =	seq.s32 s10, $0x1;
	s10 =	sld [smem:$0x3FB6];
	_ =	sdelay $0x3  }
0x34: {  	[smem:$0x3FB6] =	sst s10  }
0x35: {  	s10 =	sld [smem:$0x3FB5];
	_ =	sdelay $0x3  }
0x36: {  	p1 =	seq.s32 s10, $0x1;
	s10 =	sld [smem:$0x3FB6];
	_ =	sdelay $0x3  }
0x37: {  	[smem:$0x3FB6] =	sst s10  }
0x38: {  	s10 =	sld [smem:$0x3FB7]  }
0x39: {  	_ = 	snop;
	(pc) =	sbr.ind lr, $3  }
0x3a: {  	_ = 	snop  }
0x3b: {  	_ = 	snop  }
0x3c: {  	p2 =	seq.s32 s10, $0x1;
	s10 =	sld [smem:$0x3FB6]  }
0x3d: {  	_ =	shalt  }
0x3e: {  	_ =	shalt  }
0x3f: {  	_ =	shalt  }
0x40: {  	_ =	shalt  }
0x41: {  	_ =	shalt  }
0x42: {  	_ =	shalt  }
0x43: {  	_ =	shalt  }
0x44: {  	_ =	shalt  }
0x45: {  	_ =	shalt  }
0x46: {  	_ =	shalt  }
0x47: {  	_ =	shalt  }
0x48: {  	_ =	shalt  }
0x49: {  	_ =	shalt  }
0x4a: {  	_ =	shalt  }
0x4b: {  	_ =	shalt  }
0x4c: {  	_ =	shalt  }
0x4d: {  	_ =	shalt  }
0x4e: {  	_ =	shalt  }
0x4f: {  	_ =	shalt  }
0x50: {  	_ =	shalt  }
0x51: {  	_ =	shalt  }
0x52: {  	_ =	shalt  }
0x53: {  	_ =	shalt  }
0x54: {  	_ =	shalt  }
0x55: {  	_ =	shalt  }
0x56: {  	_ =	shalt  }
0x57: {  	_ =	shalt  }
0x58: {  	_ =	shalt  }
0x59: {  	_ =	shalt  }
0x5a: {  	_ =	shalt  }
0x5b: {  	_ =	shalt  }
0x5c: {  	_ =	shalt  }
0x5d: {  	_ =	shalt  }
0x5e: {  	_ =	shalt  }
0x5f: {  	_ =	shalt  }
0x60: {  	_ =	shalt  }
0x61: {  	_ =	shalt  }
0x62: {  	_ =	shalt  }
0x63: {  	_ =	shalt  }
0x64: {  	_ =	shalt  }
0x65: {  	_ =	shalt  }
0x66: {  	_ =	shalt  }
0x67: {  	_ =	shalt  }
0x68: {  	_ =	shalt  }
0x69: {  	_ =	shalt  }
0x6a: {  	_ =	shalt  }
0x6b: {  	_ =	shalt  }
0x6c: {  	_ =	shalt  }
0x6d: {  	_ =	shalt  }
0x6e: {  	_ =	shalt  }
0x6f: {  	_ =	shalt  }
0x70: {  	_ =	shalt  }
0x71: {  	_ =	shalt  }
0x72: {  	_ =	shalt  }
0x73: {  	_ =	shalt  }
0x74: {  	_ =	shalt  }
0x75: {  	_ =	shalt  }
0x76: {  	_ =	shalt  }
0x77: {  	_ =	shalt  }
0x78: {  	_ =	shalt  }
0x79: {  	_ =	shalt  }
0x7a: {  	_ =	shalt  }
0x7b: {  	_ =	shalt  }
0x7c: {  	_ =	shalt  }
0x7d: {  	_ =	shalt  }
0x7e: {  	_ =	shalt  }
0x7f: {  	_ =	shalt  }
0x80: {  	_ =	shalt  }
0x81: {  	_ =	shalt  }
0x82: {  	_ =	shalt  }
0x83: {  	_ =	shalt  }
0x84: {  	_ =	shalt  }
0x85: {  	_ =	shalt  }
0x86: {  	_ =	shalt  }
0x87: {  	_ =	shalt  }
.Lfunc_end0:
.L_simem_size_0:
called_computation_lowered:
.L_overlay_start_0:
0x88: {  	s2 =	sld [smem:$0x3FD9]  }
0x89: {  	s3 =	sld [smem:$0x3FFE];
	_ =	sdelay $0x1  }
0x8a: {  	s1 =	srdreg.scid  }
0x8b: {  	s0 =	sand.u32 $0x1, s1  }
0x8c: {  	s17 =	sshll.u32 s0, $0xA;
	s2 =	sadd.s32 s3, s2  }
0x8d: {  	s2 =	sadd.s32 s2, s17  }
0x8e: {  	[smem:$0x3FC2] =	sst s2  }
0x8f: {  	_ = 	snop  }
0x90: {  	s2 =	sld [smem:$0x3FC8];
	(tm) =	ssettm $0x1  }
0x91: {  	s18 =	sld [smem:$0x3FFB];
	_ =	sdelay $0x3  }
0x92: {  	_ =	strace s18  }
0x93: {  	s3 =	sld [smem:$0x3FFC];
	_ =	sdelay $0x3  }
0x94: {  	_ =	strace s3  }
0x95: {  	s3 =	sld [smem:$0x3FFD];
	_ =	sdelay $0x3  }
0x96: {  	_ =	strace s3  }
0x97: {  	_ =	strace $0x8FFFFFFF  }
0x98: {  	s19 =	sld [smem:$0x3FDB];
	_ =	sdelay $0x1  }
0x99: {  	s4 =	simm.s32 $_scs_section_size  }
0x9a: {  	s5 =	simm.s32 $_size__tile_overlayer_lowered;
	s6 =	simm.s32 $_tile_overlayer_lowered  }
0x9b: {  	s22 =	simm.s32 $0x1BFF;
	s21 =	sshll.u32 s6, $0x1;
	s3 =	sadd.s32 s4, s19  }
0x9c: {  	s7 =	simm.s32 $0x0;
	s20 =	sshll.u32 s5, $0x1;
	s5 =	sadd.s32 s21, s3  }
0x9d: {  	[timem:s7], [sflag:s22] =	dma.local [hbm:s5], s20  }
0x9e: {  	_ =	swait.ge [sflag:s22], s20  }
0x9f: {  	s4 =	ssub.s32 $0x0, s20;
	[sflag:s22] =	ssyncset.done $0x0  }
0xa0: {  	[sflag:s22] =	ssyncadd.s32 s4;
	_ =	sdelay $0x1  }
0xa1: {  	s23 =	simm.s32 $0x1B8B  }
0xa2: {  	_ =	swait.ge [sflag:s23], $0x1  }
0xa3: {  	[sflag:s23] =	ssyncset.done $0x0  }
0xa4: {  	s25 =	simm.s32 $0x1B8E;
	s24 =	sld [smem:$0x3FFE];
	[sflag:s23] =	ssyncadd.s32 $0xFFFFFFFF  }
0xa5: {  	s26 =	simm.s32 $execute0_lowered;
	[smem:$0x3FD2] =	sst s25  }
0xa6: {  	s5 =	sshll.u32 s26, $0x1;
	_ =	strace $0x80000046;
	[dreg:$0x1] =	wrdreg $0xFFFFFFFF  }
0xa7: {  	s28 =	simm.s32 $_size_execute0_lowered;
	s3 =	sadd.s32 s3, s5;
	[dreg:$0x0] =	wrdreg $0x0  }
0xa8: {  	s5 =	sshll.u32 s28, $0x1;
	[dreg:$0x2] =	wrdreg s3  }
0xa9: {  	[dreg:$0x3] =	wrdreg s5  }
0xaa: {  	[dreg:$0x4] =	wrdreg $0xC0  }
0xab: {  	_ =	task [dreg:s7], $0x5FFFF  }
0xac: {  	[dreg:$0x1] =	wrdreg $0xFFFFFFFF  }
0xad: {  	[dreg:$0x0] =	wrdreg $0x60  }
0xae: {  	[dreg:$0x2] =	wrdreg s2  }
0xaf: {  	[dreg:$0x3] =	wrdreg s24  }
0xb0: {  	[dreg:$0x4] =	wrdreg $0xE000  }
0xb1: {  	[dreg:$0x5] =	wrdreg $0x9  }
0xb2: {  	_ =	task.clear_ibuf [dreg:s7], $0x6FFFF;
	_ =	strace $0x90000046  }
0xb3: {  	s29 =	simm.s32 $0x9;
	_ =	strace $0x80000048  }
0xb4: {  	_ =	swait.ge [sflag:s29], $0x1  }
0xb5: {  	[sflag:s29] =	ssyncadd.s32 $0xFFFFFFFF  }
0xb6: {  	_ =	strace $0x90000048  }
0xb7: {  	_ =	sfence  }
0xb8: {  	s30 =	sld [smem:$0x0];
	_ =	sdelay $0x2  }
0xb9: {  	s31 =	sshll.u32 s1, $0xD;
	s1 =	sshrl.u32 s1, $0x2  }
0xba: {  	s3 =	sand.u32 $0x4000, s31;
	s1 =	sadd.s32 s1, s30  }
0xbb: {  	s0 =	sor.u32 s3, s0;
	s1 =	sshll.u32 s1, $0x11  }
0xbc: {  	s0 =	sor.u32 s1, s0  }
0xbd: {  	s0 =	sadd.s32 $0x8F2B, s0  }
0xbe: {  	[sflag:s0] =	ssyncadd.remote.s32 $0x1  }
0xbf: {  	_ =	sfence.sel $0xFFFF  }
0xc0: {  	[dreg:$0x0] =	wrdreg $0xFFFFFFFF;
	(pc) =	sbr.abs _section_cstart, $3  }
0xc1: {  	[dreg:$0x1] =	wrdreg $0xFFFFFFFF  }
0xc2: {  	_ =	task.clear_ibuf [dreg:s7], $0x2FFFF;
	_ =	strace $0x9FFFFFFF  }
0xc3: {  	(tm) =	ssettm $0x7FFFFFFF  }
tec
execute0_lowered:
.L_overlay_start_1:
0x0: {  	(tag) =	ssettag $0x1  }
0x1: {  	s0 =	rddreg [dreg:$0x0]  }
0x2: {  	s1 =	srdreg.scid;
	s4 =	rddreg [dreg:$0x1]  }
0x3: {  	s11 =	stileid.u32;
	s2 =	rddreg [dreg:$0x2];
	s28 =	simm.s32 $0x400  }
0x4: {  	s29 =	simm.s32 $0x500;
	s30 =	simm.s32 $0x80;
	s10 =	smul.u32 $0x13800, s11  }
0x5: {  	s31 =	simm.s32 $0x180;
	s1 =	sand.u32 $0x1, s1;
	s13 =	smul.u32 $0x9C00, s11  }
0x6: {  	s3 =	sshll.u32 s11, $0x1;
	s4 =	sadd.s32 $0x3E00, s4;
	s17 =	smul.u32 $0x9C, s11  }
0x7: {  	s26 =	sadd.s32 $0x20, s0;
	s23 =	smul.u32 $0x1380, s11;
	p0 =	sne.s32 s11, $0x0  }
0x8: {  	s5 =	sor.u32 s1, s3;
	s7 =	ssub.s32 $0x2, s1;
	s18 =	smul.u32 $0x4E, s1  }
0x9: {  	s12 =	sshll.u32 s1, $0x4;
	s15 =	sshll.u32 s1, $0x1;
	s1 =	smul.u32 $0x9C0, s1  }
0xa: {  	p1 =	sgt.u32 s11, $0x1;
	s3 =	simm.s32 $0x0;
	s6 =	smul.u32 $0x9C0, s5  }
0xb: {  	[smem:$0x7FF] =	sst s3;
	s8 =	smul.u32 $0x4E00, s5;
	s9 =	sshrl.u32 s7, $0x1  }
0xc: {  	s5 =	sshll.u32 s5, $0x5;
	s16 =	sshrl.u32 s13, $0x2;
	_ =	strace $0x80000047  }
0xd: {  	s9 =	ssub.s32 s7, s9;
	s5 =	sadd.s32 s5, s0;
	s24 =	sadd.s32 s0, s6  }
0xe: {  	s25 =	sshrl.u32 s8, $0x3;
	s6 =	sadd.s32 s6, s26;
	s5 =	sadd.s32 $0x13800, s5  }
0xf: {  	s19 =	smax.u32 s9, $0x1;
	s8 =	simm.s32 $0x580;
	[dreg:$0x4] =	wrdreg s24  }
0x10: {  	s9 =	simm.s32 $0x0;
	s7 =	sadd.s32 s0, s25;
	[dreg:$0x5] =	wrdreg s6  }
0x11: {  	s6 =	sor.u32 s12, s10;
	[dreg:$0x7] =	wrdreg s5;
	s10 =	sadd.s32 s16, s2  }
0x12: {  	[dreg:$0xa] =	wrdreg s19;
	s25 =	sadd.s32 s23, s0;
	s7 =	sadd.s32 $0x40, s7  }
0x13: {  	s23 =	simm.s32 $0x600;
	s20 =	sadd.s32 $0x680, s10;
	[dreg:$0x6] =	wrdreg s7  }
0x14: {  	s5 =	simm.s32 $0x380;
	s21 =	sadd.s32 $0xD00, s10;
	[dreg:$0xb] =	wrdreg s20  }
0x15: {  	s6 =	sshrl.u32 s6, $0x3;
	s22 =	sadd.s32 $0x1380, s10;
	[dreg:$0xc] =	wrdreg s21  }
0x16: {  	s24 =	sadd.s32 $0x1A00, s10;
	s7 =	sadd.s32 $0x27000, s2;
	[dreg:$0xd] =	wrdreg s22  }
0x17: {  	s14 =	sadd.s32 s4, s6;
	s4 =	sadd.s32 s15, s4;
	[dreg:$0xe] =	wrdreg s24  }
0x18: {  	s21 =	simm.s32 $0x100;
	s22 =	simm.s32 $0x200;
	s24 =	simm.s32 $0x4  }
0x19: {  	s6 =	simm.s32 $0x480;
	[dreg:$0x8] =	wrdreg s14;
	s4 =	sadd.s32 $0x27000, s4  }
.Ltmp0:
0x1a: {  	[dreg:$0x9] =	wrdreg s4;
	s4 =	sadd.s32 s18, s17;
	(pc) =	sbr.rel .LBB2_1-.Ltmp0, $4  }
0x1b: {  	s17 =	sadd.s32 $0x2080, s10;
	s18 =	sadd.s32 s1, s25;
	s4 =	sshll.u32 s4, $0x5  }
0x1c: {  	s25 =	simm.s32 $0x1;
	s1 =	simm.s32 $0x280;
	s0 =	sadd.s32 s0, s4  }
0x1d: {  	s26 =	sadd.s32 s26, s4;
	s4 =	simm.s32 $0x2;
	s19 =	sadd.s32 $0xC0, s0  }
0x1e: {  	v0 =	vimm.f32 $0.0e+00;
	v1 =	vimm.f32 $1.000000000e+00;
	s20 =	sadd.s32 $0x40, s26;
	s26 =	simm.s32 $0x300;
	s0 =	simm.s32 $0x3  }
.LBB2_8:
0x1f: {  	[spmem:s2] =	stream.indirect.scatter.add.f32 [tilespmem:s23], [sflag:$0x3], $0x10, s5, s30, $0xb8;
	[tilespmem:$0x3510] =	vst v63  }
0x20: {  	_ = 	snop  }
0x21: {  	[spmem:s2] =	stream.indirect.scatter.add.f32 [tilespmem:s23], [sflag:$0x3], $0x10, s6, s30, $0xb8;
	[tilespmem:$0x3510] =	vst v63  }
0x22: {  	_ = 	snop  }
0x23: {  	[spmem:s2] =	stream.indirect.scatter.add.f32 [tilespmem:s23], [sflag:$0x3], $0x10, s8, s30, $0xb8;
	[tilespmem:$0x3510] =	vst v63  }
0x24: {  	_ =	swait.ge [sflag:s0], $0x800  }
0x25: {  	[sflag:s0] =	ssyncset.done $0x0  }
0x26: {  	[sflag:s0] =	ssyncadd.s32 $0xFFFFF800  }
0x27: {  	_ =	swait.ge [sflag:s0], $0x800  }
0x28: {  	[sflag:s0] =	ssyncset.done $0x0  }
0x29: {  	[sflag:s0] =	ssyncadd.s32 $0xFFFFF800  }
0x2a: {  	_ =	swait.ge [sflag:s0], $0x800  }
0x2b: {  	[sflag:s0] =	ssyncset.done $0x0  }
0x2c: {  	s11 =	simm.s32 @!p1 $0x0;
	s12 =	rddreg [dreg:$0x7];
	[sflag:s0] =	ssyncadd.s32 $0xFFFFF800  }
0x2d: {  	[tilespmem:s11], [sflag:$0x1] =	stream.linear.gather @!p1 [hbm4b:s12+s11], $0x100, $0x38;
	[tilespmem:$0x3510] =	vst v63  }
0x2e: {  	s11 =	simm.s32 @!p1 $0x1  }
0x2f: {  	_ =	swait.ge @!p1 [sflag:s11], $0x100  }
0x30: {  	[sflag:s11] =	ssyncset.done @!p1 $0x0  }
0x31: {  	s12 =	simm.s32 @!p1 $0x600;
	[sflag:s11] =	ssyncadd.s32 @!p1 $0xFFFFFF00;
	s11 =	simm.s32 @!p1 $0x80  }
0x32: {  	[spmem:s2] =	stream.indirect.scatter.add.f32 @!p1 [tilespmem:s12], [sflag:$0x3], $0x10, s11, s11, $0xb8;
	[tilespmem:$0x3510] =	vst v63  }
0x33: {  	s11 =	simm.s32 @!p1 $0x3  }
0x34: {  	_ =	swait.ge @!p1 [sflag:s11], $0x800  }
0x35: {  	[sflag:s11] =	ssyncset.done @!p1 $0x0  }
0x36: {  	s14 =	stileid.u32;
	[sflag:s11] =	ssyncadd.s32 @!p1 $0xFFFFF800  }
0x37: {  	s15 =	sshrl.u32 s10, $0x3;
	s11 =	sshll.u32 s14, $0x6;
	[bflag:$0x0] =	sbarrier.arrive $0xFFFF  }
0x38: {  	s14 =	simm.s32 $0x10;
	s11 =	sor.u32 $0x1C04, s11;
	s13 =	rddreg [dreg:$0x8]  }
0x39: {  	[hbm:s13@s14], [sflag:s11] =	dma.strided [spmem:s15@s4], $0x4E0, s25, $0x2   }
0x3a: {  	s12 =	sshrl.u32 @!p0 s7, $0x3;
	_ =	swait.ge [sflag:s24], $0x4E0  }
0x3b: {  	s13 =	simm.s32 @!p0 $0x1;
	s14 =	simm.s32 @!p0 $0x10;
	[sflag:s24] =	ssyncset.done $0x0  }
0x3c: {  	s15 =	simm.s32 @!p0 $0x2;
	s16 =	rddreg [dreg:$0x9];
	[sflag:s24] =	ssyncadd.s32 $0xFFFFFB20  }
0x3d: {  	[hbm:s16@s14], [sflag:s11] =	dma.strided @!p0 [spmem:s12@s15], $0x20, s13, $0x2   }
0x3e: {  	s11 =	simm.s32 @!p0 $0x4  }
0x3f: {  	_ =	swait.ge @!p0 [sflag:s11], $0x20  }
0x40: {  	s9 =	sadd.s32 $0x1, s9;
	s16 =	rddreg [dreg:$0xa]  }
0x41: {  	p2 =	sne.s32 s9, s16  }
.Ltmp1:
0x42: {  	_ = 	snop;
	(pc) =	sbr.rel @!p2 .LBB2_9-.Ltmp1, $3  }
0x43: {  	_ =	sdelay $0x1  }
0x44: {  	[sflag:s11] =	ssyncset.done @!p0 $0x0  }
0x45: {  	[sflag:s11] =	ssyncadd.s32 @!p0 $0xFFFFFFE0  }
.LBB2_1:
0x46: {  	s11 =	rddreg [dreg:$0x4]  }
0x47: {  	[tilespmem:s3], [sflag:$0x1] =	stream.linear.gather [hbm4b:s11+s3], $0x100, $0x38;
	[tilespmem:$0x3510] =	vst v63  }
0x48: {  	s15 =	rddreg [dreg:$0x5]  }
0x49: {  	[tilespmem:s21], [sflag:$0x1] =	stream.linear.gather [hbm4b:s15+s3], $0x100, $0x38;
	[tilespmem:$0x3510] =	vst v63  }
0x4a: {  	s16 =	rddreg [dreg:$0x6];
	s12 =	simm.s32 $0x0;
	s11 =	simm.s32 $0x40  }
0x4b: {  	[tilespmem:s22], [sflag:$0x1] =	stream.linear.gather [hbm4b:s16+s3], $0x100, $0x38;
	[tilespmem:$0x3510] =	vst v63  }
.LBB2_2:
0x4c: {  	p2 =	sne.s32 s11, $0x1FC0;
	[tilespmem:s12+$0x600] =	vst v0;
	s12 =	smov.u32 s11;
	s11 =	sadd.s32 $0x40, s11  }
.Ltmp2:
0x4d: {  	(pc) =	sbr.rel @p2 .LBB2_2-.Ltmp2, $2  }
0x4e: {  	_ =	sdelay $0x2  }
0x4f: {  	s12 =	sshra.s32 s12, $0x2  }
0x50: {  	[tilespmem:s12+$0x600] =	vst v0  }
0x51: {  	[spmem:s10] =	stream.linear.scatter [tilespmem:s23], [sflag:$0x4], $0x680, $0x38;
	[tilespmem:$0x3510] =	vst v63  }
0x52: {  	_ =	swait.ge [sflag:s24], $0x680  }
0x53: {  	[sflag:s24] =	ssyncset.done $0x0  }
0x54: {  	s11 =	rddreg [dreg:$0xb];
	[sflag:s24] =	ssyncadd.s32 $0xFFFFF980  }
0x55: {  	[spmem:s11] =	stream.linear.scatter [tilespmem:s23], [sflag:$0x4], $0x680, $0x38;
	[tilespmem:$0x3510] =	vst v63  }
0x56: {  	_ =	swait.ge [sflag:s24], $0x680  }
0x57: {  	[sflag:s24] =	ssyncset.done $0x0  }
0x58: {  	s14 =	rddreg [dreg:$0xc];
	[sflag:s24] =	ssyncadd.s32 $0xFFFFF980  }
0x59: {  	[spmem:s14] =	stream.linear.scatter [tilespmem:s23], [sflag:$0x4], $0x680, $0x38;
	[tilespmem:$0x3510] =	vst v63  }
0x5a: {  	_ =	swait.ge [sflag:s24], $0x680  }
0x5b: {  	[sflag:s24] =	ssyncset.done $0x0  }
0x5c: {  	s15 =	rddreg [dreg:$0xd];
	[sflag:s24] =	ssyncadd.s32 $0xFFFFF980  }
0x5d: {  	[spmem:s15] =	stream.linear.scatter [tilespmem:s23], [sflag:$0x4], $0x680, $0x38;
	[tilespmem:$0x3510] =	vst v63  }
0x5e: {  	_ =	swait.ge [sflag:s24], $0x680  }
0x5f: {  	[sflag:s24] =	ssyncset.done $0x0  }
0x60: {  	s16 =	rddreg [dreg:$0xe];
	[sflag:s24] =	ssyncadd.s32 $0xFFFFF980  }
0x61: {  	[spmem:s16] =	stream.linear.scatter [tilespmem:s23], [sflag:$0x4], $0x680, $0x38;
	[tilespmem:$0x3510] =	vst v63  }
0x62: {  	_ =	swait.ge [sflag:s24], $0x680  }
0x63: {  	[sflag:s24] =	ssyncset.done $0x0  }
0x64: {  	[sflag:s24] =	ssyncadd.s32 $0xFFFFF980  }
0x65: {  	[spmem:s17] =	stream.linear.scatter [tilespmem:s23], [sflag:$0x4], $0x680, $0x38;
	[tilespmem:$0x3510] =	vst v63  }
0x66: {  	_ =	swait.ge [sflag:s24], $0x680  }
0x67: {  	[sflag:s24] =	ssyncset.done $0x0  }
0x68: {  	s11 =	simm.s32 @!p0 $0x600;
	[sflag:s24] =	ssyncadd.s32 $0xFFFFF980  }
0x69: {  	[spmem:s7] =	stream.linear.scatter @!p0 [tilespmem:s11], [sflag:$0x4], $0x100, $0x38;
	[tilespmem:$0x3510] =	vst v63  }
0x6a: {  	s11 =	simm.s32 @!p0 $0x4  }
0x6b: {  	_ =	swait.ge @!p0 [sflag:s11], $0x100  }
0x6c: {  	[sflag:s11] =	ssyncset.done @!p0 $0x0  }
0x6d: {  	s12 =	simm.s32 $0x0;
	[sflag:s11] =	ssyncadd.s32 @!p0 $0xFFFFFF00;
	s11 =	simm.s32 $0x40  }
.LBB2_4:
0x6e: {  	p2 =	sne.s32 s11, $0x1FC0;
	[tilespmem:s12+$0x600] =	vst v1;
	s12 =	smov.u32 s11;
	s11 =	sadd.s32 $0x40, s11  }
.Ltmp3:
0x6f: {  	(pc) =	sbr.rel @p2 .LBB2_4-.Ltmp3, $2  }
0x70: {  	_ =	sdelay $0x2  }
0x71: {  	s12 =	sshra.s32 s12, $0x2  }
0x72: {  	[tilespmem:s12+$0x600] =	vst v1  }
0x73: {  	s11 =	simm.s32 $0x0;
	[bflag:$0x0] =	sbarrier.arrive $0xFFFF  }
.LBB2_6:
0x74: {  	_ =	swait.ge [sflag:s25], $0x100  }
0x75: {  	[sflag:s25] =	ssyncset.done $0x0  }
0x76: {  	[sflag:s25] =	ssyncadd.s32 $0xFFFFFF00  }
0x77: {  	_ =	swait.ge [sflag:s25], $0x100  }
0x78: {  	[sflag:s25] =	ssyncset.done $0x0  }
0x79: {  	[sflag:s25] =	ssyncadd.s32 $0xFFFFFF00  }
0x7a: {  	_ =	swait.ge [sflag:s25], $0x100  }
0x7b: {  	[sflag:s25] =	ssyncset.done $0x0  }
0x7c: {  	s12 =	sadd.s32 s11, s20;
	[sflag:s25] =	ssyncadd.s32 $0xFFFFFF00  }
0x7d: {  	[tilespmem:s26], [sflag:$0x2] =	stream.linear.gather [hbm4b:s12+s3], $0x100, $0x38;
	[tilespmem:$0x3510] =	vst v63  }
0x7e: {  	s12 =	sadd.s32 s11, s18  }
0x7f: {  	s13 =	sadd.s32 $0x80, s12  }
0x80: {  	[tilespmem:s28], [sflag:$0x2] =	stream.linear.gather [hbm4b:s13+s3], $0x100, $0x38;
	[tilespmem:$0x3510] =	vst v63  }
0x81: {  	s16 =	sadd.s32 $0xA0, s12  }
0x82: {  	[tilespmem:s29], [sflag:$0x2] =	stream.linear.gather [hbm4b:s16+s3], $0x100, $0x38;
	[tilespmem:$0x3510] =	vst v63  }
0x83: {  	_ = 	snop  }
0x84: {  	[spmem:s2] =	stream.indirect.scatter.add.f32 [tilespmem:s23], [sflag:$0x3], $0x10, s30, s30, $0xb8;
	[tilespmem:$0x3510] =	vst v63  }
0x85: {  	_ = 	snop  }
0x86: {  	[spmem:s2] =	stream.indirect.scatter.add.f32 [tilespmem:s23], [sflag:$0x3], $0x10, s31, s30, $0xb8;
	[tilespmem:$0x3510] =	vst v63  }
0x87: {  	_ = 	snop  }
0x88: {  	[spmem:s2] =	stream.indirect.scatter.add.f32 [tilespmem:s23], [sflag:$0x3], $0x10, s1, s30, $0xb8;
	[tilespmem:$0x3510] =	vst v63  }
0x89: {  	_ =	swait.ge [sflag:s0], $0x800  }
0x8a: {  	[sflag:s0] =	ssyncset.done $0x0  }
0x8b: {  	[sflag:s0] =	ssyncadd.s32 $0xFFFFF800  }
0x8c: {  	_ =	swait.ge [sflag:s0], $0x800  }
0x8d: {  	[sflag:s0] =	ssyncset.done $0x0  }
0x8e: {  	[sflag:s0] =	ssyncadd.s32 $0xFFFFF800  }
0x8f: {  	_ =	swait.ge [sflag:s0], $0x800  }
0x90: {  	[sflag:s0] =	ssyncset.done $0x0  }
0x91: {  	[sflag:s0] =	ssyncadd.s32 $0xFFFFF800  }
0x92: {  	_ =	swait.ge [sflag:s4], $0x100  }
0x93: {  	[sflag:s4] =	ssyncset.done $0x0  }
0x94: {  	[sflag:s4] =	ssyncadd.s32 $0xFFFFFF00  }
0x95: {  	p2 =	seq.s32 s11, $0x900;
	_ =	swait.ge [sflag:s4], $0x100  }
.Ltmp4:
0x96: {  	[sflag:s4] =	ssyncset.done $0x0;
	(pc) =	sbr.rel @p2 .LBB2_8-.Ltmp4, $4  }
0x97: {  	[sflag:s4] =	ssyncadd.s32 $0xFFFFFF00  }
0x98: {  	_ =	swait.ge [sflag:s4], $0x100  }
0x99: {  	[sflag:s4] =	ssyncset.done $0x0  }
0x9a: {  	[sflag:s4] =	ssyncadd.s32 $0xFFFFFF00  }
0x9b: {  	s13 =	sadd.s32 s11, s19  }
0x9c: {  	[tilespmem:s3], [sflag:$0x1] =	stream.linear.gather [hbm4b:s13+s3], $0x100, $0x38;
	[tilespmem:$0x3510] =	vst v63  }
0x9d: {  	s13 =	sadd.s32 $0x20, s13  }
0x9e: {  	[tilespmem:s21], [sflag:$0x1] =	stream.linear.gather [hbm4b:s13+s3], $0x100, $0x38;
	[tilespmem:$0x3510] =	vst v63  }
0x9f: {  	s12 =	sadd.s32 $0x100, s12  }
0xa0: {  	[tilespmem:s22], [sflag:$0x1] =	stream.linear.gather [hbm4b:s12+s3], $0x100, $0x38;
	[tilespmem:$0x3510] =	vst v63  }
0xa1: {  	_ = 	snop  }
0xa2: {  	[spmem:s2] =	stream.indirect.scatter.add.f32 [tilespmem:s23], [sflag:$0x3], $0x10, s5, s30, $0xb8;
	[tilespmem:$0x3510] =	vst v63  }
0xa3: {  	_ = 	snop  }
0xa4: {  	[spmem:s2] =	stream.indirect.scatter.add.f32 [tilespmem:s23], [sflag:$0x3], $0x10, s6, s30, $0xb8;
	[tilespmem:$0x3510] =	vst v63  }
0xa5: {  	_ = 	snop  }
0xa6: {  	[spmem:s2] =	stream.indirect.scatter.add.f32 [tilespmem:s23], [sflag:$0x3], $0x10, s8, s30, $0xb8;
	[tilespmem:$0x3510] =	vst v63  }
0xa7: {  	_ =	swait.ge [sflag:s0], $0x800  }
0xa8: {  	[sflag:s0] =	ssyncset.done $0x0  }
0xa9: {  	[sflag:s0] =	ssyncadd.s32 $0xFFFFF800  }
0xaa: {  	_ =	swait.ge [sflag:s0], $0x800  }
.Ltmp5:
0xab: {  	[sflag:s0] =	ssyncset.done $0x0;
	(pc) =	sbr.rel .LBB2_6-.Ltmp5, $4  }
0xac: {  	[sflag:s0] =	ssyncadd.s32 $0xFFFFF800  }
0xad: {  	_ =	swait.ge [sflag:s0], $0x800  }
0xae: {  	[sflag:s0] =	ssyncset.done $0x0  }
0xaf: {  	s11 =	sadd.s32 $0xC0, s11;
	[sflag:s0] =	ssyncadd.s32 $0xFFFFF800  }
.LBB2_9:
0xb0: {  	_ =	sfence.sel $0x180000  }
0xb1: {  	[bflag:$0x0] =	sbarrier.arrive $0xFFFF  }
0xb2: {  	_ =	strace $0x90000047  }
0xb3: {  	[bflag:$0x2] =	sbarrier.arrive $0xFFFF  }
0xb4: {  	s0 =	rddreg [dreg:$0x3]  }
0xb5: {  	s0 =	sadd.s32 @!p0 $0x100000, s0  }
0xb6: {  	[sflag:s0] =	ssyncadd.tile.s32 @!p0 $0x1;
	_ =	shalt  }
.Lfunc_end2:
_tile_overlayer_lowered:
.L_overlay_start_2:
0xb7: {  	(tag) =	ssettag $0x2  }
0xb8: {  	s0 =	rddreg [dreg:$0x0];
	s2 =	stileid.u32  }
0xb9: {  	s1 =	rddreg [dreg:$0x1];
	p0 =	sne.s32 s2, $0x0  }
0xba: {  	s3 =	rddreg [dreg:$0x2];
	[bflag:$0x3] =	sbarrier.arrive $0xFFFF;
	s2 =	simm.s32 @!p0 $0x1C04  }
0xbb: {  	[timem:s3], [sflag:s2] =	dma.local @!p0 [hbm:s0], s1  }
0xbc: {  	s0 =	simm.s32 @!p0 $0x4  }
0xbd: {  	_ =	swait.ge @!p0 [sflag:s0], s1  }
0xbe: {  	s1 =	ssub.s32 @!p0 $0x0, s1;
	[sflag:s0] =	ssyncset.done @!p0 $0x0  }
0xbf: {  	[sflag:s0] =	ssyncadd.s32 @!p0 s1  }
0xc0: {  	[bflag:$0x3] =	sbarrier.arrive $0xFFFF  }
0xc1: {  	_ =	shalt  }

</sc_bundles>
